<compile_context>
chip_gen: v7x
topology: tpu7x:2x2x1
jax: 0.10.2.dev20260603
libtpu: 0.0.44.dev20260713+nightly
codegen_flags: <defaults>
</compile_context>

<pallas_src>
import functools

import jax
import jax.numpy as jnp
from jax import lax
from jax.experimental import pallas as pl
from jax.experimental.pallas import tpu as pltpu
from jax.experimental.pallas import tpu_sc as plsc

N = 10000
E = 320000
H = 128

NC = 2
NS = 16
NW = NC * NS
EH = E // 2
CHUNK = 64
NCHUNKS = EH // CHUNK
SCHUNK = 64
SNCHUNKS = EH // SCHUNK
SCHUNKS_PER_SC = SNCHUNKS // NC
RCHUNK = 40
NRCHUNKS = N // RCHUNK

def _pre_body(x_ref, g_ref, b_ref, wea_ref, web_ref, wn1a_ref, wn2a_ref,
              be_ref, bn1_ref, bn2_ref, t_ref, q_ref, s_ref):
    x = x_ref[...]
    mu = jnp.mean(x, axis=1, keepdims=True)
    var = jnp.mean((x - mu) ** 2, axis=1, keepdims=True)
    xn = (x - mu) * lax.rsqrt(var + 1e-5) * g_ref[...] + b_ref[...]
    p = jnp.dot(xn, wea_ref[...], preferred_element_type=jnp.float32) + be_ref[...]
    r = jnp.dot(xn, wn1a_ref[...], preferred_element_type=jnp.float32) + bn1_ref[...]
    pu = lax.bitcast_convert_type(p.astype(jnp.bfloat16), jnp.uint16).astype(jnp.uint32)
    ru = lax.bitcast_convert_type(r.astype(jnp.bfloat16), jnp.uint16).astype(jnp.uint32)
    t_ref[...] = lax.bitcast_convert_type((ru << 16) | pu, jnp.int32)
    q_ref[...] = jnp.dot(xn, web_ref[...], preferred_element_type=jnp.float32)
    s_ref[...] = jnp.dot(xn, wn2a_ref[...], preferred_element_type=jnp.float32) + bn2_ref[...]


def _precompute(x, g_n, b_n, wea, web, wn1a, wn2a, be, bn1, bn2):
    bn = 2000
    full = lambda shape: pl.BlockSpec(shape, lambda i: (0, 0))
    return pl.pallas_call(
        _pre_body,
        grid=(N // bn,),
        in_specs=[
            pl.BlockSpec((bn, H), lambda i: (i, 0)),
            full((1, H)), full((1, H)),
            full((H, H)), full((H, H)), full((H, H)), full((H, H)),
            full((1, H)), full((1, H)), full((1, H)),
        ],
        out_specs=[
            pl.BlockSpec((bn, H), lambda i: (i, 0)),
            pl.BlockSpec((bn, H), lambda i: (i, 0)),
            pl.BlockSpec((bn, H), lambda i: (i, 0)),
        ],
        out_shape=[
            jax.ShapeDtypeStruct((N, H), jnp.int32),
            jax.ShapeDtypeStruct((N, H), jnp.float32),
            jax.ShapeDtypeStruct((N, H), jnp.float32),
        ],
    )(x, g_n, b_n, wea, web, wn1a, wn2a, be, bn1, bn2)


@functools.cache
def _gather_kernel(half):
    mesh = plsc.VectorSubcoreMesh(core_axis_name="c", subcore_axis_name="s")
    return functools.partial(
        pl.kernel,
        mesh=mesh,
        out_type=[
            jax.ShapeDtypeStruct((EH, H), jnp.int32),
            jax.ShapeDtypeStruct((EH, H), jnp.float32),
            jax.ShapeDtypeStruct((NC * N, H), jnp.float32),
        ],
        scratch_types=[
            pltpu.VMEM((2, CHUNK), jnp.int32),
            pltpu.VMEM((2, CHUNK), jnp.int32),
            pltpu.VMEM((2, CHUNK, H), jnp.int32),
            pltpu.VMEM((2, CHUNK, H), jnp.float32),
            pltpu.VMEM((CHUNK, H), jnp.float32),
            pltpu.VMEM((RCHUNK, H), jnp.float32),
            pltpu.VMEM_SHARED((N, H), jnp.float32),
        ] + [pltpu.SemaphoreType.DMA] * 8,
    )(functools.partial(_gather_body, half))


_GNITER = (NCHUNKS + NW - 1) // NW


def _gather_body(half, t_hbm, q_hbm, row_hbm, col_hbm, tg_hbm, qg_hbm, cnt_hbm,
                 row_v, col_v, t_v, q_v, ones_v, zrb_v, cnt_sh,
                 sr0, sr1, sg0, sg1, st0, st1, sq0, sq1):
    goff = half * EH
    cid = lax.axis_index("c")
    sid = lax.axis_index("s")
    wid = sid * NC + cid
    s_idx = (sr0, sr1)
    s_gat = (sg0, sg1)
    s_stt = (st0, st1)
    s_stq = (sq0, sq1)

    def fill_ones(i, carry):
        ones_v[i // 8, pl.ds((i % 8) * 16, 16)] = jnp.full((16,), 1.0, jnp.float32)
        return carry
    lax.fori_loop(0, CHUNK * 8, fill_ones, 0)

    def fill_zero(i, carry):
        zrb_v[i // 8, pl.ds((i % 8) * 16, 16)] = jnp.zeros((16,), jnp.float32)
        return carry
    lax.fori_loop(0, RCHUNK * 8, fill_zero, 0)

    def zchunk(i, carry):
        rc = sid + i * NS

        @pl.when(rc < NRCHUNKS)
        def _():
            pltpu.sync_copy(zrb_v, cnt_sh.at[pl.ds(rc * RCHUNK, RCHUNK)])

        return carry

    lax.fori_loop(0, (NRCHUNKS + NS - 1) // NS, zchunk, 0)
    plsc.subcore_barrier()

    def start_idx(slot, b):
        base = goff + (wid + slot * NW) * CHUNK
        pltpu.async_copy(row_hbm.at[pl.ds(base, CHUNK)], row_v.at[b], s_idx[b])
        pltpu.async_copy(col_hbm.at[pl.ds(base, CHUNK)], col_v.at[b], s_idx[b])

    def drain_idx(b):
        pltpu.make_async_copy(row_hbm.at[pl.ds(0, CHUNK)], row_v.at[b], s_idx[b]).wait()
        pltpu.make_async_copy(col_hbm.at[pl.ds(0, CHUNK)], col_v.at[b], s_idx[b]).wait()

    for b in range(2):
        @pl.when(wid + b * NW < NCHUNKS)
        def _(b=b):
            start_idx(b, b)

    def outer(j, carry):
        for b in range(2):
            i = j * 2 + b
            ci = wid + i * NW

            @pl.when(ci < NCHUNKS)
            def _(b=b, i=i):
                drain_idx(b)

                @pl.when(i >= 2)
                def _():
                    pltpu.make_async_copy(
                        t_v.at[b], tg_hbm.at[pl.ds(0, CHUNK)], s_stt[b]).wait()
                    pltpu.make_async_copy(
                        q_v.at[b], qg_hbm.at[pl.ds(0, CHUNK)], s_stq[b]).wait()

                pltpu.async_copy(t_hbm.at[row_v.at[b]], t_v.at[b], s_gat[b])
                pltpu.async_copy(q_hbm.at[col_v.at[b]], q_v.at[b], s_gat[b])

        for b in range(2):
            i = j * 2 + b
            ci = wid + i * NW

            @pl.when(ci < NCHUNKS)
            def _(b=b, i=i, ci=ci):
                base = ci * CHUNK
                pltpu.make_async_copy(t_hbm.at[row_v.at[b]], t_v.at[b], s_gat[b]).wait()
                pltpu.make_async_copy(q_hbm.at[col_v.at[b]], q_v.at[b], s_gat[b]).wait()
                pltpu.async_copy(t_v.at[b], tg_hbm.at[pl.ds(base, CHUNK)], s_stt[b])
                pltpu.async_copy(q_v.at[b], qg_hbm.at[pl.ds(base, CHUNK)], s_stq[b])
                pltpu.sync_copy(ones_v, cnt_sh.at[col_v.at[b]], add=True)

                @pl.when(wid + (i + 2) * NW < NCHUNKS)
                def _():
                    start_idx(i + 2, b)

        return carry

    lax.fori_loop(0, (_GNITER + 1) // 2, outer, 0)

    for i in range(_GNITER - 4, _GNITER):
        b = i % 2

        @pl.when((wid + i * NW < NCHUNKS)
                 & (wid + (i + 2) * NW >= NCHUNKS))
        def _(b=b):
            pltpu.make_async_copy(t_v.at[b], tg_hbm.at[pl.ds(0, CHUNK)], s_stt[b]).wait()
            pltpu.make_async_copy(q_v.at[b], qg_hbm.at[pl.ds(0, CHUNK)], s_stq[b]).wait()

    plsc.subcore_barrier()

    def wchunk(i, carry):
        rc = sid + i * NS

        @pl.when(rc < NRCHUNKS)
        def _():
            rbase = rc * RCHUNK
            pltpu.sync_copy(cnt_sh.at[pl.ds(rbase, RCHUNK)], zrb_v)
            pltpu.sync_copy(zrb_v, cnt_hbm.at[pl.ds(cid * N + rbase, RCHUNK)])

        return carry

    lax.fori_loop(0, (NRCHUNKS + NS - 1) // NS, wchunk, 0)


def _edge_body(tg_ref, qg_ref, ea_ref, ge_ref, be_ln_ref, wec_ref, wn1b_ref,
               wem_ref, bem_ref, *refs):
    eout_ref, m_ref = refs[-2], refs[-1]
    ea = ea_ref[...]
    mu = jnp.mean(ea, axis=1, keepdims=True)
    var = jnp.mean((ea - mu) ** 2, axis=1, keepdims=True)
    en = (ea - mu) * lax.rsqrt(var + 1e-5) * ge_ref[...] + be_ln_ref[...]
    w = lax.bitcast_convert_type(tg_ref[...], jnp.uint32)
    pg = lax.bitcast_convert_type(w.astype(jnp.uint16), jnp.bfloat16)
    rg = lax.bitcast_convert_type((w >> 16).astype(jnp.uint16), jnp.bfloat16)
    e = jnp.maximum(
        pg.astype(jnp.float32) + qg_ref[...]
        + jnp.dot(en, wec_ref[...], preferred_element_type=jnp.float32), 0.0)
    m_ref[...] = jnp.maximum(
        rg.astype(jnp.float32)
        + jnp.dot(e, wn1b_ref[...], preferred_element_type=jnp.float32),
        0.0)
    se = e * jax.nn.sigmoid(e)
    eout_ref[...] = ea + jnp.dot(
        se, wem_ref[...], preferred_element_type=jnp.float32) + bem_ref[...]


def _edge_stage(half, eout_prev, tg, qg, edge_attr, g_e, b_e, wec, wn1b, wem, bem):
    be_ = 1280
    nsteps = EH // be_
    off = half * nsteps
    full = lambda shape: pl.BlockSpec(shape, lambda i: (0, 0))
    in_specs = [
        pl.BlockSpec((be_, H), lambda i: (i, 0)),
        pl.BlockSpec((be_, H), lambda i: (i, 0)),
        pl.BlockSpec((be_, H), lambda i: (i + off, 0)),
        full((1, H)), full((1, H)),
        full((H, H)), full((H, H)), full((H, H)),
        full((1, H)),
    ]
    args = [tg, qg, edge_attr, g_e, b_e, wec, wn1b, wem, bem]
    aliases = {}
    if half:
        in_specs.append(pl.BlockSpec((be_, H), lambda i: (i + off, 0)))
        args.append(eout_prev)
        aliases = {9: 0}
    return pl.pallas_call(
        _edge_body,
        grid=(nsteps,),
        in_specs=in_specs,
        out_specs=[
            pl.BlockSpec((be_, H), lambda i: (i + off, 0)),
            pl.BlockSpec((be_, H), lambda i: (i, 0)),
        ],
        out_shape=[
            jax.ShapeDtypeStruct((E, H), jnp.float32),
            jax.ShapeDtypeStruct((EH, H), jnp.float32),
        ],
        input_output_aliases=aliases,
    )(*args)


@functools.cache
def _scatter_kernel(half):
    mesh = plsc.VectorSubcoreMesh(core_axis_name="c", subcore_axis_name="s")
    return functools.partial(
        pl.kernel,
        mesh=mesh,
        out_type=jax.ShapeDtypeStruct((NC * N, H), jnp.float32),
        scratch_types=[
            pltpu.VMEM((2, SCHUNK), jnp.int32),
            pltpu.VMEM((2, SCHUNK, H), jnp.float32),
            pltpu.VMEM((RCHUNK, H), jnp.float32),
            pltpu.VMEM_SHARED((N, H), jnp.float32),
        ] + [pltpu.SemaphoreType.DMA] * 4,
    )(functools.partial(_scatter_body, half))


_SNITER = (SCHUNKS_PER_SC + NS - 1) // NS


def _scatter_body(half, m_hbm, col_hbm, sums_hbm, col_v, m_v, zbuf_v, sums_sh,
                  sc0, sc1, sm0, sm1):
    cid = lax.axis_index("c")
    sid = lax.axis_index("s")
    s_col = (sc0, sc1)
    s_m = (sm0, sm1)

    def zfill(i, carry):
        zbuf_v[i // 8, pl.ds((i % 8) * 16, 16)] = jnp.zeros((16,), jnp.float32)
        return carry
    lax.fori_loop(0, RCHUNK * 8, zfill, 0)

    def zchunk(i, carry):
        rc = sid + i * NS

        @pl.when(rc < NRCHUNKS)
        def _():
            pltpu.sync_copy(zbuf_v, sums_sh.at[pl.ds(rc * RCHUNK, RCHUNK)])

        return carry

    lax.fori_loop(0, (NRCHUNKS + NS - 1) // NS, zchunk, 0)
    plsc.subcore_barrier()

    def start_loads(slot, b):
        lbase = (cid * SCHUNKS_PER_SC + sid + slot * NS) * SCHUNK
        pltpu.async_copy(col_hbm.at[pl.ds(half * EH + lbase, SCHUNK)],
                         col_v.at[b], s_col[b])
        pltpu.async_copy(m_hbm.at[pl.ds(lbase, SCHUNK)], m_v.at[b], s_m[b])

    for b in range(2):
        @pl.when(sid + b * NS < SCHUNKS_PER_SC)
        def _(b=b):
            start_loads(b, b)

    def body(j, carry):
        for b in range(2):
            i = j * 2 + b

            @pl.when(sid + i * NS < SCHUNKS_PER_SC)
            def _(b=b, i=i):
                pltpu.make_async_copy(
                    col_hbm.at[pl.ds(0, SCHUNK)], col_v.at[b], s_col[b]).wait()
                pltpu.make_async_copy(
                    m_hbm.at[pl.ds(0, SCHUNK)], m_v.at[b], s_m[b]).wait()
                pltpu.sync_copy(m_v.at[b], sums_sh.at[col_v.at[b]], add=True)

                @pl.when(sid + (i + 2) * NS < SCHUNKS_PER_SC)
                def _():
                    start_loads(i + 2, b)

        return carry

    lax.fori_loop(0, (_SNITER + 1) // 2, body, 0)
    plsc.subcore_barrier()

    def wchunk(i, carry):
        rc = sid + i * NS

        @pl.when(rc < NRCHUNKS)
        def _():
            rbase = rc * RCHUNK
            obase = cid * N + rbase
            pltpu.sync_copy(sums_sh.at[pl.ds(rbase, RCHUNK)], zbuf_v)
            pltpu.sync_copy(zbuf_v, sums_hbm.at[pl.ds(obase, RCHUNK)])

        return carry

    lax.fori_loop(0, (NRCHUNKS + NS - 1) // NS, wchunk, 0)


def _node_body(x_ref, s_ref, p0_ref, p1_ref, p2_ref, p3_ref,
               c0_ref, c1_ref, c2_ref, c3_ref, wn2b_ref,
               wnm_ref, bnm_ref, xout_ref):
    cnt = (c0_ref[:, 0:1] + c1_ref[:, 0:1] + c2_ref[:, 0:1] + c3_ref[:, 0:1])
    agg = (p0_ref[...] + p1_ref[...] + p2_ref[...] + p3_ref[...]) / jnp.maximum(cnt, 1.0)
    h = jnp.maximum(
        s_ref[...] + jnp.dot(agg, wn2b_ref[...], preferred_element_type=jnp.float32),
        0.0)
    sh = h * jax.nn.sigmoid(h)
    xout_ref[...] = x_ref[...] + jnp.dot(
        sh, wnm_ref[...], preferred_element_type=jnp.float32) + bnm_ref[...]


def _node_stage(x, s, p0, p1, p2, p3, c0, c1, c2, c3, wn2b, wnm, bnm):
    bn = 2000
    full = lambda shape: pl.BlockSpec(shape, lambda i: (0, 0))
    return pl.pallas_call(
        _node_body,
        grid=(N // bn,),
        in_specs=[
            pl.BlockSpec((bn, H), lambda i: (i, 0)),
            pl.BlockSpec((bn, H), lambda i: (i, 0)),
            pl.BlockSpec((bn, H), lambda i: (i, 0)),
            pl.BlockSpec((bn, H), lambda i: (i, 0)),
            pl.BlockSpec((bn, H), lambda i: (i, 0)),
            pl.BlockSpec((bn, H), lambda i: (i, 0)),
            pl.BlockSpec((bn, H), lambda i: (i, 0)),
            pl.BlockSpec((bn, H), lambda i: (i, 0)),
            pl.BlockSpec((bn, H), lambda i: (i, 0)),
            pl.BlockSpec((bn, H), lambda i: (i, 0)),
            full((H, H)), full((H, H)), full((1, H)),
        ],
        out_specs=pl.BlockSpec((bn, H), lambda i: (i, 0)),
        out_shape=jax.ShapeDtypeStruct((N, H), jnp.float32),
    )(x, s, p0, p1, p2, p3, c0, c1, c2, c3, wn2b, wnm, bnm)


def kernel(x, edge_index, edge_attr, u, batch, g_n, b_n, g_e, b_e,
           We, be, Wn1, bn1, Wn2, bn2, Wnm, bnm, Wem, bem):
    row = edge_index[0]
    col = edge_index[1]
    r2 = lambda v: v.reshape(1, H)

    t, q, s = _precompute(
        x, r2(g_n), r2(b_n), We[:H], We[H:2 * H], Wn1[:H], Wn2[:H],
        r2(be), r2(bn1), r2(bn2))

    tg0, qg0, cnt0 = _gather_kernel(0)(t, q, row, col)
    tg1, qg1, cnt1 = _gather_kernel(1)(t, q, row, col)

    e_half, m0 = _edge_stage(
        0, None, tg0, qg0, edge_attr,
        r2(g_e), r2(b_e), We[2 * H:], Wn1[H:], Wem, r2(bem))
    sums0 = _scatter_kernel(0)(m0, col)

    e_out, m1 = _edge_stage(
        1, e_half, tg1, qg1, edge_attr,
        r2(g_e), r2(b_e), We[2 * H:], Wn1[H:], Wem, r2(bem))
    sums1 = _scatter_kernel(1)(m1, col)

    x_out = _node_stage(
        x, s, sums0[:N], sums0[N:], sums1[:N], sums1[N:],
        cnt0[:N], cnt0[N:], cnt1[:N], cnt1[N:], Wn2[H:], Wnm, r2(bnm))

    return (x_out, e_out)

# --- scband reference (transcript-rebuilt; emitter-appended) ---
"""Pipeline reference for scband-res-edge-mpnnblock-17806934409784 (READ-ONLY COPY).

The authoritative reference and input builder live on the scoring server;
editing this copy changes nothing except your own understanding.
"""

import jax, jax.numpy as jnp
import numpy as np

N = 10000
E = 320000
H = 128


def _ln(x, g, b):
    mu = jnp.mean(x, axis=-1, keepdims=True)
    var = jnp.mean((x - mu) ** 2, axis=-1, keepdims=True)
    return (x - mu) / jnp.sqrt(var + 1e-5) * g + b


def setup_inputs(seed: int = 0) -> dict:
    key = jax.random.key(seed)
    ks = jax.random.split(key, 24)
    inp = {}
    inp["x"] = jax.random.normal(ks[0], (N, H), dtype=jnp.float32)
    inp["edge_index"] = jax.random.randint(ks[1], (2, E), 0, N, dtype=jnp.int32)
    inp["edge_attr"] = jax.random.normal(ks[2], (E, H), dtype=jnp.float32)
    inp["u"] = jnp.zeros((1, H), dtype=jnp.float32)
    inp["batch"] = jnp.zeros((N,), dtype=jnp.int32)
    s = 0.02
    inp["g_n"] = jnp.ones((H,), dtype=jnp.float32)
    inp["b_n"] = jnp.zeros((H,), dtype=jnp.float32)
    inp["g_e"] = jnp.ones((H,), dtype=jnp.float32)
    inp["b_e"] = jnp.zeros((H,), dtype=jnp.float32)
    inp["We"] = jax.random.normal(ks[3], (3 * H, H), dtype=jnp.float32) * s
    inp["be"] = jnp.zeros((H,), dtype=jnp.float32)
    inp["Wn1"] = jax.random.normal(ks[4], (2 * H, H), dtype=jnp.float32) * s
    inp["bn1"] = jnp.zeros((H,), dtype=jnp.float32)
    inp["Wn2"] = jax.random.normal(ks[5], (2 * H, H), dtype=jnp.float32) * s
    inp["bn2"] = jnp.zeros((H,), dtype=jnp.float32)
    inp["Wnm"] = jax.random.normal(ks[6], (H, H), dtype=jnp.float32) * s
    inp["bnm"] = jnp.zeros((H,), dtype=jnp.float32)
    inp["Wem"] = jax.random.normal(ks[7], (H, H), dtype=jnp.float32) * s
    inp["bem"] = jnp.zeros((H,), dtype=jnp.float32)
    return inp


def reference(x, edge_index, edge_attr, u, batch, g_n, b_n, g_e, b_e, We, be, Wn1, bn1, Wn2, bn2, Wnm, bnm, Wem, bem):
    orig_x, orig_e = x, edge_attr
    xn = _ln(x, g_n, b_n)
    en = _ln(edge_attr, g_e, b_e)
    row = edge_index[0]
    col = edge_index[1]
    # EdgeModel: cat([src, dest, edge_attr]) -> Linear -> ReLU
    src = jnp.take(xn, row, axis=0)
    dest = jnp.take(xn, col, axis=0)
    e = jax.nn.relu(jnp.concatenate([src, dest, en], axis=1) @ We + be)
    # NodeModel: cat([x[row], edge_attr]) -> mlp1 -> scatter mean over col -> cat([x, agg]) -> mlp2
    m = jax.nn.relu(jnp.concatenate([src, e], axis=1) @ Wn1 + bn1)
    sums = jax.ops.segment_sum(m, col, num_segments=N)
    cnt = jax.ops.segment_sum(jnp.ones((e.shape[0], 1), dtype=jnp.float32), col, num_segments=N)
    agg = sums / jnp.maximum(cnt, 1.0)
    h = jax.nn.relu(jnp.concatenate([xn, agg], axis=1) @ Wn2 + bn2)
    # residual MLPs (dropout p=0 is identity)
    x_out = orig_x + (jax.nn.silu(h) @ Wnm + bnm)
    e_out = orig_e + (jax.nn.silu(e) @ Wem + bem)
    return (x_out, e_out)

if __name__ == "__main__":
    import jax
    _d = setup_inputs()
    print(jax.jit(kernel)(*tuple(_d.values())))

</pallas_src>

<mosaic_0001>
#map = affine_map<(d0, d1) -> (0, 0)>
#map1 = affine_map<(d0, d1) -> (0)>
module attributes {stable_mosaic.version = 14 : i64} {
  func.func @_gather_body(%arg0: i32, %arg1: i32, %arg2: memref<10000x128xi32, #tpu.memory_space<hbm>>, %arg3: memref<10000x128xf32, #tpu.memory_space<hbm>>, %arg4: memref<320000xi32, #tpu.memory_space<hbm>>, %arg5: memref<320000xi32, #tpu.memory_space<hbm>>, %arg6: memref<160000x128xi32, #tpu.memory_space<hbm>>, %arg7: memref<160000x128xf32, #tpu.memory_space<hbm>>, %arg8: memref<20000x128xf32, #tpu.memory_space<hbm>>, %arg9: memref<2x64xi32, #tpu.memory_space<vmem>>, %arg10: memref<2x64xi32, #tpu.memory_space<vmem>>, %arg11: memref<2x64x128xi32, #tpu.memory_space<vmem>>, %arg12: memref<2x64x128xf32, #tpu.memory_space<vmem>>, %arg13: memref<64x128xf32, #tpu.memory_space<vmem>>, %arg14: memref<40x128xf32, #tpu.memory_space<vmem>>, %arg15: memref<10000x128xf32, #tpu.memory_space<vmem_shared>>, %arg16: memref<!tpu.dma_semaphore, #tpu.memory_space<semaphore_mem>>, %arg17: memref<!tpu.dma_semaphore, #tpu.memory_space<semaphore_mem>>, %arg18: memref<!tpu.dma_semaphore, #tpu.memory_space<semaphore_mem>>, %arg19: memref<!tpu.dma_semaphore, #tpu.memory_space<semaphore_mem>>, %arg20: memref<!tpu.dma_semaphore, #tpu.memory_space<semaphore_mem>>, %arg21: memref<!tpu.dma_semaphore, #tpu.memory_space<semaphore_mem>>, %arg22: memref<!tpu.dma_semaphore, #tpu.memory_space<semaphore_mem>>, %arg23: memref<!tpu.dma_semaphore, #tpu.memory_space<semaphore_mem>>) attributes {dimension_semantics = [#tpu.dimension_semantics<core_parallel>, #tpu.dimension_semantics<subcore_parallel>], iteration_bounds = array<i64: 2, 16>, scalar_prefetch = 0 : i64, scratch_operands = 15 : i64, tpu.core_type = #tpu.core_type<sc_vector_subcore>, window_params = [{transform_indices = #map}, {transform_indices = #map}, {transform_indices = #map1}, {transform_indices = #map1}, {transform_indices = #map}, {transform_indices = #map}, {transform_indices = #map}]} {
    %mul3A = arith.constant 2 : i32
    %mul3A_0 = arith.muli %arg1, %mul3A : i32
    %add3A = arith.addi %mul3A_0, %arg0 : i32
    %scan3A = arith.constant 0 : i32
    %scan3A_1 = arith.constant 0 : i32
    %scan3A_2 = arith.constant 512 : i32
    %scan3A_3 = arith.addi %scan3A_1, %scan3A_2 : i32
    %scan3A_4 = arith.constant 1 : i32
    scf.for %scan3A_88 = %scan3A_1 to %scan3A_3 step %scan3A_4  : i32 {
      %broadcast_in_dim3A = arith.constant 1.000000e+00 : f32
      %broadcast_in_dim3A_89 = vector.broadcast %broadcast_in_dim3A : f32 to vector<16xf32>
      %jit3A = arith.constant 8 : i32
      %div3A = arith.divsi %scan3A_88, %jit3A : i32
      %sign3A = arith.constant 0 : i32
      %sign3A_90 = arith.cmpi sgt, %scan3A_88, %sign3A : i32
      %sign3A_91 = arith.extui %sign3A_90 : i1 to i32
      %sign3A_92 = arith.constant 0 : i32
      %sign3A_93 = arith.cmpi slt, %scan3A_88, %sign3A_92 : i32
      %sign3A_94 = arith.extui %sign3A_93 : i1 to i32
      %sign3A_95 = arith.subi %sign3A_91, %sign3A_94 : i32
      %sign3A_96 = arith.constant 0 : i32
      %sign3A_97 = arith.cmpi sgt, %jit3A, %sign3A_96 : i32
      %sign3A_98 = arith.extui %sign3A_97 : i1 to i32
      %sign3A_99 = arith.constant 0 : i32
      %sign3A_100 = arith.cmpi slt, %jit3A, %sign3A_99 : i32
      %sign3A_101 = arith.extui %sign3A_100 : i1 to i32
      %sign3A_102 = arith.subi %sign3A_98, %sign3A_101 : i32
      %ne3A = arith.cmpi ne, %sign3A_95, %sign3A_102 : i32
      %rem3A = arith.remsi %scan3A_88, %jit3A : i32
      %ne3A_103 = arith.constant 0 : i32
      %ne3A_104 = arith.cmpi ne, %rem3A, %ne3A_103 : i32
      %and3A_105 = arith.andi %ne3A, %ne3A_104 : i1
      %sub3A = arith.constant 1 : i32
      %sub3A_106 = arith.subi %div3A, %sub3A : i32
      %select_n3A = arith.select %and3A_105, %sub3A_106, %div3A : i32
      %jit3A_107 = arith.constant 8 : i32
      %eq3A = arith.constant 0 : i32
      %eq3A_108 = arith.cmpi eq, %jit3A_107, %eq3A : i32
      %jit3A_109 = arith.constant 1 : i32
      %select_n3A_110 = arith.select %eq3A_108, %jit3A_109, %jit3A_107 : i32
      %rem3A_111 = arith.remsi %scan3A_88, %select_n3A_110 : i32
      %ne3A_112 = arith.constant 0 : i32
      %ne3A_113 = arith.cmpi ne, %rem3A_111, %ne3A_112 : i32
      %lt3A_114 = arith.constant 0 : i32
      %lt3A_115 = arith.cmpi slt, %rem3A_111, %lt3A_114 : i32
      %lt3A_116 = arith.constant 0 : i32
      %lt3A_117 = arith.cmpi slt, %select_n3A_110, %lt3A_116 : i32
      %ne3A_118 = arith.xori %lt3A_115, %lt3A_117 : i1
      %and3A_119 = arith.andi %ne3A_118, %ne3A_113 : i1
      %add3A_120 = arith.addi %rem3A_111, %select_n3A_110 : i32
      %select_n3A_121 = arith.select %and3A_119, %add3A_120, %rem3A_111 : i32
      %mul3A_122 = arith.constant 16 : i32
      %mul3A_123 = arith.muli %select_n3A_121, %mul3A_122 : i32
      %swap3A = arith.index_cast %select_n3A : i32 to index
      %swap3A_124 = arith.index_cast %mul3A_123 : i32 to index
      %swap3A_125 = tpu.vector_load %arg13[%swap3A, %swap3A_124] {strides = array<i32>} : memref<64x128xf32, #tpu.memory_space<vmem>>, vector<1x16xf32>,
      %swap3A_126 = vector.shape_cast %swap3A_125 : vector<1x16xf32> to vector<16xf32>
      %swap3A_127 = vector.shape_cast %broadcast_in_dim3A_89 : vector<16xf32> to vector<1x16xf32>
      tpu.vector_store %arg13[%swap3A, %swap3A_124], %swap3A_127 {strides = array<i32>} : memref<64x128xf32, #tpu.memory_space<vmem>>, vector<1x16xf32>,
    }
    %scan3A_5 = arith.constant 512 : i32
    %scan3A_6 = arith.constant 0 : i32
    %scan3A_7 = arith.constant 0 : i32
    %scan3A_8 = arith.constant 320 : i32
    %scan3A_9 = arith.addi %scan3A_7, %scan3A_8 : i32
    %scan3A_10 = arith.constant 1 : i32
    scf.for %scan3A_88 = %scan3A_7 to %scan3A_9 step %scan3A_10  : i32 {
      %broadcast_in_dim3A = arith.constant 0.000000e+00 : f32
      %broadcast_in_dim3A_89 = vector.broadcast %broadcast_in_dim3A : f32 to vector<16xf32>
      %jit3A = arith.constant 8 : i32
      %div3A = arith.divsi %scan3A_88, %jit3A : i32
      %sign3A = arith.constant 0 : i32
      %sign3A_90 = arith.cmpi sgt, %scan3A_88, %sign3A : i32
      %sign3A_91 = arith.extui %sign3A_90 : i1 to i32
      %sign3A_92 = arith.constant 0 : i32
      %sign3A_93 = arith.cmpi slt, %scan3A_88, %sign3A_92 : i32
      %sign3A_94 = arith.extui %sign3A_93 : i1 to i32
      %sign3A_95 = arith.subi %sign3A_91, %sign3A_94 : i32
      %sign3A_96 = arith.constant 0 : i32
      %sign3A_97 = arith.cmpi sgt, %jit3A, %sign3A_96 : i32
      %sign3A_98 = arith.extui %sign3A_97 : i1 to i32
      %sign3A_99 = arith.constant 0 : i32
      %sign3A_100 = arith.cmpi slt, %jit3A, %sign3A_99 : i32
      %sign3A_101 = arith.extui %sign3A_100 : i1 to i32
      %sign3A_102 = arith.subi %sign3A_98, %sign3A_101 : i32
      %ne3A = arith.cmpi ne, %sign3A_95, %sign3A_102 : i32
      %rem3A = arith.remsi %scan3A_88, %jit3A : i32
      %ne3A_103 = arith.constant 0 : i32
      %ne3A_104 = arith.cmpi ne, %rem3A, %ne3A_103 : i32
      %and3A_105 = arith.andi %ne3A, %ne3A_104 : i1
      %sub3A = arith.constant 1 : i32
      %sub3A_106 = arith.subi %div3A, %sub3A : i32
      %select_n3A = arith.select %and3A_105, %sub3A_106, %div3A : i32
      %jit3A_107 = arith.constant 8 : i32
      %eq3A = arith.constant 0 : i32
      %eq3A_108 = arith.cmpi eq, %jit3A_107, %eq3A : i32
      %jit3A_109 = arith.constant 1 : i32
      %select_n3A_110 = arith.select %eq3A_108, %jit3A_109, %jit3A_107 : i32
      %rem3A_111 = arith.remsi %scan3A_88, %select_n3A_110 : i32
      %ne3A_112 = arith.constant 0 : i32
      %ne3A_113 = arith.cmpi ne, %rem3A_111, %ne3A_112 : i32
      %lt3A_114 = arith.constant 0 : i32
      %lt3A_115 = arith.cmpi slt, %rem3A_111, %lt3A_114 : i32
      %lt3A_116 = arith.constant 0 : i32
      %lt3A_117 = arith.cmpi slt, %select_n3A_110, %lt3A_116 : i32
      %ne3A_118 = arith.xori %lt3A_115, %lt3A_117 : i1
      %and3A_119 = arith.andi %ne3A_118, %ne3A_113 : i1
      %add3A_120 = arith.addi %rem3A_111, %select_n3A_110 : i32
      %select_n3A_121 = arith.select %and3A_119, %add3A_120, %rem3A_111 : i32
      %mul3A_122 = arith.constant 16 : i32
      %mul3A_123 = arith.muli %select_n3A_121, %mul3A_122 : i32
      %swap3A = arith.index_cast %select_n3A : i32 to index
      %swap3A_124 = arith.index_cast %mul3A_123 : i32 to index
      %swap3A_125 = tpu.vector_load %arg14[%swap3A, %swap3A_124] {strides = array<i32>} : memref<40x128xf32, #tpu.memory_space<vmem>>, vector<1x16xf32>,
      %swap3A_126 = vector.shape_cast %swap3A_125 : vector<1x16xf32> to vector<16xf32>
      %swap3A_127 = vector.shape_cast %broadcast_in_dim3A_89 : vector<16xf32> to vector<1x16xf32>
      tpu.vector_store %arg14[%swap3A, %swap3A_124], %swap3A_127 {strides = array<i32>} : memref<40x128xf32, #tpu.memory_space<vmem>>, vector<1x16xf32>,
    }
    %scan3A_11 = arith.constant 320 : i32
    %scan3A_12 = arith.constant 0 : i32
    %scan3A_13 = arith.constant 0 : i32
    %scan3A_14 = arith.constant 16 : i32
    %scan3A_15 = arith.addi %scan3A_13, %scan3A_14 : i32
    %scan3A_16 = arith.constant 1 : i32
    scf.for %scan3A_88 = %scan3A_13 to %scan3A_15 step %scan3A_16  : i32 {
      %mul3A_89 = arith.constant 16 : i32
      %mul3A_90 = arith.muli %scan3A_88, %mul3A_89 : i32
      %add3A_91 = arith.addi %arg1, %mul3A_90 : i32
      %lt3A_92 = arith.constant 250 : i32
      %lt3A_93 = arith.cmpi slt, %add3A_91, %lt3A_92 : i32
      %convert_element_type3A_94 = arith.extui %lt3A_93 : i1 to i32
      %cond3A_95 = arith.constant 0 : i32
      %cond3A_96 = arith.cmpi ne, %convert_element_type3A_94, %cond3A_95 : i32
      scf.if %cond3A_96 {
        %mul3A_97 = arith.constant 40 : i32
        %mul3A_98 = arith.muli %add3A_91, %mul3A_97 : i32
        "tpu.region"() ({
          %run_scoped3A = tpu.sem_alloc : memref<!tpu.dma_semaphore, #tpu.memory_space<semaphore_mem>>
          %dma_start3A = arith.constant 0 : i32
          %dma_start3A_99 = tpu.memref_slice %arg15[%mul3A_98, %dma_start3A] : memref<10000x128xf32, #tpu.memory_space<vmem_shared>> -> memref<40x128xf32, #tpu.memory_space<vmem_shared>>
          %dma_start3A_100 = arith.constant 0 : i32
          %dma_start3A_101 = tpu.memref_slice %arg15[%mul3A_98, %dma_start3A_100] : memref<10000x128xf32, #tpu.memory_space<vmem_shared>> -> memref<40x128xf32, #tpu.memory_space<vmem_shared>>
          tpu.enqueue_dma source(%arg14 : memref<40x128xf32, #tpu.memory_space<vmem>>) target(%dma_start3A_101 : memref<40x128xf32, #tpu.memory_space<vmem_shared>>) target_semaphore(%run_scoped3A : memref<!tpu.dma_semaphore, #tpu.memory_space<semaphore_mem>>)
          %dma_wait3A = arith.constant 0 : i32
          %dma_wait3A_102 = tpu.memref_slice %arg15[%mul3A_98, %dma_wait3A] : memref<10000x128xf32, #tpu.memory_space<vmem_shared>> -> memref<40x128xf32, #tpu.memory_space<vmem_shared>>
          %dma_wait3A_103 = arith.constant 0 : i32
          %dma_wait3A_104 = tpu.memref_slice %arg15[%mul3A_98, %dma_wait3A_103] : memref<10000x128xf32, #tpu.memory_space<vmem_shared>> -> memref<40x128xf32, #tpu.memory_space<vmem_shared>>
          tpu.wait_dma2 semaphore(%run_scoped3A : memref<!tpu.dma_semaphore, #tpu.memory_space<semaphore_mem>>) src(%arg14 : memref<40x128xf32, #tpu.memory_space<vmem>>) dst(%dma_wait3A_104 : memref<40x128xf32, #tpu.memory_space<vmem_shared>>)
          tpu.yield
        }) : () -> ()
      } else {
      }
    }
    %scan3A_17 = arith.constant 16 : i32
    %barrier3A = arith.constant 0 : index
    tpu.barrier barrier_id(%barrier3A)
    %add3A_18 = arith.constant 0 : i32
    %add3A_19 = arith.addi %add3A, %add3A_18 : i32
    %lt3A = arith.constant 2500 : i32
    %lt3A_20 = arith.cmpi slt, %add3A_19, %lt3A : i32
    %convert_element_type3A = arith.extui %lt3A_20 : i1 to i32
    %cond3A = arith.constant 0 : i32
    %cond3A_21 = arith.cmpi ne, %convert_element_type3A, %cond3A : i32
    scf.if %cond3A_21 {
      %add3A_88 = arith.constant 0 : i32
      %add3A_89 = arith.addi %add3A, %add3A_88 : i32
      %mul3A_90 = arith.constant 64 : i32
      %mul3A_91 = arith.muli %add3A_89, %mul3A_90 : i32
      %add3A_92 = arith.constant 160000 : i32
      %add3A_93 = arith.addi %add3A_92, %mul3A_91 : i32
      %dma_start3A = arith.constant 0 : i32
      %dma_start3A_94 = arith.constant 0 : i32
      %dma_start3A_95 = tpu.memref_slice %arg9[%dma_start3A, %dma_start3A_94] : memref<2x64xi32, #tpu.memory_space<vmem>> -> memref<1x64xi32, #tpu.memory_space<vmem>>
      %dma_start3A_96 = tpu.memref_squeeze %dma_start3A_95 : memref<1x64xi32, #tpu.memory_space<vmem>> -> memref<64xi32, #tpu.memory_space<vmem>>
      %dma_start3A_97 = tpu.memref_slice %arg4[%add3A_93] : memref<320000xi32, #tpu.memory_space<hbm>> -> memref<64xi32, #tpu.memory_space<hbm>>
      %dma_start3A_98 = arith.constant 0 : i32
      %dma_start3A_99 = tpu.memref_slice %arg9[%dma_start3A, %dma_start3A_98] : memref<2x64xi32, #tpu.memory_space<vmem>> -> memref<1x64xi32, #tpu.memory_space<vmem>>
      %dma_start3A_100 = tpu.memref_squeeze %dma_start3A_99 : memref<1x64xi32, #tpu.memory_space<vmem>> -> memref<64xi32, #tpu.memory_space<vmem>>
      %dma_start3A_101 = tpu.memref_slice %arg4[%add3A_93] : memref<320000xi32, #tpu.memory_space<hbm>> -> memref<64xi32, #tpu.memory_space<hbm>>
      tpu.enqueue_dma source(%dma_start3A_101 : memref<64xi32, #tpu.memory_space<hbm>>) target(%dma_start3A_100 : memref<64xi32, #tpu.memory_space<vmem>>) target_semaphore(%arg16 : memref<!tpu.dma_semaphore, #tpu.memory_space<semaphore_mem>>)
      %dma_start3A_102 = arith.constant 0 : i32
      %dma_start3A_103 = arith.constant 0 : i32
      %dma_start3A_104 = tpu.memref_slice %arg10[%dma_start3A_102, %dma_start3A_103] : memref<2x64xi32, #tpu.memory_space<vmem>> -> memref<1x64xi32, #tpu.memory_space<vmem>>
      %dma_start3A_105 = tpu.memref_squeeze %dma_start3A_104 : memref<1x64xi32, #tpu.memory_space<vmem>> -> memref<64xi32, #tpu.memory_space<vmem>>
      %dma_start3A_106 = tpu.memref_slice %arg5[%add3A_93] : memref<320000xi32, #tpu.memory_space<hbm>> -> memref<64xi32, #tpu.memory_space<hbm>>
      %dma_start3A_107 = arith.constant 0 : i32
      %dma_start3A_108 = tpu.memref_slice %arg10[%dma_start3A_102, %dma_start3A_107] : memref<2x64xi32, #tpu.memory_space<vmem>> -> memref<1x64xi32, #tpu.memory_space<vmem>>
      %dma_start3A_109 = tpu.memref_squeeze %dma_start3A_108 : memref<1x64xi32, #tpu.memory_space<vmem>> -> memref<64xi32, #tpu.memory_space<vmem>>
      %dma_start3A_110 = tpu.memref_slice %arg5[%add3A_93] : memref<320000xi32, #tpu.memory_space<hbm>> -> memref<64xi32, #tpu.memory_space<hbm>>
      tpu.enqueue_dma source(%dma_start3A_110 : memref<64xi32, #tpu.memory_space<hbm>>) target(%dma_start3A_109 : memref<64xi32, #tpu.memory_space<vmem>>) target_semaphore(%arg16 : memref<!tpu.dma_semaphore, #tpu.memory_space<semaphore_mem>>)
    } else {
    }
    %add3A_22 = arith.constant 32 : i32
    %add3A_23 = arith.addi %add3A, %add3A_22 : i32
    %lt3A_24 = arith.constant 2500 : i32
    %lt3A_25 = arith.cmpi slt, %add3A_23, %lt3A_24 : i32
    %convert_element_type3A_26 = arith.extui %lt3A_25 : i1 to i32
    %cond3A_27 = arith.constant 0 : i32
    %cond3A_28 = arith.cmpi ne, %convert_element_type3A_26, %cond3A_27 : i32
    scf.if %cond3A_28 {
      %add3A_88 = arith.constant 32 : i32
      %add3A_89 = arith.addi %add3A, %add3A_88 : i32
      %mul3A_90 = arith.constant 64 : i32
      %mul3A_91 = arith.muli %add3A_89, %mul3A_90 : i32
      %add3A_92 = arith.constant 160000 : i32
      %add3A_93 = arith.addi %add3A_92, %mul3A_91 : i32
      %dma_start3A = arith.constant 1 : i32
      %dma_start3A_94 = arith.constant 0 : i32
      %dma_start3A_95 = tpu.memref_slice %arg9[%dma_start3A, %dma_start3A_94] : memref<2x64xi32, #tpu.memory_space<vmem>> -> memref<1x64xi32, #tpu.memory_space<vmem>>
      %dma_start3A_96 = tpu.memref_squeeze %dma_start3A_95 : memref<1x64xi32, #tpu.memory_space<vmem>> -> memref<64xi32, #tpu.memory_space<vmem>>
      %dma_start3A_97 = tpu.memref_slice %arg4[%add3A_93] : memref<320000xi32, #tpu.memory_space<hbm>> -> memref<64xi32, #tpu.memory_space<hbm>>
      %dma_start3A_98 = arith.constant 0 : i32
      %dma_start3A_99 = tpu.memref_slice %arg9[%dma_start3A, %dma_start3A_98] : memref<2x64xi32, #tpu.memory_space<vmem>> -> memref<1x64xi32, #tpu.memory_space<vmem>>
      %dma_start3A_100 = tpu.memref_squeeze %dma_start3A_99 : memref<1x64xi32, #tpu.memory_space<vmem>> -> memref<64xi32, #tpu.memory_space<vmem>>
      %dma_start3A_101 = tpu.memref_slice %arg4[%add3A_93] : memref<320000xi32, #tpu.memory_space<hbm>> -> memref<64xi32, #tpu.memory_space<hbm>>
      tpu.enqueue_dma source(%dma_start3A_101 : memref<64xi32, #tpu.memory_space<hbm>>) target(%dma_start3A_100 : memref<64xi32, #tpu.memory_space<vmem>>) target_semaphore(%arg17 : memref<!tpu.dma_semaphore, #tpu.memory_space<semaphore_mem>>)
      %dma_start3A_102 = arith.constant 1 : i32
      %dma_start3A_103 = arith.constant 0 : i32
      %dma_start3A_104 = tpu.memref_slice %arg10[%dma_start3A_102, %dma_start3A_103] : memref<2x64xi32, #tpu.memory_space<vmem>> -> memref<1x64xi32, #tpu.memory_space<vmem>>
      %dma_start3A_105 = tpu.memref_squeeze %dma_start3A_104 : memref<1x64xi32, #tpu.memory_space<vmem>> -> memref<64xi32, #tpu.memory_space<vmem>>
      %dma_start3A_106 = tpu.memref_slice %arg5[%add3A_93] : memref<320000xi32, #tpu.memory_space<hbm>> -> memref<64xi32, #tpu.memory_space<hbm>>
      %dma_start3A_107 = arith.constant 0 : i32
      %dma_start3A_108 = tpu.memref_slice %arg10[%dma_start3A_102, %dma_start3A_107] : memref<2x64xi32, #tpu.memory_space<vmem>> -> memref<1x64xi32, #tpu.memory_space<vmem>>
      %dma_start3A_109 = tpu.memref_squeeze %dma_start3A_108 : memref<1x64xi32, #tpu.memory_space<vmem>> -> memref<64xi32, #tpu.memory_space<vmem>>
      %dma_start3A_110 = tpu.memref_slice %arg5[%add3A_93] : memref<320000xi32, #tpu.memory_space<hbm>> -> memref<64xi32, #tpu.memory_space<hbm>>
      tpu.enqueue_dma source(%dma_start3A_110 : memref<64xi32, #tpu.memory_space<hbm>>) target(%dma_start3A_109 : memref<64xi32, #tpu.memory_space<vmem>>) target_semaphore(%arg17 : memref<!tpu.dma_semaphore, #tpu.memory_space<semaphore_mem>>)
    } else {
    }
    %scan3A_29 = arith.constant 0 : i32
    %scan3A_30 = arith.constant 0 : i32
    %scan3A_31 = arith.constant 40 : i32
    %scan3A_32 = arith.addi %scan3A_30, %scan3A_31 : i32
    %scan3A_33 = arith.constant 1 : i32
    scf.for %scan3A_88 = %scan3A_30 to %scan3A_32 step %scan3A_33  : i32 {
      %mul3A_89 = arith.constant 2 : i32
      %mul3A_90 = arith.muli %scan3A_88, %mul3A_89 : i32
      %add3A_91 = arith.constant 0 : i32
      %add3A_92 = arith.addi %mul3A_90, %add3A_91 : i32
      %mul3A_93 = arith.constant 32 : i32
      %mul3A_94 = arith.muli %add3A_92, %mul3A_93 : i32
      %add3A_95 = arith.addi %add3A, %mul3A_94 : i32
      %lt3A_96 = arith.constant 2500 : i32
      %lt3A_97 = arith.cmpi slt, %add3A_95, %lt3A_96 : i32
      %convert_element_type3A_98 = arith.extui %lt3A_97 : i1 to i32
      %cond3A_99 = arith.constant 0 : i32
      %cond3A_100 = arith.cmpi ne, %convert_element_type3A_98, %cond3A_99 : i32
      scf.if %cond3A_100 {
        %dma_wait3A = arith.constant 0 : i32
        %dma_wait3A_137 = arith.constant 0 : i32
        %dma_wait3A_138 = tpu.memref_slice %arg9[%dma_wait3A, %dma_wait3A_137] : memref<2x64xi32, #tpu.memory_space<vmem>> -> memref<1x64xi32, #tpu.memory_space<vmem>>
        %dma_wait3A_139 = tpu.memref_squeeze %dma_wait3A_138 : memref<1x64xi32, #tpu.memory_space<vmem>> -> memref<64xi32, #tpu.memory_space<vmem>>
        %dma_wait3A_140 = arith.constant 0 : i32
        %dma_wait3A_141 = tpu.memref_slice %arg4[%dma_wait3A_140] : memref<320000xi32, #tpu.memory_space<hbm>> -> memref<64xi32, #tpu.memory_space<hbm>>
        %dma_wait3A_142 = arith.constant 0 : i32
        %dma_wait3A_143 = tpu.memref_slice %arg9[%dma_wait3A, %dma_wait3A_142] : memref<2x64xi32, #tpu.memory_space<vmem>> -> memref<1x64xi32, #tpu.memory_space<vmem>>
        %dma_wait3A_144 = tpu.memref_squeeze %dma_wait3A_143 : memref<1x64xi32, #tpu.memory_space<vmem>> -> memref<64xi32, #tpu.memory_space<vmem>>
        %dma_wait3A_145 = arith.constant 0 : i32
        %dma_wait3A_146 = tpu.memref_slice %arg4[%dma_wait3A_145] : memref<320000xi32, #tpu.memory_space<hbm>> -> memref<64xi32, #tpu.memory_space<hbm>>
        tpu.wait_dma2 semaphore(%arg16 : memref<!tpu.dma_semaphore, #tpu.memory_space<semaphore_mem>>) src(%dma_wait3A_146 : memref<64xi32, #tpu.memory_space<hbm>>) dst(%dma_wait3A_144 : memref<64xi32, #tpu.memory_space<vmem>>)
        %dma_wait3A_147 = arith.constant 0 : i32
        %dma_wait3A_148 = arith.constant 0 : i32
        %dma_wait3A_149 = tpu.memref_slice %arg10[%dma_wait3A_147, %dma_wait3A_148] : memref<2x64xi32, #tpu.memory_space<vmem>> -> memref<1x64xi32, #tpu.memory_space<vmem>>
        %dma_wait3A_150 = tpu.memref_squeeze %dma_wait3A_149 : memref<1x64xi32, #tpu.memory_space<vmem>> -> memref<64xi32, #tpu.memory_space<vmem>>
        %dma_wait3A_151 = arith.constant 0 : i32
        %dma_wait3A_152 = tpu.memref_slice %arg5[%dma_wait3A_151] : memref<320000xi32, #tpu.memory_space<hbm>> -> memref<64xi32, #tpu.memory_space<hbm>>
        %dma_wait3A_153 = arith.constant 0 : i32
        %dma_wait3A_154 = tpu.memref_slice %arg10[%dma_wait3A_147, %dma_wait3A_153] : memref<2x64xi32, #tpu.memory_space<vmem>> -> memref<1x64xi32, #tpu.memory_space<vmem>>
        %dma_wait3A_155 = tpu.memref_squeeze %dma_wait3A_154 : memref<1x64xi32, #tpu.memory_space<vmem>> -> memref<64xi32, #tpu.memory_space<vmem>>
        %dma_wait3A_156 = arith.constant 0 : i32
        %dma_wait3A_157 = tpu.memref_slice %arg5[%dma_wait3A_156] : memref<320000xi32, #tpu.memory_space<hbm>> -> memref<64xi32, #tpu.memory_space<hbm>>
        tpu.wait_dma2 semaphore(%arg16 : memref<!tpu.dma_semaphore, #tpu.memory_space<semaphore_mem>>) src(%dma_wait3A_157 : memref<64xi32, #tpu.memory_space<hbm>>) dst(%dma_wait3A_155 : memref<64xi32, #tpu.memory_space<vmem>>)
        %ge3A_158 = arith.constant 2 : i32
        %ge3A_159 = arith.cmpi sge, %add3A_92, %ge3A_158 : i32
        %convert_element_type3A_160 = arith.extui %ge3A_159 : i1 to i32
        %cond3A_161 = arith.constant 0 : i32
        %cond3A_162 = arith.cmpi ne, %convert_element_type3A_160, %cond3A_161 : i32
        scf.if %cond3A_162 {
          %dma_wait3A_186 = arith.constant 0 : i32
          %dma_wait3A_187 = arith.constant 0 : i32
          %dma_wait3A_188 = arith.constant 0 : i32
          %dma_wait3A_189 = tpu.memref_slice %arg11[%dma_wait3A_186, %dma_wait3A_187, %dma_wait3A_188] : memref<2x64x128xi32, #tpu.memory_space<vmem>> -> memref<1x64x128xi32, #tpu.memory_space<vmem>>
          %dma_wait3A_190 = tpu.memref_squeeze %dma_wait3A_189 : memref<1x64x128xi32, #tpu.memory_space<vmem>> -> memref<64x128xi32, #tpu.memory_space<vmem>>
          %dma_wait3A_191 = arith.constant 0 : i32
          %dma_wait3A_192 = arith.constant 0 : i32
          %dma_wait3A_193 = tpu.memref_slice %arg6[%dma_wait3A_191, %dma_wait3A_192] : memref<160000x128xi32, #tpu.memory_space<hbm>> -> memref<64x128xi32, #tpu.memory_space<hbm>>
          %dma_wait3A_194 = arith.constant 0 : i32
          %dma_wait3A_195 = arith.constant 0 : i32
          %dma_wait3A_196 = tpu.memref_slice %arg6[%dma_wait3A_194, %dma_wait3A_195] : memref<160000x128xi32, #tpu.memory_space<hbm>> -> memref<64x128xi32, #tpu.memory_space<hbm>>
          %dma_wait3A_197 = arith.constant 0 : i32
          %dma_wait3A_198 = arith.constant 0 : i32
          %dma_wait3A_199 = tpu.memref_slice %arg11[%dma_wait3A_186, %dma_wait3A_197, %dma_wait3A_198] : memref<2x64x128xi32, #tpu.memory_space<vmem>> -> memref<1x64x128xi32, #tpu.memory_space<vmem>>
          %dma_wait3A_200 = tpu.memref_squeeze %dma_wait3A_199 : memref<1x64x128xi32, #tpu.memory_space<vmem>> -> memref<64x128xi32, #tpu.memory_space<vmem>>
          tpu.wait_dma2 semaphore(%arg20 : memref<!tpu.dma_semaphore, #tpu.memory_space<semaphore_mem>>) src(%dma_wait3A_200 : memref<64x128xi32, #tpu.memory_space<vmem>>) dst(%dma_wait3A_196 : memref<64x128xi32, #tpu.memory_space<hbm>>)
          %dma_wait3A_201 = arith.constant 0 : i32
          %dma_wait3A_202 = arith.constant 0 : i32
          %dma_wait3A_203 = arith.constant 0 : i32
          %dma_wait3A_204 = tpu.memref_slice %arg12[%dma_wait3A_201, %dma_wait3A_202, %dma_wait3A_203] : memref<2x64x128xf32, #tpu.memory_space<vmem>> -> memref<1x64x128xf32, #tpu.memory_space<vmem>>
          %dma_wait3A_205 = tpu.memref_squeeze %dma_wait3A_204 : memref<1x64x128xf32, #tpu.memory_space<vmem>> -> memref<64x128xf32, #tpu.memory_space<vmem>>
          %dma_wait3A_206 = arith.constant 0 : i32
          %dma_wait3A_207 = arith.constant 0 : i32
          %dma_wait3A_208 = tpu.memref_slice %arg7[%dma_wait3A_206, %dma_wait3A_207] : memref<160000x128xf32, #tpu.memory_space<hbm>> -> memref<64x128xf32, #tpu.memory_space<hbm>>
          %dma_wait3A_209 = arith.constant 0 : i32
          %dma_wait3A_210 = arith.constant 0 : i32
          %dma_wait3A_211 = tpu.memref_slice %arg7[%dma_wait3A_209, %dma_wait3A_210] : memref<160000x128xf32, #tpu.memory_space<hbm>> -> memref<64x128xf32, #tpu.memory_space<hbm>>
          %dma_wait3A_212 = arith.constant 0 : i32
          %dma_wait3A_213 = arith.constant 0 : i32
          %dma_wait3A_214 = tpu.memref_slice %arg12[%dma_wait3A_201, %dma_wait3A_212, %dma_wait3A_213] : memref<2x64x128xf32, #tpu.memory_space<vmem>> -> memref<1x64x128xf32, #tpu.memory_space<vmem>>
          %dma_wait3A_215 = tpu.memref_squeeze %dma_wait3A_214 : memref<1x64x128xf32, #tpu.memory_space<vmem>> -> memref<64x128xf32, #tpu.memory_space<vmem>>
          tpu.wait_dma2 semaphore(%arg22 : memref<!tpu.dma_semaphore, #tpu.memory_space<semaphore_mem>>) src(%dma_wait3A_215 : memref<64x128xf32, #tpu.memory_space<vmem>>) dst(%dma_wait3A_211 : memref<64x128xf32, #tpu.memory_space<hbm>>)
        } else {
        }
        %dma_start3A = arith.constant 0 : i32
        %dma_start3A_163 = arith.constant 0 : i32
        %dma_start3A_164 = arith.constant 0 : i32
        %dma_start3A_165 = arith.constant 0 : i32
        %dma_start3A_166 = tpu.memref_slice %arg11[%dma_start3A_163, %dma_start3A_164, %dma_start3A_165] : memref<2x64x128xi32, #tpu.memory_space<vmem>> -> memref<1x64x128xi32, #tpu.memory_space<vmem>>
        %dma_start3A_167 = tpu.memref_squeeze %dma_start3A_166 : memref<1x64x128xi32, #tpu.memory_space<vmem>> -> memref<64x128xi32, #tpu.memory_space<vmem>>
        %dma_start3A_168 = arith.constant 0 : i32
        %dma_start3A_169 = tpu.memref_slice %arg9[%dma_start3A, %dma_start3A_168] : memref<2x64xi32, #tpu.memory_space<vmem>> -> memref<1x64xi32, #tpu.memory_space<vmem>>
        %dma_start3A_170 = tpu.memref_squeeze %dma_start3A_169 : memref<1x64xi32, #tpu.memory_space<vmem>> -> memref<64xi32, #tpu.memory_space<vmem>>
        %dma_start3A_171 = arith.constant 0 : i32
        %dma_start3A_172 = arith.constant 0 : i32
        %dma_start3A_173 = tpu.memref_slice %arg2[%dma_start3A_171, %dma_start3A_172] : memref<10000x128xi32, #tpu.memory_space<hbm>> -> memref<10000x128xi32, #tpu.memory_space<hbm>>
        tpu.enqueue_indirect_dma source(%dma_start3A_173 : memref<10000x128xi32, #tpu.memory_space<hbm>>) target(%dma_start3A_167 : memref<64x128xi32, #tpu.memory_space<vmem>>) offsets(%dma_start3A_170 : memref<64xi32, #tpu.memory_space<vmem>>) semaphore(%arg18 : memref<!tpu.dma_semaphore, #tpu.memory_space<semaphore_mem>>)
        %dma_start3A_174 = arith.constant 0 : i32
        %dma_start3A_175 = arith.constant 0 : i32
        %dma_start3A_176 = arith.constant 0 : i32
        %dma_start3A_177 = arith.constant 0 : i32
        %dma_start3A_178 = tpu.memref_slice %arg12[%dma_start3A_175, %dma_start3A_176, %dma_start3A_177] : memref<2x64x128xf32, #tpu.memory_space<vmem>> -> memref<1x64x128xf32, #tpu.memory_space<vmem>>
        %dma_start3A_179 = tpu.memref_squeeze %dma_start3A_178 : memref<1x64x128xf32, #tpu.memory_space<vmem>> -> memref<64x128xf32, #tpu.memory_space<vmem>>
        %dma_start3A_180 = arith.constant 0 : i32
        %dma_start3A_181 = tpu.memref_slice %arg10[%dma_start3A_174, %dma_start3A_180] : memref<2x64xi32, #tpu.memory_space<vmem>> -> memref<1x64xi32, #tpu.memory_space<vmem>>
        %dma_start3A_182 = tpu.memref_squeeze %dma_start3A_181 : memref<1x64xi32, #tpu.memory_space<vmem>> -> memref<64xi32, #tpu.memory_space<vmem>>
        %dma_start3A_183 = arith.constant 0 : i32
        %dma_start3A_184 = arith.constant 0 : i32
        %dma_start3A_185 = tpu.memref_slice %arg3[%dma_start3A_183, %dma_start3A_184] : memref<10000x128xf32, #tpu.memory_space<hbm>> -> memref<10000x128xf32, #tpu.memory_space<hbm>>
        tpu.enqueue_indirect_dma source(%dma_start3A_185 : memref<10000x128xf32, #tpu.memory_space<hbm>>) target(%dma_start3A_179 : memref<64x128xf32, #tpu.memory_space<vmem>>) offsets(%dma_start3A_182 : memref<64xi32, #tpu.memory_space<vmem>>) semaphore(%arg18 : memref<!tpu.dma_semaphore, #tpu.memory_space<semaphore_mem>>)
      } else {
      }
      %mul3A_101 = arith.constant 2 : i32
      %mul3A_102 = arith.muli %scan3A_88, %mul3A_101 : i32
      %add3A_103 = arith.constant 1 : i32
      %add3A_104 = arith.addi %mul3A_102, %add3A_103 : i32
      %mul3A_105 = arith.constant 32 : i32
      %mul3A_106 = arith.muli %add3A_104, %mul3A_105 : i32
      %add3A_107 = arith.addi %add3A, %mul3A_106 : i32
      %lt3A_108 = arith.constant 2500 : i32
      %lt3A_109 = arith.cmpi slt, %add3A_107, %lt3A_108 : i32
      %convert_element_type3A_110 = arith.extui %lt3A_109 : i1 to i32
      %cond3A_111 = arith.constant 0 : i32
      %cond3A_112 = arith.cmpi ne, %convert_element_type3A_110, %cond3A_111 : i32
      scf.if %cond3A_112 {
        %dma_wait3A = arith.constant 1 : i32
        %dma_wait3A_137 = arith.constant 0 : i32
        %dma_wait3A_138 = tpu.memref_slice %arg9[%dma_wait3A, %dma_wait3A_137] : memref<2x64xi32, #tpu.memory_space<vmem>> -> memref<1x64xi32, #tpu.memory_space<vmem>>
        %dma_wait3A_139 = tpu.memref_squeeze %dma_wait3A_138 : memref<1x64xi32, #tpu.memory_space<vmem>> -> memref<64xi32, #tpu.memory_space<vmem>>
        %dma_wait3A_140 = arith.constant 0 : i32
        %dma_wait3A_141 = tpu.memref_slice %arg4[%dma_wait3A_140] : memref<320000xi32, #tpu.memory_space<hbm>> -> memref<64xi32, #tpu.memory_space<hbm>>
        %dma_wait3A_142 = arith.constant 0 : i32
        %dma_wait3A_143 = tpu.memref_slice %arg9[%dma_wait3A, %dma_wait3A_142] : memref<2x64xi32, #tpu.memory_space<vmem>> -> memref<1x64xi32, #tpu.memory_space<vmem>>
        %dma_wait3A_144 = tpu.memref_squeeze %dma_wait3A_143 : memref<1x64xi32, #tpu.memory_space<vmem>> -> memref<64xi32, #tpu.memory_space<vmem>>
        %dma_wait3A_145 = arith.constant 0 : i32
        %dma_wait3A_146 = tpu.memref_slice %arg4[%dma_wait3A_145] : memref<320000xi32, #tpu.memory_space<hbm>> -> memref<64xi32, #tpu.memory_space<hbm>>
        tpu.wait_dma2 semaphore(%arg17 : memref<!tpu.dma_semaphore, #tpu.memory_space<semaphore_mem>>) src(%dma_wait3A_146 : memref<64xi32, #tpu.memory_space<hbm>>) dst(%dma_wait3A_144 : memref<64xi32, #tpu.memory_space<vmem>>)
        %dma_wait3A_147 = arith.constant 1 : i32
        %dma_wait3A_148 = arith.constant 0 : i32
        %dma_wait3A_149 = tpu.memref_slice %arg10[%dma_wait3A_147, %dma_wait3A_148] : memref<2x64xi32, #tpu.memory_space<vmem>> -> memref<1x64xi32, #tpu.memory_space<vmem>>
        %dma_wait3A_150 = tpu.memref_squeeze %dma_wait3A_149 : memref<1x64xi32, #tpu.memory_space<vmem>> -> memref<64xi32, #tpu.memory_space<vmem>>
        %dma_wait3A_151 = arith.constant 0 : i32
        %dma_wait3A_152 = tpu.memref_slice %arg5[%dma_wait3A_151] : memref<320000xi32, #tpu.memory_space<hbm>> -> memref<64xi32, #tpu.memory_space<hbm>>
        %dma_wait3A_153 = arith.constant 0 : i32
        %dma_wait3A_154 = tpu.memref_slice %arg10[%dma_wait3A_147, %dma_wait3A_153] : memref<2x64xi32, #tpu.memory_space<vmem>> -> memref<1x64xi32, #tpu.memory_space<vmem>>
        %dma_wait3A_155 = tpu.memref_squeeze %dma_wait3A_154 : memref<1x64xi32, #tpu.memory_space<vmem>> -> memref<64xi32, #tpu.memory_space<vmem>>
        %dma_wait3A_156 = arith.constant 0 : i32
        %dma_wait3A_157 = tpu.memref_slice %arg5[%dma_wait3A_156] : memref<320000xi32, #tpu.memory_space<hbm>> -> memref<64xi32, #tpu.memory_space<hbm>>
        tpu.wait_dma2 semaphore(%arg17 : memref<!tpu.dma_semaphore, #tpu.memory_space<semaphore_mem>>) src(%dma_wait3A_157 : memref<64xi32, #tpu.memory_space<hbm>>) dst(%dma_wait3A_155 : memref<64xi32, #tpu.memory_space<vmem>>)
        %ge3A_158 = arith.constant 2 : i32
        %ge3A_159 = arith.cmpi sge, %add3A_104, %ge3A_158 : i32
        %convert_element_type3A_160 = arith.extui %ge3A_159 : i1 to i32
        %cond3A_161 = arith.constant 0 : i32
        %cond3A_162 = arith.cmpi ne, %convert_element_type3A_160, %cond3A_161 : i32
        scf.if %cond3A_162 {
          %dma_wait3A_186 = arith.constant 1 : i32
          %dma_wait3A_187 = arith.constant 0 : i32
          %dma_wait3A_188 = arith.constant 0 : i32
          %dma_wait3A_189 = tpu.memref_slice %arg11[%dma_wait3A_186, %dma_wait3A_187, %dma_wait3A_188] : memref<2x64x128xi32, #tpu.memory_space<vmem>> -> memref<1x64x128xi32, #tpu.memory_space<vmem>>
          %dma_wait3A_190 = tpu.memref_squeeze %dma_wait3A_189 : memref<1x64x128xi32, #tpu.memory_space<vmem>> -> memref<64x128xi32, #tpu.memory_space<vmem>>
          %dma_wait3A_191 = arith.constant 0 : i32
          %dma_wait3A_192 = arith.constant 0 : i32
          %dma_wait3A_193 = tpu.memref_slice %arg6[%dma_wait3A_191, %dma_wait3A_192] : memref<160000x128xi32, #tpu.memory_space<hbm>> -> memref<64x128xi32, #tpu.memory_space<hbm>>
          %dma_wait3A_194 = arith.constant 0 : i32
          %dma_wait3A_195 = arith.constant 0 : i32
          %dma_wait3A_196 = tpu.memref_slice %arg6[%dma_wait3A_194, %dma_wait3A_195] : memref<160000x128xi32, #tpu.memory_space<hbm>> -> memref<64x128xi32, #tpu.memory_space<hbm>>
          %dma_wait3A_197 = arith.constant 0 : i32
          %dma_wait3A_198 = arith.constant 0 : i32
          %dma_wait3A_199 = tpu.memref_slice %arg11[%dma_wait3A_186, %dma_wait3A_197, %dma_wait3A_198] : memref<2x64x128xi32, #tpu.memory_space<vmem>> -> memref<1x64x128xi32, #tpu.memory_space<vmem>>
          %dma_wait3A_200 = tpu.memref_squeeze %dma_wait3A_199 : memref<1x64x128xi32, #tpu.memory_space<vmem>> -> memref<64x128xi32, #tpu.memory_space<vmem>>
          tpu.wait_dma2 semaphore(%arg21 : memref<!tpu.dma_semaphore, #tpu.memory_space<semaphore_mem>>) src(%dma_wait3A_200 : memref<64x128xi32, #tpu.memory_space<vmem>>) dst(%dma_wait3A_196 : memref<64x128xi32, #tpu.memory_space<hbm>>)
          %dma_wait3A_201 = arith.constant 1 : i32
          %dma_wait3A_202 = arith.constant 0 : i32
          %dma_wait3A_203 = arith.constant 0 : i32
          %dma_wait3A_204 = tpu.memref_slice %arg12[%dma_wait3A_201, %dma_wait3A_202, %dma_wait3A_203] : memref<2x64x128xf32, #tpu.memory_space<vmem>> -> memref<1x64x128xf32, #tpu.memory_space<vmem>>
          %dma_wait3A_205 = tpu.memref_squeeze %dma_wait3A_204 : memref<1x64x128xf32, #tpu.memory_space<vmem>> -> memref<64x128xf32, #tpu.memory_space<vmem>>
          %dma_wait3A_206 = arith.constant 0 : i32
          %dma_wait3A_207 = arith.constant 0 : i32
          %dma_wait3A_208 = tpu.memref_slice %arg7[%dma_wait3A_206, %dma_wait3A_207] : memref<160000x128xf32, #tpu.memory_space<hbm>> -> memref<64x128xf32, #tpu.memory_space<hbm>>
          %dma_wait3A_209 = arith.constant 0 : i32
          %dma_wait3A_210 = arith.constant 0 : i32
          %dma_wait3A_211 = tpu.memref_slice %arg7[%dma_wait3A_209, %dma_wait3A_210] : memref<160000x128xf32, #tpu.memory_space<hbm>> -> memref<64x128xf32, #tpu.memory_space<hbm>>
          %dma_wait3A_212 = arith.constant 0 : i32
          %dma_wait3A_213 = arith.constant 0 : i32
          %dma_wait3A_214 = tpu.memref_slice %arg12[%dma_wait3A_201, %dma_wait3A_212, %dma_wait3A_213] : memref<2x64x128xf32, #tpu.memory_space<vmem>> -> memref<1x64x128xf32, #tpu.memory_space<vmem>>
          %dma_wait3A_215 = tpu.memref_squeeze %dma_wait3A_214 : memref<1x64x128xf32, #tpu.memory_space<vmem>> -> memref<64x128xf32, #tpu.memory_space<vmem>>
          tpu.wait_dma2 semaphore(%arg23 : memref<!tpu.dma_semaphore, #tpu.memory_space<semaphore_mem>>) src(%dma_wait3A_215 : memref<64x128xf32, #tpu.memory_space<vmem>>) dst(%dma_wait3A_211 : memref<64x128xf32, #tpu.memory_space<hbm>>)
        } else {
        }
        %dma_start3A = arith.constant 1 : i32
        %dma_start3A_163 = arith.constant 1 : i32
        %dma_start3A_164 = arith.constant 0 : i32
        %dma_start3A_165 = arith.constant 0 : i32
        %dma_start3A_166 = tpu.memref_slice %arg11[%dma_start3A_163, %dma_start3A_164, %dma_start3A_165] : memref<2x64x128xi32, #tpu.memory_space<vmem>> -> memref<1x64x128xi32, #tpu.memory_space<vmem>>
        %dma_start3A_167 = tpu.memref_squeeze %dma_start3A_166 : memref<1x64x128xi32, #tpu.memory_space<vmem>> -> memref<64x128xi32, #tpu.memory_space<vmem>>
        %dma_start3A_168 = arith.constant 0 : i32
        %dma_start3A_169 = tpu.memref_slice %arg9[%dma_start3A, %dma_start3A_168] : memref<2x64xi32, #tpu.memory_space<vmem>> -> memref<1x64xi32, #tpu.memory_space<vmem>>
        %dma_start3A_170 = tpu.memref_squeeze %dma_start3A_169 : memref<1x64xi32, #tpu.memory_space<vmem>> -> memref<64xi32, #tpu.memory_space<vmem>>
        %dma_start3A_171 = arith.constant 0 : i32
        %dma_start3A_172 = arith.constant 0 : i32
        %dma_start3A_173 = tpu.memref_slice %arg2[%dma_start3A_171, %dma_start3A_172] : memref<10000x128xi32, #tpu.memory_space<hbm>> -> memref<10000x128xi32, #tpu.memory_space<hbm>>
        tpu.enqueue_indirect_dma source(%dma_start3A_173 : memref<10000x128xi32, #tpu.memory_space<hbm>>) target(%dma_start3A_167 : memref<64x128xi32, #tpu.memory_space<vmem>>) offsets(%dma_start3A_170 : memref<64xi32, #tpu.memory_space<vmem>>) semaphore(%arg19 : memref<!tpu.dma_semaphore, #tpu.memory_space<semaphore_mem>>)
        %dma_start3A_174 = arith.constant 1 : i32
        %dma_start3A_175 = arith.constant 1 : i32
        %dma_start3A_176 = arith.constant 0 : i32
        %dma_start3A_177 = arith.constant 0 : i32
        %dma_start3A_178 = tpu.memref_slice %arg12[%dma_start3A_175, %dma_start3A_176, %dma_start3A_177] : memref<2x64x128xf32, #tpu.memory_space<vmem>> -> memref<1x64x128xf32, #tpu.memory_space<vmem>>
        %dma_start3A_179 = tpu.memref_squeeze %dma_start3A_178 : memref<1x64x128xf32, #tpu.memory_space<vmem>> -> memref<64x128xf32, #tpu.memory_space<vmem>>
        %dma_start3A_180 = arith.constant 0 : i32
        %dma_start3A_181 = tpu.memref_slice %arg10[%dma_start3A_174, %dma_start3A_180] : memref<2x64xi32, #tpu.memory_space<vmem>> -> memref<1x64xi32, #tpu.memory_space<vmem>>
        %dma_start3A_182 = tpu.memref_squeeze %dma_start3A_181 : memref<1x64xi32, #tpu.memory_space<vmem>> -> memref<64xi32, #tpu.memory_space<vmem>>
        %dma_start3A_183 = arith.constant 0 : i32
        %dma_start3A_184 = arith.constant 0 : i32
        %dma_start3A_185 = tpu.memref_slice %arg3[%dma_start3A_183, %dma_start3A_184] : memref<10000x128xf32, #tpu.memory_space<hbm>> -> memref<10000x128xf32, #tpu.memory_space<hbm>>
        tpu.enqueue_indirect_dma source(%dma_start3A_185 : memref<10000x128xf32, #tpu.memory_space<hbm>>) target(%dma_start3A_179 : memref<64x128xf32, #tpu.memory_space<vmem>>) offsets(%dma_start3A_182 : memref<64xi32, #tpu.memory_space<vmem>>) semaphore(%arg19 : memref<!tpu.dma_semaphore, #tpu.memory_space<semaphore_mem>>)
      } else {
      }
      %mul3A_113 = arith.constant 2 : i32
      %mul3A_114 = arith.muli %scan3A_88, %mul3A_113 : i32
      %add3A_115 = arith.constant 0 : i32
      %add3A_116 = arith.addi %mul3A_114, %add3A_115 : i32
      %mul3A_117 = arith.constant 32 : i32
      %mul3A_118 = arith.muli %add3A_116, %mul3A_117 : i32
      %add3A_119 = arith.addi %add3A, %mul3A_118 : i32
      %lt3A_120 = arith.constant 2500 : i32
      %lt3A_121 = arith.cmpi slt, %add3A_119, %lt3A_120 : i32
      %convert_element_type3A_122 = arith.extui %lt3A_121 : i1 to i32
      %cond3A_123 = arith.constant 0 : i32
      %cond3A_124 = arith.cmpi ne, %convert_element_type3A_122, %cond3A_123 : i32
      scf.if %cond3A_124 {
        %mul3A_137 = arith.constant 64 : i32
        %mul3A_138 = arith.muli %add3A_119, %mul3A_137 : i32
        %dma_wait3A = arith.constant 0 : i32
        %dma_wait3A_139 = arith.constant 0 : i32
        %dma_wait3A_140 = arith.constant 0 : i32
        %dma_wait3A_141 = arith.constant 0 : i32
        %dma_wait3A_142 = tpu.memref_slice %arg11[%dma_wait3A_139, %dma_wait3A_140, %dma_wait3A_141] : memref<2x64x128xi32, #tpu.memory_space<vmem>> -> memref<1x64x128xi32, #tpu.memory_space<vmem>>
        %dma_wait3A_143 = tpu.memref_squeeze %dma_wait3A_142 : memref<1x64x128xi32, #tpu.memory_space<vmem>> -> memref<64x128xi32, #tpu.memory_space<vmem>>
        %dma_wait3A_144 = arith.constant 0 : i32
        %dma_wait3A_145 = tpu.memref_slice %arg9[%dma_wait3A, %dma_wait3A_144] : memref<2x64xi32, #tpu.memory_space<vmem>> -> memref<1x64xi32, #tpu.memory_space<vmem>>
        %dma_wait3A_146 = tpu.memref_squeeze %dma_wait3A_145 : memref<1x64xi32, #tpu.memory_space<vmem>> -> memref<64xi32, #tpu.memory_space<vmem>>
        %dma_wait3A_147 = arith.constant 0 : i32
        %dma_wait3A_148 = arith.constant 0 : i32
        %dma_wait3A_149 = tpu.memref_slice %arg2[%dma_wait3A_147, %dma_wait3A_148] : memref<10000x128xi32, #tpu.memory_space<hbm>> -> memref<10000x128xi32, #tpu.memory_space<hbm>>
        tpu.wait_indirect_dma semaphore(%arg18 : memref<!tpu.dma_semaphore, #tpu.memory_space<semaphore_mem>>) src(%dma_wait3A_149 : memref<10000x128xi32, #tpu.memory_space<hbm>>) dst(%dma_wait3A_143 : memref<64x128xi32, #tpu.memory_space<vmem>>)
        %dma_wait3A_150 = arith.constant 0 : i32
        %dma_wait3A_151 = arith.constant 0 : i32
        %dma_wait3A_152 = arith.constant 0 : i32
        %dma_wait3A_153 = arith.constant 0 : i32
        %dma_wait3A_154 = tpu.memref_slice %arg12[%dma_wait3A_151, %dma_wait3A_152, %dma_wait3A_153] : memref<2x64x128xf32, #tpu.memory_space<vmem>> -> memref<1x64x128xf32, #tpu.memory_space<vmem>>
        %dma_wait3A_155 = tpu.memref_squeeze %dma_wait3A_154 : memref<1x64x128xf32, #tpu.memory_space<vmem>> -> memref<64x128xf32, #tpu.memory_space<vmem>>
        %dma_wait3A_156 = arith.constant 0 : i32
        %dma_wait3A_157 = tpu.memref_slice %arg10[%dma_wait3A_150, %dma_wait3A_156] : memref<2x64xi32, #tpu.memory_space<vmem>> -> memref<1x64xi32, #tpu.memory_space<vmem>>
        %dma_wait3A_158 = tpu.memref_squeeze %dma_wait3A_157 : memref<1x64xi32, #tpu.memory_space<vmem>> -> memref<64xi32, #tpu.memory_space<vmem>>
        %dma_wait3A_159 = arith.constant 0 : i32
        %dma_wait3A_160 = arith.constant 0 : i32
        %dma_wait3A_161 = tpu.memref_slice %arg3[%dma_wait3A_159, %dma_wait3A_160] : memref<10000x128xf32, #tpu.memory_space<hbm>> -> memref<10000x128xf32, #tpu.memory_space<hbm>>
        tpu.wait_indirect_dma semaphore(%arg18 : memref<!tpu.dma_semaphore, #tpu.memory_space<semaphore_mem>>) src(%dma_wait3A_161 : memref<10000x128xf32, #tpu.memory_space<hbm>>) dst(%dma_wait3A_155 : memref<64x128xf32, #tpu.memory_space<vmem>>)
        %dma_start3A = arith.constant 0 : i32
        %dma_start3A_162 = arith.constant 0 : i32
        %dma_start3A_163 = arith.constant 0 : i32
        %dma_start3A_164 = tpu.memref_slice %arg11[%dma_start3A, %dma_start3A_162, %dma_start3A_163] : memref<2x64x128xi32, #tpu.memory_space<vmem>> -> memref<1x64x128xi32, #tpu.memory_space<vmem>>
        %dma_start3A_165 = tpu.memref_squeeze %dma_start3A_164 : memref<1x64x128xi32, #tpu.memory_space<vmem>> -> memref<64x128xi32, #tpu.memory_space<vmem>>
        %dma_start3A_166 = arith.constant 0 : i32
        %dma_start3A_167 = tpu.memref_slice %arg6[%mul3A_138, %dma_start3A_166] : memref<160000x128xi32, #tpu.memory_space<hbm>> -> memref<64x128xi32, #tpu.memory_space<hbm>>
        %dma_start3A_168 = arith.constant 0 : i32
        %dma_start3A_169 = tpu.memref_slice %arg6[%mul3A_138, %dma_start3A_168] : memref<160000x128xi32, #tpu.memory_space<hbm>> -> memref<64x128xi32, #tpu.memory_space<hbm>>
        %dma_start3A_170 = arith.constant 0 : i32
        %dma_start3A_171 = arith.constant 0 : i32
        %dma_start3A_172 = tpu.memref_slice %arg11[%dma_start3A, %dma_start3A_170, %dma_start3A_171] : memref<2x64x128xi32, #tpu.memory_space<vmem>> -> memref<1x64x128xi32, #tpu.memory_space<vmem>>
        %dma_start3A_173 = tpu.memref_squeeze %dma_start3A_172 : memref<1x64x128xi32, #tpu.memory_space<vmem>> -> memref<64x128xi32, #tpu.memory_space<vmem>>
        tpu.enqueue_dma source(%dma_start3A_173 : memref<64x128xi32, #tpu.memory_space<vmem>>) target(%dma_start3A_169 : memref<64x128xi32, #tpu.memory_space<hbm>>) target_semaphore(%arg20 : memref<!tpu.dma_semaphore, #tpu.memory_space<semaphore_mem>>)
        %dma_start3A_174 = arith.constant 0 : i32
        %dma_start3A_175 = arith.constant 0 : i32
        %dma_start3A_176 = arith.constant 0 : i32
        %dma_start3A_177 = tpu.memref_slice %arg12[%dma_start3A_174, %dma_start3A_175, %dma_start3A_176] : memref<2x64x128xf32, #tpu.memory_space<vmem>> -> memref<1x64x128xf32, #tpu.memory_space<vmem>>
        %dma_start3A_178 = tpu.memref_squeeze %dma_start3A_177 : memref<1x64x128xf32, #tpu.memory_space<vmem>> -> memref<64x128xf32, #tpu.memory_space<vmem>>
        %dma_start3A_179 = arith.constant 0 : i32
        %dma_start3A_180 = tpu.memref_slice %arg7[%mul3A_138, %dma_start3A_179] : memref<160000x128xf32, #tpu.memory_space<hbm>> -> memref<64x128xf32, #tpu.memory_space<hbm>>
        %dma_start3A_181 = arith.constant 0 : i32
        %dma_start3A_182 = tpu.memref_slice %arg7[%mul3A_138, %dma_start3A_181] : memref<160000x128xf32, #tpu.memory_space<hbm>> -> memref<64x128xf32, #tpu.memory_space<hbm>>
        %dma_start3A_183 = arith.constant 0 : i32
        %dma_start3A_184 = arith.constant 0 : i32
        %dma_start3A_185 = tpu.memref_slice %arg12[%dma_start3A_174, %dma_start3A_183, %dma_start3A_184] : memref<2x64x128xf32, #tpu.memory_space<vmem>> -> memref<1x64x128xf32, #tpu.memory_space<vmem>>
        %dma_start3A_186 = tpu.memref_squeeze %dma_start3A_185 : memref<1x64x128xf32, #tpu.memory_space<vmem>> -> memref<64x128xf32, #tpu.memory_space<vmem>>
        tpu.enqueue_dma source(%dma_start3A_186 : memref<64x128xf32, #tpu.memory_space<vmem>>) target(%dma_start3A_182 : memref<64x128xf32, #tpu.memory_space<hbm>>) target_semaphore(%arg22 : memref<!tpu.dma_semaphore, #tpu.memory_space<semaphore_mem>>)
        %run_scoped3A = arith.constant 0 : i32
        "tpu.region"() ({
          %run_scoped3A_197 = tpu.sem_alloc : memref<!tpu.dma_semaphore, #tpu.memory_space<semaphore_mem>>
          %dma_start3A_198 = arith.constant 0 : i32
          %dma_start3A_199 = tpu.memref_slice %arg10[%run_scoped3A, %dma_start3A_198] : memref<2x64xi32, #tpu.memory_space<vmem>> -> memref<1x64xi32, #tpu.memory_space<vmem>>
          %dma_start3A_200 = tpu.memref_squeeze %dma_start3A_199 : memref<1x64xi32, #tpu.memory_space<vmem>> -> memref<64xi32, #tpu.memory_space<vmem>>
          %dma_start3A_201 = arith.constant 0 : i32
          %dma_start3A_202 = arith.constant 0 : i32
          %dma_start3A_203 = tpu.memref_slice %arg15[%dma_start3A_201, %dma_start3A_202] : memref<10000x128xf32, #tpu.memory_space<vmem_shared>> -> memref<10000x128xf32, #tpu.memory_space<vmem_shared>>
          tpu.enqueue_indirect_dma source(%arg13 : memref<64x128xf32, #tpu.memory_space<vmem>>) target(%dma_start3A_203 : memref<10000x128xf32, #tpu.memory_space<vmem_shared>>) offsets(%dma_start3A_200 : memref<64xi32, #tpu.memory_space<vmem>>) semaphore(%run_scoped3A_197 : memref<!tpu.dma_semaphore, #tpu.memory_space<semaphore_mem>>) {add = true}
          %dma_wait3A_204 = arith.constant 0 : i32
          %dma_wait3A_205 = tpu.memref_slice %arg10[%run_scoped3A, %dma_wait3A_204] : memref<2x64xi32, #tpu.memory_space<vmem>> -> memref<1x64xi32, #tpu.memory_space<vmem>>
          %dma_wait3A_206 = tpu.memref_squeeze %dma_wait3A_205 : memref<1x64xi32, #tpu.memory_space<vmem>> -> memref<64xi32, #tpu.memory_space<vmem>>
          %dma_wait3A_207 = arith.constant 0 : i32
          %dma_wait3A_208 = arith.constant 0 : i32
          %dma_wait3A_209 = tpu.memref_slice %arg15[%dma_wait3A_207, %dma_wait3A_208] : memref<10000x128xf32, #tpu.memory_space<vmem_shared>> -> memref<10000x128xf32, #tpu.memory_space<vmem_shared>>
          tpu.wait_indirect_dma semaphore(%run_scoped3A_197 : memref<!tpu.dma_semaphore, #tpu.memory_space<semaphore_mem>>) src(%arg13 : memref<64x128xf32, #tpu.memory_space<vmem>>) dst(%dma_wait3A_209 : memref<10000x128xf32, #tpu.memory_space<vmem_shared>>)
          tpu.yield
        }) : () -> ()
        %add3A_187 = arith.constant 2 : i32
        %add3A_188 = arith.addi %add3A_116, %add3A_187 : i32
        %mul3A_189 = arith.constant 32 : i32
        %mul3A_190 = arith.muli %add3A_188, %mul3A_189 : i32
        %add3A_191 = arith.addi %add3A, %mul3A_190 : i32
        %lt3A_192 = arith.constant 2500 : i32
        %lt3A_193 = arith.cmpi slt, %add3A_191, %lt3A_192 : i32
        %convert_element_type3A_194 = arith.extui %lt3A_193 : i1 to i32
        %cond3A_195 = arith.constant 0 : i32
        %cond3A_196 = arith.cmpi ne, %convert_element_type3A_194, %cond3A_195 : i32
        scf.if %cond3A_196 {
          %add3A_197 = arith.constant 2 : i32
          %add3A_198 = arith.addi %add3A_116, %add3A_197 : i32
          %mul3A_199 = arith.constant 32 : i32
          %mul3A_200 = arith.muli %add3A_198, %mul3A_199 : i32
          %add3A_201 = arith.addi %add3A, %mul3A_200 : i32
          %mul3A_202 = arith.constant 64 : i32
          %mul3A_203 = arith.muli %add3A_201, %mul3A_202 : i32
          %add3A_204 = arith.constant 160000 : i32
          %add3A_205 = arith.addi %add3A_204, %mul3A_203 : i32
          %dma_start3A_206 = arith.constant 0 : i32
          %dma_start3A_207 = arith.constant 0 : i32
          %dma_start3A_208 = tpu.memref_slice %arg9[%dma_start3A_206, %dma_start3A_207] : memref<2x64xi32, #tpu.memory_space<vmem>> -> memref<1x64xi32, #tpu.memory_space<vmem>>
          %dma_start3A_209 = tpu.memref_squeeze %dma_start3A_208 : memref<1x64xi32, #tpu.memory_space<vmem>> -> memref<64xi32, #tpu.memory_space<vmem>>
          %dma_start3A_210 = tpu.memref_slice %arg4[%add3A_205] : memref<320000xi32, #tpu.memory_space<hbm>> -> memref<64xi32, #tpu.memory_space<hbm>>
          %dma_start3A_211 = arith.constant 0 : i32
          %dma_start3A_212 = tpu.memref_slice %arg9[%dma_start3A_206, %dma_start3A_211] : memref<2x64xi32, #tpu.memory_space<vmem>> -> memref<1x64xi32, #tpu.memory_space<vmem>>
          %dma_start3A_213 = tpu.memref_squeeze %dma_start3A_212 : memref<1x64xi32, #tpu.memory_space<vmem>> -> memref<64xi32, #tpu.memory_space<vmem>>
          %dma_start3A_214 = tpu.memref_slice %arg4[%add3A_205] : memref<320000xi32, #tpu.memory_space<hbm>> -> memref<64xi32, #tpu.memory_space<hbm>>
          tpu.enqueue_dma source(%dma_start3A_214 : memref<64xi32, #tpu.memory_space<hbm>>) target(%dma_start3A_213 : memref<64xi32, #tpu.memory_space<vmem>>) target_semaphore(%arg16 : memref<!tpu.dma_semaphore, #tpu.memory_space<semaphore_mem>>)
          %dma_start3A_215 = arith.constant 0 : i32
          %dma_start3A_216 = arith.constant 0 : i32
          %dma_start3A_217 = tpu.memref_slice %arg10[%dma_start3A_215, %dma_start3A_216] : memref<2x64xi32, #tpu.memory_space<vmem>> -> memref<1x64xi32, #tpu.memory_space<vmem>>
          %dma_start3A_218 = tpu.memref_squeeze %dma_start3A_217 : memref<1x64xi32, #tpu.memory_space<vmem>> -> memref<64xi32, #tpu.memory_space<vmem>>
          %dma_start3A_219 = tpu.memref_slice %arg5[%add3A_205] : memref<320000xi32, #tpu.memory_space<hbm>> -> memref<64xi32, #tpu.memory_space<hbm>>
          %dma_start3A_220 = arith.constant 0 : i32
          %dma_start3A_221 = tpu.memref_slice %arg10[%dma_start3A_215, %dma_start3A_220] : memref<2x64xi32, #tpu.memory_space<vmem>> -> memref<1x64xi32, #tpu.memory_space<vmem>>
          %dma_start3A_222 = tpu.memref_squeeze %dma_start3A_221 : memref<1x64xi32, #tpu.memory_space<vmem>> -> memref<64xi32, #tpu.memory_space<vmem>>
          %dma_start3A_223 = tpu.memref_slice %arg5[%add3A_205] : memref<320000xi32, #tpu.memory_space<hbm>> -> memref<64xi32, #tpu.memory_space<hbm>>
          tpu.enqueue_dma source(%dma_start3A_223 : memref<64xi32, #tpu.memory_space<hbm>>) target(%dma_start3A_222 : memref<64xi32, #tpu.memory_space<vmem>>) target_semaphore(%arg16 : memref<!tpu.dma_semaphore, #tpu.memory_space<semaphore_mem>>)
        } else {
        }
      } else {
      }
      %mul3A_125 = arith.constant 2 : i32
      %mul3A_126 = arith.muli %scan3A_88, %mul3A_125 : i32
      %add3A_127 = arith.constant 1 : i32
      %add3A_128 = arith.addi %mul3A_126, %add3A_127 : i32
      %mul3A_129 = arith.constant 32 : i32
      %mul3A_130 = arith.muli %add3A_128, %mul3A_129 : i32
      %add3A_131 = arith.addi %add3A, %mul3A_130 : i32
      %lt3A_132 = arith.constant 2500 : i32
      %lt3A_133 = arith.cmpi slt, %add3A_131, %lt3A_132 : i32
      %convert_element_type3A_134 = arith.extui %lt3A_133 : i1 to i32
      %cond3A_135 = arith.constant 0 : i32
      %cond3A_136 = arith.cmpi ne, %convert_element_type3A_134, %cond3A_135 : i32
      scf.if %cond3A_136 {
        %mul3A_137 = arith.constant 64 : i32
        %mul3A_138 = arith.muli %add3A_131, %mul3A_137 : i32
        %dma_wait3A = arith.constant 1 : i32
        %dma_wait3A_139 = arith.constant 1 : i32
        %dma_wait3A_140 = arith.constant 0 : i32
        %dma_wait3A_141 = arith.constant 0 : i32
        %dma_wait3A_142 = tpu.memref_slice %arg11[%dma_wait3A_139, %dma_wait3A_140, %dma_wait3A_141] : memref<2x64x128xi32, #tpu.memory_space<vmem>> -> memref<1x64x128xi32, #tpu.memory_space<vmem>>
        %dma_wait3A_143 = tpu.memref_squeeze %dma_wait3A_142 : memref<1x64x128xi32, #tpu.memory_space<vmem>> -> memref<64x128xi32, #tpu.memory_space<vmem>>
        %dma_wait3A_144 = arith.constant 0 : i32
        %dma_wait3A_145 = tpu.memref_slice %arg9[%dma_wait3A, %dma_wait3A_144] : memref<2x64xi32, #tpu.memory_space<vmem>> -> memref<1x64xi32, #tpu.memory_space<vmem>>
        %dma_wait3A_146 = tpu.memref_squeeze %dma_wait3A_145 : memref<1x64xi32, #tpu.memory_space<vmem>> -> memref<64xi32, #tpu.memory_space<vmem>>
        %dma_wait3A_147 = arith.constant 0 : i32
        %dma_wait3A_148 = arith.constant 0 : i32
        %dma_wait3A_149 = tpu.memref_slice %arg2[%dma_wait3A_147, %dma_wait3A_148] : memref<10000x128xi32, #tpu.memory_space<hbm>> -> memref<10000x128xi32, #tpu.memory_space<hbm>>
        tpu.wait_indirect_dma semaphore(%arg19 : memref<!tpu.dma_semaphore, #tpu.memory_space<semaphore_mem>>) src(%dma_wait3A_149 : memref<10000x128xi32, #tpu.memory_space<hbm>>) dst(%dma_wait3A_143 : memref<64x128xi32, #tpu.memory_space<vmem>>)
        %dma_wait3A_150 = arith.constant 1 : i32
        %dma_wait3A_151 = arith.constant 1 : i32
        %dma_wait3A_152 = arith.constant 0 : i32
        %dma_wait3A_153 = arith.constant 0 : i32
        %dma_wait3A_154 = tpu.memref_slice %arg12[%dma_wait3A_151, %dma_wait3A_152, %dma_wait3A_153] : memref<2x64x128xf32, #tpu.memory_space<vmem>> -> memref<1x64x128xf32, #tpu.memory_space<vmem>>
        %dma_wait3A_155 = tpu.memref_squeeze %dma_wait3A_154 : memref<1x64x128xf32, #tpu.memory_space<vmem>> -> memref<64x128xf32, #tpu.memory_space<vmem>>
        %dma_wait3A_156 = arith.constant 0 : i32
        %dma_wait3A_157 = tpu.memref_slice %arg10[%dma_wait3A_150, %dma_wait3A_156] : memref<2x64xi32, #tpu.memory_space<vmem>> -> memref<1x64xi32, #tpu.memory_space<vmem>>
        %dma_wait3A_158 = tpu.memref_squeeze %dma_wait3A_157 : memref<1x64xi32, #tpu.memory_space<vmem>> -> memref<64xi32, #tpu.memory_space<vmem>>
        %dma_wait3A_159 = arith.constant 0 : i32
        %dma_wait3A_160 = arith.constant 0 : i32
        %dma_wait3A_161 = tpu.memref_slice %arg3[%dma_wait3A_159, %dma_wait3A_160] : memref<10000x128xf32, #tpu.memory_space<hbm>> -> memref<10000x128xf32, #tpu.memory_space<hbm>>
        tpu.wait_indirect_dma semaphore(%arg19 : memref<!tpu.dma_semaphore, #tpu.memory_space<semaphore_mem>>) src(%dma_wait3A_161 : memref<10000x128xf32, #tpu.memory_space<hbm>>) dst(%dma_wait3A_155 : memref<64x128xf32, #tpu.memory_space<vmem>>)
        %dma_start3A = arith.constant 1 : i32
        %dma_start3A_162 = arith.constant 0 : i32
        %dma_start3A_163 = arith.constant 0 : i32
        %dma_start3A_164 = tpu.memref_slice %arg11[%dma_start3A, %dma_start3A_162, %dma_start3A_163] : memref<2x64x128xi32, #tpu.memory_space<vmem>> -> memref<1x64x128xi32, #tpu.memory_space<vmem>>
        %dma_start3A_165 = tpu.memref_squeeze %dma_start3A_164 : memref<1x64x128xi32, #tpu.memory_space<vmem>> -> memref<64x128xi32, #tpu.memory_space<vmem>>
        %dma_start3A_166 = arith.constant 0 : i32
        %dma_start3A_167 = tpu.memref_slice %arg6[%mul3A_138, %dma_start3A_166] : memref<160000x128xi32, #tpu.memory_space<hbm>> -> memref<64x128xi32, #tpu.memory_space<hbm>>
        %dma_start3A_168 = arith.constant 0 : i32
        %dma_start3A_169 = tpu.memref_slice %arg6[%mul3A_138, %dma_start3A_168] : memref<160000x128xi32, #tpu.memory_space<hbm>> -> memref<64x128xi32, #tpu.memory_space<hbm>>
        %dma_start3A_170 = arith.constant 0 : i32
        %dma_start3A_171 = arith.constant 0 : i32
        %dma_start3A_172 = tpu.memref_slice %arg11[%dma_start3A, %dma_start3A_170, %dma_start3A_171] : memref<2x64x128xi32, #tpu.memory_space<vmem>> -> memref<1x64x128xi32, #tpu.memory_space<vmem>>
        %dma_start3A_173 = tpu.memref_squeeze %dma_start3A_172 : memref<1x64x128xi32, #tpu.memory_space<vmem>> -> memref<64x128xi32, #tpu.memory_space<vmem>>
        tpu.enqueue_dma source(%dma_start3A_173 : memref<64x128xi32, #tpu.memory_space<vmem>>) target(%dma_start3A_169 : memref<64x128xi32, #tpu.memory_space<hbm>>) target_semaphore(%arg21 : memref<!tpu.dma_semaphore, #tpu.memory_space<semaphore_mem>>)
        %dma_start3A_174 = arith.constant 1 : i32
        %dma_start3A_175 = arith.constant 0 : i32
        %dma_start3A_176 = arith.constant 0 : i32
        %dma_start3A_177 = tpu.memref_slice %arg12[%dma_start3A_174, %dma_start3A_175, %dma_start3A_176] : memref<2x64x128xf32, #tpu.memory_space<vmem>> -> memref<1x64x128xf32, #tpu.memory_space<vmem>>
        %dma_start3A_178 = tpu.memref_squeeze %dma_start3A_177 : memref<1x64x128xf32, #tpu.memory_space<vmem>> -> memref<64x128xf32, #tpu.memory_space<vmem>>
        %dma_start3A_179 = arith.constant 0 : i32
        %dma_start3A_180 = tpu.memref_slice %arg7[%mul3A_138, %dma_start3A_179] : memref<160000x128xf32, #tpu.memory_space<hbm>> -> memref<64x128xf32, #tpu.memory_space<hbm>>
        %dma_start3A_181 = arith.constant 0 : i32
        %dma_start3A_182 = tpu.memref_slice %arg7[%mul3A_138, %dma_start3A_181] : memref<160000x128xf32, #tpu.memory_space<hbm>> -> memref<64x128xf32, #tpu.memory_space<hbm>>
        %dma_start3A_183 = arith.constant 0 : i32
        %dma_start3A_184 = arith.constant 0 : i32
        %dma_start3A_185 = tpu.memref_slice %arg12[%dma_start3A_174, %dma_start3A_183, %dma_start3A_184] : memref<2x64x128xf32, #tpu.memory_space<vmem>> -> memref<1x64x128xf32, #tpu.memory_space<vmem>>
        %dma_start3A_186 = tpu.memref_squeeze %dma_start3A_185 : memref<1x64x128xf32, #tpu.memory_space<vmem>> -> memref<64x128xf32, #tpu.memory_space<vmem>>
        tpu.enqueue_dma source(%dma_start3A_186 : memref<64x128xf32, #tpu.memory_space<vmem>>) target(%dma_start3A_182 : memref<64x128xf32, #tpu.memory_space<hbm>>) target_semaphore(%arg23 : memref<!tpu.dma_semaphore, #tpu.memory_space<semaphore_mem>>)
        %run_scoped3A = arith.constant 1 : i32
        "tpu.region"() ({
          %run_scoped3A_197 = tpu.sem_alloc : memref<!tpu.dma_semaphore, #tpu.memory_space<semaphore_mem>>
          %dma_start3A_198 = arith.constant 0 : i32
          %dma_start3A_199 = tpu.memref_slice %arg10[%run_scoped3A, %dma_start3A_198] : memref<2x64xi32, #tpu.memory_space<vmem>> -> memref<1x64xi32, #tpu.memory_space<vmem>>
          %dma_start3A_200 = tpu.memref_squeeze %dma_start3A_199 : memref<1x64xi32, #tpu.memory_space<vmem>> -> memref<64xi32, #tpu.memory_space<vmem>>
          %dma_start3A_201 = arith.constant 0 : i32
          %dma_start3A_202 = arith.constant 0 : i32
          %dma_start3A_203 = tpu.memref_slice %arg15[%dma_start3A_201, %dma_start3A_202] : memref<10000x128xf32, #tpu.memory_space<vmem_shared>> -> memref<10000x128xf32, #tpu.memory_space<vmem_shared>>
          tpu.enqueue_indirect_dma source(%arg13 : memref<64x128xf32, #tpu.memory_space<vmem>>) target(%dma_start3A_203 : memref<10000x128xf32, #tpu.memory_space<vmem_shared>>) offsets(%dma_start3A_200 : memref<64xi32, #tpu.memory_space<vmem>>) semaphore(%run_scoped3A_197 : memref<!tpu.dma_semaphore, #tpu.memory_space<semaphore_mem>>) {add = true}
          %dma_wait3A_204 = arith.constant 0 : i32
          %dma_wait3A_205 = tpu.memref_slice %arg10[%run_scoped3A, %dma_wait3A_204] : memref<2x64xi32, #tpu.memory_space<vmem>> -> memref<1x64xi32, #tpu.memory_space<vmem>>
          %dma_wait3A_206 = tpu.memref_squeeze %dma_wait3A_205 : memref<1x64xi32, #tpu.memory_space<vmem>> -> memref<64xi32, #tpu.memory_space<vmem>>
          %dma_wait3A_207 = arith.constant 0 : i32
          %dma_wait3A_208 = arith.constant 0 : i32
          %dma_wait3A_209 = tpu.memref_slice %arg15[%dma_wait3A_207, %dma_wait3A_208] : memref<10000x128xf32, #tpu.memory_space<vmem_shared>> -> memref<10000x128xf32, #tpu.memory_space<vmem_shared>>
          tpu.wait_indirect_dma semaphore(%run_scoped3A_197 : memref<!tpu.dma_semaphore, #tpu.memory_space<semaphore_mem>>) src(%arg13 : memref<64x128xf32, #tpu.memory_space<vmem>>) dst(%dma_wait3A_209 : memref<10000x128xf32, #tpu.memory_space<vmem_shared>>)
          tpu.yield
        }) : () -> ()
        %add3A_187 = arith.constant 2 : i32
        %add3A_188 = arith.addi %add3A_128, %add3A_187 : i32
        %mul3A_189 = arith.constant 32 : i32
        %mul3A_190 = arith.muli %add3A_188, %mul3A_189 : i32
        %add3A_191 = arith.addi %add3A, %mul3A_190 : i32
        %lt3A_192 = arith.constant 2500 : i32
        %lt3A_193 = arith.cmpi slt, %add3A_191, %lt3A_192 : i32
        %convert_element_type3A_194 = arith.extui %lt3A_193 : i1 to i32
        %cond3A_195 = arith.constant 0 : i32
        %cond3A_196 = arith.cmpi ne, %convert_element_type3A_194, %cond3A_195 : i32
        scf.if %cond3A_196 {
          %add3A_197 = arith.constant 2 : i32
          %add3A_198 = arith.addi %add3A_128, %add3A_197 : i32
          %mul3A_199 = arith.constant 32 : i32
          %mul3A_200 = arith.muli %add3A_198, %mul3A_199 : i32
          %add3A_201 = arith.addi %add3A, %mul3A_200 : i32
          %mul3A_202 = arith.constant 64 : i32
          %mul3A_203 = arith.muli %add3A_201, %mul3A_202 : i32
          %add3A_204 = arith.constant 160000 : i32
          %add3A_205 = arith.addi %add3A_204, %mul3A_203 : i32
          %dma_start3A_206 = arith.constant 1 : i32
          %dma_start3A_207 = arith.constant 0 : i32
          %dma_start3A_208 = tpu.memref_slice %arg9[%dma_start3A_206, %dma_start3A_207] : memref<2x64xi32, #tpu.memory_space<vmem>> -> memref<1x64xi32, #tpu.memory_space<vmem>>
          %dma_start3A_209 = tpu.memref_squeeze %dma_start3A_208 : memref<1x64xi32, #tpu.memory_space<vmem>> -> memref<64xi32, #tpu.memory_space<vmem>>
          %dma_start3A_210 = tpu.memref_slice %arg4[%add3A_205] : memref<320000xi32, #tpu.memory_space<hbm>> -> memref<64xi32, #tpu.memory_space<hbm>>
          %dma_start3A_211 = arith.constant 0 : i32
          %dma_start3A_212 = tpu.memref_slice %arg9[%dma_start3A_206, %dma_start3A_211] : memref<2x64xi32, #tpu.memory_space<vmem>> -> memref<1x64xi32, #tpu.memory_space<vmem>>
          %dma_start3A_213 = tpu.memref_squeeze %dma_start3A_212 : memref<1x64xi32, #tpu.memory_space<vmem>> -> memref<64xi32, #tpu.memory_space<vmem>>
          %dma_start3A_214 = tpu.memref_slice %arg4[%add3A_205] : memref<320000xi32, #tpu.memory_space<hbm>> -> memref<64xi32, #tpu.memory_space<hbm>>
          tpu.enqueue_dma source(%dma_start3A_214 : memref<64xi32, #tpu.memory_space<hbm>>) target(%dma_start3A_213 : memref<64xi32, #tpu.memory_space<vmem>>) target_semaphore(%arg17 : memref<!tpu.dma_semaphore, #tpu.memory_space<semaphore_mem>>)
          %dma_start3A_215 = arith.constant 1 : i32
          %dma_start3A_216 = arith.constant 0 : i32
          %dma_start3A_217 = tpu.memref_slice %arg10[%dma_start3A_215, %dma_start3A_216] : memref<2x64xi32, #tpu.memory_space<vmem>> -> memref<1x64xi32, #tpu.memory_space<vmem>>
          %dma_start3A_218 = tpu.memref_squeeze %dma_start3A_217 : memref<1x64xi32, #tpu.memory_space<vmem>> -> memref<64xi32, #tpu.memory_space<vmem>>
          %dma_start3A_219 = tpu.memref_slice %arg5[%add3A_205] : memref<320000xi32, #tpu.memory_space<hbm>> -> memref<64xi32, #tpu.memory_space<hbm>>
          %dma_start3A_220 = arith.constant 0 : i32
          %dma_start3A_221 = tpu.memref_slice %arg10[%dma_start3A_215, %dma_start3A_220] : memref<2x64xi32, #tpu.memory_space<vmem>> -> memref<1x64xi32, #tpu.memory_space<vmem>>
          %dma_start3A_222 = tpu.memref_squeeze %dma_start3A_221 : memref<1x64xi32, #tpu.memory_space<vmem>> -> memref<64xi32, #tpu.memory_space<vmem>>
          %dma_start3A_223 = tpu.memref_slice %arg5[%add3A_205] : memref<320000xi32, #tpu.memory_space<hbm>> -> memref<64xi32, #tpu.memory_space<hbm>>
          tpu.enqueue_dma source(%dma_start3A_223 : memref<64xi32, #tpu.memory_space<hbm>>) target(%dma_start3A_222 : memref<64xi32, #tpu.memory_space<vmem>>) target_semaphore(%arg17 : memref<!tpu.dma_semaphore, #tpu.memory_space<semaphore_mem>>)
        } else {
        }
      } else {
      }
    }
    %scan3A_34 = arith.constant 40 : i32
    %add3A_35 = arith.constant 2400 : i32
    %add3A_36 = arith.addi %add3A, %add3A_35 : i32
    %lt3A_37 = arith.constant 2500 : i32
    %lt3A_38 = arith.cmpi slt, %add3A_36, %lt3A_37 : i32
    %add3A_39 = arith.constant 2464 : i32
    %add3A_40 = arith.addi %add3A, %add3A_39 : i32
    %ge3A = arith.constant 2500 : i32
    %ge3A_41 = arith.cmpi sge, %add3A_40, %ge3A : i32
    %and3A = arith.andi %lt3A_38, %ge3A_41 : i1
    %convert_element_type3A_42 = arith.extui %and3A : i1 to i32
    %cond3A_43 = arith.constant 0 : i32
    %cond3A_44 = arith.cmpi ne, %convert_element_type3A_42, %cond3A_43 : i32
    scf.if %cond3A_44 {
      %dma_wait3A = arith.constant 1 : i32
      %dma_wait3A_88 = arith.constant 0 : i32
      %dma_wait3A_89 = arith.constant 0 : i32
      %dma_wait3A_90 = tpu.memref_slice %arg11[%dma_wait3A, %dma_wait3A_88, %dma_wait3A_89] : memref<2x64x128xi32, #tpu.memory_space<vmem>> -> memref<1x64x128xi32, #tpu.memory_space<vmem>>
      %dma_wait3A_91 = tpu.memref_squeeze %dma_wait3A_90 : memref<1x64x128xi32, #tpu.memory_space<vmem>> -> memref<64x128xi32, #tpu.memory_space<vmem>>
      %dma_wait3A_92 = arith.constant 0 : i32
      %dma_wait3A_93 = arith.constant 0 : i32
      %dma_wait3A_94 = tpu.memref_slice %arg6[%dma_wait3A_92, %dma_wait3A_93] : memref<160000x128xi32, #tpu.memory_space<hbm>> -> memref<64x128xi32, #tpu.memory_space<hbm>>
      %dma_wait3A_95 = arith.constant 0 : i32
      %dma_wait3A_96 = arith.constant 0 : i32
      %dma_wait3A_97 = tpu.memref_slice %arg6[%dma_wait3A_95, %dma_wait3A_96] : memref<160000x128xi32, #tpu.memory_space<hbm>> -> memref<64x128xi32, #tpu.memory_space<hbm>>
      %dma_wait3A_98 = arith.constant 0 : i32
      %dma_wait3A_99 = arith.constant 0 : i32
      %dma_wait3A_100 = tpu.memref_slice %arg11[%dma_wait3A, %dma_wait3A_98, %dma_wait3A_99] : memref<2x64x128xi32, #tpu.memory_space<vmem>> -> memref<1x64x128xi32, #tpu.memory_space<vmem>>
      %dma_wait3A_101 = tpu.memref_squeeze %dma_wait3A_100 : memref<1x64x128xi32, #tpu.memory_space<vmem>> -> memref<64x128xi32, #tpu.memory_space<vmem>>
      tpu.wait_dma2 semaphore(%arg21 : memref<!tpu.dma_semaphore, #tpu.memory_space<semaphore_mem>>) src(%dma_wait3A_101 : memref<64x128xi32, #tpu.memory_space<vmem>>) dst(%dma_wait3A_97 : memref<64x128xi32, #tpu.memory_space<hbm>>)
      %dma_wait3A_102 = arith.constant 1 : i32
      %dma_wait3A_103 = arith.constant 0 : i32
      %dma_wait3A_104 = arith.constant 0 : i32
      %dma_wait3A_105 = tpu.memref_slice %arg12[%dma_wait3A_102, %dma_wait3A_103, %dma_wait3A_104] : memref<2x64x128xf32, #tpu.memory_space<vmem>> -> memref<1x64x128xf32, #tpu.memory_space<vmem>>
      %dma_wait3A_106 = tpu.memref_squeeze %dma_wait3A_105 : memref<1x64x128xf32, #tpu.memory_space<vmem>> -> memref<64x128xf32, #tpu.memory_space<vmem>>
      %dma_wait3A_107 = arith.constant 0 : i32
      %dma_wait3A_108 = arith.constant 0 : i32
      %dma_wait3A_109 = tpu.memref_slice %arg7[%dma_wait3A_107, %dma_wait3A_108] : memref<160000x128xf32, #tpu.memory_space<hbm>> -> memref<64x128xf32, #tpu.memory_space<hbm>>
      %dma_wait3A_110 = arith.constant 0 : i32
      %dma_wait3A_111 = arith.constant 0 : i32
      %dma_wait3A_112 = tpu.memref_slice %arg7[%dma_wait3A_110, %dma_wait3A_111] : memref<160000x128xf32, #tpu.memory_space<hbm>> -> memref<64x128xf32, #tpu.memory_space<hbm>>
      %dma_wait3A_113 = arith.constant 0 : i32
      %dma_wait3A_114 = arith.constant 0 : i32
      %dma_wait3A_115 = tpu.memref_slice %arg12[%dma_wait3A_102, %dma_wait3A_113, %dma_wait3A_114] : memref<2x64x128xf32, #tpu.memory_space<vmem>> -> memref<1x64x128xf32, #tpu.memory_space<vmem>>
      %dma_wait3A_116 = tpu.memref_squeeze %dma_wait3A_115 : memref<1x64x128xf32, #tpu.memory_space<vmem>> -> memref<64x128xf32, #tpu.memory_space<vmem>>
      tpu.wait_dma2 semaphore(%arg23 : memref<!tpu.dma_semaphore, #tpu.memory_space<semaphore_mem>>) src(%dma_wait3A_116 : memref<64x128xf32, #tpu.memory_space<vmem>>) dst(%dma_wait3A_112 : memref<64x128xf32, #tpu.memory_space<hbm>>)
    } else {
    }
    %add3A_45 = arith.constant 2432 : i32
    %add3A_46 = arith.addi %add3A, %add3A_45 : i32
    %lt3A_47 = arith.constant 2500 : i32
    %lt3A_48 = arith.cmpi slt, %add3A_46, %lt3A_47 : i32
    %add3A_49 = arith.constant 2496 : i32
    %add3A_50 = arith.addi %add3A, %add3A_49 : i32
    %ge3A_51 = arith.constant 2500 : i32
    %ge3A_52 = arith.cmpi sge, %add3A_50, %ge3A_51 : i32
    %and3A_53 = arith.andi %lt3A_48, %ge3A_52 : i1
    %convert_element_type3A_54 = arith.extui %and3A_53 : i1 to i32
    %cond3A_55 = arith.constant 0 : i32
    %cond3A_56 = arith.cmpi ne, %convert_element_type3A_54, %cond3A_55 : i32
    scf.if %cond3A_56 {
      %dma_wait3A = arith.constant 0 : i32
      %dma_wait3A_88 = arith.constant 0 : i32
      %dma_wait3A_89 = arith.constant 0 : i32
      %dma_wait3A_90 = tpu.memref_slice %arg11[%dma_wait3A, %dma_wait3A_88, %dma_wait3A_89] : memref<2x64x128xi32, #tpu.memory_space<vmem>> -> memref<1x64x128xi32, #tpu.memory_space<vmem>>
      %dma_wait3A_91 = tpu.memref_squeeze %dma_wait3A_90 : memref<1x64x128xi32, #tpu.memory_space<vmem>> -> memref<64x128xi32, #tpu.memory_space<vmem>>
      %dma_wait3A_92 = arith.constant 0 : i32
      %dma_wait3A_93 = arith.constant 0 : i32
      %dma_wait3A_94 = tpu.memref_slice %arg6[%dma_wait3A_92, %dma_wait3A_93] : memref<160000x128xi32, #tpu.memory_space<hbm>> -> memref<64x128xi32, #tpu.memory_space<hbm>>
      %dma_wait3A_95 = arith.constant 0 : i32
      %dma_wait3A_96 = arith.constant 0 : i32
      %dma_wait3A_97 = tpu.memref_slice %arg6[%dma_wait3A_95, %dma_wait3A_96] : memref<160000x128xi32, #tpu.memory_space<hbm>> -> memref<64x128xi32, #tpu.memory_space<hbm>>
      %dma_wait3A_98 = arith.constant 0 : i32
      %dma_wait3A_99 = arith.constant 0 : i32
      %dma_wait3A_100 = tpu.memref_slice %arg11[%dma_wait3A, %dma_wait3A_98, %dma_wait3A_99] : memref<2x64x128xi32, #tpu.memory_space<vmem>> -> memref<1x64x128xi32, #tpu.memory_space<vmem>>
      %dma_wait3A_101 = tpu.memref_squeeze %dma_wait3A_100 : memref<1x64x128xi32, #tpu.memory_space<vmem>> -> memref<64x128xi32, #tpu.memory_space<vmem>>
      tpu.wait_dma2 semaphore(%arg20 : memref<!tpu.dma_semaphore, #tpu.memory_space<semaphore_mem>>) src(%dma_wait3A_101 : memref<64x128xi32, #tpu.memory_space<vmem>>) dst(%dma_wait3A_97 : memref<64x128xi32, #tpu.memory_space<hbm>>)
      %dma_wait3A_102 = arith.constant 0 : i32
      %dma_wait3A_103 = arith.constant 0 : i32
      %dma_wait3A_104 = arith.constant 0 : i32
      %dma_wait3A_105 = tpu.memref_slice %arg12[%dma_wait3A_102, %dma_wait3A_103, %dma_wait3A_104] : memref<2x64x128xf32, #tpu.memory_space<vmem>> -> memref<1x64x128xf32, #tpu.memory_space<vmem>>
      %dma_wait3A_106 = tpu.memref_squeeze %dma_wait3A_105 : memref<1x64x128xf32, #tpu.memory_space<vmem>> -> memref<64x128xf32, #tpu.memory_space<vmem>>
      %dma_wait3A_107 = arith.constant 0 : i32
      %dma_wait3A_108 = arith.constant 0 : i32
      %dma_wait3A_109 = tpu.memref_slice %arg7[%dma_wait3A_107, %dma_wait3A_108] : memref<160000x128xf32, #tpu.memory_space<hbm>> -> memref<64x128xf32, #tpu.memory_space<hbm>>
      %dma_wait3A_110 = arith.constant 0 : i32
      %dma_wait3A_111 = arith.constant 0 : i32
      %dma_wait3A_112 = tpu.memref_slice %arg7[%dma_wait3A_110, %dma_wait3A_111] : memref<160000x128xf32, #tpu.memory_space<hbm>> -> memref<64x128xf32, #tpu.memory_space<hbm>>
      %dma_wait3A_113 = arith.constant 0 : i32
      %dma_wait3A_114 = arith.constant 0 : i32
      %dma_wait3A_115 = tpu.memref_slice %arg12[%dma_wait3A_102, %dma_wait3A_113, %dma_wait3A_114] : memref<2x64x128xf32, #tpu.memory_space<vmem>> -> memref<1x64x128xf32, #tpu.memory_space<vmem>>
      %dma_wait3A_116 = tpu.memref_squeeze %dma_wait3A_115 : memref<1x64x128xf32, #tpu.memory_space<vmem>> -> memref<64x128xf32, #tpu.memory_space<vmem>>
      tpu.wait_dma2 semaphore(%arg22 : memref<!tpu.dma_semaphore, #tpu.memory_space<semaphore_mem>>) src(%dma_wait3A_116 : memref<64x128xf32, #tpu.memory_space<vmem>>) dst(%dma_wait3A_112 : memref<64x128xf32, #tpu.memory_space<hbm>>)
    } else {
    }
    %add3A_57 = arith.constant 2464 : i32
    %add3A_58 = arith.addi %add3A, %add3A_57 : i32
    %lt3A_59 = arith.constant 2500 : i32
    %lt3A_60 = arith.cmpi slt, %add3A_58, %lt3A_59 : i32
    %add3A_61 = arith.constant 2528 : i32
    %add3A_62 = arith.addi %add3A, %add3A_61 : i32
    %ge3A_63 = arith.constant 2500 : i32
    %ge3A_64 = arith.cmpi sge, %add3A_62, %ge3A_63 : i32
    %and3A_65 = arith.andi %lt3A_60, %ge3A_64 : i1
    %convert_element_type3A_66 = arith.extui %and3A_65 : i1 to i32
    %cond3A_67 = arith.constant 0 : i32
    %cond3A_68 = arith.cmpi ne, %convert_element_type3A_66, %cond3A_67 : i32
    scf.if %cond3A_68 {
      %dma_wait3A = arith.constant 1 : i32
      %dma_wait3A_88 = arith.constant 0 : i32
      %dma_wait3A_89 = arith.constant 0 : i32
      %dma_wait3A_90 = tpu.memref_slice %arg11[%dma_wait3A, %dma_wait3A_88, %dma_wait3A_89] : memref<2x64x128xi32, #tpu.memory_space<vmem>> -> memref<1x64x128xi32, #tpu.memory_space<vmem>>
      %dma_wait3A_91 = tpu.memref_squeeze %dma_wait3A_90 : memref<1x64x128xi32, #tpu.memory_space<vmem>> -> memref<64x128xi32, #tpu.memory_space<vmem>>
      %dma_wait3A_92 = arith.constant 0 : i32
      %dma_wait3A_93 = arith.constant 0 : i32
      %dma_wait3A_94 = tpu.memref_slice %arg6[%dma_wait3A_92, %dma_wait3A_93] : memref<160000x128xi32, #tpu.memory_space<hbm>> -> memref<64x128xi32, #tpu.memory_space<hbm>>
      %dma_wait3A_95 = arith.constant 0 : i32
      %dma_wait3A_96 = arith.constant 0 : i32
      %dma_wait3A_97 = tpu.memref_slice %arg6[%dma_wait3A_95, %dma_wait3A_96] : memref<160000x128xi32, #tpu.memory_space<hbm>> -> memref<64x128xi32, #tpu.memory_space<hbm>>
      %dma_wait3A_98 = arith.constant 0 : i32
      %dma_wait3A_99 = arith.constant 0 : i32
      %dma_wait3A_100 = tpu.memref_slice %arg11[%dma_wait3A, %dma_wait3A_98, %dma_wait3A_99] : memref<2x64x128xi32, #tpu.memory_space<vmem>> -> memref<1x64x128xi32, #tpu.memory_space<vmem>>
      %dma_wait3A_101 = tpu.memref_squeeze %dma_wait3A_100 : memref<1x64x128xi32, #tpu.memory_space<vmem>> -> memref<64x128xi32, #tpu.memory_space<vmem>>
      tpu.wait_dma2 semaphore(%arg21 : memref<!tpu.dma_semaphore, #tpu.memory_space<semaphore_mem>>) src(%dma_wait3A_101 : memref<64x128xi32, #tpu.memory_space<vmem>>) dst(%dma_wait3A_97 : memref<64x128xi32, #tpu.memory_space<hbm>>)
      %dma_wait3A_102 = arith.constant 1 : i32
      %dma_wait3A_103 = arith.constant 0 : i32
      %dma_wait3A_104 = arith.constant 0 : i32
      %dma_wait3A_105 = tpu.memref_slice %arg12[%dma_wait3A_102, %dma_wait3A_103, %dma_wait3A_104] : memref<2x64x128xf32, #tpu.memory_space<vmem>> -> memref<1x64x128xf32, #tpu.memory_space<vmem>>
      %dma_wait3A_106 = tpu.memref_squeeze %dma_wait3A_105 : memref<1x64x128xf32, #tpu.memory_space<vmem>> -> memref<64x128xf32, #tpu.memory_space<vmem>>
      %dma_wait3A_107 = arith.constant 0 : i32
      %dma_wait3A_108 = arith.constant 0 : i32
      %dma_wait3A_109 = tpu.memref_slice %arg7[%dma_wait3A_107, %dma_wait3A_108] : memref<160000x128xf32, #tpu.memory_space<hbm>> -> memref<64x128xf32, #tpu.memory_space<hbm>>
      %dma_wait3A_110 = arith.constant 0 : i32
      %dma_wait3A_111 = arith.constant 0 : i32
      %dma_wait3A_112 = tpu.memref_slice %arg7[%dma_wait3A_110, %dma_wait3A_111] : memref<160000x128xf32, #tpu.memory_space<hbm>> -> memref<64x128xf32, #tpu.memory_space<hbm>>
      %dma_wait3A_113 = arith.constant 0 : i32
      %dma_wait3A_114 = arith.constant 0 : i32
      %dma_wait3A_115 = tpu.memref_slice %arg12[%dma_wait3A_102, %dma_wait3A_113, %dma_wait3A_114] : memref<2x64x128xf32, #tpu.memory_space<vmem>> -> memref<1x64x128xf32, #tpu.memory_space<vmem>>
      %dma_wait3A_116 = tpu.memref_squeeze %dma_wait3A_115 : memref<1x64x128xf32, #tpu.memory_space<vmem>> -> memref<64x128xf32, #tpu.memory_space<vmem>>
      tpu.wait_dma2 semaphore(%arg23 : memref<!tpu.dma_semaphore, #tpu.memory_space<semaphore_mem>>) src(%dma_wait3A_116 : memref<64x128xf32, #tpu.memory_space<vmem>>) dst(%dma_wait3A_112 : memref<64x128xf32, #tpu.memory_space<hbm>>)
    } else {
    }
    %add3A_69 = arith.constant 2496 : i32
    %add3A_70 = arith.addi %add3A, %add3A_69 : i32
    %lt3A_71 = arith.constant 2500 : i32
    %lt3A_72 = arith.cmpi slt, %add3A_70, %lt3A_71 : i32
    %add3A_73 = arith.constant 2560 : i32
    %add3A_74 = arith.addi %add3A, %add3A_73 : i32
    %ge3A_75 = arith.constant 2500 : i32
    %ge3A_76 = arith.cmpi sge, %add3A_74, %ge3A_75 : i32
    %and3A_77 = arith.andi %lt3A_72, %ge3A_76 : i1
    %convert_element_type3A_78 = arith.extui %and3A_77 : i1 to i32
    %cond3A_79 = arith.constant 0 : i32
    %cond3A_80 = arith.cmpi ne, %convert_element_type3A_78, %cond3A_79 : i32
    scf.if %cond3A_80 {
      %dma_wait3A = arith.constant 0 : i32
      %dma_wait3A_88 = arith.constant 0 : i32
      %dma_wait3A_89 = arith.constant 0 : i32
      %dma_wait3A_90 = tpu.memref_slice %arg11[%dma_wait3A, %dma_wait3A_88, %dma_wait3A_89] : memref<2x64x128xi32, #tpu.memory_space<vmem>> -> memref<1x64x128xi32, #tpu.memory_space<vmem>>
      %dma_wait3A_91 = tpu.memref_squeeze %dma_wait3A_90 : memref<1x64x128xi32, #tpu.memory_space<vmem>> -> memref<64x128xi32, #tpu.memory_space<vmem>>
      %dma_wait3A_92 = arith.constant 0 : i32
      %dma_wait3A_93 = arith.constant 0 : i32
      %dma_wait3A_94 = tpu.memref_slice %arg6[%dma_wait3A_92, %dma_wait3A_93] : memref<160000x128xi32, #tpu.memory_space<hbm>> -> memref<64x128xi32, #tpu.memory_space<hbm>>
      %dma_wait3A_95 = arith.constant 0 : i32
      %dma_wait3A_96 = arith.constant 0 : i32
      %dma_wait3A_97 = tpu.memref_slice %arg6[%dma_wait3A_95, %dma_wait3A_96] : memref<160000x128xi32, #tpu.memory_space<hbm>> -> memref<64x128xi32, #tpu.memory_space<hbm>>
      %dma_wait3A_98 = arith.constant 0 : i32
      %dma_wait3A_99 = arith.constant 0 : i32
      %dma_wait3A_100 = tpu.memref_slice %arg11[%dma_wait3A, %dma_wait3A_98, %dma_wait3A_99] : memref<2x64x128xi32, #tpu.memory_space<vmem>> -> memref<1x64x128xi32, #tpu.memory_space<vmem>>
      %dma_wait3A_101 = tpu.memref_squeeze %dma_wait3A_100 : memref<1x64x128xi32, #tpu.memory_space<vmem>> -> memref<64x128xi32, #tpu.memory_space<vmem>>
      tpu.wait_dma2 semaphore(%arg20 : memref<!tpu.dma_semaphore, #tpu.memory_space<semaphore_mem>>) src(%dma_wait3A_101 : memref<64x128xi32, #tpu.memory_space<vmem>>) dst(%dma_wait3A_97 : memref<64x128xi32, #tpu.memory_space<hbm>>)
      %dma_wait3A_102 = arith.constant 0 : i32
      %dma_wait3A_103 = arith.constant 0 : i32
      %dma_wait3A_104 = arith.constant 0 : i32
      %dma_wait3A_105 = tpu.memref_slice %arg12[%dma_wait3A_102, %dma_wait3A_103, %dma_wait3A_104] : memref<2x64x128xf32, #tpu.memory_space<vmem>> -> memref<1x64x128xf32, #tpu.memory_space<vmem>>
      %dma_wait3A_106 = tpu.memref_squeeze %dma_wait3A_105 : memref<1x64x128xf32, #tpu.memory_space<vmem>> -> memref<64x128xf32, #tpu.memory_space<vmem>>
      %dma_wait3A_107 = arith.constant 0 : i32
      %dma_wait3A_108 = arith.constant 0 : i32
      %dma_wait3A_109 = tpu.memref_slice %arg7[%dma_wait3A_107, %dma_wait3A_108] : memref<160000x128xf32, #tpu.memory_space<hbm>> -> memref<64x128xf32, #tpu.memory_space<hbm>>
      %dma_wait3A_110 = arith.constant 0 : i32
      %dma_wait3A_111 = arith.constant 0 : i32
      %dma_wait3A_112 = tpu.memref_slice %arg7[%dma_wait3A_110, %dma_wait3A_111] : memref<160000x128xf32, #tpu.memory_space<hbm>> -> memref<64x128xf32, #tpu.memory_space<hbm>>
      %dma_wait3A_113 = arith.constant 0 : i32
      %dma_wait3A_114 = arith.constant 0 : i32
      %dma_wait3A_115 = tpu.memref_slice %arg12[%dma_wait3A_102, %dma_wait3A_113, %dma_wait3A_114] : memref<2x64x128xf32, #tpu.memory_space<vmem>> -> memref<1x64x128xf32, #tpu.memory_space<vmem>>
      %dma_wait3A_116 = tpu.memref_squeeze %dma_wait3A_115 : memref<1x64x128xf32, #tpu.memory_space<vmem>> -> memref<64x128xf32, #tpu.memory_space<vmem>>
      tpu.wait_dma2 semaphore(%arg22 : memref<!tpu.dma_semaphore, #tpu.memory_space<semaphore_mem>>) src(%dma_wait3A_116 : memref<64x128xf32, #tpu.memory_space<vmem>>) dst(%dma_wait3A_112 : memref<64x128xf32, #tpu.memory_space<hbm>>)
    } else {
    }
    %barrier3A_81 = arith.constant 0 : index
    tpu.barrier barrier_id(%barrier3A_81)
    %scan3A_82 = arith.constant 0 : i32
    %scan3A_83 = arith.constant 0 : i32
    %scan3A_84 = arith.constant 16 : i32
    %scan3A_85 = arith.addi %scan3A_83, %scan3A_84 : i32
    %scan3A_86 = arith.constant 1 : i32
    scf.for %scan3A_88 = %scan3A_83 to %scan3A_85 step %scan3A_86  : i32 {
      %mul3A_89 = arith.constant 16 : i32
      %mul3A_90 = arith.muli %scan3A_88, %mul3A_89 : i32
      %add3A_91 = arith.addi %arg1, %mul3A_90 : i32
      %lt3A_92 = arith.constant 250 : i32
      %lt3A_93 = arith.cmpi slt, %add3A_91, %lt3A_92 : i32
      %convert_element_type3A_94 = arith.extui %lt3A_93 : i1 to i32
      %cond3A_95 = arith.constant 0 : i32
      %cond3A_96 = arith.cmpi ne, %convert_element_type3A_94, %cond3A_95 : i32
      scf.if %cond3A_96 {
        %mul3A_97 = arith.constant 40 : i32
        %mul3A_98 = arith.muli %add3A_91, %mul3A_97 : i32
        "tpu.region"() ({
          %run_scoped3A = tpu.sem_alloc : memref<!tpu.dma_semaphore, #tpu.memory_space<semaphore_mem>>
          %dma_start3A = arith.constant 0 : i32
          %dma_start3A_102 = tpu.memref_slice %arg15[%mul3A_98, %dma_start3A] : memref<10000x128xf32, #tpu.memory_space<vmem_shared>> -> memref<40x128xf32, #tpu.memory_space<vmem_shared>>
          %dma_start3A_103 = arith.constant 0 : i32
          %dma_start3A_104 = tpu.memref_slice %arg15[%mul3A_98, %dma_start3A_103] : memref<10000x128xf32, #tpu.memory_space<vmem_shared>> -> memref<40x128xf32, #tpu.memory_space<vmem_shared>>
          tpu.enqueue_dma source(%dma_start3A_104 : memref<40x128xf32, #tpu.memory_space<vmem_shared>>) target(%arg14 : memref<40x128xf32, #tpu.memory_space<vmem>>) target_semaphore(%run_scoped3A : memref<!tpu.dma_semaphore, #tpu.memory_space<semaphore_mem>>)
          %dma_wait3A = arith.constant 0 : i32
          %dma_wait3A_105 = tpu.memref_slice %arg15[%mul3A_98, %dma_wait3A] : memref<10000x128xf32, #tpu.memory_space<vmem_shared>> -> memref<40x128xf32, #tpu.memory_space<vmem_shared>>
          %dma_wait3A_106 = arith.constant 0 : i32
          %dma_wait3A_107 = tpu.memref_slice %arg15[%mul3A_98, %dma_wait3A_106] : memref<10000x128xf32, #tpu.memory_space<vmem_shared>> -> memref<40x128xf32, #tpu.memory_space<vmem_shared>>
          tpu.wait_dma2 semaphore(%run_scoped3A : memref<!tpu.dma_semaphore, #tpu.memory_space<semaphore_mem>>) src(%dma_wait3A_107 : memref<40x128xf32, #tpu.memory_space<vmem_shared>>) dst(%arg14 : memref<40x128xf32, #tpu.memory_space<vmem>>)
          tpu.yield
        }) : () -> ()
        %mul3A_99 = arith.constant 10000 : i32
        %mul3A_100 = arith.muli %arg0, %mul3A_99 : i32
        %add3A_101 = arith.addi %mul3A_100, %mul3A_98 : i32
        "tpu.region"() ({
          %run_scoped3A = tpu.sem_alloc : memref<!tpu.dma_semaphore, #tpu.memory_space<semaphore_mem>>
          %dma_start3A = arith.constant 0 : i32
          %dma_start3A_102 = tpu.memref_slice %arg8[%add3A_101, %dma_start3A] : memref<20000x128xf32, #tpu.memory_space<hbm>> -> memref<40x128xf32, #tpu.memory_space<hbm>>
          %dma_start3A_103 = arith.constant 0 : i32
          %dma_start3A_104 = tpu.memref_slice %arg8[%add3A_101, %dma_start3A_103] : memref<20000x128xf32, #tpu.memory_space<hbm>> -> memref<40x128xf32, #tpu.memory_space<hbm>>
          tpu.enqueue_dma source(%arg14 : memref<40x128xf32, #tpu.memory_space<vmem>>) target(%dma_start3A_104 : memref<40x128xf32, #tpu.memory_space<hbm>>) target_semaphore(%run_scoped3A : memref<!tpu.dma_semaphore, #tpu.memory_space<semaphore_mem>>)
          %dma_wait3A = arith.constant 0 : i32
          %dma_wait3A_105 = tpu.memref_slice %arg8[%add3A_101, %dma_wait3A] : memref<20000x128xf32, #tpu.memory_space<hbm>> -> memref<40x128xf32, #tpu.memory_space<hbm>>
          %dma_wait3A_106 = arith.constant 0 : i32
          %dma_wait3A_107 = tpu.memref_slice %arg8[%add3A_101, %dma_wait3A_106] : memref<20000x128xf32, #tpu.memory_space<hbm>> -> memref<40x128xf32, #tpu.memory_space<hbm>>
          tpu.wait_dma2 semaphore(%run_scoped3A : memref<!tpu.dma_semaphore, #tpu.memory_space<semaphore_mem>>) src(%arg14 : memref<40x128xf32, #tpu.memory_space<vmem>>) dst(%dma_wait3A_107 : memref<40x128xf32, #tpu.memory_space<hbm>>)
          tpu.yield
        }) : () -> ()
      } else {
      }
    }
    %scan3A_87 = arith.constant 16 : i32
    return
  }
}

#map = affine_map<(d0, d1) -> (0, 0)>
#map1 = affine_map<(d0, d1) -> (0)>
module attributes {stable_mosaic.version = 14 : i64} {
  func.func @_gather_body(%arg0: i32, %arg1: i32, %arg2: memref<10000x128xi32, #tpu.memory_space<hbm>>, %arg3: memref<10000x128xf32, #tpu.memory_space<hbm>>, %arg4: memref<320000xi32, #tpu.memory_space<hbm>>, %arg5: memref<320000xi32, #tpu.memory_space<hbm>>, %arg6: memref<160000x128xi32, #tpu.memory_space<hbm>>, %arg7: memref<160000x128xf32, #tpu.memory_space<hbm>>, %arg8: memref<20000x128xf32, #tpu.memory_space<hbm>>, %arg9: memref<2x64xi32, #tpu.memory_space<vmem>>, %arg10: memref<2x64xi32, #tpu.memory_space<vmem>>, %arg11: memref<2x64x128xi32, #tpu.memory_space<vmem>>, %arg12: memref<2x64x128xf32, #tpu.memory_space<vmem>>, %arg13: memref<64x128xf32, #tpu.memory_space<vmem>>, %arg14: memref<40x128xf32, #tpu.memory_space<vmem>>, %arg15: memref<10000x128xf32, #tpu.memory_space<vmem_shared>>, %arg16: memref<!tpu.dma_semaphore, #tpu.memory_space<semaphore_mem>>, %arg17: memref<!tpu.dma_semaphore, #tpu.memory_space<semaphore_mem>>, %arg18: memref<!tpu.dma_semaphore, #tpu.memory_space<semaphore_mem>>, %arg19: memref<!tpu.dma_semaphore, #tpu.memory_space<semaphore_mem>>, %arg20: memref<!tpu.dma_semaphore, #tpu.memory_space<semaphore_mem>>, %arg21: memref<!tpu.dma_semaphore, #tpu.memory_space<semaphore_mem>>, %arg22: memref<!tpu.dma_semaphore, #tpu.memory_space<semaphore_mem>>, %arg23: memref<!tpu.dma_semaphore, #tpu.memory_space<semaphore_mem>>) attributes {dimension_semantics = [#tpu.dimension_semantics<core_parallel>, #tpu.dimension_semantics<subcore_parallel>], iteration_bounds = array<i64: 2, 16>, scalar_prefetch = 0 : i64, scratch_operands = 15 : i64, tpu.core_type = #tpu.core_type<sc_vector_subcore>, window_params = [{transform_indices = #map}, {transform_indices = #map}, {transform_indices = #map1}, {transform_indices = #map1}, {transform_indices = #map}, {transform_indices = #map}, {transform_indices = #map}]} {
    %mul3A = arith.constant 2 : i32
    %mul3A_0 = arith.muli %arg1, %mul3A : i32
    %add3A = arith.addi %mul3A_0, %arg0 : i32
    %scan3A = arith.constant 0 : i32
    %scan3A_1 = arith.constant 0 : i32
    %scan3A_2 = arith.constant 512 : i32
    %scan3A_3 = arith.addi %scan3A_1, %scan3A_2 : i32
    %scan3A_4 = arith.constant 1 : i32
    scf.for %scan3A_88 = %scan3A_1 to %scan3A_3 step %scan3A_4  : i32 {
      %broadcast_in_dim3A = arith.constant 1.000000e+00 : f32
      %broadcast_in_dim3A_89 = vector.broadcast %broadcast_in_dim3A : f32 to vector<16xf32>
      %jit3A = arith.constant 8 : i32
      %div3A = arith.divsi %scan3A_88, %jit3A : i32
      %sign3A = arith.constant 0 : i32
      %sign3A_90 = arith.cmpi sgt, %scan3A_88, %sign3A : i32
      %sign3A_91 = arith.extui %sign3A_90 : i1 to i32
      %sign3A_92 = arith.constant 0 : i32
      %sign3A_93 = arith.cmpi slt, %scan3A_88, %sign3A_92 : i32
      %sign3A_94 = arith.extui %sign3A_93 : i1 to i32
      %sign3A_95 = arith.subi %sign3A_91, %sign3A_94 : i32
      %sign3A_96 = arith.constant 0 : i32
      %sign3A_97 = arith.cmpi sgt, %jit3A, %sign3A_96 : i32
      %sign3A_98 = arith.extui %sign3A_97 : i1 to i32
      %sign3A_99 = arith.constant 0 : i32
      %sign3A_100 = arith.cmpi slt, %jit3A, %sign3A_99 : i32
      %sign3A_101 = arith.extui %sign3A_100 : i1 to i32
      %sign3A_102 = arith.subi %sign3A_98, %sign3A_101 : i32
      %ne3A = arith.cmpi ne, %sign3A_95, %sign3A_102 : i32
      %rem3A = arith.remsi %scan3A_88, %jit3A : i32
      %ne3A_103 = arith.constant 0 : i32
      %ne3A_104 = arith.cmpi ne, %rem3A, %ne3A_103 : i32
      %and3A_105 = arith.andi %ne3A, %ne3A_104 : i1
      %sub3A = arith.constant 1 : i32
      %sub3A_106 = arith.subi %div3A, %sub3A : i32
      %select_n3A = arith.select %and3A_105, %sub3A_106, %div3A : i32
      %jit3A_107 = arith.constant 8 : i32
      %eq3A = arith.constant 0 : i32
      %eq3A_108 = arith.cmpi eq, %jit3A_107, %eq3A : i32
      %jit3A_109 = arith.constant 1 : i32
      %select_n3A_110 = arith.select %eq3A_108, %jit3A_109, %jit3A_107 : i32
      %rem3A_111 = arith.remsi %scan3A_88, %select_n3A_110 : i32
      %ne3A_112 = arith.constant 0 : i32
      %ne3A_113 = arith.cmpi ne, %rem3A_111, %ne3A_112 : i32
      %lt3A_114 = arith.constant 0 : i32
      %lt3A_115 = arith.cmpi slt, %rem3A_111, %lt3A_114 : i32
      %lt3A_116 = arith.constant 0 : i32
      %lt3A_117 = arith.cmpi slt, %select_n3A_110, %lt3A_116 : i32
      %ne3A_118 = arith.xori %lt3A_115, %lt3A_117 : i1
      %and3A_119 = arith.andi %ne3A_118, %ne3A_113 : i1
      %add3A_120 = arith.addi %rem3A_111, %select_n3A_110 : i32
      %select_n3A_121 = arith.select %and3A_119, %add3A_120, %rem3A_111 : i32
      %mul3A_122 = arith.constant 16 : i32
      %mul3A_123 = arith.muli %select_n3A_121, %mul3A_122 : i32
      %swap3A = arith.index_cast %select_n3A : i32 to index
      %swap3A_124 = arith.index_cast %mul3A_123 : i32 to index
      %swap3A_125 = tpu.vector_load %arg13[%swap3A, %swap3A_124] {strides = array<i32>} : memref<64x128xf32, #tpu.memory_space<vmem>>, vector<1x16xf32>,
      %swap3A_126 = vector.shape_cast %swap3A_125 : vector<1x16xf32> to vector<16xf32>
      %swap3A_127 = vector.shape_cast %broadcast_in_dim3A_89 : vector<16xf32> to vector<1x16xf32>
      tpu.vector_store %arg13[%swap3A, %swap3A_124], %swap3A_127 {strides = array<i32>} : memref<64x128xf32, #tpu.memory_space<vmem>>, vector<1x16xf32>,
    }
    %scan3A_5 = arith.constant 512 : i32
    %scan3A_6 = arith.constant 0 : i32
    %scan3A_7 = arith.constant 0 : i32
    %scan3A_8 = arith.constant 320 : i32
    %scan3A_9 = arith.addi %scan3A_7, %scan3A_8 : i32
    %scan3A_10 = arith.constant 1 : i32
    scf.for %scan3A_88 = %scan3A_7 to %scan3A_9 step %scan3A_10  : i32 {
      %broadcast_in_dim3A = arith.constant 0.000000e+00 : f32
      %broadcast_in_dim3A_89 = vector.broadcast %broadcast_in_dim3A : f32 to vector<16xf32>
      %jit3A = arith.constant 8 : i32
      %div3A = arith.divsi %scan3A_88, %jit3A : i32
      %sign3A = arith.constant 0 : i32
      %sign3A_90 = arith.cmpi sgt, %scan3A_88, %sign3A : i32
      %sign3A_91 = arith.extui %sign3A_90 : i1 to i32
      %sign3A_92 = arith.constant 0 : i32
      %sign3A_93 = arith.cmpi slt, %scan3A_88, %sign3A_92 : i32
      %sign3A_94 = arith.extui %sign3A_93 : i1 to i32
      %sign3A_95 = arith.subi %sign3A_91, %sign3A_94 : i32
      %sign3A_96 = arith.constant 0 : i32
      %sign3A_97 = arith.cmpi sgt, %jit3A, %sign3A_96 : i32
      %sign3A_98 = arith.extui %sign3A_97 : i1 to i32
      %sign3A_99 = arith.constant 0 : i32
      %sign3A_100 = arith.cmpi slt, %jit3A, %sign3A_99 : i32
      %sign3A_101 = arith.extui %sign3A_100 : i1 to i32
      %sign3A_102 = arith.subi %sign3A_98, %sign3A_101 : i32
      %ne3A = arith.cmpi ne, %sign3A_95, %sign3A_102 : i32
      %rem3A = arith.remsi %scan3A_88, %jit3A : i32
      %ne3A_103 = arith.constant 0 : i32
      %ne3A_104 = arith.cmpi ne, %rem3A, %ne3A_103 : i32
      %and3A_105 = arith.andi %ne3A, %ne3A_104 : i1
      %sub3A = arith.constant 1 : i32
      %sub3A_106 = arith.subi %div3A, %sub3A : i32
      %select_n3A = arith.select %and3A_105, %sub3A_106, %div3A : i32
      %jit3A_107 = arith.constant 8 : i32
      %eq3A = arith.constant 0 : i32
      %eq3A_108 = arith.cmpi eq, %jit3A_107, %eq3A : i32
      %jit3A_109 = arith.constant 1 : i32
      %select_n3A_110 = arith.select %eq3A_108, %jit3A_109, %jit3A_107 : i32
      %rem3A_111 = arith.remsi %scan3A_88, %select_n3A_110 : i32
      %ne3A_112 = arith.constant 0 : i32
      %ne3A_113 = arith.cmpi ne, %rem3A_111, %ne3A_112 : i32
      %lt3A_114 = arith.constant 0 : i32
      %lt3A_115 = arith.cmpi slt, %rem3A_111, %lt3A_114 : i32
      %lt3A_116 = arith.constant 0 : i32
      %lt3A_117 = arith.cmpi slt, %select_n3A_110, %lt3A_116 : i32
      %ne3A_118 = arith.xori %lt3A_115, %lt3A_117 : i1
      %and3A_119 = arith.andi %ne3A_118, %ne3A_113 : i1
      %add3A_120 = arith.addi %rem3A_111, %select_n3A_110 : i32
      %select_n3A_121 = arith.select %and3A_119, %add3A_120, %rem3A_111 : i32
      %mul3A_122 = arith.constant 16 : i32
      %mul3A_123 = arith.muli %select_n3A_121, %mul3A_122 : i32
      %swap3A = arith.index_cast %select_n3A : i32 to index
      %swap3A_124 = arith.index_cast %mul3A_123 : i32 to index
      %swap3A_125 = tpu.vector_load %arg14[%swap3A, %swap3A_124] {strides = array<i32>} : memref<40x128xf32, #tpu.memory_space<vmem>>, vector<1x16xf32>,
      %swap3A_126 = vector.shape_cast %swap3A_125 : vector<1x16xf32> to vector<16xf32>
      %swap3A_127 = vector.shape_cast %broadcast_in_dim3A_89 : vector<16xf32> to vector<1x16xf32>
      tpu.vector_store %arg14[%swap3A, %swap3A_124], %swap3A_127 {strides = array<i32>} : memref<40x128xf32, #tpu.memory_space<vmem>>, vector<1x16xf32>,
    }
    %scan3A_11 = arith.constant 320 : i32
    %scan3A_12 = arith.constant 0 : i32
    %scan3A_13 = arith.constant 0 : i32
    %scan3A_14 = arith.constant 16 : i32
    %scan3A_15 = arith.addi %scan3A_13, %scan3A_14 : i32
    %scan3A_16 = arith.constant 1 : i32
    scf.for %scan3A_88 = %scan3A_13 to %scan3A_15 step %scan3A_16  : i32 {
      %mul3A_89 = arith.constant 16 : i32
      %mul3A_90 = arith.muli %scan3A_88, %mul3A_89 : i32
      %add3A_91 = arith.addi %arg1, %mul3A_90 : i32
      %lt3A_92 = arith.constant 250 : i32
      %lt3A_93 = arith.cmpi slt, %add3A_91, %lt3A_92 : i32
      %convert_element_type3A_94 = arith.extui %lt3A_93 : i1 to i32
      %cond3A_95 = arith.constant 0 : i32
      %cond3A_96 = arith.cmpi ne, %convert_element_type3A_94, %cond3A_95 : i32
      scf.if %cond3A_96 {
        %mul3A_97 = arith.constant 40 : i32
        %mul3A_98 = arith.muli %add3A_91, %mul3A_97 : i32
        "tpu.region"() ({
          %run_scoped3A = tpu.sem_alloc : memref<!tpu.dma_semaphore, #tpu.memory_space<semaphore_mem>>
          %dma_start3A = arith.constant 0 : i32
          %dma_start3A_99 = tpu.memref_slice %arg15[%mul3A_98, %dma_start3A] : memref<10000x128xf32, #tpu.memory_space<vmem_shared>> -> memref<40x128xf32, #tpu.memory_space<vmem_shared>>
          %dma_start3A_100 = arith.constant 0 : i32
          %dma_start3A_101 = tpu.memref_slice %arg15[%mul3A_98, %dma_start3A_100] : memref<10000x128xf32, #tpu.memory_space<vmem_shared>> -> memref<40x128xf32, #tpu.memory_space<vmem_shared>>
          tpu.enqueue_dma source(%arg14 : memref<40x128xf32, #tpu.memory_space<vmem>>) target(%dma_start3A_101 : memref<40x128xf32, #tpu.memory_space<vmem_shared>>) target_semaphore(%run_scoped3A : memref<!tpu.dma_semaphore, #tpu.memory_space<semaphore_mem>>)
          %dma_wait3A = arith.constant 0 : i32
          %dma_wait3A_102 = tpu.memref_slice %arg15[%mul3A_98, %dma_wait3A] : memref<10000x128xf32, #tpu.memory_space<vmem_shared>> -> memref<40x128xf32, #tpu.memory_space<vmem_shared>>
          %dma_wait3A_103 = arith.constant 0 : i32
          %dma_wait3A_104 = tpu.memref_slice %arg15[%mul3A_98, %dma_wait3A_103] : memref<10000x128xf32, #tpu.memory_space<vmem_shared>> -> memref<40x128xf32, #tpu.memory_space<vmem_shared>>
          tpu.wait_dma2 semaphore(%run_scoped3A : memref<!tpu.dma_semaphore, #tpu.memory_space<semaphore_mem>>) src(%arg14 : memref<40x128xf32, #tpu.memory_space<vmem>>) dst(%dma_wait3A_104 : memref<40x128xf32, #tpu.memory_space<vmem_shared>>)
          tpu.yield
        }) : () -> ()
      } else {
      }
    }
    %scan3A_17 = arith.constant 16 : i32
    %barrier3A = arith.constant 0 : index
    tpu.barrier barrier_id(%barrier3A)
    %add3A_18 = arith.constant 0 : i32
    %add3A_19 = arith.addi %add3A, %add3A_18 : i32
    %lt3A = arith.constant 2500 : i32
    %lt3A_20 = arith.cmpi slt, %add3A_19, %lt3A : i32
    %convert_element_type3A = arith.extui %lt3A_20 : i1 to i32
    %cond3A = arith.constant 0 : i32
    %cond3A_21 = arith.cmpi ne, %convert_element_type3A, %cond3A : i32
    scf.if %cond3A_21 {
      %add3A_88 = arith.constant 0 : i32
      %add3A_89 = arith.addi %add3A, %add3A_88 : i32
      %mul3A_90 = arith.constant 64 : i32
      %mul3A_91 = arith.muli %add3A_89, %mul3A_90 : i32
      %add3A_92 = arith.constant 0 : i32
      %add3A_93 = arith.addi %add3A_92, %mul3A_91 : i32
      %dma_start3A = arith.constant 0 : i32
      %dma_start3A_94 = arith.constant 0 : i32
      %dma_start3A_95 = tpu.memref_slice %arg9[%dma_start3A, %dma_start3A_94] : memref<2x64xi32, #tpu.memory_space<vmem>> -> memref<1x64xi32, #tpu.memory_space<vmem>>
      %dma_start3A_96 = tpu.memref_squeeze %dma_start3A_95 : memref<1x64xi32, #tpu.memory_space<vmem>> -> memref<64xi32, #tpu.memory_space<vmem>>
      %dma_start3A_97 = tpu.memref_slice %arg4[%add3A_93] : memref<320000xi32, #tpu.memory_space<hbm>> -> memref<64xi32, #tpu.memory_space<hbm>>
      %dma_start3A_98 = arith.constant 0 : i32
      %dma_start3A_99 = tpu.memref_slice %arg9[%dma_start3A, %dma_start3A_98] : memref<2x64xi32, #tpu.memory_space<vmem>> -> memref<1x64xi32, #tpu.memory_space<vmem>>
      %dma_start3A_100 = tpu.memref_squeeze %dma_start3A_99 : memref<1x64xi32, #tpu.memory_space<vmem>> -> memref<64xi32, #tpu.memory_space<vmem>>
      %dma_start3A_101 = tpu.memref_slice %arg4[%add3A_93] : memref<320000xi32, #tpu.memory_space<hbm>> -> memref<64xi32, #tpu.memory_space<hbm>>
      tpu.enqueue_dma source(%dma_start3A_101 : memref<64xi32, #tpu.memory_space<hbm>>) target(%dma_start3A_100 : memref<64xi32, #tpu.memory_space<vmem>>) target_semaphore(%arg16 : memref<!tpu.dma_semaphore, #tpu.memory_space<semaphore_mem>>)
      %dma_start3A_102 = arith.constant 0 : i32
      %dma_start3A_103 = arith.constant 0 : i32
      %dma_start3A_104 = tpu.memref_slice %arg10[%dma_start3A_102, %dma_start3A_103] : memref<2x64xi32, #tpu.memory_space<vmem>> -> memref<1x64xi32, #tpu.memory_space<vmem>>
      %dma_start3A_105 = tpu.memref_squeeze %dma_start3A_104 : memref<1x64xi32, #tpu.memory_space<vmem>> -> memref<64xi32, #tpu.memory_space<vmem>>
      %dma_start3A_106 = tpu.memref_slice %arg5[%add3A_93] : memref<320000xi32, #tpu.memory_space<hbm>> -> memref<64xi32, #tpu.memory_space<hbm>>
      %dma_start3A_107 = arith.constant 0 : i32
      %dma_start3A_108 = tpu.memref_slice %arg10[%dma_start3A_102, %dma_start3A_107] : memref<2x64xi32, #tpu.memory_space<vmem>> -> memref<1x64xi32, #tpu.memory_space<vmem>>
      %dma_start3A_109 = tpu.memref_squeeze %dma_start3A_108 : memref<1x64xi32, #tpu.memory_space<vmem>> -> memref<64xi32, #tpu.memory_space<vmem>>
      %dma_start3A_110 = tpu.memref_slice %arg5[%add3A_93] : memref<320000xi32, #tpu.memory_space<hbm>> -> memref<64xi32, #tpu.memory_space<hbm>>
      tpu.enqueue_dma source(%dma_start3A_110 : memref<64xi32, #tpu.memory_space<hbm>>) target(%dma_start3A_109 : memref<64xi32, #tpu.memory_space<vmem>>) target_semaphore(%arg16 : memref<!tpu.dma_semaphore, #tpu.memory_space<semaphore_mem>>)
    } else {
    }
    %add3A_22 = arith.constant 32 : i32
    %add3A_23 = arith.addi %add3A, %add3A_22 : i32
    %lt3A_24 = arith.constant 2500 : i32
    %lt3A_25 = arith.cmpi slt, %add3A_23, %lt3A_24 : i32
    %convert_element_type3A_26 = arith.extui %lt3A_25 : i1 to i32
    %cond3A_27 = arith.constant 0 : i32
    %cond3A_28 = arith.cmpi ne, %convert_element_type3A_26, %cond3A_27 : i32
    scf.if %cond3A_28 {
      %add3A_88 = arith.constant 32 : i32
      %add3A_89 = arith.addi %add3A, %add3A_88 : i32
      %mul3A_90 = arith.constant 64 : i32
      %mul3A_91 = arith.muli %add3A_89, %mul3A_90 : i32
      %add3A_92 = arith.constant 0 : i32
      %add3A_93 = arith.addi %add3A_92, %mul3A_91 : i32
      %dma_start3A = arith.constant 1 : i32
      %dma_start3A_94 = arith.constant 0 : i32
      %dma_start3A_95 = tpu.memref_slice %arg9[%dma_start3A, %dma_start3A_94] : memref<2x64xi32, #tpu.memory_space<vmem>> -> memref<1x64xi32, #tpu.memory_space<vmem>>
      %dma_start3A_96 = tpu.memref_squeeze %dma_start3A_95 : memref<1x64xi32, #tpu.memory_space<vmem>> -> memref<64xi32, #tpu.memory_space<vmem>>
      %dma_start3A_97 = tpu.memref_slice %arg4[%add3A_93] : memref<320000xi32, #tpu.memory_space<hbm>> -> memref<64xi32, #tpu.memory_space<hbm>>
      %dma_start3A_98 = arith.constant 0 : i32
      %dma_start3A_99 = tpu.memref_slice %arg9[%dma_start3A, %dma_start3A_98] : memref<2x64xi32, #tpu.memory_space<vmem>> -> memref<1x64xi32, #tpu.memory_space<vmem>>
      %dma_start3A_100 = tpu.memref_squeeze %dma_start3A_99 : memref<1x64xi32, #tpu.memory_space<vmem>> -> memref<64xi32, #tpu.memory_space<vmem>>
      %dma_start3A_101 = tpu.memref_slice %arg4[%add3A_93] : memref<320000xi32, #tpu.memory_space<hbm>> -> memref<64xi32, #tpu.memory_space<hbm>>
      tpu.enqueue_dma source(%dma_start3A_101 : memref<64xi32, #tpu.memory_space<hbm>>) target(%dma_start3A_100 : memref<64xi32, #tpu.memory_space<vmem>>) target_semaphore(%arg17 : memref<!tpu.dma_semaphore, #tpu.memory_space<semaphore_mem>>)
      %dma_start3A_102 = arith.constant 1 : i32
      %dma_start3A_103 = arith.constant 0 : i32
      %dma_start3A_104 = tpu.memref_slice %arg10[%dma_start3A_102, %dma_start3A_103] : memref<2x64xi32, #tpu.memory_space<vmem>> -> memref<1x64xi32, #tpu.memory_space<vmem>>
      %dma_start3A_105 = tpu.memref_squeeze %dma_start3A_104 : memref<1x64xi32, #tpu.memory_space<vmem>> -> memref<64xi32, #tpu.memory_space<vmem>>
      %dma_start3A_106 = tpu.memref_slice %arg5[%add3A_93] : memref<320000xi32, #tpu.memory_space<hbm>> -> memref<64xi32, #tpu.memory_space<hbm>>
      %dma_start3A_107 = arith.constant 0 : i32
      %dma_start3A_108 = tpu.memref_slice %arg10[%dma_start3A_102, %dma_start3A_107] : memref<2x64xi32, #tpu.memory_space<vmem>> -> memref<1x64xi32, #tpu.memory_space<vmem>>
      %dma_start3A_109 = tpu.memref_squeeze %dma_start3A_108 : memref<1x64xi32, #tpu.memory_space<vmem>> -> memref<64xi32, #tpu.memory_space<vmem>>
      %dma_start3A_110 = tpu.memref_slice %arg5[%add3A_93] : memref<320000xi32, #tpu.memory_space<hbm>> -> memref<64xi32, #tpu.memory_space<hbm>>
      tpu.enqueue_dma source(%dma_start3A_110 : memref<64xi32, #tpu.memory_space<hbm>>) target(%dma_start3A_109 : memref<64xi32, #tpu.memory_space<vmem>>) target_semaphore(%arg17 : memref<!tpu.dma_semaphore, #tpu.memory_space<semaphore_mem>>)
    } else {
    }
    %scan3A_29 = arith.constant 0 : i32
    %scan3A_30 = arith.constant 0 : i32
    %scan3A_31 = arith.constant 40 : i32
    %scan3A_32 = arith.addi %scan3A_30, %scan3A_31 : i32
    %scan3A_33 = arith.constant 1 : i32
    scf.for %scan3A_88 = %scan3A_30 to %scan3A_32 step %scan3A_33  : i32 {
      %mul3A_89 = arith.constant 2 : i32
      %mul3A_90 = arith.muli %scan3A_88, %mul3A_89 : i32
      %add3A_91 = arith.constant 0 : i32
      %add3A_92 = arith.addi %mul3A_90, %add3A_91 : i32
      %mul3A_93 = arith.constant 32 : i32
      %mul3A_94 = arith.muli %add3A_92, %mul3A_93 : i32
      %add3A_95 = arith.addi %add3A, %mul3A_94 : i32
      %lt3A_96 = arith.constant 2500 : i32
      %lt3A_97 = arith.cmpi slt, %add3A_95, %lt3A_96 : i32
      %convert_element_type3A_98 = arith.extui %lt3A_97 : i1 to i32
      %cond3A_99 = arith.constant 0 : i32
      %cond3A_100 = arith.cmpi ne, %convert_element_type3A_98, %cond3A_99 : i32
      scf.if %cond3A_100 {
        %dma_wait3A = arith.constant 0 : i32
        %dma_wait3A_137 = arith.constant 0 : i32
        %dma_wait3A_138 = tpu.memref_slice %arg9[%dma_wait3A, %dma_wait3A_137] : memref<2x64xi32, #tpu.memory_space<vmem>> -> memref<1x64xi32, #tpu.memory_space<vmem>>
        %dma_wait3A_139 = tpu.memref_squeeze %dma_wait3A_138 : memref<1x64xi32, #tpu.memory_space<vmem>> -> memref<64xi32, #tpu.memory_space<vmem>>
        %dma_wait3A_140 = arith.constant 0 : i32
        %dma_wait3A_141 = tpu.memref_slice %arg4[%dma_wait3A_140] : memref<320000xi32, #tpu.memory_space<hbm>> -> memref<64xi32, #tpu.memory_space<hbm>>
        %dma_wait3A_142 = arith.constant 0 : i32
        %dma_wait3A_143 = tpu.memref_slice %arg9[%dma_wait3A, %dma_wait3A_142] : memref<2x64xi32, #tpu.memory_space<vmem>> -> memref<1x64xi32, #tpu.memory_space<vmem>>
        %dma_wait3A_144 = tpu.memref_squeeze %dma_wait3A_143 : memref<1x64xi32, #tpu.memory_space<vmem>> -> memref<64xi32, #tpu.memory_space<vmem>>
        %dma_wait3A_145 = arith.constant 0 : i32
        %dma_wait3A_146 = tpu.memref_slice %arg4[%dma_wait3A_145] : memref<320000xi32, #tpu.memory_space<hbm>> -> memref<64xi32, #tpu.memory_space<hbm>>
        tpu.wait_dma2 semaphore(%arg16 : memref<!tpu.dma_semaphore, #tpu.memory_space<semaphore_mem>>) src(%dma_wait3A_146 : memref<64xi32, #tpu.memory_space<hbm>>) dst(%dma_wait3A_144 : memref<64xi32, #tpu.memory_space<vmem>>)
        %dma_wait3A_147 = arith.constant 0 : i32
        %dma_wait3A_148 = arith.constant 0 : i32
        %dma_wait3A_149 = tpu.memref_slice %arg10[%dma_wait3A_147, %dma_wait3A_148] : memref<2x64xi32, #tpu.memory_space<vmem>> -> memref<1x64xi32, #tpu.memory_space<vmem>>
        %dma_wait3A_150 = tpu.memref_squeeze %dma_wait3A_149 : memref<1x64xi32, #tpu.memory_space<vmem>> -> memref<64xi32, #tpu.memory_space<vmem>>
        %dma_wait3A_151 = arith.constant 0 : i32
        %dma_wait3A_152 = tpu.memref_slice %arg5[%dma_wait3A_151] : memref<320000xi32, #tpu.memory_space<hbm>> -> memref<64xi32, #tpu.memory_space<hbm>>
        %dma_wait3A_153 = arith.constant 0 : i32
        %dma_wait3A_154 = tpu.memref_slice %arg10[%dma_wait3A_147, %dma_wait3A_153] : memref<2x64xi32, #tpu.memory_space<vmem>> -> memref<1x64xi32, #tpu.memory_space<vmem>>
        %dma_wait3A_155 = tpu.memref_squeeze %dma_wait3A_154 : memref<1x64xi32, #tpu.memory_space<vmem>> -> memref<64xi32, #tpu.memory_space<vmem>>
        %dma_wait3A_156 = arith.constant 0 : i32
        %dma_wait3A_157 = tpu.memref_slice %arg5[%dma_wait3A_156] : memref<320000xi32, #tpu.memory_space<hbm>> -> memref<64xi32, #tpu.memory_space<hbm>>
        tpu.wait_dma2 semaphore(%arg16 : memref<!tpu.dma_semaphore, #tpu.memory_space<semaphore_mem>>) src(%dma_wait3A_157 : memref<64xi32, #tpu.memory_space<hbm>>) dst(%dma_wait3A_155 : memref<64xi32, #tpu.memory_space<vmem>>)
        %ge3A_158 = arith.constant 2 : i32
        %ge3A_159 = arith.cmpi sge, %add3A_92, %ge3A_158 : i32
        %convert_element_type3A_160 = arith.extui %ge3A_159 : i1 to i32
        %cond3A_161 = arith.constant 0 : i32
        %cond3A_162 = arith.cmpi ne, %convert_element_type3A_160, %cond3A_161 : i32
        scf.if %cond3A_162 {
          %dma_wait3A_186 = arith.constant 0 : i32
          %dma_wait3A_187 = arith.constant 0 : i32
          %dma_wait3A_188 = arith.constant 0 : i32
          %dma_wait3A_189 = tpu.memref_slice %arg11[%dma_wait3A_186, %dma_wait3A_187, %dma_wait3A_188] : memref<2x64x128xi32, #tpu.memory_space<vmem>> -> memref<1x64x128xi32, #tpu.memory_space<vmem>>
          %dma_wait3A_190 = tpu.memref_squeeze %dma_wait3A_189 : memref<1x64x128xi32, #tpu.memory_space<vmem>> -> memref<64x128xi32, #tpu.memory_space<vmem>>
          %dma_wait3A_191 = arith.constant 0 : i32
          %dma_wait3A_192 = arith.constant 0 : i32
          %dma_wait3A_193 = tpu.memref_slice %arg6[%dma_wait3A_191, %dma_wait3A_192] : memref<160000x128xi32, #tpu.memory_space<hbm>> -> memref<64x128xi32, #tpu.memory_space<hbm>>
          %dma_wait3A_194 = arith.constant 0 : i32
          %dma_wait3A_195 = arith.constant 0 : i32
          %dma_wait3A_196 = tpu.memref_slice %arg6[%dma_wait3A_194, %dma_wait3A_195] : memref<160000x128xi32, #tpu.memory_space<hbm>> -> memref<64x128xi32, #tpu.memory_space<hbm>>
          %dma_wait3A_197 = arith.constant 0 : i32
          %dma_wait3A_198 = arith.constant 0 : i32
          %dma_wait3A_199 = tpu.memref_slice %arg11[%dma_wait3A_186, %dma_wait3A_197, %dma_wait3A_198] : memref<2x64x128xi32, #tpu.memory_space<vmem>> -> memref<1x64x128xi32, #tpu.memory_space<vmem>>
          %dma_wait3A_200 = tpu.memref_squeeze %dma_wait3A_199 : memref<1x64x128xi32, #tpu.memory_space<vmem>> -> memref<64x128xi32, #tpu.memory_space<vmem>>
          tpu.wait_dma2 semaphore(%arg20 : memref<!tpu.dma_semaphore, #tpu.memory_space<semaphore_mem>>) src(%dma_wait3A_200 : memref<64x128xi32, #tpu.memory_space<vmem>>) dst(%dma_wait3A_196 : memref<64x128xi32, #tpu.memory_space<hbm>>)
          %dma_wait3A_201 = arith.constant 0 : i32
          %dma_wait3A_202 = arith.constant 0 : i32
          %dma_wait3A_203 = arith.constant 0 : i32
          %dma_wait3A_204 = tpu.memref_slice %arg12[%dma_wait3A_201, %dma_wait3A_202, %dma_wait3A_203] : memref<2x64x128xf32, #tpu.memory_space<vmem>> -> memref<1x64x128xf32, #tpu.memory_space<vmem>>
          %dma_wait3A_205 = tpu.memref_squeeze %dma_wait3A_204 : memref<1x64x128xf32, #tpu.memory_space<vmem>> -> memref<64x128xf32, #tpu.memory_space<vmem>>
          %dma_wait3A_206 = arith.constant 0 : i32
          %dma_wait3A_207 = arith.constant 0 : i32
          %dma_wait3A_208 = tpu.memref_slice %arg7[%dma_wait3A_206, %dma_wait3A_207] : memref<160000x128xf32, #tpu.memory_space<hbm>> -> memref<64x128xf32, #tpu.memory_space<hbm>>
          %dma_wait3A_209 = arith.constant 0 : i32
          %dma_wait3A_210 = arith.constant 0 : i32
          %dma_wait3A_211 = tpu.memref_slice %arg7[%dma_wait3A_209, %dma_wait3A_210] : memref<160000x128xf32, #tpu.memory_space<hbm>> -> memref<64x128xf32, #tpu.memory_space<hbm>>
          %dma_wait3A_212 = arith.constant 0 : i32
          %dma_wait3A_213 = arith.constant 0 : i32
          %dma_wait3A_214 = tpu.memref_slice %arg12[%dma_wait3A_201, %dma_wait3A_212, %dma_wait3A_213] : memref<2x64x128xf32, #tpu.memory_space<vmem>> -> memref<1x64x128xf32, #tpu.memory_space<vmem>>
          %dma_wait3A_215 = tpu.memref_squeeze %dma_wait3A_214 : memref<1x64x128xf32, #tpu.memory_space<vmem>> -> memref<64x128xf32, #tpu.memory_space<vmem>>
          tpu.wait_dma2 semaphore(%arg22 : memref<!tpu.dma_semaphore, #tpu.memory_space<semaphore_mem>>) src(%dma_wait3A_215 : memref<64x128xf32, #tpu.memory_space<vmem>>) dst(%dma_wait3A_211 : memref<64x128xf32, #tpu.memory_space<hbm>>)
        } else {
        }
        %dma_start3A = arith.constant 0 : i32
        %dma_start3A_163 = arith.constant 0 : i32
        %dma_start3A_164 = arith.constant 0 : i32
        %dma_start3A_165 = arith.constant 0 : i32
        %dma_start3A_166 = tpu.memref_slice %arg11[%dma_start3A_163, %dma_start3A_164, %dma_start3A_165] : memref<2x64x128xi32, #tpu.memory_space<vmem>> -> memref<1x64x128xi32, #tpu.memory_space<vmem>>
        %dma_start3A_167 = tpu.memref_squeeze %dma_start3A_166 : memref<1x64x128xi32, #tpu.memory_space<vmem>> -> memref<64x128xi32, #tpu.memory_space<vmem>>
        %dma_start3A_168 = arith.constant 0 : i32
        %dma_start3A_169 = tpu.memref_slice %arg9[%dma_start3A, %dma_start3A_168] : memref<2x64xi32, #tpu.memory_space<vmem>> -> memref<1x64xi32, #tpu.memory_space<vmem>>
        %dma_start3A_170 = tpu.memref_squeeze %dma_start3A_169 : memref<1x64xi32, #tpu.memory_space<vmem>> -> memref<64xi32, #tpu.memory_space<vmem>>
        %dma_start3A_171 = arith.constant 0 : i32
        %dma_start3A_172 = arith.constant 0 : i32
        %dma_start3A_173 = tpu.memref_slice %arg2[%dma_start3A_171, %dma_start3A_172] : memref<10000x128xi32, #tpu.memory_space<hbm>> -> memref<10000x128xi32, #tpu.memory_space<hbm>>
        tpu.enqueue_indirect_dma source(%dma_start3A_173 : memref<10000x128xi32, #tpu.memory_space<hbm>>) target(%dma_start3A_167 : memref<64x128xi32, #tpu.memory_space<vmem>>) offsets(%dma_start3A_170 : memref<64xi32, #tpu.memory_space<vmem>>) semaphore(%arg18 : memref<!tpu.dma_semaphore, #tpu.memory_space<semaphore_mem>>)
        %dma_start3A_174 = arith.constant 0 : i32
        %dma_start3A_175 = arith.constant 0 : i32
        %dma_start3A_176 = arith.constant 0 : i32
        %dma_start3A_177 = arith.constant 0 : i32
        %dma_start3A_178 = tpu.memref_slice %arg12[%dma_start3A_175, %dma_start3A_176, %dma_start3A_177] : memref<2x64x128xf32, #tpu.memory_space<vmem>> -> memref<1x64x128xf32, #tpu.memory_space<vmem>>
        %dma_start3A_179 = tpu.memref_squeeze %dma_start3A_178 : memref<1x64x128xf32, #tpu.memory_space<vmem>> -> memref<64x128xf32, #tpu.memory_space<vmem>>
        %dma_start3A_180 = arith.constant 0 : i32
        %dma_start3A_181 = tpu.memref_slice %arg10[%dma_start3A_174, %dma_start3A_180] : memref<2x64xi32, #tpu.memory_space<vmem>> -> memref<1x64xi32, #tpu.memory_space<vmem>>
        %dma_start3A_182 = tpu.memref_squeeze %dma_start3A_181 : memref<1x64xi32, #tpu.memory_space<vmem>> -> memref<64xi32, #tpu.memory_space<vmem>>
        %dma_start3A_183 = arith.constant 0 : i32
        %dma_start3A_184 = arith.constant 0 : i32
        %dma_start3A_185 = tpu.memref_slice %arg3[%dma_start3A_183, %dma_start3A_184] : memref<10000x128xf32, #tpu.memory_space<hbm>> -> memref<10000x128xf32, #tpu.memory_space<hbm>>
        tpu.enqueue_indirect_dma source(%dma_start3A_185 : memref<10000x128xf32, #tpu.memory_space<hbm>>) target(%dma_start3A_179 : memref<64x128xf32, #tpu.memory_space<vmem>>) offsets(%dma_start3A_182 : memref<64xi32, #tpu.memory_space<vmem>>) semaphore(%arg18 : memref<!tpu.dma_semaphore, #tpu.memory_space<semaphore_mem>>)
      } else {
      }
      %mul3A_101 = arith.constant 2 : i32
      %mul3A_102 = arith.muli %scan3A_88, %mul3A_101 : i32
      %add3A_103 = arith.constant 1 : i32
      %add3A_104 = arith.addi %mul3A_102, %add3A_103 : i32
      %mul3A_105 = arith.constant 32 : i32
      %mul3A_106 = arith.muli %add3A_104, %mul3A_105 : i32
      %add3A_107 = arith.addi %add3A, %mul3A_106 : i32
      %lt3A_108 = arith.constant 2500 : i32
      %lt3A_109 = arith.cmpi slt, %add3A_107, %lt3A_108 : i32
      %convert_element_type3A_110 = arith.extui %lt3A_109 : i1 to i32
      %cond3A_111 = arith.constant 0 : i32
      %cond3A_112 = arith.cmpi ne, %convert_element_type3A_110, %cond3A_111 : i32
      scf.if %cond3A_112 {
        %dma_wait3A = arith.constant 1 : i32
        %dma_wait3A_137 = arith.constant 0 : i32
        %dma_wait3A_138 = tpu.memref_slice %arg9[%dma_wait3A, %dma_wait3A_137] : memref<2x64xi32, #tpu.memory_space<vmem>> -> memref<1x64xi32, #tpu.memory_space<vmem>>
        %dma_wait3A_139 = tpu.memref_squeeze %dma_wait3A_138 : memref<1x64xi32, #tpu.memory_space<vmem>> -> memref<64xi32, #tpu.memory_space<vmem>>
        %dma_wait3A_140 = arith.constant 0 : i32
        %dma_wait3A_141 = tpu.memref_slice %arg4[%dma_wait3A_140] : memref<320000xi32, #tpu.memory_space<hbm>> -> memref<64xi32, #tpu.memory_space<hbm>>
        %dma_wait3A_142 = arith.constant 0 : i32
        %dma_wait3A_143 = tpu.memref_slice %arg9[%dma_wait3A, %dma_wait3A_142] : memref<2x64xi32, #tpu.memory_space<vmem>> -> memref<1x64xi32, #tpu.memory_space<vmem>>
        %dma_wait3A_144 = tpu.memref_squeeze %dma_wait3A_143 : memref<1x64xi32, #tpu.memory_space<vmem>> -> memref<64xi32, #tpu.memory_space<vmem>>
        %dma_wait3A_145 = arith.constant 0 : i32
        %dma_wait3A_146 = tpu.memref_slice %arg4[%dma_wait3A_145] : memref<320000xi32, #tpu.memory_space<hbm>> -> memref<64xi32, #tpu.memory_space<hbm>>
        tpu.wait_dma2 semaphore(%arg17 : memref<!tpu.dma_semaphore, #tpu.memory_space<semaphore_mem>>) src(%dma_wait3A_146 : memref<64xi32, #tpu.memory_space<hbm>>) dst(%dma_wait3A_144 : memref<64xi32, #tpu.memory_space<vmem>>)
        %dma_wait3A_147 = arith.constant 1 : i32
        %dma_wait3A_148 = arith.constant 0 : i32
        %dma_wait3A_149 = tpu.memref_slice %arg10[%dma_wait3A_147, %dma_wait3A_148] : memref<2x64xi32, #tpu.memory_space<vmem>> -> memref<1x64xi32, #tpu.memory_space<vmem>>
        %dma_wait3A_150 = tpu.memref_squeeze %dma_wait3A_149 : memref<1x64xi32, #tpu.memory_space<vmem>> -> memref<64xi32, #tpu.memory_space<vmem>>
        %dma_wait3A_151 = arith.constant 0 : i32
        %dma_wait3A_152 = tpu.memref_slice %arg5[%dma_wait3A_151] : memref<320000xi32, #tpu.memory_space<hbm>> -> memref<64xi32, #tpu.memory_space<hbm>>
        %dma_wait3A_153 = arith.constant 0 : i32
        %dma_wait3A_154 = tpu.memref_slice %arg10[%dma_wait3A_147, %dma_wait3A_153] : memref<2x64xi32, #tpu.memory_space<vmem>> -> memref<1x64xi32, #tpu.memory_space<vmem>>
        %dma_wait3A_155 = tpu.memref_squeeze %dma_wait3A_154 : memref<1x64xi32, #tpu.memory_space<vmem>> -> memref<64xi32, #tpu.memory_space<vmem>>
        %dma_wait3A_156 = arith.constant 0 : i32
        %dma_wait3A_157 = tpu.memref_slice %arg5[%dma_wait3A_156] : memref<320000xi32, #tpu.memory_space<hbm>> -> memref<64xi32, #tpu.memory_space<hbm>>
        tpu.wait_dma2 semaphore(%arg17 : memref<!tpu.dma_semaphore, #tpu.memory_space<semaphore_mem>>) src(%dma_wait3A_157 : memref<64xi32, #tpu.memory_space<hbm>>) dst(%dma_wait3A_155 : memref<64xi32, #tpu.memory_space<vmem>>)
        %ge3A_158 = arith.constant 2 : i32
        %ge3A_159 = arith.cmpi sge, %add3A_104, %ge3A_158 : i32
        %convert_element_type3A_160 = arith.extui %ge3A_159 : i1 to i32
        %cond3A_161 = arith.constant 0 : i32
        %cond3A_162 = arith.cmpi ne, %convert_element_type3A_160, %cond3A_161 : i32
        scf.if %cond3A_162 {
          %dma_wait3A_186 = arith.constant 1 : i32
          %dma_wait3A_187 = arith.constant 0 : i32
          %dma_wait3A_188 = arith.constant 0 : i32
          %dma_wait3A_189 = tpu.memref_slice %arg11[%dma_wait3A_186, %dma_wait3A_187, %dma_wait3A_188] : memref<2x64x128xi32, #tpu.memory_space<vmem>> -> memref<1x64x128xi32, #tpu.memory_space<vmem>>
          %dma_wait3A_190 = tpu.memref_squeeze %dma_wait3A_189 : memref<1x64x128xi32, #tpu.memory_space<vmem>> -> memref<64x128xi32, #tpu.memory_space<vmem>>
          %dma_wait3A_191 = arith.constant 0 : i32
          %dma_wait3A_192 = arith.constant 0 : i32
          %dma_wait3A_193 = tpu.memref_slice %arg6[%dma_wait3A_191, %dma_wait3A_192] : memref<160000x128xi32, #tpu.memory_space<hbm>> -> memref<64x128xi32, #tpu.memory_space<hbm>>
          %dma_wait3A_194 = arith.constant 0 : i32
          %dma_wait3A_195 = arith.constant 0 : i32
          %dma_wait3A_196 = tpu.memref_slice %arg6[%dma_wait3A_194, %dma_wait3A_195] : memref<160000x128xi32, #tpu.memory_space<hbm>> -> memref<64x128xi32, #tpu.memory_space<hbm>>
          %dma_wait3A_197 = arith.constant 0 : i32
          %dma_wait3A_198 = arith.constant 0 : i32
          %dma_wait3A_199 = tpu.memref_slice %arg11[%dma_wait3A_186, %dma_wait3A_197, %dma_wait3A_198] : memref<2x64x128xi32, #tpu.memory_space<vmem>> -> memref<1x64x128xi32, #tpu.memory_space<vmem>>
          %dma_wait3A_200 = tpu.memref_squeeze %dma_wait3A_199 : memref<1x64x128xi32, #tpu.memory_space<vmem>> -> memref<64x128xi32, #tpu.memory_space<vmem>>
          tpu.wait_dma2 semaphore(%arg21 : memref<!tpu.dma_semaphore, #tpu.memory_space<semaphore_mem>>) src(%dma_wait3A_200 : memref<64x128xi32, #tpu.memory_space<vmem>>) dst(%dma_wait3A_196 : memref<64x128xi32, #tpu.memory_space<hbm>>)
          %dma_wait3A_201 = arith.constant 1 : i32
          %dma_wait3A_202 = arith.constant 0 : i32
          %dma_wait3A_203 = arith.constant 0 : i32
          %dma_wait3A_204 = tpu.memref_slice %arg12[%dma_wait3A_201, %dma_wait3A_202, %dma_wait3A_203] : memref<2x64x128xf32, #tpu.memory_space<vmem>> -> memref<1x64x128xf32, #tpu.memory_space<vmem>>
          %dma_wait3A_205 = tpu.memref_squeeze %dma_wait3A_204 : memref<1x64x128xf32, #tpu.memory_space<vmem>> -> memref<64x128xf32, #tpu.memory_space<vmem>>
          %dma_wait3A_206 = arith.constant 0 : i32
          %dma_wait3A_207 = arith.constant 0 : i32
          %dma_wait3A_208 = tpu.memref_slice %arg7[%dma_wait3A_206, %dma_wait3A_207] : memref<160000x128xf32, #tpu.memory_space<hbm>> -> memref<64x128xf32, #tpu.memory_space<hbm>>
          %dma_wait3A_209 = arith.constant 0 : i32
          %dma_wait3A_210 = arith.constant 0 : i32
          %dma_wait3A_211 = tpu.memref_slice %arg7[%dma_wait3A_209, %dma_wait3A_210] : memref<160000x128xf32, #tpu.memory_space<hbm>> -> memref<64x128xf32, #tpu.memory_space<hbm>>
          %dma_wait3A_212 = arith.constant 0 : i32
          %dma_wait3A_213 = arith.constant 0 : i32
          %dma_wait3A_214 = tpu.memref_slice %arg12[%dma_wait3A_201, %dma_wait3A_212, %dma_wait3A_213] : memref<2x64x128xf32, #tpu.memory_space<vmem>> -> memref<1x64x128xf32, #tpu.memory_space<vmem>>
          %dma_wait3A_215 = tpu.memref_squeeze %dma_wait3A_214 : memref<1x64x128xf32, #tpu.memory_space<vmem>> -> memref<64x128xf32, #tpu.memory_space<vmem>>
          tpu.wait_dma2 semaphore(%arg23 : memref<!tpu.dma_semaphore, #tpu.memory_space<semaphore_mem>>) src(%dma_wait3A_215 : memref<64x128xf32, #tpu.memory_space<vmem>>) dst(%dma_wait3A_211 : memref<64x128xf32, #tpu.memory_space<hbm>>)
        } else {
        }
        %dma_start3A = arith.constant 1 : i32
        %dma_start3A_163 = arith.constant 1 : i32
        %dma_start3A_164 = arith.constant 0 : i32
        %dma_start3A_165 = arith.constant 0 : i32
        %dma_start3A_166 = tpu.memref_slice %arg11[%dma_start3A_163, %dma_start3A_164, %dma_start3A_165] : memref<2x64x128xi32, #tpu.memory_space<vmem>> -> memref<1x64x128xi32, #tpu.memory_space<vmem>>
        %dma_start3A_167 = tpu.memref_squeeze %dma_start3A_166 : memref<1x64x128xi32, #tpu.memory_space<vmem>> -> memref<64x128xi32, #tpu.memory_space<vmem>>
        %dma_start3A_168 = arith.constant 0 : i32
        %dma_start3A_169 = tpu.memref_slice %arg9[%dma_start3A, %dma_start3A_168] : memref<2x64xi32, #tpu.memory_space<vmem>> -> memref<1x64xi32, #tpu.memory_space<vmem>>
        %dma_start3A_170 = tpu.memref_squeeze %dma_start3A_169 : memref<1x64xi32, #tpu.memory_space<vmem>> -> memref<64xi32, #tpu.memory_space<vmem>>
        %dma_start3A_171 = arith.constant 0 : i32
        %dma_start3A_172 = arith.constant 0 : i32
        %dma_start3A_173 = tpu.memref_slice %arg2[%dma_start3A_171, %dma_start3A_172] : memref<10000x128xi32, #tpu.memory_space<hbm>> -> memref<10000x128xi32, #tpu.memory_space<hbm>>
        tpu.enqueue_indirect_dma source(%dma_start3A_173 : memref<10000x128xi32, #tpu.memory_space<hbm>>) target(%dma_start3A_167 : memref<64x128xi32, #tpu.memory_space<vmem>>) offsets(%dma_start3A_170 : memref<64xi32, #tpu.memory_space<vmem>>) semaphore(%arg19 : memref<!tpu.dma_semaphore, #tpu.memory_space<semaphore_mem>>)
        %dma_start3A_174 = arith.constant 1 : i32
        %dma_start3A_175 = arith.constant 1 : i32
        %dma_start3A_176 = arith.constant 0 : i32
        %dma_start3A_177 = arith.constant 0 : i32
        %dma_start3A_178 = tpu.memref_slice %arg12[%dma_start3A_175, %dma_start3A_176, %dma_start3A_177] : memref<2x64x128xf32, #tpu.memory_space<vmem>> -> memref<1x64x128xf32, #tpu.memory_space<vmem>>
        %dma_start3A_179 = tpu.memref_squeeze %dma_start3A_178 : memref<1x64x128xf32, #tpu.memory_space<vmem>> -> memref<64x128xf32, #tpu.memory_space<vmem>>
        %dma_start3A_180 = arith.constant 0 : i32
        %dma_start3A_181 = tpu.memref_slice %arg10[%dma_start3A_174, %dma_start3A_180] : memref<2x64xi32, #tpu.memory_space<vmem>> -> memref<1x64xi32, #tpu.memory_space<vmem>>
        %dma_start3A_182 = tpu.memref_squeeze %dma_start3A_181 : memref<1x64xi32, #tpu.memory_space<vmem>> -> memref<64xi32, #tpu.memory_space<vmem>>
        %dma_start3A_183 = arith.constant 0 : i32
        %dma_start3A_184 = arith.constant 0 : i32
        %dma_start3A_185 = tpu.memref_slice %arg3[%dma_start3A_183, %dma_start3A_184] : memref<10000x128xf32, #tpu.memory_space<hbm>> -> memref<10000x128xf32, #tpu.memory_space<hbm>>
        tpu.enqueue_indirect_dma source(%dma_start3A_185 : memref<10000x128xf32, #tpu.memory_space<hbm>>) target(%dma_start3A_179 : memref<64x128xf32, #tpu.memory_space<vmem>>) offsets(%dma_start3A_182 : memref<64xi32, #tpu.memory_space<vmem>>) semaphore(%arg19 : memref<!tpu.dma_semaphore, #tpu.memory_space<semaphore_mem>>)
      } else {
      }
      %mul3A_113 = arith.constant 2 : i32
      %mul3A_114 = arith.muli %scan3A_88, %mul3A_113 : i32
      %add3A_115 = arith.constant 0 : i32
      %add3A_116 = arith.addi %mul3A_114, %add3A_115 : i32
      %mul3A_117 = arith.constant 32 : i32
      %mul3A_118 = arith.muli %add3A_116, %mul3A_117 : i32
      %add3A_119 = arith.addi %add3A, %mul3A_118 : i32
      %lt3A_120 = arith.constant 2500 : i32
      %lt3A_121 = arith.cmpi slt, %add3A_119, %lt3A_120 : i32
      %convert_element_type3A_122 = arith.extui %lt3A_121 : i1 to i32
      %cond3A_123 = arith.constant 0 : i32
      %cond3A_124 = arith.cmpi ne, %convert_element_type3A_122, %cond3A_123 : i32
      scf.if %cond3A_124 {
        %mul3A_137 = arith.constant 64 : i32
        %mul3A_138 = arith.muli %add3A_119, %mul3A_137 : i32
        %dma_wait3A = arith.constant 0 : i32
        %dma_wait3A_139 = arith.constant 0 : i32
        %dma_wait3A_140 = arith.constant 0 : i32
        %dma_wait3A_141 = arith.constant 0 : i32
        %dma_wait3A_142 = tpu.memref_slice %arg11[%dma_wait3A_139, %dma_wait3A_140, %dma_wait3A_141] : memref<2x64x128xi32, #tpu.memory_space<vmem>> -> memref<1x64x128xi32, #tpu.memory_space<vmem>>
        %dma_wait3A_143 = tpu.memref_squeeze %dma_wait3A_142 : memref<1x64x128xi32, #tpu.memory_space<vmem>> -> memref<64x128xi32, #tpu.memory_space<vmem>>
        %dma_wait3A_144 = arith.constant 0 : i32
        %dma_wait3A_145 = tpu.memref_slice %arg9[%dma_wait3A, %dma_wait3A_144] : memref<2x64xi32, #tpu.memory_space<vmem>> -> memref<1x64xi32, #tpu.memory_space<vmem>>
        %dma_wait3A_146 = tpu.memref_squeeze %dma_wait3A_145 : memref<1x64xi32, #tpu.memory_space<vmem>> -> memref<64xi32, #tpu.memory_space<vmem>>
        %dma_wait3A_147 = arith.constant 0 : i32
        %dma_wait3A_148 = arith.constant 0 : i32
        %dma_wait3A_149 = tpu.memref_slice %arg2[%dma_wait3A_147, %dma_wait3A_148] : memref<10000x128xi32, #tpu.memory_space<hbm>> -> memref<10000x128xi32, #tpu.memory_space<hbm>>
        tpu.wait_indirect_dma semaphore(%arg18 : memref<!tpu.dma_semaphore, #tpu.memory_space<semaphore_mem>>) src(%dma_wait3A_149 : memref<10000x128xi32, #tpu.memory_space<hbm>>) dst(%dma_wait3A_143 : memref<64x128xi32, #tpu.memory_space<vmem>>)
        %dma_wait3A_150 = arith.constant 0 : i32
        %dma_wait3A_151 = arith.constant 0 : i32
        %dma_wait3A_152 = arith.constant 0 : i32
        %dma_wait3A_153 = arith.constant 0 : i32
        %dma_wait3A_154 = tpu.memref_slice %arg12[%dma_wait3A_151, %dma_wait3A_152, %dma_wait3A_153] : memref<2x64x128xf32, #tpu.memory_space<vmem>> -> memref<1x64x128xf32, #tpu.memory_space<vmem>>
        %dma_wait3A_155 = tpu.memref_squeeze %dma_wait3A_154 : memref<1x64x128xf32, #tpu.memory_space<vmem>> -> memref<64x128xf32, #tpu.memory_space<vmem>>
        %dma_wait3A_156 = arith.constant 0 : i32
        %dma_wait3A_157 = tpu.memref_slice %arg10[%dma_wait3A_150, %dma_wait3A_156] : memref<2x64xi32, #tpu.memory_space<vmem>> -> memref<1x64xi32, #tpu.memory_space<vmem>>
        %dma_wait3A_158 = tpu.memref_squeeze %dma_wait3A_157 : memref<1x64xi32, #tpu.memory_space<vmem>> -> memref<64xi32, #tpu.memory_space<vmem>>
        %dma_wait3A_159 = arith.constant 0 : i32
        %dma_wait3A_160 = arith.constant 0 : i32
        %dma_wait3A_161 = tpu.memref_slice %arg3[%dma_wait3A_159, %dma_wait3A_160] : memref<10000x128xf32, #tpu.memory_space<hbm>> -> memref<10000x128xf32, #tpu.memory_space<hbm>>
        tpu.wait_indirect_dma semaphore(%arg18 : memref<!tpu.dma_semaphore, #tpu.memory_space<semaphore_mem>>) src(%dma_wait3A_161 : memref<10000x128xf32, #tpu.memory_space<hbm>>) dst(%dma_wait3A_155 : memref<64x128xf32, #tpu.memory_space<vmem>>)
        %dma_start3A = arith.constant 0 : i32
        %dma_start3A_162 = arith.constant 0 : i32
        %dma_start3A_163 = arith.constant 0 : i32
        %dma_start3A_164 = tpu.memref_slice %arg11[%dma_start3A, %dma_start3A_162, %dma_start3A_163] : memref<2x64x128xi32, #tpu.memory_space<vmem>> -> memref<1x64x128xi32, #tpu.memory_space<vmem>>
        %dma_start3A_165 = tpu.memref_squeeze %dma_start3A_164 : memref<1x64x128xi32, #tpu.memory_space<vmem>> -> memref<64x128xi32, #tpu.memory_space<vmem>>
        %dma_start3A_166 = arith.constant 0 : i32
        %dma_start3A_167 = tpu.memref_slice %arg6[%mul3A_138, %dma_start3A_166] : memref<160000x128xi32, #tpu.memory_space<hbm>> -> memref<64x128xi32, #tpu.memory_space<hbm>>
        %dma_start3A_168 = arith.constant 0 : i32
        %dma_start3A_169 = tpu.memref_slice %arg6[%mul3A_138, %dma_start3A_168] : memref<160000x128xi32, #tpu.memory_space<hbm>> -> memref<64x128xi32, #tpu.memory_space<hbm>>
        %dma_start3A_170 = arith.constant 0 : i32
        %dma_start3A_171 = arith.constant 0 : i32
        %dma_start3A_172 = tpu.memref_slice %arg11[%dma_start3A, %dma_start3A_170, %dma_start3A_171] : memref<2x64x128xi32, #tpu.memory_space<vmem>> -> memref<1x64x128xi32, #tpu.memory_space<vmem>>
        %dma_start3A_173 = tpu.memref_squeeze %dma_start3A_172 : memref<1x64x128xi32, #tpu.memory_space<vmem>> -> memref<64x128xi32, #tpu.memory_space<vmem>>
        tpu.enqueue_dma source(%dma_start3A_173 : memref<64x128xi32, #tpu.memory_space<vmem>>) target(%dma_start3A_169 : memref<64x128xi32, #tpu.memory_space<hbm>>) target_semaphore(%arg20 : memref<!tpu.dma_semaphore, #tpu.memory_space<semaphore_mem>>)
        %dma_start3A_174 = arith.constant 0 : i32
        %dma_start3A_175 = arith.constant 0 : i32
        %dma_start3A_176 = arith.constant 0 : i32
        %dma_start3A_177 = tpu.memref_slice %arg12[%dma_start3A_174, %dma_start3A_175, %dma_start3A_176] : memref<2x64x128xf32, #tpu.memory_space<vmem>> -> memref<1x64x128xf32, #tpu.memory_space<vmem>>
        %dma_start3A_178 = tpu.memref_squeeze %dma_start3A_177 : memref<1x64x128xf32, #tpu.memory_space<vmem>> -> memref<64x128xf32, #tpu.memory_space<vmem>>
        %dma_start3A_179 = arith.constant 0 : i32
        %dma_start3A_180 = tpu.memref_slice %arg7[%mul3A_138, %dma_start3A_179] : memref<160000x128xf32, #tpu.memory_space<hbm>> -> memref<64x128xf32, #tpu.memory_space<hbm>>
        %dma_start3A_181 = arith.constant 0 : i32
        %dma_start3A_182 = tpu.memref_slice %arg7[%mul3A_138, %dma_start3A_181] : memref<160000x128xf32, #tpu.memory_space<hbm>> -> memref<64x128xf32, #tpu.memory_space<hbm>>
        %dma_start3A_183 = arith.constant 0 : i32
        %dma_start3A_184 = arith.constant 0 : i32
        %dma_start3A_185 = tpu.memref_slice %arg12[%dma_start3A_174, %dma_start3A_183, %dma_start3A_184] : memref<2x64x128xf32, #tpu.memory_space<vmem>> -> memref<1x64x128xf32, #tpu.memory_space<vmem>>
        %dma_start3A_186 = tpu.memref_squeeze %dma_start3A_185 : memref<1x64x128xf32, #tpu.memory_space<vmem>> -> memref<64x128xf32, #tpu.memory_space<vmem>>
        tpu.enqueue_dma source(%dma_start3A_186 : memref<64x128xf32, #tpu.memory_space<vmem>>) target(%dma_start3A_182 : memref<64x128xf32, #tpu.memory_space<hbm>>) target_semaphore(%arg22 : memref<!tpu.dma_semaphore, #tpu.memory_space<semaphore_mem>>)
        %run_scoped3A = arith.constant 0 : i32
        "tpu.region"() ({
          %run_scoped3A_197 = tpu.sem_alloc : memref<!tpu.dma_semaphore, #tpu.memory_space<semaphore_mem>>
          %dma_start3A_198 = arith.constant 0 : i32
          %dma_start3A_199 = tpu.memref_slice %arg10[%run_scoped3A, %dma_start3A_198] : memref<2x64xi32, #tpu.memory_space<vmem>> -> memref<1x64xi32, #tpu.memory_space<vmem>>
          %dma_start3A_200 = tpu.memref_squeeze %dma_start3A_199 : memref<1x64xi32, #tpu.memory_space<vmem>> -> memref<64xi32, #tpu.memory_space<vmem>>
          %dma_start3A_201 = arith.constant 0 : i32
          %dma_start3A_202 = arith.constant 0 : i32
          %dma_start3A_203 = tpu.memref_slice %arg15[%dma_start3A_201, %dma_start3A_202] : memref<10000x128xf32, #tpu.memory_space<vmem_shared>> -> memref<10000x128xf32, #tpu.memory_space<vmem_shared>>
          tpu.enqueue_indirect_dma source(%arg13 : memref<64x128xf32, #tpu.memory_space<vmem>>) target(%dma_start3A_203 : memref<10000x128xf32, #tpu.memory_space<vmem_shared>>) offsets(%dma_start3A_200 : memref<64xi32, #tpu.memory_space<vmem>>) semaphore(%run_scoped3A_197 : memref<!tpu.dma_semaphore, #tpu.memory_space<semaphore_mem>>) {add = true}
          %dma_wait3A_204 = arith.constant 0 : i32
          %dma_wait3A_205 = tpu.memref_slice %arg10[%run_scoped3A, %dma_wait3A_204] : memref<2x64xi32, #tpu.memory_space<vmem>> -> memref<1x64xi32, #tpu.memory_space<vmem>>
          %dma_wait3A_206 = tpu.memref_squeeze %dma_wait3A_205 : memref<1x64xi32, #tpu.memory_space<vmem>> -> memref<64xi32, #tpu.memory_space<vmem>>
          %dma_wait3A_207 = arith.constant 0 : i32
          %dma_wait3A_208 = arith.constant 0 : i32
          %dma_wait3A_209 = tpu.memref_slice %arg15[%dma_wait3A_207, %dma_wait3A_208] : memref<10000x128xf32, #tpu.memory_space<vmem_shared>> -> memref<10000x128xf32, #tpu.memory_space<vmem_shared>>
          tpu.wait_indirect_dma semaphore(%run_scoped3A_197 : memref<!tpu.dma_semaphore, #tpu.memory_space<semaphore_mem>>) src(%arg13 : memref<64x128xf32, #tpu.memory_space<vmem>>) dst(%dma_wait3A_209 : memref<10000x128xf32, #tpu.memory_space<vmem_shared>>)
          tpu.yield
        }) : () -> ()
        %add3A_187 = arith.constant 2 : i32
        %add3A_188 = arith.addi %add3A_116, %add3A_187 : i32
        %mul3A_189 = arith.constant 32 : i32
        %mul3A_190 = arith.muli %add3A_188, %mul3A_189 : i32
        %add3A_191 = arith.addi %add3A, %mul3A_190 : i32
        %lt3A_192 = arith.constant 2500 : i32
        %lt3A_193 = arith.cmpi slt, %add3A_191, %lt3A_192 : i32
        %convert_element_type3A_194 = arith.extui %lt3A_193 : i1 to i32
        %cond3A_195 = arith.constant 0 : i32
        %cond3A_196 = arith.cmpi ne, %convert_element_type3A_194, %cond3A_195 : i32
        scf.if %cond3A_196 {
          %add3A_197 = arith.constant 2 : i32
          %add3A_198 = arith.addi %add3A_116, %add3A_197 : i32
          %mul3A_199 = arith.constant 32 : i32
          %mul3A_200 = arith.muli %add3A_198, %mul3A_199 : i32
          %add3A_201 = arith.addi %add3A, %mul3A_200 : i32
          %mul3A_202 = arith.constant 64 : i32
          %mul3A_203 = arith.muli %add3A_201, %mul3A_202 : i32
          %add3A_204 = arith.constant 0 : i32
          %add3A_205 = arith.addi %add3A_204, %mul3A_203 : i32
          %dma_start3A_206 = arith.constant 0 : i32
          %dma_start3A_207 = arith.constant 0 : i32
          %dma_start3A_208 = tpu.memref_slice %arg9[%dma_start3A_206, %dma_start3A_207] : memref<2x64xi32, #tpu.memory_space<vmem>> -> memref<1x64xi32, #tpu.memory_space<vmem>>
          %dma_start3A_209 = tpu.memref_squeeze %dma_start3A_208 : memref<1x64xi32, #tpu.memory_space<vmem>> -> memref<64xi32, #tpu.memory_space<vmem>>
          %dma_start3A_210 = tpu.memref_slice %arg4[%add3A_205] : memref<320000xi32, #tpu.memory_space<hbm>> -> memref<64xi32, #tpu.memory_space<hbm>>
          %dma_start3A_211 = arith.constant 0 : i32
          %dma_start3A_212 = tpu.memref_slice %arg9[%dma_start3A_206, %dma_start3A_211] : memref<2x64xi32, #tpu.memory_space<vmem>> -> memref<1x64xi32, #tpu.memory_space<vmem>>
          %dma_start3A_213 = tpu.memref_squeeze %dma_start3A_212 : memref<1x64xi32, #tpu.memory_space<vmem>> -> memref<64xi32, #tpu.memory_space<vmem>>
          %dma_start3A_214 = tpu.memref_slice %arg4[%add3A_205] : memref<320000xi32, #tpu.memory_space<hbm>> -> memref<64xi32, #tpu.memory_space<hbm>>
          tpu.enqueue_dma source(%dma_start3A_214 : memref<64xi32, #tpu.memory_space<hbm>>) target(%dma_start3A_213 : memref<64xi32, #tpu.memory_space<vmem>>) target_semaphore(%arg16 : memref<!tpu.dma_semaphore, #tpu.memory_space<semaphore_mem>>)
          %dma_start3A_215 = arith.constant 0 : i32
          %dma_start3A_216 = arith.constant 0 : i32
          %dma_start3A_217 = tpu.memref_slice %arg10[%dma_start3A_215, %dma_start3A_216] : memref<2x64xi32, #tpu.memory_space<vmem>> -> memref<1x64xi32, #tpu.memory_space<vmem>>
          %dma_start3A_218 = tpu.memref_squeeze %dma_start3A_217 : memref<1x64xi32, #tpu.memory_space<vmem>> -> memref<64xi32, #tpu.memory_space<vmem>>
          %dma_start3A_219 = tpu.memref_slice %arg5[%add3A_205] : memref<320000xi32, #tpu.memory_space<hbm>> -> memref<64xi32, #tpu.memory_space<hbm>>
          %dma_start3A_220 = arith.constant 0 : i32
          %dma_start3A_221 = tpu.memref_slice %arg10[%dma_start3A_215, %dma_start3A_220] : memref<2x64xi32, #tpu.memory_space<vmem>> -> memref<1x64xi32, #tpu.memory_space<vmem>>
          %dma_start3A_222 = tpu.memref_squeeze %dma_start3A_221 : memref<1x64xi32, #tpu.memory_space<vmem>> -> memref<64xi32, #tpu.memory_space<vmem>>
          %dma_start3A_223 = tpu.memref_slice %arg5[%add3A_205] : memref<320000xi32, #tpu.memory_space<hbm>> -> memref<64xi32, #tpu.memory_space<hbm>>
          tpu.enqueue_dma source(%dma_start3A_223 : memref<64xi32, #tpu.memory_space<hbm>>) target(%dma_start3A_222 : memref<64xi32, #tpu.memory_space<vmem>>) target_semaphore(%arg16 : memref<!tpu.dma_semaphore, #tpu.memory_space<semaphore_mem>>)
        } else {
        }
      } else {
      }
      %mul3A_125 = arith.constant 2 : i32
      %mul3A_126 = arith.muli %scan3A_88, %mul3A_125 : i32
      %add3A_127 = arith.constant 1 : i32
      %add3A_128 = arith.addi %mul3A_126, %add3A_127 : i32
      %mul3A_129 = arith.constant 32 : i32
      %mul3A_130 = arith.muli %add3A_128, %mul3A_129 : i32
      %add3A_131 = arith.addi %add3A, %mul3A_130 : i32
      %lt3A_132 = arith.constant 2500 : i32
      %lt3A_133 = arith.cmpi slt, %add3A_131, %lt3A_132 : i32
      %convert_element_type3A_134 = arith.extui %lt3A_133 : i1 to i32
      %cond3A_135 = arith.constant 0 : i32
      %cond3A_136 = arith.cmpi ne, %convert_element_type3A_134, %cond3A_135 : i32
      scf.if %cond3A_136 {
        %mul3A_137 = arith.constant 64 : i32
        %mul3A_138 = arith.muli %add3A_131, %mul3A_137 : i32
        %dma_wait3A = arith.constant 1 : i32
        %dma_wait3A_139 = arith.constant 1 : i32
        %dma_wait3A_140 = arith.constant 0 : i32
        %dma_wait3A_141 = arith.constant 0 : i32
        %dma_wait3A_142 = tpu.memref_slice %arg11[%dma_wait3A_139, %dma_wait3A_140, %dma_wait3A_141] : memref<2x64x128xi32, #tpu.memory_space<vmem>> -> memref<1x64x128xi32, #tpu.memory_space<vmem>>
        %dma_wait3A_143 = tpu.memref_squeeze %dma_wait3A_142 : memref<1x64x128xi32, #tpu.memory_space<vmem>> -> memref<64x128xi32, #tpu.memory_space<vmem>>
        %dma_wait3A_144 = arith.constant 0 : i32
        %dma_wait3A_145 = tpu.memref_slice %arg9[%dma_wait3A, %dma_wait3A_144] : memref<2x64xi32, #tpu.memory_space<vmem>> -> memref<1x64xi32, #tpu.memory_space<vmem>>
        %dma_wait3A_146 = tpu.memref_squeeze %dma_wait3A_145 : memref<1x64xi32, #tpu.memory_space<vmem>> -> memref<64xi32, #tpu.memory_space<vmem>>
        %dma_wait3A_147 = arith.constant 0 : i32
        %dma_wait3A_148 = arith.constant 0 : i32
        %dma_wait3A_149 = tpu.memref_slice %arg2[%dma_wait3A_147, %dma_wait3A_148] : memref<10000x128xi32, #tpu.memory_space<hbm>> -> memref<10000x128xi32, #tpu.memory_space<hbm>>
        tpu.wait_indirect_dma semaphore(%arg19 : memref<!tpu.dma_semaphore, #tpu.memory_space<semaphore_mem>>) src(%dma_wait3A_149 : memref<10000x128xi32, #tpu.memory_space<hbm>>) dst(%dma_wait3A_143 : memref<64x128xi32, #tpu.memory_space<vmem>>)
        %dma_wait3A_150 = arith.constant 1 : i32
        %dma_wait3A_151 = arith.constant 1 : i32
        %dma_wait3A_152 = arith.constant 0 : i32
        %dma_wait3A_153 = arith.constant 0 : i32
        %dma_wait3A_154 = tpu.memref_slice %arg12[%dma_wait3A_151, %dma_wait3A_152, %dma_wait3A_153] : memref<2x64x128xf32, #tpu.memory_space<vmem>> -> memref<1x64x128xf32, #tpu.memory_space<vmem>>
        %dma_wait3A_155 = tpu.memref_squeeze %dma_wait3A_154 : memref<1x64x128xf32, #tpu.memory_space<vmem>> -> memref<64x128xf32, #tpu.memory_space<vmem>>
        %dma_wait3A_156 = arith.constant 0 : i32
        %dma_wait3A_157 = tpu.memref_slice %arg10[%dma_wait3A_150, %dma_wait3A_156] : memref<2x64xi32, #tpu.memory_space<vmem>> -> memref<1x64xi32, #tpu.memory_space<vmem>>
        %dma_wait3A_158 = tpu.memref_squeeze %dma_wait3A_157 : memref<1x64xi32, #tpu.memory_space<vmem>> -> memref<64xi32, #tpu.memory_space<vmem>>
        %dma_wait3A_159 = arith.constant 0 : i32
        %dma_wait3A_160 = arith.constant 0 : i32
        %dma_wait3A_161 = tpu.memref_slice %arg3[%dma_wait3A_159, %dma_wait3A_160] : memref<10000x128xf32, #tpu.memory_space<hbm>> -> memref<10000x128xf32, #tpu.memory_space<hbm>>
        tpu.wait_indirect_dma semaphore(%arg19 : memref<!tpu.dma_semaphore, #tpu.memory_space<semaphore_mem>>) src(%dma_wait3A_161 : memref<10000x128xf32, #tpu.memory_space<hbm>>) dst(%dma_wait3A_155 : memref<64x128xf32, #tpu.memory_space<vmem>>)
        %dma_start3A = arith.constant 1 : i32
        %dma_start3A_162 = arith.constant 0 : i32
        %dma_start3A_163 = arith.constant 0 : i32
        %dma_start3A_164 = tpu.memref_slice %arg11[%dma_start3A, %dma_start3A_162, %dma_start3A_163] : memref<2x64x128xi32, #tpu.memory_space<vmem>> -> memref<1x64x128xi32, #tpu.memory_space<vmem>>
        %dma_start3A_165 = tpu.memref_squeeze %dma_start3A_164 : memref<1x64x128xi32, #tpu.memory_space<vmem>> -> memref<64x128xi32, #tpu.memory_space<vmem>>
        %dma_start3A_166 = arith.constant 0 : i32
        %dma_start3A_167 = tpu.memref_slice %arg6[%mul3A_138, %dma_start3A_166] : memref<160000x128xi32, #tpu.memory_space<hbm>> -> memref<64x128xi32, #tpu.memory_space<hbm>>
        %dma_start3A_168 = arith.constant 0 : i32
        %dma_start3A_169 = tpu.memref_slice %arg6[%mul3A_138, %dma_start3A_168] : memref<160000x128xi32, #tpu.memory_space<hbm>> -> memref<64x128xi32, #tpu.memory_space<hbm>>
        %dma_start3A_170 = arith.constant 0 : i32
        %dma_start3A_171 = arith.constant 0 : i32
        %dma_start3A_172 = tpu.memref_slice %arg11[%dma_start3A, %dma_start3A_170, %dma_start3A_171] : memref<2x64x128xi32, #tpu.memory_space<vmem>> -> memref<1x64x128xi32, #tpu.memory_space<vmem>>
        %dma_start3A_173 = tpu.memref_squeeze %dma_start3A_172 : memref<1x64x128xi32, #tpu.memory_space<vmem>> -> memref<64x128xi32, #tpu.memory_space<vmem>>
        tpu.enqueue_dma source(%dma_start3A_173 : memref<64x128xi32, #tpu.memory_space<vmem>>) target(%dma_start3A_169 : memref<64x128xi32, #tpu.memory_space<hbm>>) target_semaphore(%arg21 : memref<!tpu.dma_semaphore, #tpu.memory_space<semaphore_mem>>)
        %dma_start3A_174 = arith.constant 1 : i32
        %dma_start3A_175 = arith.constant 0 : i32
        %dma_start3A_176 = arith.constant 0 : i32
        %dma_start3A_177 = tpu.memref_slice %arg12[%dma_start3A_174, %dma_start3A_175, %dma_start3A_176] : memref<2x64x128xf32, #tpu.memory_space<vmem>> -> memref<1x64x128xf32, #tpu.memory_space<vmem>>
        %dma_start3A_178 = tpu.memref_squeeze %dma_start3A_177 : memref<1x64x128xf32, #tpu.memory_space<vmem>> -> memref<64x128xf32, #tpu.memory_space<vmem>>
        %dma_start3A_179 = arith.constant 0 : i32
        %dma_start3A_180 = tpu.memref_slice %arg7[%mul3A_138, %dma_start3A_179] : memref<160000x128xf32, #tpu.memory_space<hbm>> -> memref<64x128xf32, #tpu.memory_space<hbm>>
        %dma_start3A_181 = arith.constant 0 : i32
        %dma_start3A_182 = tpu.memref_slice %arg7[%mul3A_138, %dma_start3A_181] : memref<160000x128xf32, #tpu.memory_space<hbm>> -> memref<64x128xf32, #tpu.memory_space<hbm>>
        %dma_start3A_183 = arith.constant 0 : i32
        %dma_start3A_184 = arith.constant 0 : i32
        %dma_start3A_185 = tpu.memref_slice %arg12[%dma_start3A_174, %dma_start3A_183, %dma_start3A_184] : memref<2x64x128xf32, #tpu.memory_space<vmem>> -> memref<1x64x128xf32, #tpu.memory_space<vmem>>
        %dma_start3A_186 = tpu.memref_squeeze %dma_start3A_185 : memref<1x64x128xf32, #tpu.memory_space<vmem>> -> memref<64x128xf32, #tpu.memory_space<vmem>>
        tpu.enqueue_dma source(%dma_start3A_186 : memref<64x128xf32, #tpu.memory_space<vmem>>) target(%dma_start3A_182 : memref<64x128xf32, #tpu.memory_space<hbm>>) target_semaphore(%arg23 : memref<!tpu.dma_semaphore, #tpu.memory_space<semaphore_mem>>)
        %run_scoped3A = arith.constant 1 : i32
        "tpu.region"() ({
          %run_scoped3A_197 = tpu.sem_alloc : memref<!tpu.dma_semaphore, #tpu.memory_space<semaphore_mem>>
          %dma_start3A_198 = arith.constant 0 : i32
          %dma_start3A_199 = tpu.memref_slice %arg10[%run_scoped3A, %dma_start3A_198] : memref<2x64xi32, #tpu.memory_space<vmem>> -> memref<1x64xi32, #tpu.memory_space<vmem>>
          %dma_start3A_200 = tpu.memref_squeeze %dma_start3A_199 : memref<1x64xi32, #tpu.memory_space<vmem>> -> memref<64xi32, #tpu.memory_space<vmem>>
          %dma_start3A_201 = arith.constant 0 : i32
          %dma_start3A_202 = arith.constant 0 : i32
          %dma_start3A_203 = tpu.memref_slice %arg15[%dma_start3A_201, %dma_start3A_202] : memref<10000x128xf32, #tpu.memory_space<vmem_shared>> -> memref<10000x128xf32, #tpu.memory_space<vmem_shared>>
          tpu.enqueue_indirect_dma source(%arg13 : memref<64x128xf32, #tpu.memory_space<vmem>>) target(%dma_start3A_203 : memref<10000x128xf32, #tpu.memory_space<vmem_shared>>) offsets(%dma_start3A_200 : memref<64xi32, #tpu.memory_space<vmem>>) semaphore(%run_scoped3A_197 : memref<!tpu.dma_semaphore, #tpu.memory_space<semaphore_mem>>) {add = true}
          %dma_wait3A_204 = arith.constant 0 : i32
          %dma_wait3A_205 = tpu.memref_slice %arg10[%run_scoped3A, %dma_wait3A_204] : memref<2x64xi32, #tpu.memory_space<vmem>> -> memref<1x64xi32, #tpu.memory_space<vmem>>
          %dma_wait3A_206 = tpu.memref_squeeze %dma_wait3A_205 : memref<1x64xi32, #tpu.memory_space<vmem>> -> memref<64xi32, #tpu.memory_space<vmem>>
          %dma_wait3A_207 = arith.constant 0 : i32
          %dma_wait3A_208 = arith.constant 0 : i32
          %dma_wait3A_209 = tpu.memref_slice %arg15[%dma_wait3A_207, %dma_wait3A_208] : memref<10000x128xf32, #tpu.memory_space<vmem_shared>> -> memref<10000x128xf32, #tpu.memory_space<vmem_shared>>
          tpu.wait_indirect_dma semaphore(%run_scoped3A_197 : memref<!tpu.dma_semaphore, #tpu.memory_space<semaphore_mem>>) src(%arg13 : memref<64x128xf32, #tpu.memory_space<vmem>>) dst(%dma_wait3A_209 : memref<10000x128xf32, #tpu.memory_space<vmem_shared>>)
          tpu.yield
        }) : () -> ()
        %add3A_187 = arith.constant 2 : i32
        %add3A_188 = arith.addi %add3A_128, %add3A_187 : i32
        %mul3A_189 = arith.constant 32 : i32
        %mul3A_190 = arith.muli %add3A_188, %mul3A_189 : i32
        %add3A_191 = arith.addi %add3A, %mul3A_190 : i32
        %lt3A_192 = arith.constant 2500 : i32
        %lt3A_193 = arith.cmpi slt, %add3A_191, %lt3A_192 : i32
        %convert_element_type3A_194 = arith.extui %lt3A_193 : i1 to i32
        %cond3A_195 = arith.constant 0 : i32
        %cond3A_196 = arith.cmpi ne, %convert_element_type3A_194, %cond3A_195 : i32
        scf.if %cond3A_196 {
          %add3A_197 = arith.constant 2 : i32
          %add3A_198 = arith.addi %add3A_128, %add3A_197 : i32
          %mul3A_199 = arith.constant 32 : i32
          %mul3A_200 = arith.muli %add3A_198, %mul3A_199 : i32
          %add3A_201 = arith.addi %add3A, %mul3A_200 : i32
          %mul3A_202 = arith.constant 64 : i32
          %mul3A_203 = arith.muli %add3A_201, %mul3A_202 : i32
          %add3A_204 = arith.constant 0 : i32
          %add3A_205 = arith.addi %add3A_204, %mul3A_203 : i32
          %dma_start3A_206 = arith.constant 1 : i32
          %dma_start3A_207 = arith.constant 0 : i32
          %dma_start3A_208 = tpu.memref_slice %arg9[%dma_start3A_206, %dma_start3A_207] : memref<2x64xi32, #tpu.memory_space<vmem>> -> memref<1x64xi32, #tpu.memory_space<vmem>>
          %dma_start3A_209 = tpu.memref_squeeze %dma_start3A_208 : memref<1x64xi32, #tpu.memory_space<vmem>> -> memref<64xi32, #tpu.memory_space<vmem>>
          %dma_start3A_210 = tpu.memref_slice %arg4[%add3A_205] : memref<320000xi32, #tpu.memory_space<hbm>> -> memref<64xi32, #tpu.memory_space<hbm>>
          %dma_start3A_211 = arith.constant 0 : i32
          %dma_start3A_212 = tpu.memref_slice %arg9[%dma_start3A_206, %dma_start3A_211] : memref<2x64xi32, #tpu.memory_space<vmem>> -> memref<1x64xi32, #tpu.memory_space<vmem>>
          %dma_start3A_213 = tpu.memref_squeeze %dma_start3A_212 : memref<1x64xi32, #tpu.memory_space<vmem>> -> memref<64xi32, #tpu.memory_space<vmem>>
          %dma_start3A_214 = tpu.memref_slice %arg4[%add3A_205] : memref<320000xi32, #tpu.memory_space<hbm>> -> memref<64xi32, #tpu.memory_space<hbm>>
          tpu.enqueue_dma source(%dma_start3A_214 : memref<64xi32, #tpu.memory_space<hbm>>) target(%dma_start3A_213 : memref<64xi32, #tpu.memory_space<vmem>>) target_semaphore(%arg17 : memref<!tpu.dma_semaphore, #tpu.memory_space<semaphore_mem>>)
          %dma_start3A_215 = arith.constant 1 : i32
          %dma_start3A_216 = arith.constant 0 : i32
          %dma_start3A_217 = tpu.memref_slice %arg10[%dma_start3A_215, %dma_start3A_216] : memref<2x64xi32, #tpu.memory_space<vmem>> -> memref<1x64xi32, #tpu.memory_space<vmem>>
          %dma_start3A_218 = tpu.memref_squeeze %dma_start3A_217 : memref<1x64xi32, #tpu.memory_space<vmem>> -> memref<64xi32, #tpu.memory_space<vmem>>
          %dma_start3A_219 = tpu.memref_slice %arg5[%add3A_205] : memref<320000xi32, #tpu.memory_space<hbm>> -> memref<64xi32, #tpu.memory_space<hbm>>
          %dma_start3A_220 = arith.constant 0 : i32
          %dma_start3A_221 = tpu.memref_slice %arg10[%dma_start3A_215, %dma_start3A_220] : memref<2x64xi32, #tpu.memory_space<vmem>> -> memref<1x64xi32, #tpu.memory_space<vmem>>
          %dma_start3A_222 = tpu.memref_squeeze %dma_start3A_221 : memref<1x64xi32, #tpu.memory_space<vmem>> -> memref<64xi32, #tpu.memory_space<vmem>>
          %dma_start3A_223 = tpu.memref_slice %arg5[%add3A_205] : memref<320000xi32, #tpu.memory_space<hbm>> -> memref<64xi32, #tpu.memory_space<hbm>>
          tpu.enqueue_dma source(%dma_start3A_223 : memref<64xi32, #tpu.memory_space<hbm>>) target(%dma_start3A_222 : memref<64xi32, #tpu.memory_space<vmem>>) target_semaphore(%arg17 : memref<!tpu.dma_semaphore, #tpu.memory_space<semaphore_mem>>)
        } else {
        }
      } else {
      }
    }
    %scan3A_34 = arith.constant 40 : i32
    %add3A_35 = arith.constant 2400 : i32
    %add3A_36 = arith.addi %add3A, %add3A_35 : i32
    %lt3A_37 = arith.constant 2500 : i32
    %lt3A_38 = arith.cmpi slt, %add3A_36, %lt3A_37 : i32
    %add3A_39 = arith.constant 2464 : i32
    %add3A_40 = arith.addi %add3A, %add3A_39 : i32
    %ge3A = arith.constant 2500 : i32
    %ge3A_41 = arith.cmpi sge, %add3A_40, %ge3A : i32
    %and3A = arith.andi %lt3A_38, %ge3A_41 : i1
    %convert_element_type3A_42 = arith.extui %and3A : i1 to i32
    %cond3A_43 = arith.constant 0 : i32
    %cond3A_44 = arith.cmpi ne, %convert_element_type3A_42, %cond3A_43 : i32
    scf.if %cond3A_44 {
      %dma_wait3A = arith.constant 1 : i32
      %dma_wait3A_88 = arith.constant 0 : i32
      %dma_wait3A_89 = arith.constant 0 : i32
      %dma_wait3A_90 = tpu.memref_slice %arg11[%dma_wait3A, %dma_wait3A_88, %dma_wait3A_89] : memref<2x64x128xi32, #tpu.memory_space<vmem>> -> memref<1x64x128xi32, #tpu.memory_space<vmem>>
      %dma_wait3A_91 = tpu.memref_squeeze %dma_wait3A_90 : memref<1x64x128xi32, #tpu.memory_space<vmem>> -> memref<64x128xi32, #tpu.memory_space<vmem>>
      %dma_wait3A_92 = arith.constant 0 : i32
      %dma_wait3A_93 = arith.constant 0 : i32
      %dma_wait3A_94 = tpu.memref_slice %arg6[%dma_wait3A_92, %dma_wait3A_93] : memref<160000x128xi32, #tpu.memory_space<hbm>> -> memref<64x128xi32, #tpu.memory_space<hbm>>
      %dma_wait3A_95 = arith.constant 0 : i32
      %dma_wait3A_96 = arith.constant 0 : i32
      %dma_wait3A_97 = tpu.memref_slice %arg6[%dma_wait3A_95, %dma_wait3A_96] : memref<160000x128xi32, #tpu.memory_space<hbm>> -> memref<64x128xi32, #tpu.memory_space<hbm>>
      %dma_wait3A_98 = arith.constant 0 : i32
      %dma_wait3A_99 = arith.constant 0 : i32
      %dma_wait3A_100 = tpu.memref_slice %arg11[%dma_wait3A, %dma_wait3A_98, %dma_wait3A_99] : memref<2x64x128xi32, #tpu.memory_space<vmem>> -> memref<1x64x128xi32, #tpu.memory_space<vmem>>
      %dma_wait3A_101 = tpu.memref_squeeze %dma_wait3A_100 : memref<1x64x128xi32, #tpu.memory_space<vmem>> -> memref<64x128xi32, #tpu.memory_space<vmem>>
      tpu.wait_dma2 semaphore(%arg21 : memref<!tpu.dma_semaphore, #tpu.memory_space<semaphore_mem>>) src(%dma_wait3A_101 : memref<64x128xi32, #tpu.memory_space<vmem>>) dst(%dma_wait3A_97 : memref<64x128xi32, #tpu.memory_space<hbm>>)
      %dma_wait3A_102 = arith.constant 1 : i32
      %dma_wait3A_103 = arith.constant 0 : i32
      %dma_wait3A_104 = arith.constant 0 : i32
      %dma_wait3A_105 = tpu.memref_slice %arg12[%dma_wait3A_102, %dma_wait3A_103, %dma_wait3A_104] : memref<2x64x128xf32, #tpu.memory_space<vmem>> -> memref<1x64x128xf32, #tpu.memory_space<vmem>>
      %dma_wait3A_106 = tpu.memref_squeeze %dma_wait3A_105 : memref<1x64x128xf32, #tpu.memory_space<vmem>> -> memref<64x128xf32, #tpu.memory_space<vmem>>
      %dma_wait3A_107 = arith.constant 0 : i32
      %dma_wait3A_108 = arith.constant 0 : i32
      %dma_wait3A_109 = tpu.memref_slice %arg7[%dma_wait3A_107, %dma_wait3A_108] : memref<160000x128xf32, #tpu.memory_space<hbm>> -> memref<64x128xf32, #tpu.memory_space<hbm>>
      %dma_wait3A_110 = arith.constant 0 : i32
      %dma_wait3A_111 = arith.constant 0 : i32
      %dma_wait3A_112 = tpu.memref_slice %arg7[%dma_wait3A_110, %dma_wait3A_111] : memref<160000x128xf32, #tpu.memory_space<hbm>> -> memref<64x128xf32, #tpu.memory_space<hbm>>
      %dma_wait3A_113 = arith.constant 0 : i32
      %dma_wait3A_114 = arith.constant 0 : i32
      %dma_wait3A_115 = tpu.memref_slice %arg12[%dma_wait3A_102, %dma_wait3A_113, %dma_wait3A_114] : memref<2x64x128xf32, #tpu.memory_space<vmem>> -> memref<1x64x128xf32, #tpu.memory_space<vmem>>
      %dma_wait3A_116 = tpu.memref_squeeze %dma_wait3A_115 : memref<1x64x128xf32, #tpu.memory_space<vmem>> -> memref<64x128xf32, #tpu.memory_space<vmem>>
      tpu.wait_dma2 semaphore(%arg23 : memref<!tpu.dma_semaphore, #tpu.memory_space<semaphore_mem>>) src(%dma_wait3A_116 : memref<64x128xf32, #tpu.memory_space<vmem>>) dst(%dma_wait3A_112 : memref<64x128xf32, #tpu.memory_space<hbm>>)
    } else {
    }
    %add3A_45 = arith.constant 2432 : i32
    %add3A_46 = arith.addi %add3A, %add3A_45 : i32
    %lt3A_47 = arith.constant 2500 : i32
    %lt3A_48 = arith.cmpi slt, %add3A_46, %lt3A_47 : i32
    %add3A_49 = arith.constant 2496 : i32
    %add3A_50 = arith.addi %add3A, %add3A_49 : i32
    %ge3A_51 = arith.constant 2500 : i32
    %ge3A_52 = arith.cmpi sge, %add3A_50, %ge3A_51 : i32
    %and3A_53 = arith.andi %lt3A_48, %ge3A_52 : i1
    %convert_element_type3A_54 = arith.extui %and3A_53 : i1 to i32
    %cond3A_55 = arith.constant 0 : i32
    %cond3A_56 = arith.cmpi ne, %convert_element_type3A_54, %cond3A_55 : i32
    scf.if %cond3A_56 {
      %dma_wait3A = arith.constant 0 : i32
      %dma_wait3A_88 = arith.constant 0 : i32
      %dma_wait3A_89 = arith.constant 0 : i32
      %dma_wait3A_90 = tpu.memref_slice %arg11[%dma_wait3A, %dma_wait3A_88, %dma_wait3A_89] : memref<2x64x128xi32, #tpu.memory_space<vmem>> -> memref<1x64x128xi32, #tpu.memory_space<vmem>>
      %dma_wait3A_91 = tpu.memref_squeeze %dma_wait3A_90 : memref<1x64x128xi32, #tpu.memory_space<vmem>> -> memref<64x128xi32, #tpu.memory_space<vmem>>
      %dma_wait3A_92 = arith.constant 0 : i32
      %dma_wait3A_93 = arith.constant 0 : i32
      %dma_wait3A_94 = tpu.memref_slice %arg6[%dma_wait3A_92, %dma_wait3A_93] : memref<160000x128xi32, #tpu.memory_space<hbm>> -> memref<64x128xi32, #tpu.memory_space<hbm>>
      %dma_wait3A_95 = arith.constant 0 : i32
      %dma_wait3A_96 = arith.constant 0 : i32
      %dma_wait3A_97 = tpu.memref_slice %arg6[%dma_wait3A_95, %dma_wait3A_96] : memref<160000x128xi32, #tpu.memory_space<hbm>> -> memref<64x128xi32, #tpu.memory_space<hbm>>
      %dma_wait3A_98 = arith.constant 0 : i32
      %dma_wait3A_99 = arith.constant 0 : i32
      %dma_wait3A_100 = tpu.memref_slice %arg11[%dma_wait3A, %dma_wait3A_98, %dma_wait3A_99] : memref<2x64x128xi32, #tpu.memory_space<vmem>> -> memref<1x64x128xi32, #tpu.memory_space<vmem>>
      %dma_wait3A_101 = tpu.memref_squeeze %dma_wait3A_100 : memref<1x64x128xi32, #tpu.memory_space<vmem>> -> memref<64x128xi32, #tpu.memory_space<vmem>>
      tpu.wait_dma2 semaphore(%arg20 : memref<!tpu.dma_semaphore, #tpu.memory_space<semaphore_mem>>) src(%dma_wait3A_101 : memref<64x128xi32, #tpu.memory_space<vmem>>) dst(%dma_wait3A_97 : memref<64x128xi32, #tpu.memory_space<hbm>>)
      %dma_wait3A_102 = arith.constant 0 : i32
      %dma_wait3A_103 = arith.constant 0 : i32
      %dma_wait3A_104 = arith.constant 0 : i32
      %dma_wait3A_105 = tpu.memref_slice %arg12[%dma_wait3A_102, %dma_wait3A_103, %dma_wait3A_104] : memref<2x64x128xf32, #tpu.memory_space<vmem>> -> memref<1x64x128xf32, #tpu.memory_space<vmem>>
      %dma_wait3A_106 = tpu.memref_squeeze %dma_wait3A_105 : memref<1x64x128xf32, #tpu.memory_space<vmem>> -> memref<64x128xf32, #tpu.memory_space<vmem>>
      %dma_wait3A_107 = arith.constant 0 : i32
      %dma_wait3A_108 = arith.constant 0 : i32
      %dma_wait3A_109 = tpu.memref_slice %arg7[%dma_wait3A_107, %dma_wait3A_108] : memref<160000x128xf32, #tpu.memory_space<hbm>> -> memref<64x128xf32, #tpu.memory_space<hbm>>
      %dma_wait3A_110 = arith.constant 0 : i32
      %dma_wait3A_111 = arith.constant 0 : i32
      %dma_wait3A_112 = tpu.memref_slice %arg7[%dma_wait3A_110, %dma_wait3A_111] : memref<160000x128xf32, #tpu.memory_space<hbm>> -> memref<64x128xf32, #tpu.memory_space<hbm>>
      %dma_wait3A_113 = arith.constant 0 : i32
      %dma_wait3A_114 = arith.constant 0 : i32
      %dma_wait3A_115 = tpu.memref_slice %arg12[%dma_wait3A_102, %dma_wait3A_113, %dma_wait3A_114] : memref<2x64x128xf32, #tpu.memory_space<vmem>> -> memref<1x64x128xf32, #tpu.memory_space<vmem>>
      %dma_wait3A_116 = tpu.memref_squeeze %dma_wait3A_115 : memref<1x64x128xf32, #tpu.memory_space<vmem>> -> memref<64x128xf32, #tpu.memory_space<vmem>>
      tpu.wait_dma2 semaphore(%arg22 : memref<!tpu.dma_semaphore, #tpu.memory_space<semaphore_mem>>) src(%dma_wait3A_116 : memref<64x128xf32, #tpu.memory_space<vmem>>) dst(%dma_wait3A_112 : memref<64x128xf32, #tpu.memory_space<hbm>>)
    } else {
    }
    %add3A_57 = arith.constant 2464 : i32
    %add3A_58 = arith.addi %add3A, %add3A_57 : i32
    %lt3A_59 = arith.constant 2500 : i32
    %lt3A_60 = arith.cmpi slt, %add3A_58, %lt3A_59 : i32
    %add3A_61 = arith.constant 2528 : i32
    %add3A_62 = arith.addi %add3A, %add3A_61 : i32
    %ge3A_63 = arith.constant 2500 : i32
    %ge3A_64 = arith.cmpi sge, %add3A_62, %ge3A_63 : i32
    %and3A_65 = arith.andi %lt3A_60, %ge3A_64 : i1
    %convert_element_type3A_66 = arith.extui %and3A_65 : i1 to i32
    %cond3A_67 = arith.constant 0 : i32
    %cond3A_68 = arith.cmpi ne, %convert_element_type3A_66, %cond3A_67 : i32
    scf.if %cond3A_68 {
      %dma_wait3A = arith.constant 1 : i32
      %dma_wait3A_88 = arith.constant 0 : i32
      %dma_wait3A_89 = arith.constant 0 : i32
      %dma_wait3A_90 = tpu.memref_slice %arg11[%dma_wait3A, %dma_wait3A_88, %dma_wait3A_89] : memref<2x64x128xi32, #tpu.memory_space<vmem>> -> memref<1x64x128xi32, #tpu.memory_space<vmem>>
      %dma_wait3A_91 = tpu.memref_squeeze %dma_wait3A_90 : memref<1x64x128xi32, #tpu.memory_space<vmem>> -> memref<64x128xi32, #tpu.memory_space<vmem>>
      %dma_wait3A_92 = arith.constant 0 : i32
      %dma_wait3A_93 = arith.constant 0 : i32
      %dma_wait3A_94 = tpu.memref_slice %arg6[%dma_wait3A_92, %dma_wait3A_93] : memref<160000x128xi32, #tpu.memory_space<hbm>> -> memref<64x128xi32, #tpu.memory_space<hbm>>
      %dma_wait3A_95 = arith.constant 0 : i32
      %dma_wait3A_96 = arith.constant 0 : i32
      %dma_wait3A_97 = tpu.memref_slice %arg6[%dma_wait3A_95, %dma_wait3A_96] : memref<160000x128xi32, #tpu.memory_space<hbm>> -> memref<64x128xi32, #tpu.memory_space<hbm>>
      %dma_wait3A_98 = arith.constant 0 : i32
      %dma_wait3A_99 = arith.constant 0 : i32
      %dma_wait3A_100 = tpu.memref_slice %arg11[%dma_wait3A, %dma_wait3A_98, %dma_wait3A_99] : memref<2x64x128xi32, #tpu.memory_space<vmem>> -> memref<1x64x128xi32, #tpu.memory_space<vmem>>
      %dma_wait3A_101 = tpu.memref_squeeze %dma_wait3A_100 : memref<1x64x128xi32, #tpu.memory_space<vmem>> -> memref<64x128xi32, #tpu.memory_space<vmem>>
      tpu.wait_dma2 semaphore(%arg21 : memref<!tpu.dma_semaphore, #tpu.memory_space<semaphore_mem>>) src(%dma_wait3A_101 : memref<64x128xi32, #tpu.memory_space<vmem>>) dst(%dma_wait3A_97 : memref<64x128xi32, #tpu.memory_space<hbm>>)
      %dma_wait3A_102 = arith.constant 1 : i32
      %dma_wait3A_103 = arith.constant 0 : i32
      %dma_wait3A_104 = arith.constant 0 : i32
      %dma_wait3A_105 = tpu.memref_slice %arg12[%dma_wait3A_102, %dma_wait3A_103, %dma_wait3A_104] : memref<2x64x128xf32, #tpu.memory_space<vmem>> -> memref<1x64x128xf32, #tpu.memory_space<vmem>>
      %dma_wait3A_106 = tpu.memref_squeeze %dma_wait3A_105 : memref<1x64x128xf32, #tpu.memory_space<vmem>> -> memref<64x128xf32, #tpu.memory_space<vmem>>
      %dma_wait3A_107 = arith.constant 0 : i32
      %dma_wait3A_108 = arith.constant 0 : i32
      %dma_wait3A_109 = tpu.memref_slice %arg7[%dma_wait3A_107, %dma_wait3A_108] : memref<160000x128xf32, #tpu.memory_space<hbm>> -> memref<64x128xf32, #tpu.memory_space<hbm>>
      %dma_wait3A_110 = arith.constant 0 : i32
      %dma_wait3A_111 = arith.constant 0 : i32
      %dma_wait3A_112 = tpu.memref_slice %arg7[%dma_wait3A_110, %dma_wait3A_111] : memref<160000x128xf32, #tpu.memory_space<hbm>> -> memref<64x128xf32, #tpu.memory_space<hbm>>
      %dma_wait3A_113 = arith.constant 0 : i32
      %dma_wait3A_114 = arith.constant 0 : i32
      %dma_wait3A_115 = tpu.memref_slice %arg12[%dma_wait3A_102, %dma_wait3A_113, %dma_wait3A_114] : memref<2x64x128xf32, #tpu.memory_space<vmem>> -> memref<1x64x128xf32, #tpu.memory_space<vmem>>
      %dma_wait3A_116 = tpu.memref_squeeze %dma_wait3A_115 : memref<1x64x128xf32, #tpu.memory_space<vmem>> -> memref<64x128xf32, #tpu.memory_space<vmem>>
      tpu.wait_dma2 semaphore(%arg23 : memref<!tpu.dma_semaphore, #tpu.memory_space<semaphore_mem>>) src(%dma_wait3A_116 : memref<64x128xf32, #tpu.memory_space<vmem>>) dst(%dma_wait3A_112 : memref<64x128xf32, #tpu.memory_space<hbm>>)
    } else {
    }
    %add3A_69 = arith.constant 2496 : i32
    %add3A_70 = arith.addi %add3A, %add3A_69 : i32
    %lt3A_71 = arith.constant 2500 : i32
    %lt3A_72 = arith.cmpi slt, %add3A_70, %lt3A_71 : i32
    %add3A_73 = arith.constant 2560 : i32
    %add3A_74 = arith.addi %add3A, %add3A_73 : i32
    %ge3A_75 = arith.constant 2500 : i32
    %ge3A_76 = arith.cmpi sge, %add3A_74, %ge3A_75 : i32
    %and3A_77 = arith.andi %lt3A_72, %ge3A_76 : i1
    %convert_element_type3A_78 = arith.extui %and3A_77 : i1 to i32
    %cond3A_79 = arith.constant 0 : i32
    %cond3A_80 = arith.cmpi ne, %convert_element_type3A_78, %cond3A_79 : i32
    scf.if %cond3A_80 {
      %dma_wait3A = arith.constant 0 : i32
      %dma_wait3A_88 = arith.constant 0 : i32
      %dma_wait3A_89 = arith.constant 0 : i32
      %dma_wait3A_90 = tpu.memref_slice %arg11[%dma_wait3A, %dma_wait3A_88, %dma_wait3A_89] : memref<2x64x128xi32, #tpu.memory_space<vmem>> -> memref<1x64x128xi32, #tpu.memory_space<vmem>>
      %dma_wait3A_91 = tpu.memref_squeeze %dma_wait3A_90 : memref<1x64x128xi32, #tpu.memory_space<vmem>> -> memref<64x128xi32, #tpu.memory_space<vmem>>
      %dma_wait3A_92 = arith.constant 0 : i32
      %dma_wait3A_93 = arith.constant 0 : i32
      %dma_wait3A_94 = tpu.memref_slice %arg6[%dma_wait3A_92, %dma_wait3A_93] : memref<160000x128xi32, #tpu.memory_space<hbm>> -> memref<64x128xi32, #tpu.memory_space<hbm>>
      %dma_wait3A_95 = arith.constant 0 : i32
      %dma_wait3A_96 = arith.constant 0 : i32
      %dma_wait3A_97 = tpu.memref_slice %arg6[%dma_wait3A_95, %dma_wait3A_96] : memref<160000x128xi32, #tpu.memory_space<hbm>> -> memref<64x128xi32, #tpu.memory_space<hbm>>
      %dma_wait3A_98 = arith.constant 0 : i32
      %dma_wait3A_99 = arith.constant 0 : i32
      %dma_wait3A_100 = tpu.memref_slice %arg11[%dma_wait3A, %dma_wait3A_98, %dma_wait3A_99] : memref<2x64x128xi32, #tpu.memory_space<vmem>> -> memref<1x64x128xi32, #tpu.memory_space<vmem>>
      %dma_wait3A_101 = tpu.memref_squeeze %dma_wait3A_100 : memref<1x64x128xi32, #tpu.memory_space<vmem>> -> memref<64x128xi32, #tpu.memory_space<vmem>>
      tpu.wait_dma2 semaphore(%arg20 : memref<!tpu.dma_semaphore, #tpu.memory_space<semaphore_mem>>) src(%dma_wait3A_101 : memref<64x128xi32, #tpu.memory_space<vmem>>) dst(%dma_wait3A_97 : memref<64x128xi32, #tpu.memory_space<hbm>>)
      %dma_wait3A_102 = arith.constant 0 : i32
      %dma_wait3A_103 = arith.constant 0 : i32
      %dma_wait3A_104 = arith.constant 0 : i32
      %dma_wait3A_105 = tpu.memref_slice %arg12[%dma_wait3A_102, %dma_wait3A_103, %dma_wait3A_104] : memref<2x64x128xf32, #tpu.memory_space<vmem>> -> memref<1x64x128xf32, #tpu.memory_space<vmem>>
      %dma_wait3A_106 = tpu.memref_squeeze %dma_wait3A_105 : memref<1x64x128xf32, #tpu.memory_space<vmem>> -> memref<64x128xf32, #tpu.memory_space<vmem>>
      %dma_wait3A_107 = arith.constant 0 : i32
      %dma_wait3A_108 = arith.constant 0 : i32
      %dma_wait3A_109 = tpu.memref_slice %arg7[%dma_wait3A_107, %dma_wait3A_108] : memref<160000x128xf32, #tpu.memory_space<hbm>> -> memref<64x128xf32, #tpu.memory_space<hbm>>
      %dma_wait3A_110 = arith.constant 0 : i32
      %dma_wait3A_111 = arith.constant 0 : i32
      %dma_wait3A_112 = tpu.memref_slice %arg7[%dma_wait3A_110, %dma_wait3A_111] : memref<160000x128xf32, #tpu.memory_space<hbm>> -> memref<64x128xf32, #tpu.memory_space<hbm>>
      %dma_wait3A_113 = arith.constant 0 : i32
      %dma_wait3A_114 = arith.constant 0 : i32
      %dma_wait3A_115 = tpu.memref_slice %arg12[%dma_wait3A_102, %dma_wait3A_113, %dma_wait3A_114] : memref<2x64x128xf32, #tpu.memory_space<vmem>> -> memref<1x64x128xf32, #tpu.memory_space<vmem>>
      %dma_wait3A_116 = tpu.memref_squeeze %dma_wait3A_115 : memref<1x64x128xf32, #tpu.memory_space<vmem>> -> memref<64x128xf32, #tpu.memory_space<vmem>>
      tpu.wait_dma2 semaphore(%arg22 : memref<!tpu.dma_semaphore, #tpu.memory_space<semaphore_mem>>) src(%dma_wait3A_116 : memref<64x128xf32, #tpu.memory_space<vmem>>) dst(%dma_wait3A_112 : memref<64x128xf32, #tpu.memory_space<hbm>>)
    } else {
    }
    %barrier3A_81 = arith.constant 0 : index
    tpu.barrier barrier_id(%barrier3A_81)
    %scan3A_82 = arith.constant 0 : i32
    %scan3A_83 = arith.constant 0 : i32
    %scan3A_84 = arith.constant 16 : i32
    %scan3A_85 = arith.addi %scan3A_83, %scan3A_84 : i32
    %scan3A_86 = arith.constant 1 : i32
    scf.for %scan3A_88 = %scan3A_83 to %scan3A_85 step %scan3A_86  : i32 {
      %mul3A_89 = arith.constant 16 : i32
      %mul3A_90 = arith.muli %scan3A_88, %mul3A_89 : i32
      %add3A_91 = arith.addi %arg1, %mul3A_90 : i32
      %lt3A_92 = arith.constant 250 : i32
      %lt3A_93 = arith.cmpi slt, %add3A_91, %lt3A_92 : i32
      %convert_element_type3A_94 = arith.extui %lt3A_93 : i1 to i32
      %cond3A_95 = arith.constant 0 : i32
      %cond3A_96 = arith.cmpi ne, %convert_element_type3A_94, %cond3A_95 : i32
      scf.if %cond3A_96 {
        %mul3A_97 = arith.constant 40 : i32
        %mul3A_98 = arith.muli %add3A_91, %mul3A_97 : i32
        "tpu.region"() ({
          %run_scoped3A = tpu.sem_alloc : memref<!tpu.dma_semaphore, #tpu.memory_space<semaphore_mem>>
          %dma_start3A = arith.constant 0 : i32
          %dma_start3A_102 = tpu.memref_slice %arg15[%mul3A_98, %dma_start3A] : memref<10000x128xf32, #tpu.memory_space<vmem_shared>> -> memref<40x128xf32, #tpu.memory_space<vmem_shared>>
          %dma_start3A_103 = arith.constant 0 : i32
          %dma_start3A_104 = tpu.memref_slice %arg15[%mul3A_98, %dma_start3A_103] : memref<10000x128xf32, #tpu.memory_space<vmem_shared>> -> memref<40x128xf32, #tpu.memory_space<vmem_shared>>
          tpu.enqueue_dma source(%dma_start3A_104 : memref<40x128xf32, #tpu.memory_space<vmem_shared>>) target(%arg14 : memref<40x128xf32, #tpu.memory_space<vmem>>) target_semaphore(%run_scoped3A : memref<!tpu.dma_semaphore, #tpu.memory_space<semaphore_mem>>)
          %dma_wait3A = arith.constant 0 : i32
          %dma_wait3A_105 = tpu.memref_slice %arg15[%mul3A_98, %dma_wait3A] : memref<10000x128xf32, #tpu.memory_space<vmem_shared>> -> memref<40x128xf32, #tpu.memory_space<vmem_shared>>
          %dma_wait3A_106 = arith.constant 0 : i32
          %dma_wait3A_107 = tpu.memref_slice %arg15[%mul3A_98, %dma_wait3A_106] : memref<10000x128xf32, #tpu.memory_space<vmem_shared>> -> memref<40x128xf32, #tpu.memory_space<vmem_shared>>
          tpu.wait_dma2 semaphore(%run_scoped3A : memref<!tpu.dma_semaphore, #tpu.memory_space<semaphore_mem>>) src(%dma_wait3A_107 : memref<40x128xf32, #tpu.memory_space<vmem_shared>>) dst(%arg14 : memref<40x128xf32, #tpu.memory_space<vmem>>)
          tpu.yield
        }) : () -> ()
        %mul3A_99 = arith.constant 10000 : i32
        %mul3A_100 = arith.muli %arg0, %mul3A_99 : i32
        %add3A_101 = arith.addi %mul3A_100, %mul3A_98 : i32
        "tpu.region"() ({
          %run_scoped3A = tpu.sem_alloc : memref<!tpu.dma_semaphore, #tpu.memory_space<semaphore_mem>>
          %dma_start3A = arith.constant 0 : i32
          %dma_start3A_102 = tpu.memref_slice %arg8[%add3A_101, %dma_start3A] : memref<20000x128xf32, #tpu.memory_space<hbm>> -> memref<40x128xf32, #tpu.memory_space<hbm>>
          %dma_start3A_103 = arith.constant 0 : i32
          %dma_start3A_104 = tpu.memref_slice %arg8[%add3A_101, %dma_start3A_103] : memref<20000x128xf32, #tpu.memory_space<hbm>> -> memref<40x128xf32, #tpu.memory_space<hbm>>
          tpu.enqueue_dma source(%arg14 : memref<40x128xf32, #tpu.memory_space<vmem>>) target(%dma_start3A_104 : memref<40x128xf32, #tpu.memory_space<hbm>>) target_semaphore(%run_scoped3A : memref<!tpu.dma_semaphore, #tpu.memory_space<semaphore_mem>>)
          %dma_wait3A = arith.constant 0 : i32
          %dma_wait3A_105 = tpu.memref_slice %arg8[%add3A_101, %dma_wait3A] : memref<20000x128xf32, #tpu.memory_space<hbm>> -> memref<40x128xf32, #tpu.memory_space<hbm>>
          %dma_wait3A_106 = arith.constant 0 : i32
          %dma_wait3A_107 = tpu.memref_slice %arg8[%add3A_101, %dma_wait3A_106] : memref<20000x128xf32, #tpu.memory_space<hbm>> -> memref<40x128xf32, #tpu.memory_space<hbm>>
          tpu.wait_dma2 semaphore(%run_scoped3A : memref<!tpu.dma_semaphore, #tpu.memory_space<semaphore_mem>>) src(%arg14 : memref<40x128xf32, #tpu.memory_space<vmem>>) dst(%dma_wait3A_107 : memref<40x128xf32, #tpu.memory_space<hbm>>)
          tpu.yield
        }) : () -> ()
      } else {
      }
    }
    %scan3A_87 = arith.constant 16 : i32
    return
  }
}

#map = affine_map<(d0, d1) -> (0, 0)>
#map1 = affine_map<(d0, d1) -> (0)>
module attributes {stable_mosaic.version = 14 : i64} {
  func.func @_scatter_body(%arg0: i32, %arg1: i32, %arg2: memref<160000x128xf32, #tpu.memory_space<hbm>>, %arg3: memref<320000xi32, #tpu.memory_space<hbm>>, %arg4: memref<20000x128xf32, #tpu.memory_space<hbm>>, %arg5: memref<2x64xi32, #tpu.memory_space<vmem>>, %arg6: memref<2x64x128xf32, #tpu.memory_space<vmem>>, %arg7: memref<40x128xf32, #tpu.memory_space<vmem>>, %arg8: memref<10000x128xf32, #tpu.memory_space<vmem_shared>>, %arg9: memref<!tpu.dma_semaphore, #tpu.memory_space<semaphore_mem>>, %arg10: memref<!tpu.dma_semaphore, #tpu.memory_space<semaphore_mem>>, %arg11: memref<!tpu.dma_semaphore, #tpu.memory_space<semaphore_mem>>, %arg12: memref<!tpu.dma_semaphore, #tpu.memory_space<semaphore_mem>>) attributes {dimension_semantics = [#tpu.dimension_semantics<core_parallel>, #tpu.dimension_semantics<subcore_parallel>], iteration_bounds = array<i64: 2, 16>, scalar_prefetch = 0 : i64, scratch_operands = 8 : i64, tpu.core_type = #tpu.core_type<sc_vector_subcore>, window_params = [{transform_indices = #map}, {transform_indices = #map1}, {transform_indices = #map}]} {
    %scan3A = arith.constant 0 : i32
    %scan3A_0 = arith.constant 0 : i32
    %scan3A_1 = arith.constant 320 : i32
    %scan3A_2 = arith.addi %scan3A_0, %scan3A_1 : i32
    %scan3A_3 = arith.constant 1 : i32
    scf.for %scan3A_34 = %scan3A_0 to %scan3A_2 step %scan3A_3  : i32 {
      %broadcast_in_dim3A = arith.constant 0.000000e+00 : f32
      %broadcast_in_dim3A_35 = vector.broadcast %broadcast_in_dim3A : f32 to vector<16xf32>
      %jit3A = arith.constant 8 : i32
      %div3A = arith.divsi %scan3A_34, %jit3A : i32
      %sign3A = arith.constant 0 : i32
      %sign3A_36 = arith.cmpi sgt, %scan3A_34, %sign3A : i32
      %sign3A_37 = arith.extui %sign3A_36 : i1 to i32
      %sign3A_38 = arith.constant 0 : i32
      %sign3A_39 = arith.cmpi slt, %scan3A_34, %sign3A_38 : i32
      %sign3A_40 = arith.extui %sign3A_39 : i1 to i32
      %sign3A_41 = arith.subi %sign3A_37, %sign3A_40 : i32
      %sign3A_42 = arith.constant 0 : i32
      %sign3A_43 = arith.cmpi sgt, %jit3A, %sign3A_42 : i32
      %sign3A_44 = arith.extui %sign3A_43 : i1 to i32
      %sign3A_45 = arith.constant 0 : i32
      %sign3A_46 = arith.cmpi slt, %jit3A, %sign3A_45 : i32
      %sign3A_47 = arith.extui %sign3A_46 : i1 to i32
      %sign3A_48 = arith.subi %sign3A_44, %sign3A_47 : i32
      %ne3A = arith.cmpi ne, %sign3A_41, %sign3A_48 : i32
      %rem3A = arith.remsi %scan3A_34, %jit3A : i32
      %ne3A_49 = arith.constant 0 : i32
      %ne3A_50 = arith.cmpi ne, %rem3A, %ne3A_49 : i32
      %and3A = arith.andi %ne3A, %ne3A_50 : i1
      %sub3A = arith.constant 1 : i32
      %sub3A_51 = arith.subi %div3A, %sub3A : i32
      %select_n3A = arith.select %and3A, %sub3A_51, %div3A : i32
      %jit3A_52 = arith.constant 8 : i32
      %eq3A = arith.constant 0 : i32
      %eq3A_53 = arith.cmpi eq, %jit3A_52, %eq3A : i32
      %jit3A_54 = arith.constant 1 : i32
      %select_n3A_55 = arith.select %eq3A_53, %jit3A_54, %jit3A_52 : i32
      %rem3A_56 = arith.remsi %scan3A_34, %select_n3A_55 : i32
      %ne3A_57 = arith.constant 0 : i32
      %ne3A_58 = arith.cmpi ne, %rem3A_56, %ne3A_57 : i32
      %lt3A_59 = arith.constant 0 : i32
      %lt3A_60 = arith.cmpi slt, %rem3A_56, %lt3A_59 : i32
      %lt3A_61 = arith.constant 0 : i32
      %lt3A_62 = arith.cmpi slt, %select_n3A_55, %lt3A_61 : i32
      %ne3A_63 = arith.xori %lt3A_60, %lt3A_62 : i1
      %and3A_64 = arith.andi %ne3A_63, %ne3A_58 : i1
      %add3A_65 = arith.addi %rem3A_56, %select_n3A_55 : i32
      %select_n3A_66 = arith.select %and3A_64, %add3A_65, %rem3A_56 : i32
      %mul3A = arith.constant 16 : i32
      %mul3A_67 = arith.muli %select_n3A_66, %mul3A : i32
      %swap3A = arith.index_cast %select_n3A : i32 to index
      %swap3A_68 = arith.index_cast %mul3A_67 : i32 to index
      %swap3A_69 = tpu.vector_load %arg7[%swap3A, %swap3A_68] {strides = array<i32>} : memref<40x128xf32, #tpu.memory_space<vmem>>, vector<1x16xf32>,
      %swap3A_70 = vector.shape_cast %swap3A_69 : vector<1x16xf32> to vector<16xf32>
      %swap3A_71 = vector.shape_cast %broadcast_in_dim3A_35 : vector<16xf32> to vector<1x16xf32>
      tpu.vector_store %arg7[%swap3A, %swap3A_68], %swap3A_71 {strides = array<i32>} : memref<40x128xf32, #tpu.memory_space<vmem>>, vector<1x16xf32>,
    }
    %scan3A_4 = arith.constant 320 : i32
    %scan3A_5 = arith.constant 0 : i32
    %scan3A_6 = arith.constant 0 : i32
    %scan3A_7 = arith.constant 16 : i32
    %scan3A_8 = arith.addi %scan3A_6, %scan3A_7 : i32
    %scan3A_9 = arith.constant 1 : i32
    scf.for %scan3A_34 = %scan3A_6 to %scan3A_8 step %scan3A_9  : i32 {
      %mul3A = arith.constant 16 : i32
      %mul3A_35 = arith.muli %scan3A_34, %mul3A : i32
      %add3A_36 = arith.addi %arg1, %mul3A_35 : i32
      %lt3A_37 = arith.constant 250 : i32
      %lt3A_38 = arith.cmpi slt, %add3A_36, %lt3A_37 : i32
      %convert_element_type3A_39 = arith.extui %lt3A_38 : i1 to i32
      %cond3A_40 = arith.constant 0 : i32
      %cond3A_41 = arith.cmpi ne, %convert_element_type3A_39, %cond3A_40 : i32
      scf.if %cond3A_41 {
        %mul3A_42 = arith.constant 40 : i32
        %mul3A_43 = arith.muli %add3A_36, %mul3A_42 : i32
        "tpu.region"() ({
          %run_scoped3A = tpu.sem_alloc : memref<!tpu.dma_semaphore, #tpu.memory_space<semaphore_mem>>
          %dma_start3A = arith.constant 0 : i32
          %dma_start3A_44 = tpu.memref_slice %arg8[%mul3A_43, %dma_start3A] : memref<10000x128xf32, #tpu.memory_space<vmem_shared>> -> memref<40x128xf32, #tpu.memory_space<vmem_shared>>
          %dma_start3A_45 = arith.constant 0 : i32
          %dma_start3A_46 = tpu.memref_slice %arg8[%mul3A_43, %dma_start3A_45] : memref<10000x128xf32, #tpu.memory_space<vmem_shared>> -> memref<40x128xf32, #tpu.memory_space<vmem_shared>>
          tpu.enqueue_dma source(%arg7 : memref<40x128xf32, #tpu.memory_space<vmem>>) target(%dma_start3A_46 : memref<40x128xf32, #tpu.memory_space<vmem_shared>>) target_semaphore(%run_scoped3A : memref<!tpu.dma_semaphore, #tpu.memory_space<semaphore_mem>>)
          %dma_wait3A = arith.constant 0 : i32
          %dma_wait3A_47 = tpu.memref_slice %arg8[%mul3A_43, %dma_wait3A] : memref<10000x128xf32, #tpu.memory_space<vmem_shared>> -> memref<40x128xf32, #tpu.memory_space<vmem_shared>>
          %dma_wait3A_48 = arith.constant 0 : i32
          %dma_wait3A_49 = tpu.memref_slice %arg8[%mul3A_43, %dma_wait3A_48] : memref<10000x128xf32, #tpu.memory_space<vmem_shared>> -> memref<40x128xf32, #tpu.memory_space<vmem_shared>>
          tpu.wait_dma2 semaphore(%run_scoped3A : memref<!tpu.dma_semaphore, #tpu.memory_space<semaphore_mem>>) src(%arg7 : memref<40x128xf32, #tpu.memory_space<vmem>>) dst(%dma_wait3A_49 : memref<40x128xf32, #tpu.memory_space<vmem_shared>>)
          tpu.yield
        }) : () -> ()
      } else {
      }
    }
    %scan3A_10 = arith.constant 16 : i32
    %barrier3A = arith.constant 0 : index
    tpu.barrier barrier_id(%barrier3A)
    %add3A = arith.constant 0 : i32
    %add3A_11 = arith.addi %arg1, %add3A : i32
    %lt3A = arith.constant 1250 : i32
    %lt3A_12 = arith.cmpi slt, %add3A_11, %lt3A : i32
    %convert_element_type3A = arith.extui %lt3A_12 : i1 to i32
    %cond3A = arith.constant 0 : i32
    %cond3A_13 = arith.cmpi ne, %convert_element_type3A, %cond3A : i32
    scf.if %cond3A_13 {
      %mul3A = arith.constant 1250 : i32
      %mul3A_34 = arith.muli %arg0, %mul3A : i32
      %add3A_35 = arith.addi %mul3A_34, %arg1 : i32
      %add3A_36 = arith.constant 0 : i32
      %add3A_37 = arith.addi %add3A_35, %add3A_36 : i32
      %mul3A_38 = arith.constant 64 : i32
      %mul3A_39 = arith.muli %add3A_37, %mul3A_38 : i32
      %add3A_40 = arith.constant 160000 : i32
      %add3A_41 = arith.addi %add3A_40, %mul3A_39 : i32
      %dma_start3A = arith.constant 0 : i32
      %dma_start3A_42 = arith.constant 0 : i32
      %dma_start3A_43 = tpu.memref_slice %arg5[%dma_start3A, %dma_start3A_42] : memref<2x64xi32, #tpu.memory_space<vmem>> -> memref<1x64xi32, #tpu.memory_space<vmem>>
      %dma_start3A_44 = tpu.memref_squeeze %dma_start3A_43 : memref<1x64xi32, #tpu.memory_space<vmem>> -> memref<64xi32, #tpu.memory_space<vmem>>
      %dma_start3A_45 = tpu.memref_slice %arg3[%add3A_41] : memref<320000xi32, #tpu.memory_space<hbm>> -> memref<64xi32, #tpu.memory_space<hbm>>
      %dma_start3A_46 = arith.constant 0 : i32
      %dma_start3A_47 = tpu.memref_slice %arg5[%dma_start3A, %dma_start3A_46] : memref<2x64xi32, #tpu.memory_space<vmem>> -> memref<1x64xi32, #tpu.memory_space<vmem>>
      %dma_start3A_48 = tpu.memref_squeeze %dma_start3A_47 : memref<1x64xi32, #tpu.memory_space<vmem>> -> memref<64xi32, #tpu.memory_space<vmem>>
      %dma_start3A_49 = tpu.memref_slice %arg3[%add3A_41] : memref<320000xi32, #tpu.memory_space<hbm>> -> memref<64xi32, #tpu.memory_space<hbm>>
      tpu.enqueue_dma source(%dma_start3A_49 : memref<64xi32, #tpu.memory_space<hbm>>) target(%dma_start3A_48 : memref<64xi32, #tpu.memory_space<vmem>>) target_semaphore(%arg9 : memref<!tpu.dma_semaphore, #tpu.memory_space<semaphore_mem>>)
      %dma_start3A_50 = arith.constant 0 : i32
      %dma_start3A_51 = arith.constant 0 : i32
      %dma_start3A_52 = arith.constant 0 : i32
      %dma_start3A_53 = tpu.memref_slice %arg6[%dma_start3A_50, %dma_start3A_51, %dma_start3A_52] : memref<2x64x128xf32, #tpu.memory_space<vmem>> -> memref<1x64x128xf32, #tpu.memory_space<vmem>>
      %dma_start3A_54 = tpu.memref_squeeze %dma_start3A_53 : memref<1x64x128xf32, #tpu.memory_space<vmem>> -> memref<64x128xf32, #tpu.memory_space<vmem>>
      %dma_start3A_55 = arith.constant 0 : i32
      %dma_start3A_56 = tpu.memref_slice %arg2[%mul3A_39, %dma_start3A_55] : memref<160000x128xf32, #tpu.memory_space<hbm>> -> memref<64x128xf32, #tpu.memory_space<hbm>>
      %dma_start3A_57 = arith.constant 0 : i32
      %dma_start3A_58 = arith.constant 0 : i32
      %dma_start3A_59 = tpu.memref_slice %arg6[%dma_start3A_50, %dma_start3A_57, %dma_start3A_58] : memref<2x64x128xf32, #tpu.memory_space<vmem>> -> memref<1x64x128xf32, #tpu.memory_space<vmem>>
      %dma_start3A_60 = tpu.memref_squeeze %dma_start3A_59 : memref<1x64x128xf32, #tpu.memory_space<vmem>> -> memref<64x128xf32, #tpu.memory_space<vmem>>
      %dma_start3A_61 = arith.constant 0 : i32
      %dma_start3A_62 = tpu.memref_slice %arg2[%mul3A_39, %dma_start3A_61] : memref<160000x128xf32, #tpu.memory_space<hbm>> -> memref<64x128xf32, #tpu.memory_space<hbm>>
      tpu.enqueue_dma source(%dma_start3A_62 : memref<64x128xf32, #tpu.memory_space<hbm>>) target(%dma_start3A_60 : memref<64x128xf32, #tpu.memory_space<vmem>>) target_semaphore(%arg11 : memref<!tpu.dma_semaphore, #tpu.memory_space<semaphore_mem>>)
    } else {
    }
    %add3A_14 = arith.constant 16 : i32
    %add3A_15 = arith.addi %arg1, %add3A_14 : i32
    %lt3A_16 = arith.constant 1250 : i32
    %lt3A_17 = arith.cmpi slt, %add3A_15, %lt3A_16 : i32
    %convert_element_type3A_18 = arith.extui %lt3A_17 : i1 to i32
    %cond3A_19 = arith.constant 0 : i32
    %cond3A_20 = arith.cmpi ne, %convert_element_type3A_18, %cond3A_19 : i32
    scf.if %cond3A_20 {
      %mul3A = arith.constant 1250 : i32
      %mul3A_34 = arith.muli %arg0, %mul3A : i32
      %add3A_35 = arith.addi %mul3A_34, %arg1 : i32
      %add3A_36 = arith.constant 16 : i32
      %add3A_37 = arith.addi %add3A_35, %add3A_36 : i32
      %mul3A_38 = arith.constant 64 : i32
      %mul3A_39 = arith.muli %add3A_37, %mul3A_38 : i32
      %add3A_40 = arith.constant 160000 : i32
      %add3A_41 = arith.addi %add3A_40, %mul3A_39 : i32
      %dma_start3A = arith.constant 1 : i32
      %dma_start3A_42 = arith.constant 0 : i32
      %dma_start3A_43 = tpu.memref_slice %arg5[%dma_start3A, %dma_start3A_42] : memref<2x64xi32, #tpu.memory_space<vmem>> -> memref<1x64xi32, #tpu.memory_space<vmem>>
      %dma_start3A_44 = tpu.memref_squeeze %dma_start3A_43 : memref<1x64xi32, #tpu.memory_space<vmem>> -> memref<64xi32, #tpu.memory_space<vmem>>
      %dma_start3A_45 = tpu.memref_slice %arg3[%add3A_41] : memref<320000xi32, #tpu.memory_space<hbm>> -> memref<64xi32, #tpu.memory_space<hbm>>
      %dma_start3A_46 = arith.constant 0 : i32
      %dma_start3A_47 = tpu.memref_slice %arg5[%dma_start3A, %dma_start3A_46] : memref<2x64xi32, #tpu.memory_space<vmem>> -> memref<1x64xi32, #tpu.memory_space<vmem>>
      %dma_start3A_48 = tpu.memref_squeeze %dma_start3A_47 : memref<1x64xi32, #tpu.memory_space<vmem>> -> memref<64xi32, #tpu.memory_space<vmem>>
      %dma_start3A_49 = tpu.memref_slice %arg3[%add3A_41] : memref<320000xi32, #tpu.memory_space<hbm>> -> memref<64xi32, #tpu.memory_space<hbm>>
      tpu.enqueue_dma source(%dma_start3A_49 : memref<64xi32, #tpu.memory_space<hbm>>) target(%dma_start3A_48 : memref<64xi32, #tpu.memory_space<vmem>>) target_semaphore(%arg10 : memref<!tpu.dma_semaphore, #tpu.memory_space<semaphore_mem>>)
      %dma_start3A_50 = arith.constant 1 : i32
      %dma_start3A_51 = arith.constant 0 : i32
      %dma_start3A_52 = arith.constant 0 : i32
      %dma_start3A_53 = tpu.memref_slice %arg6[%dma_start3A_50, %dma_start3A_51, %dma_start3A_52] : memref<2x64x128xf32, #tpu.memory_space<vmem>> -> memref<1x64x128xf32, #tpu.memory_space<vmem>>
      %dma_start3A_54 = tpu.memref_squeeze %dma_start3A_53 : memref<1x64x128xf32, #tpu.memory_space<vmem>> -> memref<64x128xf32, #tpu.memory_space<vmem>>
      %dma_start3A_55 = arith.constant 0 : i32
      %dma_start3A_56 = tpu.memref_slice %arg2[%mul3A_39, %dma_start3A_55] : memref<160000x128xf32, #tpu.memory_space<hbm>> -> memref<64x128xf32, #tpu.memory_space<hbm>>
      %dma_start3A_57 = arith.constant 0 : i32
      %dma_start3A_58 = arith.constant 0 : i32
      %dma_start3A_59 = tpu.memref_slice %arg6[%dma_start3A_50, %dma_start3A_57, %dma_start3A_58] : memref<2x64x128xf32, #tpu.memory_space<vmem>> -> memref<1x64x128xf32, #tpu.memory_space<vmem>>
      %dma_start3A_60 = tpu.memref_squeeze %dma_start3A_59 : memref<1x64x128xf32, #tpu.memory_space<vmem>> -> memref<64x128xf32, #tpu.memory_space<vmem>>
      %dma_start3A_61 = arith.constant 0 : i32
      %dma_start3A_62 = tpu.memref_slice %arg2[%mul3A_39, %dma_start3A_61] : memref<160000x128xf32, #tpu.memory_space<hbm>> -> memref<64x128xf32, #tpu.memory_space<hbm>>
      tpu.enqueue_dma source(%dma_start3A_62 : memref<64x128xf32, #tpu.memory_space<hbm>>) target(%dma_start3A_60 : memref<64x128xf32, #tpu.memory_space<vmem>>) target_semaphore(%arg12 : memref<!tpu.dma_semaphore, #tpu.memory_space<semaphore_mem>>)
    } else {
    }
    %scan3A_21 = arith.constant 0 : i32
    %scan3A_22 = arith.constant 0 : i32
    %scan3A_23 = arith.constant 40 : i32
    %scan3A_24 = arith.addi %scan3A_22, %scan3A_23 : i32
    %scan3A_25 = arith.constant 1 : i32
    scf.for %scan3A_34 = %scan3A_22 to %scan3A_24 step %scan3A_25  : i32 {
      %mul3A = arith.constant 2 : i32
      %mul3A_35 = arith.muli %scan3A_34, %mul3A : i32
      %add3A_36 = arith.constant 0 : i32
      %add3A_37 = arith.addi %mul3A_35, %add3A_36 : i32
      %mul3A_38 = arith.constant 16 : i32
      %mul3A_39 = arith.muli %add3A_37, %mul3A_38 : i32
      %add3A_40 = arith.addi %arg1, %mul3A_39 : i32
      %lt3A_41 = arith.constant 1250 : i32
      %lt3A_42 = arith.cmpi slt, %add3A_40, %lt3A_41 : i32
      %convert_element_type3A_43 = arith.extui %lt3A_42 : i1 to i32
      %cond3A_44 = arith.constant 0 : i32
      %cond3A_45 = arith.cmpi ne, %convert_element_type3A_43, %cond3A_44 : i32
      scf.if %cond3A_45 {
        %dma_wait3A = arith.constant 0 : i32
        %dma_wait3A_58 = arith.constant 0 : i32
        %dma_wait3A_59 = tpu.memref_slice %arg5[%dma_wait3A, %dma_wait3A_58] : memref<2x64xi32, #tpu.memory_space<vmem>> -> memref<1x64xi32, #tpu.memory_space<vmem>>
        %dma_wait3A_60 = tpu.memref_squeeze %dma_wait3A_59 : memref<1x64xi32, #tpu.memory_space<vmem>> -> memref<64xi32, #tpu.memory_space<vmem>>
        %dma_wait3A_61 = arith.constant 0 : i32
        %dma_wait3A_62 = tpu.memref_slice %arg3[%dma_wait3A_61] : memref<320000xi32, #tpu.memory_space<hbm>> -> memref<64xi32, #tpu.memory_space<hbm>>
        %dma_wait3A_63 = arith.constant 0 : i32
        %dma_wait3A_64 = tpu.memref_slice %arg5[%dma_wait3A, %dma_wait3A_63] : memref<2x64xi32, #tpu.memory_space<vmem>> -> memref<1x64xi32, #tpu.memory_space<vmem>>
        %dma_wait3A_65 = tpu.memref_squeeze %dma_wait3A_64 : memref<1x64xi32, #tpu.memory_space<vmem>> -> memref<64xi32, #tpu.memory_space<vmem>>
        %dma_wait3A_66 = arith.constant 0 : i32
        %dma_wait3A_67 = tpu.memref_slice %arg3[%dma_wait3A_66] : memref<320000xi32, #tpu.memory_space<hbm>> -> memref<64xi32, #tpu.memory_space<hbm>>
        tpu.wait_dma2 semaphore(%arg9 : memref<!tpu.dma_semaphore, #tpu.memory_space<semaphore_mem>>) src(%dma_wait3A_67 : memref<64xi32, #tpu.memory_space<hbm>>) dst(%dma_wait3A_65 : memref<64xi32, #tpu.memory_space<vmem>>)
        %dma_wait3A_68 = arith.constant 0 : i32
        %dma_wait3A_69 = arith.constant 0 : i32
        %dma_wait3A_70 = arith.constant 0 : i32
        %dma_wait3A_71 = tpu.memref_slice %arg6[%dma_wait3A_68, %dma_wait3A_69, %dma_wait3A_70] : memref<2x64x128xf32, #tpu.memory_space<vmem>> -> memref<1x64x128xf32, #tpu.memory_space<vmem>>
        %dma_wait3A_72 = tpu.memref_squeeze %dma_wait3A_71 : memref<1x64x128xf32, #tpu.memory_space<vmem>> -> memref<64x128xf32, #tpu.memory_space<vmem>>
        %dma_wait3A_73 = arith.constant 0 : i32
        %dma_wait3A_74 = arith.constant 0 : i32
        %dma_wait3A_75 = tpu.memref_slice %arg2[%dma_wait3A_73, %dma_wait3A_74] : memref<160000x128xf32, #tpu.memory_space<hbm>> -> memref<64x128xf32, #tpu.memory_space<hbm>>
        %dma_wait3A_76 = arith.constant 0 : i32
        %dma_wait3A_77 = arith.constant 0 : i32
        %dma_wait3A_78 = tpu.memref_slice %arg6[%dma_wait3A_68, %dma_wait3A_76, %dma_wait3A_77] : memref<2x64x128xf32, #tpu.memory_space<vmem>> -> memref<1x64x128xf32, #tpu.memory_space<vmem>>
        %dma_wait3A_79 = tpu.memref_squeeze %dma_wait3A_78 : memref<1x64x128xf32, #tpu.memory_space<vmem>> -> memref<64x128xf32, #tpu.memory_space<vmem>>
        %dma_wait3A_80 = arith.constant 0 : i32
        %dma_wait3A_81 = arith.constant 0 : i32
        %dma_wait3A_82 = tpu.memref_slice %arg2[%dma_wait3A_80, %dma_wait3A_81] : memref<160000x128xf32, #tpu.memory_space<hbm>> -> memref<64x128xf32, #tpu.memory_space<hbm>>
        tpu.wait_dma2 semaphore(%arg11 : memref<!tpu.dma_semaphore, #tpu.memory_space<semaphore_mem>>) src(%dma_wait3A_82 : memref<64x128xf32, #tpu.memory_space<hbm>>) dst(%dma_wait3A_79 : memref<64x128xf32, #tpu.memory_space<vmem>>)
        %run_scoped3A = arith.constant 0 : i32
        %run_scoped3A_83 = arith.constant 0 : i32
        "tpu.region"() ({
          %run_scoped3A_94 = tpu.sem_alloc : memref<!tpu.dma_semaphore, #tpu.memory_space<semaphore_mem>>
          %dma_start3A = arith.constant 0 : i32
          %dma_start3A_95 = arith.constant 0 : i32
          %dma_start3A_96 = tpu.memref_slice %arg6[%run_scoped3A, %dma_start3A, %dma_start3A_95] : memref<2x64x128xf32, #tpu.memory_space<vmem>> -> memref<1x64x128xf32, #tpu.memory_space<vmem>>
          %dma_start3A_97 = tpu.memref_squeeze %dma_start3A_96 : memref<1x64x128xf32, #tpu.memory_space<vmem>> -> memref<64x128xf32, #tpu.memory_space<vmem>>
          %dma_start3A_98 = arith.constant 0 : i32
          %dma_start3A_99 = tpu.memref_slice %arg5[%run_scoped3A_83, %dma_start3A_98] : memref<2x64xi32, #tpu.memory_space<vmem>> -> memref<1x64xi32, #tpu.memory_space<vmem>>
          %dma_start3A_100 = tpu.memref_squeeze %dma_start3A_99 : memref<1x64xi32, #tpu.memory_space<vmem>> -> memref<64xi32, #tpu.memory_space<vmem>>
          %dma_start3A_101 = arith.constant 0 : i32
          %dma_start3A_102 = arith.constant 0 : i32
          %dma_start3A_103 = tpu.memref_slice %arg8[%dma_start3A_101, %dma_start3A_102] : memref<10000x128xf32, #tpu.memory_space<vmem_shared>> -> memref<10000x128xf32, #tpu.memory_space<vmem_shared>>
          tpu.enqueue_indirect_dma source(%dma_start3A_97 : memref<64x128xf32, #tpu.memory_space<vmem>>) target(%dma_start3A_103 : memref<10000x128xf32, #tpu.memory_space<vmem_shared>>) offsets(%dma_start3A_100 : memref<64xi32, #tpu.memory_space<vmem>>) semaphore(%run_scoped3A_94 : memref<!tpu.dma_semaphore, #tpu.memory_space<semaphore_mem>>) {add = true}
          %dma_wait3A_104 = arith.constant 0 : i32
          %dma_wait3A_105 = arith.constant 0 : i32
          %dma_wait3A_106 = tpu.memref_slice %arg6[%run_scoped3A, %dma_wait3A_104, %dma_wait3A_105] : memref<2x64x128xf32, #tpu.memory_space<vmem>> -> memref<1x64x128xf32, #tpu.memory_space<vmem>>
          %dma_wait3A_107 = tpu.memref_squeeze %dma_wait3A_106 : memref<1x64x128xf32, #tpu.memory_space<vmem>> -> memref<64x128xf32, #tpu.memory_space<vmem>>
          %dma_wait3A_108 = arith.constant 0 : i32
          %dma_wait3A_109 = tpu.memref_slice %arg5[%run_scoped3A_83, %dma_wait3A_108] : memref<2x64xi32, #tpu.memory_space<vmem>> -> memref<1x64xi32, #tpu.memory_space<vmem>>
          %dma_wait3A_110 = tpu.memref_squeeze %dma_wait3A_109 : memref<1x64xi32, #tpu.memory_space<vmem>> -> memref<64xi32, #tpu.memory_space<vmem>>
          %dma_wait3A_111 = arith.constant 0 : i32
          %dma_wait3A_112 = arith.constant 0 : i32
          %dma_wait3A_113 = tpu.memref_slice %arg8[%dma_wait3A_111, %dma_wait3A_112] : memref<10000x128xf32, #tpu.memory_space<vmem_shared>> -> memref<10000x128xf32, #tpu.memory_space<vmem_shared>>
          tpu.wait_indirect_dma semaphore(%run_scoped3A_94 : memref<!tpu.dma_semaphore, #tpu.memory_space<semaphore_mem>>) src(%dma_wait3A_107 : memref<64x128xf32, #tpu.memory_space<vmem>>) dst(%dma_wait3A_113 : memref<10000x128xf32, #tpu.memory_space<vmem_shared>>)
          tpu.yield
        }) : () -> ()
        %add3A_84 = arith.constant 2 : i32
        %add3A_85 = arith.addi %add3A_37, %add3A_84 : i32
        %mul3A_86 = arith.constant 16 : i32
        %mul3A_87 = arith.muli %add3A_85, %mul3A_86 : i32
        %add3A_88 = arith.addi %arg1, %mul3A_87 : i32
        %lt3A_89 = arith.constant 1250 : i32
        %lt3A_90 = arith.cmpi slt, %add3A_88, %lt3A_89 : i32
        %convert_element_type3A_91 = arith.extui %lt3A_90 : i1 to i32
        %cond3A_92 = arith.constant 0 : i32
        %cond3A_93 = arith.cmpi ne, %convert_element_type3A_91, %cond3A_92 : i32
        scf.if %cond3A_93 {
          %add3A_94 = arith.constant 2 : i32
          %add3A_95 = arith.addi %add3A_37, %add3A_94 : i32
          %mul3A_96 = arith.constant 1250 : i32
          %mul3A_97 = arith.muli %arg0, %mul3A_96 : i32
          %add3A_98 = arith.addi %mul3A_97, %arg1 : i32
          %mul3A_99 = arith.constant 16 : i32
          %mul3A_100 = arith.muli %add3A_95, %mul3A_99 : i32
          %add3A_101 = arith.addi %add3A_98, %mul3A_100 : i32
          %mul3A_102 = arith.constant 64 : i32
          %mul3A_103 = arith.muli %add3A_101, %mul3A_102 : i32
          %add3A_104 = arith.constant 160000 : i32
          %add3A_105 = arith.addi %add3A_104, %mul3A_103 : i32
          %dma_start3A = arith.constant 0 : i32
          %dma_start3A_106 = arith.constant 0 : i32
          %dma_start3A_107 = tpu.memref_slice %arg5[%dma_start3A, %dma_start3A_106] : memref<2x64xi32, #tpu.memory_space<vmem>> -> memref<1x64xi32, #tpu.memory_space<vmem>>
          %dma_start3A_108 = tpu.memref_squeeze %dma_start3A_107 : memref<1x64xi32, #tpu.memory_space<vmem>> -> memref<64xi32, #tpu.memory_space<vmem>>
          %dma_start3A_109 = tpu.memref_slice %arg3[%add3A_105] : memref<320000xi32, #tpu.memory_space<hbm>> -> memref<64xi32, #tpu.memory_space<hbm>>
          %dma_start3A_110 = arith.constant 0 : i32
          %dma_start3A_111 = tpu.memref_slice %arg5[%dma_start3A, %dma_start3A_110] : memref<2x64xi32, #tpu.memory_space<vmem>> -> memref<1x64xi32, #tpu.memory_space<vmem>>
          %dma_start3A_112 = tpu.memref_squeeze %dma_start3A_111 : memref<1x64xi32, #tpu.memory_space<vmem>> -> memref<64xi32, #tpu.memory_space<vmem>>
          %dma_start3A_113 = tpu.memref_slice %arg3[%add3A_105] : memref<320000xi32, #tpu.memory_space<hbm>> -> memref<64xi32, #tpu.memory_space<hbm>>
          tpu.enqueue_dma source(%dma_start3A_113 : memref<64xi32, #tpu.memory_space<hbm>>) target(%dma_start3A_112 : memref<64xi32, #tpu.memory_space<vmem>>) target_semaphore(%arg9 : memref<!tpu.dma_semaphore, #tpu.memory_space<semaphore_mem>>)
          %dma_start3A_114 = arith.constant 0 : i32
          %dma_start3A_115 = arith.constant 0 : i32
          %dma_start3A_116 = arith.constant 0 : i32
          %dma_start3A_117 = tpu.memref_slice %arg6[%dma_start3A_114, %dma_start3A_115, %dma_start3A_116] : memref<2x64x128xf32, #tpu.memory_space<vmem>> -> memref<1x64x128xf32, #tpu.memory_space<vmem>>
          %dma_start3A_118 = tpu.memref_squeeze %dma_start3A_117 : memref<1x64x128xf32, #tpu.memory_space<vmem>> -> memref<64x128xf32, #tpu.memory_space<vmem>>
          %dma_start3A_119 = arith.constant 0 : i32
          %dma_start3A_120 = tpu.memref_slice %arg2[%mul3A_103, %dma_start3A_119] : memref<160000x128xf32, #tpu.memory_space<hbm>> -> memref<64x128xf32, #tpu.memory_space<hbm>>
          %dma_start3A_121 = arith.constant 0 : i32
          %dma_start3A_122 = arith.constant 0 : i32
          %dma_start3A_123 = tpu.memref_slice %arg6[%dma_start3A_114, %dma_start3A_121, %dma_start3A_122] : memref<2x64x128xf32, #tpu.memory_space<vmem>> -> memref<1x64x128xf32, #tpu.memory_space<vmem>>
          %dma_start3A_124 = tpu.memref_squeeze %dma_start3A_123 : memref<1x64x128xf32, #tpu.memory_space<vmem>> -> memref<64x128xf32, #tpu.memory_space<vmem>>
          %dma_start3A_125 = arith.constant 0 : i32
          %dma_start3A_126 = tpu.memref_slice %arg2[%mul3A_103, %dma_start3A_125] : memref<160000x128xf32, #tpu.memory_space<hbm>> -> memref<64x128xf32, #tpu.memory_space<hbm>>
          tpu.enqueue_dma source(%dma_start3A_126 : memref<64x128xf32, #tpu.memory_space<hbm>>) target(%dma_start3A_124 : memref<64x128xf32, #tpu.memory_space<vmem>>) target_semaphore(%arg11 : memref<!tpu.dma_semaphore, #tpu.memory_space<semaphore_mem>>)
        } else {
        }
      } else {
      }
      %mul3A_46 = arith.constant 2 : i32
      %mul3A_47 = arith.muli %scan3A_34, %mul3A_46 : i32
      %add3A_48 = arith.constant 1 : i32
      %add3A_49 = arith.addi %mul3A_47, %add3A_48 : i32
      %mul3A_50 = arith.constant 16 : i32
      %mul3A_51 = arith.muli %add3A_49, %mul3A_50 : i32
      %add3A_52 = arith.addi %arg1, %mul3A_51 : i32
      %lt3A_53 = arith.constant 1250 : i32
      %lt3A_54 = arith.cmpi slt, %add3A_52, %lt3A_53 : i32
      %convert_element_type3A_55 = arith.extui %lt3A_54 : i1 to i32
      %cond3A_56 = arith.constant 0 : i32
      %cond3A_57 = arith.cmpi ne, %convert_element_type3A_55, %cond3A_56 : i32
      scf.if %cond3A_57 {
        %dma_wait3A = arith.constant 1 : i32
        %dma_wait3A_58 = arith.constant 0 : i32
        %dma_wait3A_59 = tpu.memref_slice %arg5[%dma_wait3A, %dma_wait3A_58] : memref<2x64xi32, #tpu.memory_space<vmem>> -> memref<1x64xi32, #tpu.memory_space<vmem>>
        %dma_wait3A_60 = tpu.memref_squeeze %dma_wait3A_59 : memref<1x64xi32, #tpu.memory_space<vmem>> -> memref<64xi32, #tpu.memory_space<vmem>>
        %dma_wait3A_61 = arith.constant 0 : i32
        %dma_wait3A_62 = tpu.memref_slice %arg3[%dma_wait3A_61] : memref<320000xi32, #tpu.memory_space<hbm>> -> memref<64xi32, #tpu.memory_space<hbm>>
        %dma_wait3A_63 = arith.constant 0 : i32
        %dma_wait3A_64 = tpu.memref_slice %arg5[%dma_wait3A, %dma_wait3A_63] : memref<2x64xi32, #tpu.memory_space<vmem>> -> memref<1x64xi32, #tpu.memory_space<vmem>>
        %dma_wait3A_65 = tpu.memref_squeeze %dma_wait3A_64 : memref<1x64xi32, #tpu.memory_space<vmem>> -> memref<64xi32, #tpu.memory_space<vmem>>
        %dma_wait3A_66 = arith.constant 0 : i32
        %dma_wait3A_67 = tpu.memref_slice %arg3[%dma_wait3A_66] : memref<320000xi32, #tpu.memory_space<hbm>> -> memref<64xi32, #tpu.memory_space<hbm>>
        tpu.wait_dma2 semaphore(%arg10 : memref<!tpu.dma_semaphore, #tpu.memory_space<semaphore_mem>>) src(%dma_wait3A_67 : memref<64xi32, #tpu.memory_space<hbm>>) dst(%dma_wait3A_65 : memref<64xi32, #tpu.memory_space<vmem>>)
        %dma_wait3A_68 = arith.constant 1 : i32
        %dma_wait3A_69 = arith.constant 0 : i32
        %dma_wait3A_70 = arith.constant 0 : i32
        %dma_wait3A_71 = tpu.memref_slice %arg6[%dma_wait3A_68, %dma_wait3A_69, %dma_wait3A_70] : memref<2x64x128xf32, #tpu.memory_space<vmem>> -> memref<1x64x128xf32, #tpu.memory_space<vmem>>
        %dma_wait3A_72 = tpu.memref_squeeze %dma_wait3A_71 : memref<1x64x128xf32, #tpu.memory_space<vmem>> -> memref<64x128xf32, #tpu.memory_space<vmem>>
        %dma_wait3A_73 = arith.constant 0 : i32
        %dma_wait3A_74 = arith.constant 0 : i32
        %dma_wait3A_75 = tpu.memref_slice %arg2[%dma_wait3A_73, %dma_wait3A_74] : memref<160000x128xf32, #tpu.memory_space<hbm>> -> memref<64x128xf32, #tpu.memory_space<hbm>>
        %dma_wait3A_76 = arith.constant 0 : i32
        %dma_wait3A_77 = arith.constant 0 : i32
        %dma_wait3A_78 = tpu.memref_slice %arg6[%dma_wait3A_68, %dma_wait3A_76, %dma_wait3A_77] : memref<2x64x128xf32, #tpu.memory_space<vmem>> -> memref<1x64x128xf32, #tpu.memory_space<vmem>>
        %dma_wait3A_79 = tpu.memref_squeeze %dma_wait3A_78 : memref<1x64x128xf32, #tpu.memory_space<vmem>> -> memref<64x128xf32, #tpu.memory_space<vmem>>
        %dma_wait3A_80 = arith.constant 0 : i32
        %dma_wait3A_81 = arith.constant 0 : i32
        %dma_wait3A_82 = tpu.memref_slice %arg2[%dma_wait3A_80, %dma_wait3A_81] : memref<160000x128xf32, #tpu.memory_space<hbm>> -> memref<64x128xf32, #tpu.memory_space<hbm>>
        tpu.wait_dma2 semaphore(%arg12 : memref<!tpu.dma_semaphore, #tpu.memory_space<semaphore_mem>>) src(%dma_wait3A_82 : memref<64x128xf32, #tpu.memory_space<hbm>>) dst(%dma_wait3A_79 : memref<64x128xf32, #tpu.memory_space<vmem>>)
        %run_scoped3A = arith.constant 1 : i32
        %run_scoped3A_83 = arith.constant 1 : i32
        "tpu.region"() ({
          %run_scoped3A_94 = tpu.sem_alloc : memref<!tpu.dma_semaphore, #tpu.memory_space<semaphore_mem>>
          %dma_start3A = arith.constant 0 : i32
          %dma_start3A_95 = arith.constant 0 : i32
          %dma_start3A_96 = tpu.memref_slice %arg6[%run_scoped3A, %dma_start3A, %dma_start3A_95] : memref<2x64x128xf32, #tpu.memory_space<vmem>> -> memref<1x64x128xf32, #tpu.memory_space<vmem>>
          %dma_start3A_97 = tpu.memref_squeeze %dma_start3A_96 : memref<1x64x128xf32, #tpu.memory_space<vmem>> -> memref<64x128xf32, #tpu.memory_space<vmem>>
          %dma_start3A_98 = arith.constant 0 : i32
          %dma_start3A_99 = tpu.memref_slice %arg5[%run_scoped3A_83, %dma_start3A_98] : memref<2x64xi32, #tpu.memory_space<vmem>> -> memref<1x64xi32, #tpu.memory_space<vmem>>
          %dma_start3A_100 = tpu.memref_squeeze %dma_start3A_99 : memref<1x64xi32, #tpu.memory_space<vmem>> -> memref<64xi32, #tpu.memory_space<vmem>>
          %dma_start3A_101 = arith.constant 0 : i32
          %dma_start3A_102 = arith.constant 0 : i32
          %dma_start3A_103 = tpu.memref_slice %arg8[%dma_start3A_101, %dma_start3A_102] : memref<10000x128xf32, #tpu.memory_space<vmem_shared>> -> memref<10000x128xf32, #tpu.memory_space<vmem_shared>>
          tpu.enqueue_indirect_dma source(%dma_start3A_97 : memref<64x128xf32, #tpu.memory_space<vmem>>) target(%dma_start3A_103 : memref<10000x128xf32, #tpu.memory_space<vmem_shared>>) offsets(%dma_start3A_100 : memref<64xi32, #tpu.memory_space<vmem>>) semaphore(%run_scoped3A_94 : memref<!tpu.dma_semaphore, #tpu.memory_space<semaphore_mem>>) {add = true}
          %dma_wait3A_104 = arith.constant 0 : i32
          %dma_wait3A_105 = arith.constant 0 : i32
          %dma_wait3A_106 = tpu.memref_slice %arg6[%run_scoped3A, %dma_wait3A_104, %dma_wait3A_105] : memref<2x64x128xf32, #tpu.memory_space<vmem>> -> memref<1x64x128xf32, #tpu.memory_space<vmem>>
          %dma_wait3A_107 = tpu.memref_squeeze %dma_wait3A_106 : memref<1x64x128xf32, #tpu.memory_space<vmem>> -> memref<64x128xf32, #tpu.memory_space<vmem>>
          %dma_wait3A_108 = arith.constant 0 : i32
          %dma_wait3A_109 = tpu.memref_slice %arg5[%run_scoped3A_83, %dma_wait3A_108] : memref<2x64xi32, #tpu.memory_space<vmem>> -> memref<1x64xi32, #tpu.memory_space<vmem>>
          %dma_wait3A_110 = tpu.memref_squeeze %dma_wait3A_109 : memref<1x64xi32, #tpu.memory_space<vmem>> -> memref<64xi32, #tpu.memory_space<vmem>>
          %dma_wait3A_111 = arith.constant 0 : i32
          %dma_wait3A_112 = arith.constant 0 : i32
          %dma_wait3A_113 = tpu.memref_slice %arg8[%dma_wait3A_111, %dma_wait3A_112] : memref<10000x128xf32, #tpu.memory_space<vmem_shared>> -> memref<10000x128xf32, #tpu.memory_space<vmem_shared>>
          tpu.wait_indirect_dma semaphore(%run_scoped3A_94 : memref<!tpu.dma_semaphore, #tpu.memory_space<semaphore_mem>>) src(%dma_wait3A_107 : memref<64x128xf32, #tpu.memory_space<vmem>>) dst(%dma_wait3A_113 : memref<10000x128xf32, #tpu.memory_space<vmem_shared>>)
          tpu.yield
        }) : () -> ()
        %add3A_84 = arith.constant 2 : i32
        %add3A_85 = arith.addi %add3A_49, %add3A_84 : i32
        %mul3A_86 = arith.constant 16 : i32
        %mul3A_87 = arith.muli %add3A_85, %mul3A_86 : i32
        %add3A_88 = arith.addi %arg1, %mul3A_87 : i32
        %lt3A_89 = arith.constant 1250 : i32
        %lt3A_90 = arith.cmpi slt, %add3A_88, %lt3A_89 : i32
        %convert_element_type3A_91 = arith.extui %lt3A_90 : i1 to i32
        %cond3A_92 = arith.constant 0 : i32
        %cond3A_93 = arith.cmpi ne, %convert_element_type3A_91, %cond3A_92 : i32
        scf.if %cond3A_93 {
          %add3A_94 = arith.constant 2 : i32
          %add3A_95 = arith.addi %add3A_49, %add3A_94 : i32
          %mul3A_96 = arith.constant 1250 : i32
          %mul3A_97 = arith.muli %arg0, %mul3A_96 : i32
          %add3A_98 = arith.addi %mul3A_97, %arg1 : i32
          %mul3A_99 = arith.constant 16 : i32
          %mul3A_100 = arith.muli %add3A_95, %mul3A_99 : i32
          %add3A_101 = arith.addi %add3A_98, %mul3A_100 : i32
          %mul3A_102 = arith.constant 64 : i32
          %mul3A_103 = arith.muli %add3A_101, %mul3A_102 : i32
          %add3A_104 = arith.constant 160000 : i32
          %add3A_105 = arith.addi %add3A_104, %mul3A_103 : i32
          %dma_start3A = arith.constant 1 : i32
          %dma_start3A_106 = arith.constant 0 : i32
          %dma_start3A_107 = tpu.memref_slice %arg5[%dma_start3A, %dma_start3A_106] : memref<2x64xi32, #tpu.memory_space<vmem>> -> memref<1x64xi32, #tpu.memory_space<vmem>>
          %dma_start3A_108 = tpu.memref_squeeze %dma_start3A_107 : memref<1x64xi32, #tpu.memory_space<vmem>> -> memref<64xi32, #tpu.memory_space<vmem>>
          %dma_start3A_109 = tpu.memref_slice %arg3[%add3A_105] : memref<320000xi32, #tpu.memory_space<hbm>> -> memref<64xi32, #tpu.memory_space<hbm>>
          %dma_start3A_110 = arith.constant 0 : i32
          %dma_start3A_111 = tpu.memref_slice %arg5[%dma_start3A, %dma_start3A_110] : memref<2x64xi32, #tpu.memory_space<vmem>> -> memref<1x64xi32, #tpu.memory_space<vmem>>
          %dma_start3A_112 = tpu.memref_squeeze %dma_start3A_111 : memref<1x64xi32, #tpu.memory_space<vmem>> -> memref<64xi32, #tpu.memory_space<vmem>>
          %dma_start3A_113 = tpu.memref_slice %arg3[%add3A_105] : memref<320000xi32, #tpu.memory_space<hbm>> -> memref<64xi32, #tpu.memory_space<hbm>>
          tpu.enqueue_dma source(%dma_start3A_113 : memref<64xi32, #tpu.memory_space<hbm>>) target(%dma_start3A_112 : memref<64xi32, #tpu.memory_space<vmem>>) target_semaphore(%arg10 : memref<!tpu.dma_semaphore, #tpu.memory_space<semaphore_mem>>)
          %dma_start3A_114 = arith.constant 1 : i32
          %dma_start3A_115 = arith.constant 0 : i32
          %dma_start3A_116 = arith.constant 0 : i32
          %dma_start3A_117 = tpu.memref_slice %arg6[%dma_start3A_114, %dma_start3A_115, %dma_start3A_116] : memref<2x64x128xf32, #tpu.memory_space<vmem>> -> memref<1x64x128xf32, #tpu.memory_space<vmem>>
          %dma_start3A_118 = tpu.memref_squeeze %dma_start3A_117 : memref<1x64x128xf32, #tpu.memory_space<vmem>> -> memref<64x128xf32, #tpu.memory_space<vmem>>
          %dma_start3A_119 = arith.constant 0 : i32
          %dma_start3A_120 = tpu.memref_slice %arg2[%mul3A_103, %dma_start3A_119] : memref<160000x128xf32, #tpu.memory_space<hbm>> -> memref<64x128xf32, #tpu.memory_space<hbm>>
          %dma_start3A_121 = arith.constant 0 : i32
          %dma_start3A_122 = arith.constant 0 : i32
          %dma_start3A_123 = tpu.memref_slice %arg6[%dma_start3A_114, %dma_start3A_121, %dma_start3A_122] : memref<2x64x128xf32, #tpu.memory_space<vmem>> -> memref<1x64x128xf32, #tpu.memory_space<vmem>>
          %dma_start3A_124 = tpu.memref_squeeze %dma_start3A_123 : memref<1x64x128xf32, #tpu.memory_space<vmem>> -> memref<64x128xf32, #tpu.memory_space<vmem>>
          %dma_start3A_125 = arith.constant 0 : i32
          %dma_start3A_126 = tpu.memref_slice %arg2[%mul3A_103, %dma_start3A_125] : memref<160000x128xf32, #tpu.memory_space<hbm>> -> memref<64x128xf32, #tpu.memory_space<hbm>>
          tpu.enqueue_dma source(%dma_start3A_126 : memref<64x128xf32, #tpu.memory_space<hbm>>) target(%dma_start3A_124 : memref<64x128xf32, #tpu.memory_space<vmem>>) target_semaphore(%arg12 : memref<!tpu.dma_semaphore, #tpu.memory_space<semaphore_mem>>)
        } else {
        }
      } else {
      }
    }
    %scan3A_26 = arith.constant 40 : i32
    %barrier3A_27 = arith.constant 0 : index
    tpu.barrier barrier_id(%barrier3A_27)
    %scan3A_28 = arith.constant 0 : i32
    %scan3A_29 = arith.constant 0 : i32
    %scan3A_30 = arith.constant 16 : i32
    %scan3A_31 = arith.addi %scan3A_29, %scan3A_30 : i32
    %scan3A_32 = arith.constant 1 : i32
    scf.for %scan3A_34 = %scan3A_29 to %scan3A_31 step %scan3A_32  : i32 {
      %mul3A = arith.constant 16 : i32
      %mul3A_35 = arith.muli %scan3A_34, %mul3A : i32
      %add3A_36 = arith.addi %arg1, %mul3A_35 : i32
      %lt3A_37 = arith.constant 250 : i32
      %lt3A_38 = arith.cmpi slt, %add3A_36, %lt3A_37 : i32
      %convert_element_type3A_39 = arith.extui %lt3A_38 : i1 to i32
      %cond3A_40 = arith.constant 0 : i32
      %cond3A_41 = arith.cmpi ne, %convert_element_type3A_39, %cond3A_40 : i32
      scf.if %cond3A_41 {
        %mul3A_42 = arith.constant 40 : i32
        %mul3A_43 = arith.muli %add3A_36, %mul3A_42 : i32
        %mul3A_44 = arith.constant 10000 : i32
        %mul3A_45 = arith.muli %arg0, %mul3A_44 : i32
        %add3A_46 = arith.addi %mul3A_45, %mul3A_43 : i32
        "tpu.region"() ({
          %run_scoped3A = tpu.sem_alloc : memref<!tpu.dma_semaphore, #tpu.memory_space<semaphore_mem>>
          %dma_start3A = arith.constant 0 : i32
          %dma_start3A_47 = tpu.memref_slice %arg8[%mul3A_43, %dma_start3A] : memref<10000x128xf32, #tpu.memory_space<vmem_shared>> -> memref<40x128xf32, #tpu.memory_space<vmem_shared>>
          %dma_start3A_48 = arith.constant 0 : i32
          %dma_start3A_49 = tpu.memref_slice %arg8[%mul3A_43, %dma_start3A_48] : memref<10000x128xf32, #tpu.memory_space<vmem_shared>> -> memref<40x128xf32, #tpu.memory_space<vmem_shared>>
          tpu.enqueue_dma source(%dma_start3A_49 : memref<40x128xf32, #tpu.memory_space<vmem_shared>>) target(%arg7 : memref<40x128xf32, #tpu.memory_space<vmem>>) target_semaphore(%run_scoped3A : memref<!tpu.dma_semaphore, #tpu.memory_space<semaphore_mem>>)
          %dma_wait3A = arith.constant 0 : i32
          %dma_wait3A_50 = tpu.memref_slice %arg8[%mul3A_43, %dma_wait3A] : memref<10000x128xf32, #tpu.memory_space<vmem_shared>> -> memref<40x128xf32, #tpu.memory_space<vmem_shared>>
          %dma_wait3A_51 = arith.constant 0 : i32
          %dma_wait3A_52 = tpu.memref_slice %arg8[%mul3A_43, %dma_wait3A_51] : memref<10000x128xf32, #tpu.memory_space<vmem_shared>> -> memref<40x128xf32, #tpu.memory_space<vmem_shared>>
          tpu.wait_dma2 semaphore(%run_scoped3A : memref<!tpu.dma_semaphore, #tpu.memory_space<semaphore_mem>>) src(%dma_wait3A_52 : memref<40x128xf32, #tpu.memory_space<vmem_shared>>) dst(%arg7 : memref<40x128xf32, #tpu.memory_space<vmem>>)
          tpu.yield
        }) : () -> ()
        "tpu.region"() ({
          %run_scoped3A = tpu.sem_alloc : memref<!tpu.dma_semaphore, #tpu.memory_space<semaphore_mem>>
          %dma_start3A = arith.constant 0 : i32
          %dma_start3A_47 = tpu.memref_slice %arg4[%add3A_46, %dma_start3A] : memref<20000x128xf32, #tpu.memory_space<hbm>> -> memref<40x128xf32, #tpu.memory_space<hbm>>
          %dma_start3A_48 = arith.constant 0 : i32
          %dma_start3A_49 = tpu.memref_slice %arg4[%add3A_46, %dma_start3A_48] : memref<20000x128xf32, #tpu.memory_space<hbm>> -> memref<40x128xf32, #tpu.memory_space<hbm>>
          tpu.enqueue_dma source(%arg7 : memref<40x128xf32, #tpu.memory_space<vmem>>) target(%dma_start3A_49 : memref<40x128xf32, #tpu.memory_space<hbm>>) target_semaphore(%run_scoped3A : memref<!tpu.dma_semaphore, #tpu.memory_space<semaphore_mem>>)
          %dma_wait3A = arith.constant 0 : i32
          %dma_wait3A_50 = tpu.memref_slice %arg4[%add3A_46, %dma_wait3A] : memref<20000x128xf32, #tpu.memory_space<hbm>> -> memref<40x128xf32, #tpu.memory_space<hbm>>
          %dma_wait3A_51 = arith.constant 0 : i32
          %dma_wait3A_52 = tpu.memref_slice %arg4[%add3A_46, %dma_wait3A_51] : memref<20000x128xf32, #tpu.memory_space<hbm>> -> memref<40x128xf32, #tpu.memory_space<hbm>>
          tpu.wait_dma2 semaphore(%run_scoped3A : memref<!tpu.dma_semaphore, #tpu.memory_space<semaphore_mem>>) src(%arg7 : memref<40x128xf32, #tpu.memory_space<vmem>>) dst(%dma_wait3A_52 : memref<40x128xf32, #tpu.memory_space<hbm>>)
          tpu.yield
        }) : () -> ()
      } else {
      }
    }
    %scan3A_33 = arith.constant 16 : i32
    return
  }
}

#map = affine_map<(d0, d1) -> (0, 0)>
#map1 = affine_map<(d0, d1) -> (0)>
module attributes {stable_mosaic.version = 14 : i64} {
  func.func @_scatter_body(%arg0: i32, %arg1: i32, %arg2: memref<160000x128xf32, #tpu.memory_space<hbm>>, %arg3: memref<320000xi32, #tpu.memory_space<hbm>>, %arg4: memref<20000x128xf32, #tpu.memory_space<hbm>>, %arg5: memref<2x64xi32, #tpu.memory_space<vmem>>, %arg6: memref<2x64x128xf32, #tpu.memory_space<vmem>>, %arg7: memref<40x128xf32, #tpu.memory_space<vmem>>, %arg8: memref<10000x128xf32, #tpu.memory_space<vmem_shared>>, %arg9: memref<!tpu.dma_semaphore, #tpu.memory_space<semaphore_mem>>, %arg10: memref<!tpu.dma_semaphore, #tpu.memory_space<semaphore_mem>>, %arg11: memref<!tpu.dma_semaphore, #tpu.memory_space<semaphore_mem>>, %arg12: memref<!tpu.dma_semaphore, #tpu.memory_space<semaphore_mem>>) attributes {dimension_semantics = [#tpu.dimension_semantics<core_parallel>, #tpu.dimension_semantics<subcore_parallel>], iteration_bounds = array<i64: 2, 16>, scalar_prefetch = 0 : i64, scratch_operands = 8 : i64, tpu.core_type = #tpu.core_type<sc_vector_subcore>, window_params = [{transform_indices = #map}, {transform_indices = #map1}, {transform_indices = #map}]} {
    %scan3A = arith.constant 0 : i32
    %scan3A_0 = arith.constant 0 : i32
    %scan3A_1 = arith.constant 320 : i32
    %scan3A_2 = arith.addi %scan3A_0, %scan3A_1 : i32
    %scan3A_3 = arith.constant 1 : i32
    scf.for %scan3A_34 = %scan3A_0 to %scan3A_2 step %scan3A_3  : i32 {
      %broadcast_in_dim3A = arith.constant 0.000000e+00 : f32
      %broadcast_in_dim3A_35 = vector.broadcast %broadcast_in_dim3A : f32 to vector<16xf32>
      %jit3A = arith.constant 8 : i32
      %div3A = arith.divsi %scan3A_34, %jit3A : i32
      %sign3A = arith.constant 0 : i32
      %sign3A_36 = arith.cmpi sgt, %scan3A_34, %sign3A : i32
      %sign3A_37 = arith.extui %sign3A_36 : i1 to i32
      %sign3A_38 = arith.constant 0 : i32
      %sign3A_39 = arith.cmpi slt, %scan3A_34, %sign3A_38 : i32
      %sign3A_40 = arith.extui %sign3A_39 : i1 to i32
      %sign3A_41 = arith.subi %sign3A_37, %sign3A_40 : i32
      %sign3A_42 = arith.constant 0 : i32
      %sign3A_43 = arith.cmpi sgt, %jit3A, %sign3A_42 : i32
      %sign3A_44 = arith.extui %sign3A_43 : i1 to i32
      %sign3A_45 = arith.constant 0 : i32
      %sign3A_46 = arith.cmpi slt, %jit3A, %sign3A_45 : i32
      %sign3A_47 = arith.extui %sign3A_46 : i1 to i32
      %sign3A_48 = arith.subi %sign3A_44, %sign3A_47 : i32
      %ne3A = arith.cmpi ne, %sign3A_41, %sign3A_48 : i32
      %rem3A = arith.remsi %scan3A_34, %jit3A : i32
      %ne3A_49 = arith.constant 0 : i32
      %ne3A_50 = arith.cmpi ne, %rem3A, %ne3A_49 : i32
      %and3A = arith.andi %ne3A, %ne3A_50 : i1
      %sub3A = arith.constant 1 : i32
      %sub3A_51 = arith.subi %div3A, %sub3A : i32
      %select_n3A = arith.select %and3A, %sub3A_51, %div3A : i32
      %jit3A_52 = arith.constant 8 : i32
      %eq3A = arith.constant 0 : i32
      %eq3A_53 = arith.cmpi eq, %jit3A_52, %eq3A : i32
      %jit3A_54 = arith.constant 1 : i32
      %select_n3A_55 = arith.select %eq3A_53, %jit3A_54, %jit3A_52 : i32
      %rem3A_56 = arith.remsi %scan3A_34, %select_n3A_55 : i32
      %ne3A_57 = arith.constant 0 : i32
      %ne3A_58 = arith.cmpi ne, %rem3A_56, %ne3A_57 : i32
      %lt3A_59 = arith.constant 0 : i32
      %lt3A_60 = arith.cmpi slt, %rem3A_56, %lt3A_59 : i32
      %lt3A_61 = arith.constant 0 : i32
      %lt3A_62 = arith.cmpi slt, %select_n3A_55, %lt3A_61 : i32
      %ne3A_63 = arith.xori %lt3A_60, %lt3A_62 : i1
      %and3A_64 = arith.andi %ne3A_63, %ne3A_58 : i1
      %add3A_65 = arith.addi %rem3A_56, %select_n3A_55 : i32
      %select_n3A_66 = arith.select %and3A_64, %add3A_65, %rem3A_56 : i32
      %mul3A = arith.constant 16 : i32
      %mul3A_67 = arith.muli %select_n3A_66, %mul3A : i32
      %swap3A = arith.index_cast %select_n3A : i32 to index
      %swap3A_68 = arith.index_cast %mul3A_67 : i32 to index
      %swap3A_69 = tpu.vector_load %arg7[%swap3A, %swap3A_68] {strides = array<i32>} : memref<40x128xf32, #tpu.memory_space<vmem>>, vector<1x16xf32>,
      %swap3A_70 = vector.shape_cast %swap3A_69 : vector<1x16xf32> to vector<16xf32>
      %swap3A_71 = vector.shape_cast %broadcast_in_dim3A_35 : vector<16xf32> to vector<1x16xf32>
      tpu.vector_store %arg7[%swap3A, %swap3A_68], %swap3A_71 {strides = array<i32>} : memref<40x128xf32, #tpu.memory_space<vmem>>, vector<1x16xf32>,
    }
    %scan3A_4 = arith.constant 320 : i32
    %scan3A_5 = arith.constant 0 : i32
    %scan3A_6 = arith.constant 0 : i32
    %scan3A_7 = arith.constant 16 : i32
    %scan3A_8 = arith.addi %scan3A_6, %scan3A_7 : i32
    %scan3A_9 = arith.constant 1 : i32
    scf.for %scan3A_34 = %scan3A_6 to %scan3A_8 step %scan3A_9  : i32 {
      %mul3A = arith.constant 16 : i32
      %mul3A_35 = arith.muli %scan3A_34, %mul3A : i32
      %add3A_36 = arith.addi %arg1, %mul3A_35 : i32
      %lt3A_37 = arith.constant 250 : i32
      %lt3A_38 = arith.cmpi slt, %add3A_36, %lt3A_37 : i32
      %convert_element_type3A_39 = arith.extui %lt3A_38 : i1 to i32
      %cond3A_40 = arith.constant 0 : i32
      %cond3A_41 = arith.cmpi ne, %convert_element_type3A_39, %cond3A_40 : i32
      scf.if %cond3A_41 {
        %mul3A_42 = arith.constant 40 : i32
        %mul3A_43 = arith.muli %add3A_36, %mul3A_42 : i32
        "tpu.region"() ({
          %run_scoped3A = tpu.sem_alloc : memref<!tpu.dma_semaphore, #tpu.memory_space<semaphore_mem>>
          %dma_start3A = arith.constant 0 : i32
          %dma_start3A_44 = tpu.memref_slice %arg8[%mul3A_43, %dma_start3A] : memref<10000x128xf32, #tpu.memory_space<vmem_shared>> -> memref<40x128xf32, #tpu.memory_space<vmem_shared>>
          %dma_start3A_45 = arith.constant 0 : i32
          %dma_start3A_46 = tpu.memref_slice %arg8[%mul3A_43, %dma_start3A_45] : memref<10000x128xf32, #tpu.memory_space<vmem_shared>> -> memref<40x128xf32, #tpu.memory_space<vmem_shared>>
          tpu.enqueue_dma source(%arg7 : memref<40x128xf32, #tpu.memory_space<vmem>>) target(%dma_start3A_46 : memref<40x128xf32, #tpu.memory_space<vmem_shared>>) target_semaphore(%run_scoped3A : memref<!tpu.dma_semaphore, #tpu.memory_space<semaphore_mem>>)
          %dma_wait3A = arith.constant 0 : i32
          %dma_wait3A_47 = tpu.memref_slice %arg8[%mul3A_43, %dma_wait3A] : memref<10000x128xf32, #tpu.memory_space<vmem_shared>> -> memref<40x128xf32, #tpu.memory_space<vmem_shared>>
          %dma_wait3A_48 = arith.constant 0 : i32
          %dma_wait3A_49 = tpu.memref_slice %arg8[%mul3A_43, %dma_wait3A_48] : memref<10000x128xf32, #tpu.memory_space<vmem_shared>> -> memref<40x128xf32, #tpu.memory_space<vmem_shared>>
          tpu.wait_dma2 semaphore(%run_scoped3A : memref<!tpu.dma_semaphore, #tpu.memory_space<semaphore_mem>>) src(%arg7 : memref<40x128xf32, #tpu.memory_space<vmem>>) dst(%dma_wait3A_49 : memref<40x128xf32, #tpu.memory_space<vmem_shared>>)
          tpu.yield
        }) : () -> ()
      } else {
      }
    }
    %scan3A_10 = arith.constant 16 : i32
    %barrier3A = arith.constant 0 : index
    tpu.barrier barrier_id(%barrier3A)
    %add3A = arith.constant 0 : i32
    %add3A_11 = arith.addi %arg1, %add3A : i32
    %lt3A = arith.constant 1250 : i32
    %lt3A_12 = arith.cmpi slt, %add3A_11, %lt3A : i32
    %convert_element_type3A = arith.extui %lt3A_12 : i1 to i32
    %cond3A = arith.constant 0 : i32
    %cond3A_13 = arith.cmpi ne, %convert_element_type3A, %cond3A : i32
    scf.if %cond3A_13 {
      %mul3A = arith.constant 1250 : i32
      %mul3A_34 = arith.muli %arg0, %mul3A : i32
      %add3A_35 = arith.addi %mul3A_34, %arg1 : i32
      %add3A_36 = arith.constant 0 : i32
      %add3A_37 = arith.addi %add3A_35, %add3A_36 : i32
      %mul3A_38 = arith.constant 64 : i32
      %mul3A_39 = arith.muli %add3A_37, %mul3A_38 : i32
      %add3A_40 = arith.constant 0 : i32
      %add3A_41 = arith.addi %add3A_40, %mul3A_39 : i32
      %dma_start3A = arith.constant 0 : i32
      %dma_start3A_42 = arith.constant 0 : i32
      %dma_start3A_43 = tpu.memref_slice %arg5[%dma_start3A, %dma_start3A_42] : memref<2x64xi32, #tpu.memory_space<vmem>> -> memref<1x64xi32, #tpu.memory_space<vmem>>
      %dma_start3A_44 = tpu.memref_squeeze %dma_start3A_43 : memref<1x64xi32, #tpu.memory_space<vmem>> -> memref<64xi32, #tpu.memory_space<vmem>>
      %dma_start3A_45 = tpu.memref_slice %arg3[%add3A_41] : memref<320000xi32, #tpu.memory_space<hbm>> -> memref<64xi32, #tpu.memory_space<hbm>>
      %dma_start3A_46 = arith.constant 0 : i32
      %dma_start3A_47 = tpu.memref_slice %arg5[%dma_start3A, %dma_start3A_46] : memref<2x64xi32, #tpu.memory_space<vmem>> -> memref<1x64xi32, #tpu.memory_space<vmem>>
      %dma_start3A_48 = tpu.memref_squeeze %dma_start3A_47 : memref<1x64xi32, #tpu.memory_space<vmem>> -> memref<64xi32, #tpu.memory_space<vmem>>
      %dma_start3A_49 = tpu.memref_slice %arg3[%add3A_41] : memref<320000xi32, #tpu.memory_space<hbm>> -> memref<64xi32, #tpu.memory_space<hbm>>
      tpu.enqueue_dma source(%dma_start3A_49 : memref<64xi32, #tpu.memory_space<hbm>>) target(%dma_start3A_48 : memref<64xi32, #tpu.memory_space<vmem>>) target_semaphore(%arg9 : memref<!tpu.dma_semaphore, #tpu.memory_space<semaphore_mem>>)
      %dma_start3A_50 = arith.constant 0 : i32
      %dma_start3A_51 = arith.constant 0 : i32
      %dma_start3A_52 = arith.constant 0 : i32
      %dma_start3A_53 = tpu.memref_slice %arg6[%dma_start3A_50, %dma_start3A_51, %dma_start3A_52] : memref<2x64x128xf32, #tpu.memory_space<vmem>> -> memref<1x64x128xf32, #tpu.memory_space<vmem>>
      %dma_start3A_54 = tpu.memref_squeeze %dma_start3A_53 : memref<1x64x128xf32, #tpu.memory_space<vmem>> -> memref<64x128xf32, #tpu.memory_space<vmem>>
      %dma_start3A_55 = arith.constant 0 : i32
      %dma_start3A_56 = tpu.memref_slice %arg2[%mul3A_39, %dma_start3A_55] : memref<160000x128xf32, #tpu.memory_space<hbm>> -> memref<64x128xf32, #tpu.memory_space<hbm>>
      %dma_start3A_57 = arith.constant 0 : i32
      %dma_start3A_58 = arith.constant 0 : i32
      %dma_start3A_59 = tpu.memref_slice %arg6[%dma_start3A_50, %dma_start3A_57, %dma_start3A_58] : memref<2x64x128xf32, #tpu.memory_space<vmem>> -> memref<1x64x128xf32, #tpu.memory_space<vmem>>
      %dma_start3A_60 = tpu.memref_squeeze %dma_start3A_59 : memref<1x64x128xf32, #tpu.memory_space<vmem>> -> memref<64x128xf32, #tpu.memory_space<vmem>>
      %dma_start3A_61 = arith.constant 0 : i32
      %dma_start3A_62 = tpu.memref_slice %arg2[%mul3A_39, %dma_start3A_61] : memref<160000x128xf32, #tpu.memory_space<hbm>> -> memref<64x128xf32, #tpu.memory_space<hbm>>
      tpu.enqueue_dma source(%dma_start3A_62 : memref<64x128xf32, #tpu.memory_space<hbm>>) target(%dma_start3A_60 : memref<64x128xf32, #tpu.memory_space<vmem>>) target_semaphore(%arg11 : memref<!tpu.dma_semaphore, #tpu.memory_space<semaphore_mem>>)
    } else {
    }
    %add3A_14 = arith.constant 16 : i32
    %add3A_15 = arith.addi %arg1, %add3A_14 : i32
    %lt3A_16 = arith.constant 1250 : i32
    %lt3A_17 = arith.cmpi slt, %add3A_15, %lt3A_16 : i32
    %convert_element_type3A_18 = arith.extui %lt3A_17 : i1 to i32
    %cond3A_19 = arith.constant 0 : i32
    %cond3A_20 = arith.cmpi ne, %convert_element_type3A_18, %cond3A_19 : i32
    scf.if %cond3A_20 {
      %mul3A = arith.constant 1250 : i32
      %mul3A_34 = arith.muli %arg0, %mul3A : i32
      %add3A_35 = arith.addi %mul3A_34, %arg1 : i32
      %add3A_36 = arith.constant 16 : i32
      %add3A_37 = arith.addi %add3A_35, %add3A_36 : i32
      %mul3A_38 = arith.constant 64 : i32
      %mul3A_39 = arith.muli %add3A_37, %mul3A_38 : i32
      %add3A_40 = arith.constant 0 : i32
      %add3A_41 = arith.addi %add3A_40, %mul3A_39 : i32
      %dma_start3A = arith.constant 1 : i32
      %dma_start3A_42 = arith.constant 0 : i32
      %dma_start3A_43 = tpu.memref_slice %arg5[%dma_start3A, %dma_start3A_42] : memref<2x64xi32, #tpu.memory_space<vmem>> -> memref<1x64xi32, #tpu.memory_space<vmem>>
      %dma_start3A_44 = tpu.memref_squeeze %dma_start3A_43 : memref<1x64xi32, #tpu.memory_space<vmem>> -> memref<64xi32, #tpu.memory_space<vmem>>
      %dma_start3A_45 = tpu.memref_slice %arg3[%add3A_41] : memref<320000xi32, #tpu.memory_space<hbm>> -> memref<64xi32, #tpu.memory_space<hbm>>
      %dma_start3A_46 = arith.constant 0 : i32
      %dma_start3A_47 = tpu.memref_slice %arg5[%dma_start3A, %dma_start3A_46] : memref<2x64xi32, #tpu.memory_space<vmem>> -> memref<1x64xi32, #tpu.memory_space<vmem>>
      %dma_start3A_48 = tpu.memref_squeeze %dma_start3A_47 : memref<1x64xi32, #tpu.memory_space<vmem>> -> memref<64xi32, #tpu.memory_space<vmem>>
      %dma_start3A_49 = tpu.memref_slice %arg3[%add3A_41] : memref<320000xi32, #tpu.memory_space<hbm>> -> memref<64xi32, #tpu.memory_space<hbm>>
      tpu.enqueue_dma source(%dma_start3A_49 : memref<64xi32, #tpu.memory_space<hbm>>) target(%dma_start3A_48 : memref<64xi32, #tpu.memory_space<vmem>>) target_semaphore(%arg10 : memref<!tpu.dma_semaphore, #tpu.memory_space<semaphore_mem>>)
      %dma_start3A_50 = arith.constant 1 : i32
      %dma_start3A_51 = arith.constant 0 : i32
      %dma_start3A_52 = arith.constant 0 : i32
      %dma_start3A_53 = tpu.memref_slice %arg6[%dma_start3A_50, %dma_start3A_51, %dma_start3A_52] : memref<2x64x128xf32, #tpu.memory_space<vmem>> -> memref<1x64x128xf32, #tpu.memory_space<vmem>>
      %dma_start3A_54 = tpu.memref_squeeze %dma_start3A_53 : memref<1x64x128xf32, #tpu.memory_space<vmem>> -> memref<64x128xf32, #tpu.memory_space<vmem>>
      %dma_start3A_55 = arith.constant 0 : i32
      %dma_start3A_56 = tpu.memref_slice %arg2[%mul3A_39, %dma_start3A_55] : memref<160000x128xf32, #tpu.memory_space<hbm>> -> memref<64x128xf32, #tpu.memory_space<hbm>>
      %dma_start3A_57 = arith.constant 0 : i32
      %dma_start3A_58 = arith.constant 0 : i32
      %dma_start3A_59 = tpu.memref_slice %arg6[%dma_start3A_50, %dma_start3A_57, %dma_start3A_58] : memref<2x64x128xf32, #tpu.memory_space<vmem>> -> memref<1x64x128xf32, #tpu.memory_space<vmem>>
      %dma_start3A_60 = tpu.memref_squeeze %dma_start3A_59 : memref<1x64x128xf32, #tpu.memory_space<vmem>> -> memref<64x128xf32, #tpu.memory_space<vmem>>
      %dma_start3A_61 = arith.constant 0 : i32
      %dma_start3A_62 = tpu.memref_slice %arg2[%mul3A_39, %dma_start3A_61] : memref<160000x128xf32, #tpu.memory_space<hbm>> -> memref<64x128xf32, #tpu.memory_space<hbm>>
      tpu.enqueue_dma source(%dma_start3A_62 : memref<64x128xf32, #tpu.memory_space<hbm>>) target(%dma_start3A_60 : memref<64x128xf32, #tpu.memory_space<vmem>>) target_semaphore(%arg12 : memref<!tpu.dma_semaphore, #tpu.memory_space<semaphore_mem>>)
    } else {
    }
    %scan3A_21 = arith.constant 0 : i32
    %scan3A_22 = arith.constant 0 : i32
    %scan3A_23 = arith.constant 40 : i32
    %scan3A_24 = arith.addi %scan3A_22, %scan3A_23 : i32
    %scan3A_25 = arith.constant 1 : i32
    scf.for %scan3A_34 = %scan3A_22 to %scan3A_24 step %scan3A_25  : i32 {
      %mul3A = arith.constant 2 : i32
      %mul3A_35 = arith.muli %scan3A_34, %mul3A : i32
      %add3A_36 = arith.constant 0 : i32
      %add3A_37 = arith.addi %mul3A_35, %add3A_36 : i32
      %mul3A_38 = arith.constant 16 : i32
      %mul3A_39 = arith.muli %add3A_37, %mul3A_38 : i32
      %add3A_40 = arith.addi %arg1, %mul3A_39 : i32
      %lt3A_41 = arith.constant 1250 : i32
      %lt3A_42 = arith.cmpi slt, %add3A_40, %lt3A_41 : i32
      %convert_element_type3A_43 = arith.extui %lt3A_42 : i1 to i32
      %cond3A_44 = arith.constant 0 : i32
      %cond3A_45 = arith.cmpi ne, %convert_element_type3A_43, %cond3A_44 : i32
      scf.if %cond3A_45 {
        %dma_wait3A = arith.constant 0 : i32
        %dma_wait3A_58 = arith.constant 0 : i32
        %dma_wait3A_59 = tpu.memref_slice %arg5[%dma_wait3A, %dma_wait3A_58] : memref<2x64xi32, #tpu.memory_space<vmem>> -> memref<1x64xi32, #tpu.memory_space<vmem>>
        %dma_wait3A_60 = tpu.memref_squeeze %dma_wait3A_59 : memref<1x64xi32, #tpu.memory_space<vmem>> -> memref<64xi32, #tpu.memory_space<vmem>>
        %dma_wait3A_61 = arith.constant 0 : i32
        %dma_wait3A_62 = tpu.memref_slice %arg3[%dma_wait3A_61] : memref<320000xi32, #tpu.memory_space<hbm>> -> memref<64xi32, #tpu.memory_space<hbm>>
        %dma_wait3A_63 = arith.constant 0 : i32
        %dma_wait3A_64 = tpu.memref_slice %arg5[%dma_wait3A, %dma_wait3A_63] : memref<2x64xi32, #tpu.memory_space<vmem>> -> memref<1x64xi32, #tpu.memory_space<vmem>>
        %dma_wait3A_65 = tpu.memref_squeeze %dma_wait3A_64 : memref<1x64xi32, #tpu.memory_space<vmem>> -> memref<64xi32, #tpu.memory_space<vmem>>
        %dma_wait3A_66 = arith.constant 0 : i32
        %dma_wait3A_67 = tpu.memref_slice %arg3[%dma_wait3A_66] : memref<320000xi32, #tpu.memory_space<hbm>> -> memref<64xi32, #tpu.memory_space<hbm>>
        tpu.wait_dma2 semaphore(%arg9 : memref<!tpu.dma_semaphore, #tpu.memory_space<semaphore_mem>>) src(%dma_wait3A_67 : memref<64xi32, #tpu.memory_space<hbm>>) dst(%dma_wait3A_65 : memref<64xi32, #tpu.memory_space<vmem>>)
        %dma_wait3A_68 = arith.constant 0 : i32
        %dma_wait3A_69 = arith.constant 0 : i32
        %dma_wait3A_70 = arith.constant 0 : i32
        %dma_wait3A_71 = tpu.memref_slice %arg6[%dma_wait3A_68, %dma_wait3A_69, %dma_wait3A_70] : memref<2x64x128xf32, #tpu.memory_space<vmem>> -> memref<1x64x128xf32, #tpu.memory_space<vmem>>
        %dma_wait3A_72 = tpu.memref_squeeze %dma_wait3A_71 : memref<1x64x128xf32, #tpu.memory_space<vmem>> -> memref<64x128xf32, #tpu.memory_space<vmem>>
        %dma_wait3A_73 = arith.constant 0 : i32
        %dma_wait3A_74 = arith.constant 0 : i32
        %dma_wait3A_75 = tpu.memref_slice %arg2[%dma_wait3A_73, %dma_wait3A_74] : memref<160000x128xf32, #tpu.memory_space<hbm>> -> memref<64x128xf32, #tpu.memory_space<hbm>>
        %dma_wait3A_76 = arith.constant 0 : i32
        %dma_wait3A_77 = arith.constant 0 : i32
        %dma_wait3A_78 = tpu.memref_slice %arg6[%dma_wait3A_68, %dma_wait3A_76, %dma_wait3A_77] : memref<2x64x128xf32, #tpu.memory_space<vmem>> -> memref<1x64x128xf32, #tpu.memory_space<vmem>>
        %dma_wait3A_79 = tpu.memref_squeeze %dma_wait3A_78 : memref<1x64x128xf32, #tpu.memory_space<vmem>> -> memref<64x128xf32, #tpu.memory_space<vmem>>
        %dma_wait3A_80 = arith.constant 0 : i32
        %dma_wait3A_81 = arith.constant 0 : i32
        %dma_wait3A_82 = tpu.memref_slice %arg2[%dma_wait3A_80, %dma_wait3A_81] : memref<160000x128xf32, #tpu.memory_space<hbm>> -> memref<64x128xf32, #tpu.memory_space<hbm>>
        tpu.wait_dma2 semaphore(%arg11 : memref<!tpu.dma_semaphore, #tpu.memory_space<semaphore_mem>>) src(%dma_wait3A_82 : memref<64x128xf32, #tpu.memory_space<hbm>>) dst(%dma_wait3A_79 : memref<64x128xf32, #tpu.memory_space<vmem>>)
        %run_scoped3A = arith.constant 0 : i32
        %run_scoped3A_83 = arith.constant 0 : i32
        "tpu.region"() ({
          %run_scoped3A_94 = tpu.sem_alloc : memref<!tpu.dma_semaphore, #tpu.memory_space<semaphore_mem>>
          %dma_start3A = arith.constant 0 : i32
          %dma_start3A_95 = arith.constant 0 : i32
          %dma_start3A_96 = tpu.memref_slice %arg6[%run_scoped3A, %dma_start3A, %dma_start3A_95] : memref<2x64x128xf32, #tpu.memory_space<vmem>> -> memref<1x64x128xf32, #tpu.memory_space<vmem>>
          %dma_start3A_97 = tpu.memref_squeeze %dma_start3A_96 : memref<1x64x128xf32, #tpu.memory_space<vmem>> -> memref<64x128xf32, #tpu.memory_space<vmem>>
          %dma_start3A_98 = arith.constant 0 : i32
          %dma_start3A_99 = tpu.memref_slice %arg5[%run_scoped3A_83, %dma_start3A_98] : memref<2x64xi32, #tpu.memory_space<vmem>> -> memref<1x64xi32, #tpu.memory_space<vmem>>
          %dma_start3A_100 = tpu.memref_squeeze %dma_start3A_99 : memref<1x64xi32, #tpu.memory_space<vmem>> -> memref<64xi32, #tpu.memory_space<vmem>>
          %dma_start3A_101 = arith.constant 0 : i32
          %dma_start3A_102 = arith.constant 0 : i32
          %dma_start3A_103 = tpu.memref_slice %arg8[%dma_start3A_101, %dma_start3A_102] : memref<10000x128xf32, #tpu.memory_space<vmem_shared>> -> memref<10000x128xf32, #tpu.memory_space<vmem_shared>>
          tpu.enqueue_indirect_dma source(%dma_start3A_97 : memref<64x128xf32, #tpu.memory_space<vmem>>) target(%dma_start3A_103 : memref<10000x128xf32, #tpu.memory_space<vmem_shared>>) offsets(%dma_start3A_100 : memref<64xi32, #tpu.memory_space<vmem>>) semaphore(%run_scoped3A_94 : memref<!tpu.dma_semaphore, #tpu.memory_space<semaphore_mem>>) {add = true}
          %dma_wait3A_104 = arith.constant 0 : i32
          %dma_wait3A_105 = arith.constant 0 : i32
          %dma_wait3A_106 = tpu.memref_slice %arg6[%run_scoped3A, %dma_wait3A_104, %dma_wait3A_105] : memref<2x64x128xf32, #tpu.memory_space<vmem>> -> memref<1x64x128xf32, #tpu.memory_space<vmem>>
          %dma_wait3A_107 = tpu.memref_squeeze %dma_wait3A_106 : memref<1x64x128xf32, #tpu.memory_space<vmem>> -> memref<64x128xf32, #tpu.memory_space<vmem>>
          %dma_wait3A_108 = arith.constant 0 : i32
          %dma_wait3A_109 = tpu.memref_slice %arg5[%run_scoped3A_83, %dma_wait3A_108] : memref<2x64xi32, #tpu.memory_space<vmem>> -> memref<1x64xi32, #tpu.memory_space<vmem>>
          %dma_wait3A_110 = tpu.memref_squeeze %dma_wait3A_109 : memref<1x64xi32, #tpu.memory_space<vmem>> -> memref<64xi32, #tpu.memory_space<vmem>>
          %dma_wait3A_111 = arith.constant 0 : i32
          %dma_wait3A_112 = arith.constant 0 : i32
          %dma_wait3A_113 = tpu.memref_slice %arg8[%dma_wait3A_111, %dma_wait3A_112] : memref<10000x128xf32, #tpu.memory_space<vmem_shared>> -> memref<10000x128xf32, #tpu.memory_space<vmem_shared>>
          tpu.wait_indirect_dma semaphore(%run_scoped3A_94 : memref<!tpu.dma_semaphore, #tpu.memory_space<semaphore_mem>>) src(%dma_wait3A_107 : memref<64x128xf32, #tpu.memory_space<vmem>>) dst(%dma_wait3A_113 : memref<10000x128xf32, #tpu.memory_space<vmem_shared>>)
          tpu.yield
        }) : () -> ()
        %add3A_84 = arith.constant 2 : i32
        %add3A_85 = arith.addi %add3A_37, %add3A_84 : i32
        %mul3A_86 = arith.constant 16 : i32
        %mul3A_87 = arith.muli %add3A_85, %mul3A_86 : i32
        %add3A_88 = arith.addi %arg1, %mul3A_87 : i32
        %lt3A_89 = arith.constant 1250 : i32
        %lt3A_90 = arith.cmpi slt, %add3A_88, %lt3A_89 : i32
        %convert_element_type3A_91 = arith.extui %lt3A_90 : i1 to i32
        %cond3A_92 = arith.constant 0 : i32
        %cond3A_93 = arith.cmpi ne, %convert_element_type3A_91, %cond3A_92 : i32
        scf.if %cond3A_93 {
          %add3A_94 = arith.constant 2 : i32
          %add3A_95 = arith.addi %add3A_37, %add3A_94 : i32
          %mul3A_96 = arith.constant 1250 : i32
          %mul3A_97 = arith.muli %arg0, %mul3A_96 : i32
          %add3A_98 = arith.addi %mul3A_97, %arg1 : i32
          %mul3A_99 = arith.constant 16 : i32
          %mul3A_100 = arith.muli %add3A_95, %mul3A_99 : i32
          %add3A_101 = arith.addi %add3A_98, %mul3A_100 : i32
          %mul3A_102 = arith.constant 64 : i32
          %mul3A_103 = arith.muli %add3A_101, %mul3A_102 : i32
          %add3A_104 = arith.constant 0 : i32
          %add3A_105 = arith.addi %add3A_104, %mul3A_103 : i32
          %dma_start3A = arith.constant 0 : i32
          %dma_start3A_106 = arith.constant 0 : i32
          %dma_start3A_107 = tpu.memref_slice %arg5[%dma_start3A, %dma_start3A_106] : memref<2x64xi32, #tpu.memory_space<vmem>> -> memref<1x64xi32, #tpu.memory_space<vmem>>
          %dma_start3A_108 = tpu.memref_squeeze %dma_start3A_107 : memref<1x64xi32, #tpu.memory_space<vmem>> -> memref<64xi32, #tpu.memory_space<vmem>>
          %dma_start3A_109 = tpu.memref_slice %arg3[%add3A_105] : memref<320000xi32, #tpu.memory_space<hbm>> -> memref<64xi32, #tpu.memory_space<hbm>>
          %dma_start3A_110 = arith.constant 0 : i32
          %dma_start3A_111 = tpu.memref_slice %arg5[%dma_start3A, %dma_start3A_110] : memref<2x64xi32, #tpu.memory_space<vmem>> -> memref<1x64xi32, #tpu.memory_space<vmem>>
          %dma_start3A_112 = tpu.memref_squeeze %dma_start3A_111 : memref<1x64xi32, #tpu.memory_space<vmem>> -> memref<64xi32, #tpu.memory_space<vmem>>
          %dma_start3A_113 = tpu.memref_slice %arg3[%add3A_105] : memref<320000xi32, #tpu.memory_space<hbm>> -> memref<64xi32, #tpu.memory_space<hbm>>
          tpu.enqueue_dma source(%dma_start3A_113 : memref<64xi32, #tpu.memory_space<hbm>>) target(%dma_start3A_112 : memref<64xi32, #tpu.memory_space<vmem>>) target_semaphore(%arg9 : memref<!tpu.dma_semaphore, #tpu.memory_space<semaphore_mem>>)
          %dma_start3A_114 = arith.constant 0 : i32
          %dma_start3A_115 = arith.constant 0 : i32
          %dma_start3A_116 = arith.constant 0 : i32
          %dma_start3A_117 = tpu.memref_slice %arg6[%dma_start3A_114, %dma_start3A_115, %dma_start3A_116] : memref<2x64x128xf32, #tpu.memory_space<vmem>> -> memref<1x64x128xf32, #tpu.memory_space<vmem>>
          %dma_start3A_118 = tpu.memref_squeeze %dma_start3A_117 : memref<1x64x128xf32, #tpu.memory_space<vmem>> -> memref<64x128xf32, #tpu.memory_space<vmem>>
          %dma_start3A_119 = arith.constant 0 : i32
          %dma_start3A_120 = tpu.memref_slice %arg2[%mul3A_103, %dma_start3A_119] : memref<160000x128xf32, #tpu.memory_space<hbm>> -> memref<64x128xf32, #tpu.memory_space<hbm>>
          %dma_start3A_121 = arith.constant 0 : i32
          %dma_start3A_122 = arith.constant 0 : i32
          %dma_start3A_123 = tpu.memref_slice %arg6[%dma_start3A_114, %dma_start3A_121, %dma_start3A_122] : memref<2x64x128xf32, #tpu.memory_space<vmem>> -> memref<1x64x128xf32, #tpu.memory_space<vmem>>
          %dma_start3A_124 = tpu.memref_squeeze %dma_start3A_123 : memref<1x64x128xf32, #tpu.memory_space<vmem>> -> memref<64x128xf32, #tpu.memory_space<vmem>>
          %dma_start3A_125 = arith.constant 0 : i32
          %dma_start3A_126 = tpu.memref_slice %arg2[%mul3A_103, %dma_start3A_125] : memref<160000x128xf32, #tpu.memory_space<hbm>> -> memref<64x128xf32, #tpu.memory_space<hbm>>
          tpu.enqueue_dma source(%dma_start3A_126 : memref<64x128xf32, #tpu.memory_space<hbm>>) target(%dma_start3A_124 : memref<64x128xf32, #tpu.memory_space<vmem>>) target_semaphore(%arg11 : memref<!tpu.dma_semaphore, #tpu.memory_space<semaphore_mem>>)
        } else {
        }
      } else {
      }
      %mul3A_46 = arith.constant 2 : i32
      %mul3A_47 = arith.muli %scan3A_34, %mul3A_46 : i32
      %add3A_48 = arith.constant 1 : i32
      %add3A_49 = arith.addi %mul3A_47, %add3A_48 : i32
      %mul3A_50 = arith.constant 16 : i32
      %mul3A_51 = arith.muli %add3A_49, %mul3A_50 : i32
      %add3A_52 = arith.addi %arg1, %mul3A_51 : i32
      %lt3A_53 = arith.constant 1250 : i32
      %lt3A_54 = arith.cmpi slt, %add3A_52, %lt3A_53 : i32
      %convert_element_type3A_55 = arith.extui %lt3A_54 : i1 to i32
      %cond3A_56 = arith.constant 0 : i32
      %cond3A_57 = arith.cmpi ne, %convert_element_type3A_55, %cond3A_56 : i32
      scf.if %cond3A_57 {
        %dma_wait3A = arith.constant 1 : i32
        %dma_wait3A_58 = arith.constant 0 : i32
        %dma_wait3A_59 = tpu.memref_slice %arg5[%dma_wait3A, %dma_wait3A_58] : memref<2x64xi32, #tpu.memory_space<vmem>> -> memref<1x64xi32, #tpu.memory_space<vmem>>
        %dma_wait3A_60 = tpu.memref_squeeze %dma_wait3A_59 : memref<1x64xi32, #tpu.memory_space<vmem>> -> memref<64xi32, #tpu.memory_space<vmem>>
        %dma_wait3A_61 = arith.constant 0 : i32
        %dma_wait3A_62 = tpu.memref_slice %arg3[%dma_wait3A_61] : memref<320000xi32, #tpu.memory_space<hbm>> -> memref<64xi32, #tpu.memory_space<hbm>>
        %dma_wait3A_63 = arith.constant 0 : i32
        %dma_wait3A_64 = tpu.memref_slice %arg5[%dma_wait3A, %dma_wait3A_63] : memref<2x64xi32, #tpu.memory_space<vmem>> -> memref<1x64xi32, #tpu.memory_space<vmem>>
        %dma_wait3A_65 = tpu.memref_squeeze %dma_wait3A_64 : memref<1x64xi32, #tpu.memory_space<vmem>> -> memref<64xi32, #tpu.memory_space<vmem>>
        %dma_wait3A_66 = arith.constant 0 : i32
        %dma_wait3A_67 = tpu.memref_slice %arg3[%dma_wait3A_66] : memref<320000xi32, #tpu.memory_space<hbm>> -> memref<64xi32, #tpu.memory_space<hbm>>
        tpu.wait_dma2 semaphore(%arg10 : memref<!tpu.dma_semaphore, #tpu.memory_space<semaphore_mem>>) src(%dma_wait3A_67 : memref<64xi32, #tpu.memory_space<hbm>>) dst(%dma_wait3A_65 : memref<64xi32, #tpu.memory_space<vmem>>)
        %dma_wait3A_68 = arith.constant 1 : i32
        %dma_wait3A_69 = arith.constant 0 : i32
        %dma_wait3A_70 = arith.constant 0 : i32
        %dma_wait3A_71 = tpu.memref_slice %arg6[%dma_wait3A_68, %dma_wait3A_69, %dma_wait3A_70] : memref<2x64x128xf32, #tpu.memory_space<vmem>> -> memref<1x64x128xf32, #tpu.memory_space<vmem>>
        %dma_wait3A_72 = tpu.memref_squeeze %dma_wait3A_71 : memref<1x64x128xf32, #tpu.memory_space<vmem>> -> memref<64x128xf32, #tpu.memory_space<vmem>>
        %dma_wait3A_73 = arith.constant 0 : i32
        %dma_wait3A_74 = arith.constant 0 : i32
        %dma_wait3A_75 = tpu.memref_slice %arg2[%dma_wait3A_73, %dma_wait3A_74] : memref<160000x128xf32, #tpu.memory_space<hbm>> -> memref<64x128xf32, #tpu.memory_space<hbm>>
        %dma_wait3A_76 = arith.constant 0 : i32
        %dma_wait3A_77 = arith.constant 0 : i32
        %dma_wait3A_78 = tpu.memref_slice %arg6[%dma_wait3A_68, %dma_wait3A_76, %dma_wait3A_77] : memref<2x64x128xf32, #tpu.memory_space<vmem>> -> memref<1x64x128xf32, #tpu.memory_space<vmem>>
        %dma_wait3A_79 = tpu.memref_squeeze %dma_wait3A_78 : memref<1x64x128xf32, #tpu.memory_space<vmem>> -> memref<64x128xf32, #tpu.memory_space<vmem>>
        %dma_wait3A_80 = arith.constant 0 : i32
        %dma_wait3A_81 = arith.constant 0 : i32
        %dma_wait3A_82 = tpu.memref_slice %arg2[%dma_wait3A_80, %dma_wait3A_81] : memref<160000x128xf32, #tpu.memory_space<hbm>> -> memref<64x128xf32, #tpu.memory_space<hbm>>
        tpu.wait_dma2 semaphore(%arg12 : memref<!tpu.dma_semaphore, #tpu.memory_space<semaphore_mem>>) src(%dma_wait3A_82 : memref<64x128xf32, #tpu.memory_space<hbm>>) dst(%dma_wait3A_79 : memref<64x128xf32, #tpu.memory_space<vmem>>)
        %run_scoped3A = arith.constant 1 : i32
        %run_scoped3A_83 = arith.constant 1 : i32
        "tpu.region"() ({
          %run_scoped3A_94 = tpu.sem_alloc : memref<!tpu.dma_semaphore, #tpu.memory_space<semaphore_mem>>
          %dma_start3A = arith.constant 0 : i32
          %dma_start3A_95 = arith.constant 0 : i32
          %dma_start3A_96 = tpu.memref_slice %arg6[%run_scoped3A, %dma_start3A, %dma_start3A_95] : memref<2x64x128xf32, #tpu.memory_space<vmem>> -> memref<1x64x128xf32, #tpu.memory_space<vmem>>
          %dma_start3A_97 = tpu.memref_squeeze %dma_start3A_96 : memref<1x64x128xf32, #tpu.memory_space<vmem>> -> memref<64x128xf32, #tpu.memory_space<vmem>>
          %dma_start3A_98 = arith.constant 0 : i32
          %dma_start3A_99 = tpu.memref_slice %arg5[%run_scoped3A_83, %dma_start3A_98] : memref<2x64xi32, #tpu.memory_space<vmem>> -> memref<1x64xi32, #tpu.memory_space<vmem>>
          %dma_start3A_100 = tpu.memref_squeeze %dma_start3A_99 : memref<1x64xi32, #tpu.memory_space<vmem>> -> memref<64xi32, #tpu.memory_space<vmem>>
          %dma_start3A_101 = arith.constant 0 : i32
          %dma_start3A_102 = arith.constant 0 : i32
          %dma_start3A_103 = tpu.memref_slice %arg8[%dma_start3A_101, %dma_start3A_102] : memref<10000x128xf32, #tpu.memory_space<vmem_shared>> -> memref<10000x128xf32, #tpu.memory_space<vmem_shared>>
          tpu.enqueue_indirect_dma source(%dma_start3A_97 : memref<64x128xf32, #tpu.memory_space<vmem>>) target(%dma_start3A_103 : memref<10000x128xf32, #tpu.memory_space<vmem_shared>>) offsets(%dma_start3A_100 : memref<64xi32, #tpu.memory_space<vmem>>) semaphore(%run_scoped3A_94 : memref<!tpu.dma_semaphore, #tpu.memory_space<semaphore_mem>>) {add = true}
          %dma_wait3A_104 = arith.constant 0 : i32
          %dma_wait3A_105 = arith.constant 0 : i32
          %dma_wait3A_106 = tpu.memref_slice %arg6[%run_scoped3A, %dma_wait3A_104, %dma_wait3A_105] : memref<2x64x128xf32, #tpu.memory_space<vmem>> -> memref<1x64x128xf32, #tpu.memory_space<vmem>>
          %dma_wait3A_107 = tpu.memref_squeeze %dma_wait3A_106 : memref<1x64x128xf32, #tpu.memory_space<vmem>> -> memref<64x128xf32, #tpu.memory_space<vmem>>
          %dma_wait3A_108 = arith.constant 0 : i32
          %dma_wait3A_109 = tpu.memref_slice %arg5[%run_scoped3A_83, %dma_wait3A_108] : memref<2x64xi32, #tpu.memory_space<vmem>> -> memref<1x64xi32, #tpu.memory_space<vmem>>
          %dma_wait3A_110 = tpu.memref_squeeze %dma_wait3A_109 : memref<1x64xi32, #tpu.memory_space<vmem>> -> memref<64xi32, #tpu.memory_space<vmem>>
          %dma_wait3A_111 = arith.constant 0 : i32
          %dma_wait3A_112 = arith.constant 0 : i32
          %dma_wait3A_113 = tpu.memref_slice %arg8[%dma_wait3A_111, %dma_wait3A_112] : memref<10000x128xf32, #tpu.memory_space<vmem_shared>> -> memref<10000x128xf32, #tpu.memory_space<vmem_shared>>
          tpu.wait_indirect_dma semaphore(%run_scoped3A_94 : memref<!tpu.dma_semaphore, #tpu.memory_space<semaphore_mem>>) src(%dma_wait3A_107 : memref<64x128xf32, #tpu.memory_space<vmem>>) dst(%dma_wait3A_113 : memref<10000x128xf32, #tpu.memory_space<vmem_shared>>)
          tpu.yield
        }) : () -> ()
        %add3A_84 = arith.constant 2 : i32
        %add3A_85 = arith.addi %add3A_49, %add3A_84 : i32
        %mul3A_86 = arith.constant 16 : i32
        %mul3A_87 = arith.muli %add3A_85, %mul3A_86 : i32
        %add3A_88 = arith.addi %arg1, %mul3A_87 : i32
        %lt3A_89 = arith.constant 1250 : i32
        %lt3A_90 = arith.cmpi slt, %add3A_88, %lt3A_89 : i32
        %convert_element_type3A_91 = arith.extui %lt3A_90 : i1 to i32
        %cond3A_92 = arith.constant 0 : i32
        %cond3A_93 = arith.cmpi ne, %convert_element_type3A_91, %cond3A_92 : i32
        scf.if %cond3A_93 {
          %add3A_94 = arith.constant 2 : i32
          %add3A_95 = arith.addi %add3A_49, %add3A_94 : i32
          %mul3A_96 = arith.constant 1250 : i32
          %mul3A_97 = arith.muli %arg0, %mul3A_96 : i32
          %add3A_98 = arith.addi %mul3A_97, %arg1 : i32
          %mul3A_99 = arith.constant 16 : i32
          %mul3A_100 = arith.muli %add3A_95, %mul3A_99 : i32
          %add3A_101 = arith.addi %add3A_98, %mul3A_100 : i32
          %mul3A_102 = arith.constant 64 : i32
          %mul3A_103 = arith.muli %add3A_101, %mul3A_102 : i32
          %add3A_104 = arith.constant 0 : i32
          %add3A_105 = arith.addi %add3A_104, %mul3A_103 : i32
          %dma_start3A = arith.constant 1 : i32
          %dma_start3A_106 = arith.constant 0 : i32
          %dma_start3A_107 = tpu.memref_slice %arg5[%dma_start3A, %dma_start3A_106] : memref<2x64xi32, #tpu.memory_space<vmem>> -> memref<1x64xi32, #tpu.memory_space<vmem>>
          %dma_start3A_108 = tpu.memref_squeeze %dma_start3A_107 : memref<1x64xi32, #tpu.memory_space<vmem>> -> memref<64xi32, #tpu.memory_space<vmem>>
          %dma_start3A_109 = tpu.memref_slice %arg3[%add3A_105] : memref<320000xi32, #tpu.memory_space<hbm>> -> memref<64xi32, #tpu.memory_space<hbm>>
          %dma_start3A_110 = arith.constant 0 : i32
          %dma_start3A_111 = tpu.memref_slice %arg5[%dma_start3A, %dma_start3A_110] : memref<2x64xi32, #tpu.memory_space<vmem>> -> memref<1x64xi32, #tpu.memory_space<vmem>>
          %dma_start3A_112 = tpu.memref_squeeze %dma_start3A_111 : memref<1x64xi32, #tpu.memory_space<vmem>> -> memref<64xi32, #tpu.memory_space<vmem>>
          %dma_start3A_113 = tpu.memref_slice %arg3[%add3A_105] : memref<320000xi32, #tpu.memory_space<hbm>> -> memref<64xi32, #tpu.memory_space<hbm>>
          tpu.enqueue_dma source(%dma_start3A_113 : memref<64xi32, #tpu.memory_space<hbm>>) target(%dma_start3A_112 : memref<64xi32, #tpu.memory_space<vmem>>) target_semaphore(%arg10 : memref<!tpu.dma_semaphore, #tpu.memory_space<semaphore_mem>>)
          %dma_start3A_114 = arith.constant 1 : i32
          %dma_start3A_115 = arith.constant 0 : i32
          %dma_start3A_116 = arith.constant 0 : i32
          %dma_start3A_117 = tpu.memref_slice %arg6[%dma_start3A_114, %dma_start3A_115, %dma_start3A_116] : memref<2x64x128xf32, #tpu.memory_space<vmem>> -> memref<1x64x128xf32, #tpu.memory_space<vmem>>
          %dma_start3A_118 = tpu.memref_squeeze %dma_start3A_117 : memref<1x64x128xf32, #tpu.memory_space<vmem>> -> memref<64x128xf32, #tpu.memory_space<vmem>>
          %dma_start3A_119 = arith.constant 0 : i32
          %dma_start3A_120 = tpu.memref_slice %arg2[%mul3A_103, %dma_start3A_119] : memref<160000x128xf32, #tpu.memory_space<hbm>> -> memref<64x128xf32, #tpu.memory_space<hbm>>
          %dma_start3A_121 = arith.constant 0 : i32
          %dma_start3A_122 = arith.constant 0 : i32
          %dma_start3A_123 = tpu.memref_slice %arg6[%dma_start3A_114, %dma_start3A_121, %dma_start3A_122] : memref<2x64x128xf32, #tpu.memory_space<vmem>> -> memref<1x64x128xf32, #tpu.memory_space<vmem>>
          %dma_start3A_124 = tpu.memref_squeeze %dma_start3A_123 : memref<1x64x128xf32, #tpu.memory_space<vmem>> -> memref<64x128xf32, #tpu.memory_space<vmem>>
          %dma_start3A_125 = arith.constant 0 : i32
          %dma_start3A_126 = tpu.memref_slice %arg2[%mul3A_103, %dma_start3A_125] : memref<160000x128xf32, #tpu.memory_space<hbm>> -> memref<64x128xf32, #tpu.memory_space<hbm>>
          tpu.enqueue_dma source(%dma_start3A_126 : memref<64x128xf32, #tpu.memory_space<hbm>>) target(%dma_start3A_124 : memref<64x128xf32, #tpu.memory_space<vmem>>) target_semaphore(%arg12 : memref<!tpu.dma_semaphore, #tpu.memory_space<semaphore_mem>>)
        } else {
        }
      } else {
      }
    }
    %scan3A_26 = arith.constant 40 : i32
    %barrier3A_27 = arith.constant 0 : index
    tpu.barrier barrier_id(%barrier3A_27)
    %scan3A_28 = arith.constant 0 : i32
    %scan3A_29 = arith.constant 0 : i32
    %scan3A_30 = arith.constant 16 : i32
    %scan3A_31 = arith.addi %scan3A_29, %scan3A_30 : i32
    %scan3A_32 = arith.constant 1 : i32
    scf.for %scan3A_34 = %scan3A_29 to %scan3A_31 step %scan3A_32  : i32 {
      %mul3A = arith.constant 16 : i32
      %mul3A_35 = arith.muli %scan3A_34, %mul3A : i32
      %add3A_36 = arith.addi %arg1, %mul3A_35 : i32
      %lt3A_37 = arith.constant 250 : i32
      %lt3A_38 = arith.cmpi slt, %add3A_36, %lt3A_37 : i32
      %convert_element_type3A_39 = arith.extui %lt3A_38 : i1 to i32
      %cond3A_40 = arith.constant 0 : i32
      %cond3A_41 = arith.cmpi ne, %convert_element_type3A_39, %cond3A_40 : i32
      scf.if %cond3A_41 {
        %mul3A_42 = arith.constant 40 : i32
        %mul3A_43 = arith.muli %add3A_36, %mul3A_42 : i32
        %mul3A_44 = arith.constant 10000 : i32
        %mul3A_45 = arith.muli %arg0, %mul3A_44 : i32
        %add3A_46 = arith.addi %mul3A_45, %mul3A_43 : i32
        "tpu.region"() ({
          %run_scoped3A = tpu.sem_alloc : memref<!tpu.dma_semaphore, #tpu.memory_space<semaphore_mem>>
          %dma_start3A = arith.constant 0 : i32
          %dma_start3A_47 = tpu.memref_slice %arg8[%mul3A_43, %dma_start3A] : memref<10000x128xf32, #tpu.memory_space<vmem_shared>> -> memref<40x128xf32, #tpu.memory_space<vmem_shared>>
          %dma_start3A_48 = arith.constant 0 : i32
          %dma_start3A_49 = tpu.memref_slice %arg8[%mul3A_43, %dma_start3A_48] : memref<10000x128xf32, #tpu.memory_space<vmem_shared>> -> memref<40x128xf32, #tpu.memory_space<vmem_shared>>
          tpu.enqueue_dma source(%dma_start3A_49 : memref<40x128xf32, #tpu.memory_space<vmem_shared>>) target(%arg7 : memref<40x128xf32, #tpu.memory_space<vmem>>) target_semaphore(%run_scoped3A : memref<!tpu.dma_semaphore, #tpu.memory_space<semaphore_mem>>)
          %dma_wait3A = arith.constant 0 : i32
          %dma_wait3A_50 = tpu.memref_slice %arg8[%mul3A_43, %dma_wait3A] : memref<10000x128xf32, #tpu.memory_space<vmem_shared>> -> memref<40x128xf32, #tpu.memory_space<vmem_shared>>
          %dma_wait3A_51 = arith.constant 0 : i32
          %dma_wait3A_52 = tpu.memref_slice %arg8[%mul3A_43, %dma_wait3A_51] : memref<10000x128xf32, #tpu.memory_space<vmem_shared>> -> memref<40x128xf32, #tpu.memory_space<vmem_shared>>
          tpu.wait_dma2 semaphore(%run_scoped3A : memref<!tpu.dma_semaphore, #tpu.memory_space<semaphore_mem>>) src(%dma_wait3A_52 : memref<40x128xf32, #tpu.memory_space<vmem_shared>>) dst(%arg7 : memref<40x128xf32, #tpu.memory_space<vmem>>)
          tpu.yield
        }) : () -> ()
        "tpu.region"() ({
          %run_scoped3A = tpu.sem_alloc : memref<!tpu.dma_semaphore, #tpu.memory_space<semaphore_mem>>
          %dma_start3A = arith.constant 0 : i32
          %dma_start3A_47 = tpu.memref_slice %arg4[%add3A_46, %dma_start3A] : memref<20000x128xf32, #tpu.memory_space<hbm>> -> memref<40x128xf32, #tpu.memory_space<hbm>>
          %dma_start3A_48 = arith.constant 0 : i32
          %dma_start3A_49 = tpu.memref_slice %arg4[%add3A_46, %dma_start3A_48] : memref<20000x128xf32, #tpu.memory_space<hbm>> -> memref<40x128xf32, #tpu.memory_space<hbm>>
          tpu.enqueue_dma source(%arg7 : memref<40x128xf32, #tpu.memory_space<vmem>>) target(%dma_start3A_49 : memref<40x128xf32, #tpu.memory_space<hbm>>) target_semaphore(%run_scoped3A : memref<!tpu.dma_semaphore, #tpu.memory_space<semaphore_mem>>)
          %dma_wait3A = arith.constant 0 : i32
          %dma_wait3A_50 = tpu.memref_slice %arg4[%add3A_46, %dma_wait3A] : memref<20000x128xf32, #tpu.memory_space<hbm>> -> memref<40x128xf32, #tpu.memory_space<hbm>>
          %dma_wait3A_51 = arith.constant 0 : i32
          %dma_wait3A_52 = tpu.memref_slice %arg4[%add3A_46, %dma_wait3A_51] : memref<20000x128xf32, #tpu.memory_space<hbm>> -> memref<40x128xf32, #tpu.memory_space<hbm>>
          tpu.wait_dma2 semaphore(%run_scoped3A : memref<!tpu.dma_semaphore, #tpu.memory_space<semaphore_mem>>) src(%arg7 : memref<40x128xf32, #tpu.memory_space<vmem>>) dst(%dma_wait3A_52 : memref<40x128xf32, #tpu.memory_space<hbm>>)
          tpu.yield
        }) : () -> ()
      } else {
      }
    }
    %scan3A_33 = arith.constant 16 : i32
    return
  }
}

module attributes {stable_mosaic.version = 14 : i64} {
  func.func @_pre_body(%arg0: i32, %arg1: memref<2000x128xf32, #tpu.memory_space<vmem>>, %arg2: memref<1x128xf32, #tpu.memory_space<vmem>>, %arg3: memref<1x128xf32, #tpu.memory_space<vmem>>, %arg4: memref<128x128xf32, #tpu.memory_space<vmem>>, %arg5: memref<128x128xf32, #tpu.memory_space<vmem>>, %arg6: memref<128x128xf32, #tpu.memory_space<vmem>>, %arg7: memref<128x128xf32, #tpu.memory_space<vmem>>, %arg8: memref<1x128xf32, #tpu.memory_space<vmem>>, %arg9: memref<1x128xf32, #tpu.memory_space<vmem>>, %arg10: memref<1x128xf32, #tpu.memory_space<vmem>>, %arg11: memref<2000x128xi32, #tpu.memory_space<vmem>>, %arg12: memref<2000x128xf32, #tpu.memory_space<vmem>>, %arg13: memref<2000x128xf32, #tpu.memory_space<vmem>>) attributes {dimension_semantics = [#tpu.dimension_semantics<arbitrary>], iteration_bounds = array<i64: 5>, scalar_prefetch = 0 : i64, scratch_operands = 0 : i64, tpu.core_type = #tpu.core_type<tc>, window_params = [{transform_indices = @transform_0, window_bounds = array<i64: 2000, 128>}, {pipeline_mode = #tpu.pipeline_mode<synchronous>, transform_indices = @transform_1, window_bounds = array<i64: 1, 128>}, {pipeline_mode = #tpu.pipeline_mode<synchronous>, transform_indices = @transform_2, window_bounds = array<i64: 1, 128>}, {pipeline_mode = #tpu.pipeline_mode<synchronous>, transform_indices = @transform_3, window_bounds = array<i64: 128, 128>}, {pipeline_mode = #tpu.pipeline_mode<synchronous>, transform_indices = @transform_4, window_bounds = array<i64: 128, 128>}, {pipeline_mode = #tpu.pipeline_mode<synchronous>, transform_indices = @transform_5, window_bounds = array<i64: 128, 128>}, {pipeline_mode = #tpu.pipeline_mode<synchronous>, transform_indices = @transform_6, window_bounds = array<i64: 128, 128>}, {pipeline_mode = #tpu.pipeline_mode<synchronous>, transform_indices = @transform_7, window_bounds = array<i64: 1, 128>}, {pipeline_mode = #tpu.pipeline_mode<synchronous>, transform_indices = @transform_8, window_bounds = array<i64: 1, 128>}, {pipeline_mode = #tpu.pipeline_mode<synchronous>, transform_indices = @transform_9, window_bounds = array<i64: 1, 128>}, {transform_indices = @transform_10, window_bounds = array<i64: 2000, 128>}, {transform_indices = @transform_11, window_bounds = array<i64: 2000, 128>}, {transform_indices = @transform_12, window_bounds = array<i64: 2000, 128>}]} {
    %get3A = arith.constant 0 : index
    %get3A_0 = arith.constant 0 : index
    %get3A_1 = vector.load %arg1[%get3A, %get3A_0] : memref<2000x128xf32, #tpu.memory_space<vmem>>, vector<2000x128xf32>
    %reduce_sum3A = arith.constant dense<0.000000e+00> : vector<2000xf32>
    %reduce_sum3A_2 = vector.multi_reduction <add>, %get3A_1, %reduce_sum3A [1] : vector<2000x128xf32> to vector<2000xf32>
    %broadcast_in_dim3A = vector.shape_cast %reduce_sum3A_2 : vector<2000xf32> to vector<2000x1xf32>
    %div3A = arith.constant 1.280000e+02 : f32
    %div3A_3 = vector.broadcast %div3A : f32 to vector<2000x1xf32>
    %div3A_4 = arith.divf %broadcast_in_dim3A, %div3A_3 : vector<2000x1xf32>
    %sub3A = vector.broadcast %div3A_4 : vector<2000x1xf32> to vector<2000x128xf32>
    %sub3A_5 = arith.subf %get3A_1, %sub3A : vector<2000x128xf32>
    %integer_pow3A = arith.mulf %sub3A_5, %sub3A_5 : vector<2000x128xf32>
    %reduce_sum3A_6 = arith.constant dense<0.000000e+00> : vector<2000xf32>
    %reduce_sum3A_7 = vector.multi_reduction <add>, %integer_pow3A, %reduce_sum3A_6 [1] : vector<2000x128xf32> to vector<2000xf32>
    %broadcast_in_dim3A_8 = vector.shape_cast %reduce_sum3A_7 : vector<2000xf32> to vector<2000x1xf32>
    %div3A_9 = arith.constant 1.280000e+02 : f32
    %div3A_10 = vector.broadcast %div3A_9 : f32 to vector<2000x1xf32>
    %div3A_11 = arith.divf %broadcast_in_dim3A_8, %div3A_10 : vector<2000x1xf32>
    %sub3A_12 = vector.broadcast %div3A_4 : vector<2000x1xf32> to vector<2000x128xf32>
    %sub3A_13 = arith.subf %get3A_1, %sub3A_12 : vector<2000x128xf32>
    %add3A = arith.constant 9.99999974E-6 : f32
    %add3A_14 = vector.broadcast %add3A : f32 to vector<2000x1xf32>
    %add3A_15 = arith.addf %div3A_11, %add3A_14 : vector<2000x1xf32>
    %rsqrt3A = math.rsqrt %add3A_15 : vector<2000x1xf32>
    %mul3A = vector.broadcast %rsqrt3A : vector<2000x1xf32> to vector<2000x128xf32>
    %mul3A_16 = arith.mulf %sub3A_13, %mul3A : vector<2000x128xf32>
    %get3A_17 = arith.constant 0 : index
    %get3A_18 = arith.constant 0 : index
    %get3A_19 = vector.load %arg2[%get3A_17, %get3A_18] : memref<1x128xf32, #tpu.memory_space<vmem>>, vector<1x128xf32>
    %mul3A_20 = vector.broadcast %get3A_19 : vector<1x128xf32> to vector<2000x128xf32>
    %mul3A_21 = arith.mulf %mul3A_16, %mul3A_20 : vector<2000x128xf32>
    %get3A_22 = arith.constant 0 : index
    %get3A_23 = arith.constant 0 : index
    %get3A_24 = vector.load %arg3[%get3A_22, %get3A_23] : memref<1x128xf32, #tpu.memory_space<vmem>>, vector<1x128xf32>
    %add3A_25 = vector.broadcast %get3A_24 : vector<1x128xf32> to vector<2000x128xf32>
    %add3A_26 = arith.addf %mul3A_21, %add3A_25 : vector<2000x128xf32>
    %get3A_27 = arith.constant 0 : index
    %get3A_28 = arith.constant 0 : index
    %get3A_29 = vector.load %arg4[%get3A_27, %get3A_28] : memref<128x128xf32, #tpu.memory_space<vmem>>, vector<128x128xf32>
    %dot_general3A = arith.constant dense<0.000000e+00> : vector<2000x128xf32>
    %dot_general3A_30 = tpu.matmul %add3A_26, %get3A_29, %dot_general3A {dimension_numbers = #tpu.dot_dimension_numbers<[1], [0], [0], [1], [0, 0, 1, 1], [], []>, transpose_lhs_hint = false} : vector<2000x128xf32>, vector<128x128xf32>, vector<2000x128xf32> -> vector<2000x128xf32>
    %get3A_31 = arith.constant 0 : index
    %get3A_32 = arith.constant 0 : index
    %get3A_33 = vector.load %arg8[%get3A_31, %get3A_32] : memref<1x128xf32, #tpu.memory_space<vmem>>, vector<1x128xf32>
    %add3A_34 = vector.broadcast %get3A_33 : vector<1x128xf32> to vector<2000x128xf32>
    %add3A_35 = arith.addf %dot_general3A_30, %add3A_34 : vector<2000x128xf32>
    %get3A_36 = arith.constant 0 : index
    %get3A_37 = arith.constant 0 : index
    %get3A_38 = vector.load %arg6[%get3A_36, %get3A_37] : memref<128x128xf32, #tpu.memory_space<vmem>>, vector<128x128xf32>
    %dot_general3A_39 = arith.constant dense<0.000000e+00> : vector<2000x128xf32>
    %dot_general3A_40 = tpu.matmul %add3A_26, %get3A_38, %dot_general3A_39 {dimension_numbers = #tpu.dot_dimension_numbers<[1], [0], [0], [1], [0, 0, 1, 1], [], []>, transpose_lhs_hint = false} : vector<2000x128xf32>, vector<128x128xf32>, vector<2000x128xf32> -> vector<2000x128xf32>
    %get3A_41 = arith.constant 0 : index
    %get3A_42 = arith.constant 0 : index
    %get3A_43 = vector.load %arg9[%get3A_41, %get3A_42] : memref<1x128xf32, #tpu.memory_space<vmem>>, vector<1x128xf32>
    %add3A_44 = vector.broadcast %get3A_43 : vector<1x128xf32> to vector<2000x128xf32>
    %add3A_45 = arith.addf %dot_general3A_40, %add3A_44 : vector<2000x128xf32>
    %convert_element_type3A = arith.truncf %add3A_35 : vector<2000x128xf32> to vector<2000x128xbf16>
    %bitcast_convert_type3A = tpu.bitcast %convert_element_type3A : vector<2000x128xbf16> -> vector<2000x128xi16>
    %convert_element_type3A_46 = arith.extui %bitcast_convert_type3A : vector<2000x128xi16> to vector<2000x128xi32>
    %convert_element_type3A_47 = arith.truncf %add3A_45 : vector<2000x128xf32> to vector<2000x128xbf16>
    %bitcast_convert_type3A_48 = tpu.bitcast %convert_element_type3A_47 : vector<2000x128xbf16> -> vector<2000x128xi16>
    %convert_element_type3A_49 = arith.extui %bitcast_convert_type3A_48 : vector<2000x128xi16> to vector<2000x128xi32>
    %shift_left3A = arith.constant 16 : i32
    %shift_left3A_50 = vector.broadcast %shift_left3A : i32 to vector<2000x128xi32>
    %shift_left3A_51 = arith.shli %convert_element_type3A_49, %shift_left3A_50 : vector<2000x128xi32>
    %or3A = arith.ori %shift_left3A_51, %convert_element_type3A_46 : vector<2000x128xi32>
    %bitcast_convert_type3A_52 = tpu.bitcast %or3A : vector<2000x128xi32> -> vector<2000x128xi32>
    %swap3A = arith.constant 0 : index
    %swap3A_53 = arith.constant 0 : index
    %swap3A_54 = vector.load %arg11[%swap3A, %swap3A_53] : memref<2000x128xi32, #tpu.memory_space<vmem>>, vector<2000x128xi32>
    tpu.vector_store %arg11[%swap3A, %swap3A_53], %bitcast_convert_type3A_52 {strides = array<i32>} : memref<2000x128xi32, #tpu.memory_space<vmem>>, vector<2000x128xi32>,
    %get3A_55 = arith.constant 0 : index
    %get3A_56 = arith.constant 0 : index
    %get3A_57 = vector.load %arg5[%get3A_55, %get3A_56] : memref<128x128xf32, #tpu.memory_space<vmem>>, vector<128x128xf32>
    %dot_general3A_58 = arith.constant dense<0.000000e+00> : vector<2000x128xf32>
    %dot_general3A_59 = tpu.matmul %add3A_26, %get3A_57, %dot_general3A_58 {dimension_numbers = #tpu.dot_dimension_numbers<[1], [0], [0], [1], [0, 0, 1, 1], [], []>, transpose_lhs_hint = false} : vector<2000x128xf32>, vector<128x128xf32>, vector<2000x128xf32> -> vector<2000x128xf32>
    %swap3A_60 = arith.constant 0 : index
    %swap3A_61 = arith.constant 0 : index
    %swap3A_62 = vector.load %arg12[%swap3A_60, %swap3A_61] : memref<2000x128xf32, #tpu.memory_space<vmem>>, vector<2000x128xf32>
    tpu.vector_store %arg12[%swap3A_60, %swap3A_61], %dot_general3A_59 {strides = array<i32>} : memref<2000x128xf32, #tpu.memory_space<vmem>>, vector<2000x128xf32>,
    %get3A_63 = arith.constant 0 : index
    %get3A_64 = arith.constant 0 : index
    %get3A_65 = vector.load %arg7[%get3A_63, %get3A_64] : memref<128x128xf32, #tpu.memory_space<vmem>>, vector<128x128xf32>
    %dot_general3A_66 = arith.constant dense<0.000000e+00> : vector<2000x128xf32>
    %dot_general3A_67 = tpu.matmul %add3A_26, %get3A_65, %dot_general3A_66 {dimension_numbers = #tpu.dot_dimension_numbers<[1], [0], [0], [1], [0, 0, 1, 1], [], []>, transpose_lhs_hint = false} : vector<2000x128xf32>, vector<128x128xf32>, vector<2000x128xf32> -> vector<2000x128xf32>
    %get3A_68 = arith.constant 0 : index
    %get3A_69 = arith.constant 0 : index
    %get3A_70 = vector.load %arg10[%get3A_68, %get3A_69] : memref<1x128xf32, #tpu.memory_space<vmem>>, vector<1x128xf32>
    %add3A_71 = vector.broadcast %get3A_70 : vector<1x128xf32> to vector<2000x128xf32>
    %add3A_72 = arith.addf %dot_general3A_67, %add3A_71 : vector<2000x128xf32>
    %swap3A_73 = arith.constant 0 : index
    %swap3A_74 = arith.constant 0 : index
    %swap3A_75 = vector.load %arg13[%swap3A_73, %swap3A_74] : memref<2000x128xf32, #tpu.memory_space<vmem>>, vector<2000x128xf32>
    tpu.vector_store %arg13[%swap3A_73, %swap3A_74], %add3A_72 {strides = array<i32>} : memref<2000x128xf32, #tpu.memory_space<vmem>>, vector<2000x128xf32>,
    return
  }
  func.func @transform_0(%arg0: i32) -> (i32, i32) {
    %c0_i32 = arith.constant 0 : i32
    %c0_i32_0 = arith.constant 0 : i32
    return %arg0, %c0_i32 : i32, i32
  }
  func.func @transform_1(%arg0: i32) -> (i32, i32) {
    %c0_i32 = arith.constant 0 : i32
    %c0_i32_0 = arith.constant 0 : i32
    %c0_i32_1 = arith.constant 0 : i32
    return %c0_i32, %c0_i32_0 : i32, i32
  }
  func.func @transform_2(%arg0: i32) -> (i32, i32) {
    %c0_i32 = arith.constant 0 : i32
    %c0_i32_0 = arith.constant 0 : i32
    %c0_i32_1 = arith.constant 0 : i32
    return %c0_i32, %c0_i32_0 : i32, i32
  }
  func.func @transform_3(%arg0: i32) -> (i32, i32) {
    %c0_i32 = arith.constant 0 : i32
    %c0_i32_0 = arith.constant 0 : i32
    %c0_i32_1 = arith.constant 0 : i32
    return %c0_i32, %c0_i32_0 : i32, i32
  }
  func.func @transform_4(%arg0: i32) -> (i32, i32) {
    %c0_i32 = arith.constant 0 : i32
    %c0_i32_0 = arith.constant 0 : i32
    %c0_i32_1 = arith.constant 0 : i32
    return %c0_i32, %c0_i32_0 : i32, i32
  }
  func.func @transform_5(%arg0: i32) -> (i32, i32) {
    %c0_i32 = arith.constant 0 : i32
    %c0_i32_0 = arith.constant 0 : i32
    %c0_i32_1 = arith.constant 0 : i32
    return %c0_i32, %c0_i32_0 : i32, i32
  }
  func.func @transform_6(%arg0: i32) -> (i32, i32) {
    %c0_i32 = arith.constant 0 : i32
    %c0_i32_0 = arith.constant 0 : i32
    %c0_i32_1 = arith.constant 0 : i32
    return %c0_i32, %c0_i32_0 : i32, i32
  }
  func.func @transform_7(%arg0: i32) -> (i32, i32) {
    %c0_i32 = arith.constant 0 : i32
    %c0_i32_0 = arith.constant 0 : i32
    %c0_i32_1 = arith.constant 0 : i32
    return %c0_i32, %c0_i32_0 : i32, i32
  }
  func.func @transform_8(%arg0: i32) -> (i32, i32) {
    %c0_i32 = arith.constant 0 : i32
    %c0_i32_0 = arith.constant 0 : i32
    %c0_i32_1 = arith.constant 0 : i32
    return %c0_i32, %c0_i32_0 : i32, i32
  }
  func.func @transform_9(%arg0: i32) -> (i32, i32) {
    %c0_i32 = arith.constant 0 : i32
    %c0_i32_0 = arith.constant 0 : i32
    %c0_i32_1 = arith.constant 0 : i32
    return %c0_i32, %c0_i32_0 : i32, i32
  }
  func.func @transform_10(%arg0: i32) -> (i32, i32) {
    %c0_i32 = arith.constant 0 : i32
    %c0_i32_0 = arith.constant 0 : i32
    return %arg0, %c0_i32 : i32, i32
  }
  func.func @transform_11(%arg0: i32) -> (i32, i32) {
    %c0_i32 = arith.constant 0 : i32
    %c0_i32_0 = arith.constant 0 : i32
    return %arg0, %c0_i32 : i32, i32
  }
  func.func @transform_12(%arg0: i32) -> (i32, i32) {
    %c0_i32 = arith.constant 0 : i32
    %c0_i32_0 = arith.constant 0 : i32
    return %arg0, %c0_i32 : i32, i32
  }
}

module attributes {stable_mosaic.version = 14 : i64} {
  func.func @_edge_body(%arg0: i32, %arg1: memref<1280x128xi32, #tpu.memory_space<vmem>>, %arg2: memref<1280x128xf32, #tpu.memory_space<vmem>>, %arg3: memref<1280x128xf32, #tpu.memory_space<vmem>>, %arg4: memref<1x128xf32, #tpu.memory_space<vmem>>, %arg5: memref<1x128xf32, #tpu.memory_space<vmem>>, %arg6: memref<128x128xf32, #tpu.memory_space<vmem>>, %arg7: memref<128x128xf32, #tpu.memory_space<vmem>>, %arg8: memref<128x128xf32, #tpu.memory_space<vmem>>, %arg9: memref<1x128xf32, #tpu.memory_space<vmem>>, %arg10: memref<1280x128xf32, #tpu.memory_space<vmem>>, %arg11: memref<1280x128xf32, #tpu.memory_space<vmem>>) attributes {dimension_semantics = [#tpu.dimension_semantics<arbitrary>], iteration_bounds = array<i64: 125>, scalar_prefetch = 0 : i64, scratch_operands = 0 : i64, tpu.core_type = #tpu.core_type<tc>, window_params = [{transform_indices = @transform_0, window_bounds = array<i64: 1280, 128>}, {transform_indices = @transform_1, window_bounds = array<i64: 1280, 128>}, {transform_indices = @transform_2, window_bounds = array<i64: 1280, 128>}, {pipeline_mode = #tpu.pipeline_mode<synchronous>, transform_indices = @transform_3, window_bounds = array<i64: 1, 128>}, {pipeline_mode = #tpu.pipeline_mode<synchronous>, transform_indices = @transform_4, window_bounds = array<i64: 1, 128>}, {pipeline_mode = #tpu.pipeline_mode<synchronous>, transform_indices = @transform_5, window_bounds = array<i64: 128, 128>}, {pipeline_mode = #tpu.pipeline_mode<synchronous>, transform_indices = @transform_6, window_bounds = array<i64: 128, 128>}, {pipeline_mode = #tpu.pipeline_mode<synchronous>, transform_indices = @transform_7, window_bounds = array<i64: 128, 128>}, {pipeline_mode = #tpu.pipeline_mode<synchronous>, transform_indices = @transform_8, window_bounds = array<i64: 1, 128>}, {transform_indices = @transform_9, window_bounds = array<i64: 1280, 128>}, {transform_indices = @transform_10, window_bounds = array<i64: 1280, 128>}]} {
    %get3A = arith.constant 0 : index
    %get3A_0 = arith.constant 0 : index
    %get3A_1 = vector.load %arg3[%get3A, %get3A_0] : memref<1280x128xf32, #tpu.memory_space<vmem>>, vector<1280x128xf32>
    %reduce_sum3A = arith.constant dense<0.000000e+00> : vector<1280xf32>
    %reduce_sum3A_2 = vector.multi_reduction <add>, %get3A_1, %reduce_sum3A [1] : vector<1280x128xf32> to vector<1280xf32>
    %broadcast_in_dim3A = vector.shape_cast %reduce_sum3A_2 : vector<1280xf32> to vector<1280x1xf32>
    %div3A = arith.constant 1.280000e+02 : f32
    %div3A_3 = vector.broadcast %div3A : f32 to vector<1280x1xf32>
    %div3A_4 = arith.divf %broadcast_in_dim3A, %div3A_3 : vector<1280x1xf32>
    %sub3A = vector.broadcast %div3A_4 : vector<1280x1xf32> to vector<1280x128xf32>
    %sub3A_5 = arith.subf %get3A_1, %sub3A : vector<1280x128xf32>
    %integer_pow3A = arith.mulf %sub3A_5, %sub3A_5 : vector<1280x128xf32>
    %reduce_sum3A_6 = arith.constant dense<0.000000e+00> : vector<1280xf32>
    %reduce_sum3A_7 = vector.multi_reduction <add>, %integer_pow3A, %reduce_sum3A_6 [1] : vector<1280x128xf32> to vector<1280xf32>
    %broadcast_in_dim3A_8 = vector.shape_cast %reduce_sum3A_7 : vector<1280xf32> to vector<1280x1xf32>
    %div3A_9 = arith.constant 1.280000e+02 : f32
    %div3A_10 = vector.broadcast %div3A_9 : f32 to vector<1280x1xf32>
    %div3A_11 = arith.divf %broadcast_in_dim3A_8, %div3A_10 : vector<1280x1xf32>
    %sub3A_12 = vector.broadcast %div3A_4 : vector<1280x1xf32> to vector<1280x128xf32>
    %sub3A_13 = arith.subf %get3A_1, %sub3A_12 : vector<1280x128xf32>
    %add3A = arith.constant 9.99999974E-6 : f32
    %add3A_14 = vector.broadcast %add3A : f32 to vector<1280x1xf32>
    %add3A_15 = arith.addf %div3A_11, %add3A_14 : vector<1280x1xf32>
    %rsqrt3A = math.rsqrt %add3A_15 : vector<1280x1xf32>
    %mul3A = vector.broadcast %rsqrt3A : vector<1280x1xf32> to vector<1280x128xf32>
    %mul3A_16 = arith.mulf %sub3A_13, %mul3A : vector<1280x128xf32>
    %get3A_17 = arith.constant 0 : index
    %get3A_18 = arith.constant 0 : index
    %get3A_19 = vector.load %arg4[%get3A_17, %get3A_18] : memref<1x128xf32, #tpu.memory_space<vmem>>, vector<1x128xf32>
    %mul3A_20 = vector.broadcast %get3A_19 : vector<1x128xf32> to vector<1280x128xf32>
    %mul3A_21 = arith.mulf %mul3A_16, %mul3A_20 : vector<1280x128xf32>
    %get3A_22 = arith.constant 0 : index
    %get3A_23 = arith.constant 0 : index
    %get3A_24 = vector.load %arg5[%get3A_22, %get3A_23] : memref<1x128xf32, #tpu.memory_space<vmem>>, vector<1x128xf32>
    %add3A_25 = vector.broadcast %get3A_24 : vector<1x128xf32> to vector<1280x128xf32>
    %add3A_26 = arith.addf %mul3A_21, %add3A_25 : vector<1280x128xf32>
    %get3A_27 = arith.constant 0 : index
    %get3A_28 = arith.constant 0 : index
    %get3A_29 = vector.load %arg1[%get3A_27, %get3A_28] : memref<1280x128xi32, #tpu.memory_space<vmem>>, vector<1280x128xi32>
    %bitcast_convert_type3A = tpu.bitcast %get3A_29 : vector<1280x128xi32> -> vector<1280x128xi32>
    %convert_element_type3A = arith.trunci %bitcast_convert_type3A : vector<1280x128xi32> to vector<1280x128xi16>
    %bitcast_convert_type3A_30 = tpu.bitcast %convert_element_type3A : vector<1280x128xi16> -> vector<1280x128xbf16>
    %shift_right_logical3A = arith.constant 16 : i32
    %shift_right_logical3A_31 = vector.broadcast %shift_right_logical3A : i32 to vector<1280x128xi32>
    %shift_right_logical3A_32 = arith.shrui %bitcast_convert_type3A, %shift_right_logical3A_31 : vector<1280x128xi32>
    %convert_element_type3A_33 = arith.trunci %shift_right_logical3A_32 : vector<1280x128xi32> to vector<1280x128xi16>
    %bitcast_convert_type3A_34 = tpu.bitcast %convert_element_type3A_33 : vector<1280x128xi16> -> vector<1280x128xbf16>
    %convert_element_type3A_35 = arith.extf %bitcast_convert_type3A_30 : vector<1280x128xbf16> to vector<1280x128xf32>
    %get3A_36 = arith.constant 0 : index
    %get3A_37 = arith.constant 0 : index
    %get3A_38 = vector.load %arg2[%get3A_36, %get3A_37] : memref<1280x128xf32, #tpu.memory_space<vmem>>, vector<1280x128xf32>
    %add3A_39 = arith.addf %convert_element_type3A_35, %get3A_38 : vector<1280x128xf32>
    %get3A_40 = arith.constant 0 : index
    %get3A_41 = arith.constant 0 : index
    %get3A_42 = vector.load %arg6[%get3A_40, %get3A_41] : memref<128x128xf32, #tpu.memory_space<vmem>>, vector<128x128xf32>
    %dot_general3A = arith.constant dense<0.000000e+00> : vector<1280x128xf32>
    %dot_general3A_43 = tpu.matmul %add3A_26, %get3A_42, %dot_general3A {dimension_numbers = #tpu.dot_dimension_numbers<[1], [0], [0], [1], [0, 0, 1, 1], [], []>, transpose_lhs_hint = false} : vector<1280x128xf32>, vector<128x128xf32>, vector<1280x128xf32> -> vector<1280x128xf32>
    %add3A_44 = arith.addf %add3A_39, %dot_general3A_43 : vector<1280x128xf32>
    %max3A = arith.constant 0.000000e+00 : f32
    %max3A_45 = vector.broadcast %max3A : f32 to vector<1280x128xf32>
    %max3A_46 = arith.maximumf %add3A_44, %max3A_45 : vector<1280x128xf32>
    %convert_element_type3A_47 = arith.extf %bitcast_convert_type3A_34 : vector<1280x128xbf16> to vector<1280x128xf32>
    %get3A_48 = arith.constant 0 : index
    %get3A_49 = arith.constant 0 : index
    %get3A_50 = vector.load %arg7[%get3A_48, %get3A_49] : memref<128x128xf32, #tpu.memory_space<vmem>>, vector<128x128xf32>
    %dot_general3A_51 = arith.constant dense<0.000000e+00> : vector<1280x128xf32>
    %dot_general3A_52 = tpu.matmul %max3A_46, %get3A_50, %dot_general3A_51 {dimension_numbers = #tpu.dot_dimension_numbers<[1], [0], [0], [1], [0, 0, 1, 1], [], []>, transpose_lhs_hint = false} : vector<1280x128xf32>, vector<128x128xf32>, vector<1280x128xf32> -> vector<1280x128xf32>
    %add3A_53 = arith.addf %convert_element_type3A_47, %dot_general3A_52 : vector<1280x128xf32>
    %max3A_54 = arith.constant 0.000000e+00 : f32
    %max3A_55 = vector.broadcast %max3A_54 : f32 to vector<1280x128xf32>
    %max3A_56 = arith.maximumf %add3A_53, %max3A_55 : vector<1280x128xf32>
    %swap3A = arith.constant 0 : index
    %swap3A_57 = arith.constant 0 : index
    %swap3A_58 = vector.load %arg11[%swap3A, %swap3A_57] : memref<1280x128xf32, #tpu.memory_space<vmem>>, vector<1280x128xf32>
    tpu.vector_store %arg11[%swap3A, %swap3A_57], %max3A_56 {strides = array<i32>} : memref<1280x128xf32, #tpu.memory_space<vmem>>, vector<1280x128xf32>,
    %logistic3A = arith.negf %max3A_46 : vector<1280x128xf32>
    %logistic3A_59 = math.exp %logistic3A : vector<1280x128xf32>
    %logistic3A_60 = arith.constant 1.000000e+00 : f32
    %logistic3A_61 = vector.broadcast %logistic3A_60 : f32 to vector<1280x128xf32>
    %logistic3A_62 = arith.addf %logistic3A_61, %logistic3A_59 : vector<1280x128xf32>
    %logistic3A_63 = arith.divf %logistic3A_61, %logistic3A_62 : vector<1280x128xf32>
    %mul3A_64 = arith.mulf %max3A_46, %logistic3A_63 : vector<1280x128xf32>
    %get3A_65 = arith.constant 0 : index
    %get3A_66 = arith.constant 0 : index
    %get3A_67 = vector.load %arg8[%get3A_65, %get3A_66] : memref<128x128xf32, #tpu.memory_space<vmem>>, vector<128x128xf32>
    %dot_general3A_68 = arith.constant dense<0.000000e+00> : vector<1280x128xf32>
    %dot_general3A_69 = tpu.matmul %mul3A_64, %get3A_67, %dot_general3A_68 {dimension_numbers = #tpu.dot_dimension_numbers<[1], [0], [0], [1], [0, 0, 1, 1], [], []>, transpose_lhs_hint = false} : vector<1280x128xf32>, vector<128x128xf32>, vector<1280x128xf32> -> vector<1280x128xf32>
    %add3A_70 = arith.addf %get3A_1, %dot_general3A_69 : vector<1280x128xf32>
    %get3A_71 = arith.constant 0 : index
    %get3A_72 = arith.constant 0 : index
    %get3A_73 = vector.load %arg9[%get3A_71, %get3A_72] : memref<1x128xf32, #tpu.memory_space<vmem>>, vector<1x128xf32>
    %add3A_74 = vector.broadcast %get3A_73 : vector<1x128xf32> to vector<1280x128xf32>
    %add3A_75 = arith.addf %add3A_70, %add3A_74 : vector<1280x128xf32>
    %swap3A_76 = arith.constant 0 : index
    %swap3A_77 = arith.constant 0 : index
    %swap3A_78 = vector.load %arg10[%swap3A_76, %swap3A_77] : memref<1280x128xf32, #tpu.memory_space<vmem>>, vector<1280x128xf32>
    tpu.vector_store %arg10[%swap3A_76, %swap3A_77], %add3A_75 {strides = array<i32>} : memref<1280x128xf32, #tpu.memory_space<vmem>>, vector<1280x128xf32>,
    return
  }
  func.func @transform_0(%arg0: i32) -> (i32, i32) {
    %c0_i32 = arith.constant 0 : i32
    %c0_i32_0 = arith.constant 0 : i32
    return %arg0, %c0_i32 : i32, i32
  }
  func.func @transform_1(%arg0: i32) -> (i32, i32) {
    %c0_i32 = arith.constant 0 : i32
    %c0_i32_0 = arith.constant 0 : i32
    return %arg0, %c0_i32 : i32, i32
  }
  func.func @transform_2(%arg0: i32) -> (i32, i32) {
    %add3A = arith.constant 0 : i32
    %add3A_0 = arith.addi %arg0, %add3A : i32
    %c0_i32 = arith.constant 0 : i32
    %c0_i32_1 = arith.constant 0 : i32
    return %add3A_0, %c0_i32 : i32, i32
  }
  func.func @transform_3(%arg0: i32) -> (i32, i32) {
    %c0_i32 = arith.constant 0 : i32
    %c0_i32_0 = arith.constant 0 : i32
    %c0_i32_1 = arith.constant 0 : i32
    return %c0_i32, %c0_i32_0 : i32, i32
  }
  func.func @transform_4(%arg0: i32) -> (i32, i32) {
    %c0_i32 = arith.constant 0 : i32
    %c0_i32_0 = arith.constant 0 : i32
    %c0_i32_1 = arith.constant 0 : i32
    return %c0_i32, %c0_i32_0 : i32, i32
  }
  func.func @transform_5(%arg0: i32) -> (i32, i32) {
    %c0_i32 = arith.constant 0 : i32
    %c0_i32_0 = arith.constant 0 : i32
    %c0_i32_1 = arith.constant 0 : i32
    return %c0_i32, %c0_i32_0 : i32, i32
  }
  func.func @transform_6(%arg0: i32) -> (i32, i32) {
    %c0_i32 = arith.constant 0 : i32
    %c0_i32_0 = arith.constant 0 : i32
    %c0_i32_1 = arith.constant 0 : i32
    return %c0_i32, %c0_i32_0 : i32, i32
  }
  func.func @transform_7(%arg0: i32) -> (i32, i32) {
    %c0_i32 = arith.constant 0 : i32
    %c0_i32_0 = arith.constant 0 : i32
    %c0_i32_1 = arith.constant 0 : i32
    return %c0_i32, %c0_i32_0 : i32, i32
  }
  func.func @transform_8(%arg0: i32) -> (i32, i32) {
    %c0_i32 = arith.constant 0 : i32
    %c0_i32_0 = arith.constant 0 : i32
    %c0_i32_1 = arith.constant 0 : i32
    return %c0_i32, %c0_i32_0 : i32, i32
  }
  func.func @transform_9(%arg0: i32) -> (i32, i32) {
    %add3A = arith.constant 0 : i32
    %add3A_0 = arith.addi %arg0, %add3A : i32
    %c0_i32 = arith.constant 0 : i32
    %c0_i32_1 = arith.constant 0 : i32
    return %add3A_0, %c0_i32 : i32, i32
  }
  func.func @transform_10(%arg0: i32) -> (i32, i32) {
    %c0_i32 = arith.constant 0 : i32
    %c0_i32_0 = arith.constant 0 : i32
    return %arg0, %c0_i32 : i32, i32
  }
}

module attributes {stable_mosaic.version = 14 : i64} {
  func.func @_edge_body(%arg0: i32, %arg1: memref<1280x128xi32, #tpu.memory_space<vmem>>, %arg2: memref<1280x128xf32, #tpu.memory_space<vmem>>, %arg3: memref<1280x128xf32, #tpu.memory_space<vmem>>, %arg4: memref<1x128xf32, #tpu.memory_space<vmem>>, %arg5: memref<1x128xf32, #tpu.memory_space<vmem>>, %arg6: memref<128x128xf32, #tpu.memory_space<vmem>>, %arg7: memref<128x128xf32, #tpu.memory_space<vmem>>, %arg8: memref<128x128xf32, #tpu.memory_space<vmem>>, %arg9: memref<1x128xf32, #tpu.memory_space<vmem>>, %arg10: memref<1280x128xf32, #tpu.memory_space<vmem>>, %arg11: memref<1280x128xf32, #tpu.memory_space<vmem>>, %arg12: memref<1280x128xf32, #tpu.memory_space<vmem>>) attributes {dimension_semantics = [#tpu.dimension_semantics<arbitrary>], iteration_bounds = array<i64: 125>, scalar_prefetch = 0 : i64, scratch_operands = 0 : i64, tpu.core_type = #tpu.core_type<tc>, window_params = [{transform_indices = @transform_0, window_bounds = array<i64: 1280, 128>}, {transform_indices = @transform_1, window_bounds = array<i64: 1280, 128>}, {transform_indices = @transform_2, window_bounds = array<i64: 1280, 128>}, {pipeline_mode = #tpu.pipeline_mode<synchronous>, transform_indices = @transform_3, window_bounds = array<i64: 1, 128>}, {pipeline_mode = #tpu.pipeline_mode<synchronous>, transform_indices = @transform_4, window_bounds = array<i64: 1, 128>}, {pipeline_mode = #tpu.pipeline_mode<synchronous>, transform_indices = @transform_5, window_bounds = array<i64: 128, 128>}, {pipeline_mode = #tpu.pipeline_mode<synchronous>, transform_indices = @transform_6, window_bounds = array<i64: 128, 128>}, {pipeline_mode = #tpu.pipeline_mode<synchronous>, transform_indices = @transform_7, window_bounds = array<i64: 128, 128>}, {pipeline_mode = #tpu.pipeline_mode<synchronous>, transform_indices = @transform_8, window_bounds = array<i64: 1, 128>}, {transform_indices = @transform_9, window_bounds = array<i64: 1280, 128>}, {transform_indices = @transform_10, window_bounds = array<i64: 1280, 128>}, {transform_indices = @transform_11, window_bounds = array<i64: 1280, 128>}]} {
    %get3A = arith.constant 0 : index
    %get3A_0 = arith.constant 0 : index
    %get3A_1 = vector.load %arg3[%get3A, %get3A_0] : memref<1280x128xf32, #tpu.memory_space<vmem>>, vector<1280x128xf32>
    %reduce_sum3A = arith.constant dense<0.000000e+00> : vector<1280xf32>
    %reduce_sum3A_2 = vector.multi_reduction <add>, %get3A_1, %reduce_sum3A [1] : vector<1280x128xf32> to vector<1280xf32>
    %broadcast_in_dim3A = vector.shape_cast %reduce_sum3A_2 : vector<1280xf32> to vector<1280x1xf32>
    %div3A = arith.constant 1.280000e+02 : f32
    %div3A_3 = vector.broadcast %div3A : f32 to vector<1280x1xf32>
    %div3A_4 = arith.divf %broadcast_in_dim3A, %div3A_3 : vector<1280x1xf32>
    %sub3A = vector.broadcast %div3A_4 : vector<1280x1xf32> to vector<1280x128xf32>
    %sub3A_5 = arith.subf %get3A_1, %sub3A : vector<1280x128xf32>
    %integer_pow3A = arith.mulf %sub3A_5, %sub3A_5 : vector<1280x128xf32>
    %reduce_sum3A_6 = arith.constant dense<0.000000e+00> : vector<1280xf32>
    %reduce_sum3A_7 = vector.multi_reduction <add>, %integer_pow3A, %reduce_sum3A_6 [1] : vector<1280x128xf32> to vector<1280xf32>
    %broadcast_in_dim3A_8 = vector.shape_cast %reduce_sum3A_7 : vector<1280xf32> to vector<1280x1xf32>
    %div3A_9 = arith.constant 1.280000e+02 : f32
    %div3A_10 = vector.broadcast %div3A_9 : f32 to vector<1280x1xf32>
    %div3A_11 = arith.divf %broadcast_in_dim3A_8, %div3A_10 : vector<1280x1xf32>
    %sub3A_12 = vector.broadcast %div3A_4 : vector<1280x1xf32> to vector<1280x128xf32>
    %sub3A_13 = arith.subf %get3A_1, %sub3A_12 : vector<1280x128xf32>
    %add3A = arith.constant 9.99999974E-6 : f32
    %add3A_14 = vector.broadcast %add3A : f32 to vector<1280x1xf32>
    %add3A_15 = arith.addf %div3A_11, %add3A_14 : vector<1280x1xf32>
    %rsqrt3A = math.rsqrt %add3A_15 : vector<1280x1xf32>
    %mul3A = vector.broadcast %rsqrt3A : vector<1280x1xf32> to vector<1280x128xf32>
    %mul3A_16 = arith.mulf %sub3A_13, %mul3A : vector<1280x128xf32>
    %get3A_17 = arith.constant 0 : index
    %get3A_18 = arith.constant 0 : index
    %get3A_19 = vector.load %arg4[%get3A_17, %get3A_18] : memref<1x128xf32, #tpu.memory_space<vmem>>, vector<1x128xf32>
    %mul3A_20 = vector.broadcast %get3A_19 : vector<1x128xf32> to vector<1280x128xf32>
    %mul3A_21 = arith.mulf %mul3A_16, %mul3A_20 : vector<1280x128xf32>
    %get3A_22 = arith.constant 0 : index
    %get3A_23 = arith.constant 0 : index
    %get3A_24 = vector.load %arg5[%get3A_22, %get3A_23] : memref<1x128xf32, #tpu.memory_space<vmem>>, vector<1x128xf32>
    %add3A_25 = vector.broadcast %get3A_24 : vector<1x128xf32> to vector<1280x128xf32>
    %add3A_26 = arith.addf %mul3A_21, %add3A_25 : vector<1280x128xf32>
    %get3A_27 = arith.constant 0 : index
    %get3A_28 = arith.constant 0 : index
    %get3A_29 = vector.load %arg1[%get3A_27, %get3A_28] : memref<1280x128xi32, #tpu.memory_space<vmem>>, vector<1280x128xi32>
    %bitcast_convert_type3A = tpu.bitcast %get3A_29 : vector<1280x128xi32> -> vector<1280x128xi32>
    %convert_element_type3A = arith.trunci %bitcast_convert_type3A : vector<1280x128xi32> to vector<1280x128xi16>
    %bitcast_convert_type3A_30 = tpu.bitcast %convert_element_type3A : vector<1280x128xi16> -> vector<1280x128xbf16>
    %shift_right_logical3A = arith.constant 16 : i32
    %shift_right_logical3A_31 = vector.broadcast %shift_right_logical3A : i32 to vector<1280x128xi32>
    %shift_right_logical3A_32 = arith.shrui %bitcast_convert_type3A, %shift_right_logical3A_31 : vector<1280x128xi32>
    %convert_element_type3A_33 = arith.trunci %shift_right_logical3A_32 : vector<1280x128xi32> to vector<1280x128xi16>
    %bitcast_convert_type3A_34 = tpu.bitcast %convert_element_type3A_33 : vector<1280x128xi16> -> vector<1280x128xbf16>
    %convert_element_type3A_35 = arith.extf %bitcast_convert_type3A_30 : vector<1280x128xbf16> to vector<1280x128xf32>
    %get3A_36 = arith.constant 0 : index
    %get3A_37 = arith.constant 0 : index
    %get3A_38 = vector.load %arg2[%get3A_36, %get3A_37] : memref<1280x128xf32, #tpu.memory_space<vmem>>, vector<1280x128xf32>
    %add3A_39 = arith.addf %convert_element_type3A_35, %get3A_38 : vector<1280x128xf32>
    %get3A_40 = arith.constant 0 : index
    %get3A_41 = arith.constant 0 : index
    %get3A_42 = vector.load %arg6[%get3A_40, %get3A_41] : memref<128x128xf32, #tpu.memory_space<vmem>>, vector<128x128xf32>
    %dot_general3A = arith.constant dense<0.000000e+00> : vector<1280x128xf32>
    %dot_general3A_43 = tpu.matmul %add3A_26, %get3A_42, %dot_general3A {dimension_numbers = #tpu.dot_dimension_numbers<[1], [0], [0], [1], [0, 0, 1, 1], [], []>, transpose_lhs_hint = false} : vector<1280x128xf32>, vector<128x128xf32>, vector<1280x128xf32> -> vector<1280x128xf32>
    %add3A_44 = arith.addf %add3A_39, %dot_general3A_43 : vector<1280x128xf32>
    %max3A = arith.constant 0.000000e+00 : f32
    %max3A_45 = vector.broadcast %max3A : f32 to vector<1280x128xf32>
    %max3A_46 = arith.maximumf %add3A_44, %max3A_45 : vector<1280x128xf32>
    %convert_element_type3A_47 = arith.extf %bitcast_convert_type3A_34 : vector<1280x128xbf16> to vector<1280x128xf32>
    %get3A_48 = arith.constant 0 : index
    %get3A_49 = arith.constant 0 : index
    %get3A_50 = vector.load %arg7[%get3A_48, %get3A_49] : memref<128x128xf32, #tpu.memory_space<vmem>>, vector<128x128xf32>
    %dot_general3A_51 = arith.constant dense<0.000000e+00> : vector<1280x128xf32>
    %dot_general3A_52 = tpu.matmul %max3A_46, %get3A_50, %dot_general3A_51 {dimension_numbers = #tpu.dot_dimension_numbers<[1], [0], [0], [1], [0, 0, 1, 1], [], []>, transpose_lhs_hint = false} : vector<1280x128xf32>, vector<128x128xf32>, vector<1280x128xf32> -> vector<1280x128xf32>
    %add3A_53 = arith.addf %convert_element_type3A_47, %dot_general3A_52 : vector<1280x128xf32>
    %max3A_54 = arith.constant 0.000000e+00 : f32
    %max3A_55 = vector.broadcast %max3A_54 : f32 to vector<1280x128xf32>
    %max3A_56 = arith.maximumf %add3A_53, %max3A_55 : vector<1280x128xf32>
    %swap3A = arith.constant 0 : index
    %swap3A_57 = arith.constant 0 : index
    %swap3A_58 = vector.load %arg12[%swap3A, %swap3A_57] : memref<1280x128xf32, #tpu.memory_space<vmem>>, vector<1280x128xf32>
    tpu.vector_store %arg12[%swap3A, %swap3A_57], %max3A_56 {strides = array<i32>} : memref<1280x128xf32, #tpu.memory_space<vmem>>, vector<1280x128xf32>,
    %logistic3A = arith.negf %max3A_46 : vector<1280x128xf32>
    %logistic3A_59 = math.exp %logistic3A : vector<1280x128xf32>
    %logistic3A_60 = arith.constant 1.000000e+00 : f32
    %logistic3A_61 = vector.broadcast %logistic3A_60 : f32 to vector<1280x128xf32>
    %logistic3A_62 = arith.addf %logistic3A_61, %logistic3A_59 : vector<1280x128xf32>
    %logistic3A_63 = arith.divf %logistic3A_61, %logistic3A_62 : vector<1280x128xf32>
    %mul3A_64 = arith.mulf %max3A_46, %logistic3A_63 : vector<1280x128xf32>
    %get3A_65 = arith.constant 0 : index
    %get3A_66 = arith.constant 0 : index
    %get3A_67 = vector.load %arg8[%get3A_65, %get3A_66] : memref<128x128xf32, #tpu.memory_space<vmem>>, vector<128x128xf32>
    %dot_general3A_68 = arith.constant dense<0.000000e+00> : vector<1280x128xf32>
    %dot_general3A_69 = tpu.matmul %mul3A_64, %get3A_67, %dot_general3A_68 {dimension_numbers = #tpu.dot_dimension_numbers<[1], [0], [0], [1], [0, 0, 1, 1], [], []>, transpose_lhs_hint = false} : vector<1280x128xf32>, vector<128x128xf32>, vector<1280x128xf32> -> vector<1280x128xf32>
    %add3A_70 = arith.addf %get3A_1, %dot_general3A_69 : vector<1280x128xf32>
    %get3A_71 = arith.constant 0 : index
    %get3A_72 = arith.constant 0 : index
    %get3A_73 = vector.load %arg9[%get3A_71, %get3A_72] : memref<1x128xf32, #tpu.memory_space<vmem>>, vector<1x128xf32>
    %add3A_74 = vector.broadcast %get3A_73 : vector<1x128xf32> to vector<1280x128xf32>
    %add3A_75 = arith.addf %add3A_70, %add3A_74 : vector<1280x128xf32>
    %swap3A_76 = arith.constant 0 : index
    %swap3A_77 = arith.constant 0 : index
    %swap3A_78 = vector.load %arg11[%swap3A_76, %swap3A_77] : memref<1280x128xf32, #tpu.memory_space<vmem>>, vector<1280x128xf32>
    tpu.vector_store %arg11[%swap3A_76, %swap3A_77], %add3A_75 {strides = array<i32>} : memref<1280x128xf32, #tpu.memory_space<vmem>>, vector<1280x128xf32>,
    return
  }
  func.func @transform_0(%arg0: i32) -> (i32, i32) {
    %c0_i32 = arith.constant 0 : i32
    %c0_i32_0 = arith.constant 0 : i32
    return %arg0, %c0_i32 : i32, i32
  }
  func.func @transform_1(%arg0: i32) -> (i32, i32) {
    %c0_i32 = arith.constant 0 : i32
    %c0_i32_0 = arith.constant 0 : i32
    return %arg0, %c0_i32 : i32, i32
  }
  func.func @transform_2(%arg0: i32) -> (i32, i32) {
    %add3A = arith.constant 125 : i32
    %add3A_0 = arith.addi %arg0, %add3A : i32
    %c0_i32 = arith.constant 0 : i32
    %c0_i32_1 = arith.constant 0 : i32
    return %add3A_0, %c0_i32 : i32, i32
  }
  func.func @transform_3(%arg0: i32) -> (i32, i32) {
    %c0_i32 = arith.constant 0 : i32
    %c0_i32_0 = arith.constant 0 : i32
    %c0_i32_1 = arith.constant 0 : i32
    return %c0_i32, %c0_i32_0 : i32, i32
  }
  func.func @transform_4(%arg0: i32) -> (i32, i32) {
    %c0_i32 = arith.constant 0 : i32
    %c0_i32_0 = arith.constant 0 : i32
    %c0_i32_1 = arith.constant 0 : i32
    return %c0_i32, %c0_i32_0 : i32, i32
  }
  func.func @transform_5(%arg0: i32) -> (i32, i32) {
    %c0_i32 = arith.constant 0 : i32
    %c0_i32_0 = arith.constant 0 : i32
    %c0_i32_1 = arith.constant 0 : i32
    return %c0_i32, %c0_i32_0 : i32, i32
  }
  func.func @transform_6(%arg0: i32) -> (i32, i32) {
    %c0_i32 = arith.constant 0 : i32
    %c0_i32_0 = arith.constant 0 : i32
    %c0_i32_1 = arith.constant 0 : i32
    return %c0_i32, %c0_i32_0 : i32, i32
  }
  func.func @transform_7(%arg0: i32) -> (i32, i32) {
    %c0_i32 = arith.constant 0 : i32
    %c0_i32_0 = arith.constant 0 : i32
    %c0_i32_1 = arith.constant 0 : i32
    return %c0_i32, %c0_i32_0 : i32, i32
  }
  func.func @transform_8(%arg0: i32) -> (i32, i32) {
    %c0_i32 = arith.constant 0 : i32
    %c0_i32_0 = arith.constant 0 : i32
    %c0_i32_1 = arith.constant 0 : i32
    return %c0_i32, %c0_i32_0 : i32, i32
  }
  func.func @transform_9(%arg0: i32) -> (i32, i32) {
    %add3A = arith.constant 125 : i32
    %add3A_0 = arith.addi %arg0, %add3A : i32
    %c0_i32 = arith.constant 0 : i32
    %c0_i32_1 = arith.constant 0 : i32
    return %add3A_0, %c0_i32 : i32, i32
  }
  func.func @transform_10(%arg0: i32) -> (i32, i32) {
    %add3A = arith.constant 125 : i32
    %add3A_0 = arith.addi %arg0, %add3A : i32
    %c0_i32 = arith.constant 0 : i32
    %c0_i32_1 = arith.constant 0 : i32
    return %add3A_0, %c0_i32 : i32, i32
  }
  func.func @transform_11(%arg0: i32) -> (i32, i32) {
    %c0_i32 = arith.constant 0 : i32
    %c0_i32_0 = arith.constant 0 : i32
    return %arg0, %c0_i32 : i32, i32
  }
}

module attributes {stable_mosaic.version = 14 : i64} {
  func.func @_node_body(%arg0: i32, %arg1: memref<2000x128xf32, #tpu.memory_space<vmem>>, %arg2: memref<2000x128xf32, #tpu.memory_space<vmem>>, %arg3: memref<2000x128xf32, #tpu.memory_space<vmem>>, %arg4: memref<2000x128xf32, #tpu.memory_space<vmem>>, %arg5: memref<2000x128xf32, #tpu.memory_space<vmem>>, %arg6: memref<2000x128xf32, #tpu.memory_space<vmem>>, %arg7: memref<2000x128xf32, #tpu.memory_space<vmem>>, %arg8: memref<2000x128xf32, #tpu.memory_space<vmem>>, %arg9: memref<2000x128xf32, #tpu.memory_space<vmem>>, %arg10: memref<2000x128xf32, #tpu.memory_space<vmem>>, %arg11: memref<128x128xf32, #tpu.memory_space<vmem>>, %arg12: memref<128x128xf32, #tpu.memory_space<vmem>>, %arg13: memref<1x128xf32, #tpu.memory_space<vmem>>, %arg14: memref<2000x128xf32, #tpu.memory_space<vmem>>) attributes {dimension_semantics = [#tpu.dimension_semantics<arbitrary>], iteration_bounds = array<i64: 5>, scalar_prefetch = 0 : i64, scratch_operands = 0 : i64, tpu.core_type = #tpu.core_type<tc>, window_params = [{transform_indices = @transform_0, window_bounds = array<i64: 2000, 128>}, {transform_indices = @transform_1, window_bounds = array<i64: 2000, 128>}, {transform_indices = @transform_2, window_bounds = array<i64: 2000, 128>}, {transform_indices = @transform_3, window_bounds = array<i64: 2000, 128>}, {transform_indices = @transform_4, window_bounds = array<i64: 2000, 128>}, {transform_indices = @transform_5, window_bounds = array<i64: 2000, 128>}, {transform_indices = @transform_6, window_bounds = array<i64: 2000, 128>}, {transform_indices = @transform_7, window_bounds = array<i64: 2000, 128>}, {transform_indices = @transform_8, window_bounds = array<i64: 2000, 128>}, {transform_indices = @transform_9, window_bounds = array<i64: 2000, 128>}, {pipeline_mode = #tpu.pipeline_mode<synchronous>, transform_indices = @transform_10, window_bounds = array<i64: 128, 128>}, {pipeline_mode = #tpu.pipeline_mode<synchronous>, transform_indices = @transform_11, window_bounds = array<i64: 128, 128>}, {pipeline_mode = #tpu.pipeline_mode<synchronous>, transform_indices = @transform_12, window_bounds = array<i64: 1, 128>}, {transform_indices = @transform_13, window_bounds = array<i64: 2000, 128>}]} {
    %get3A = arith.constant 0 : index
    %get3A_0 = arith.constant 0 : index
    %get3A_1 = vector.load %arg7[%get3A, %get3A_0] : memref<2000x128xf32, #tpu.memory_space<vmem>>, vector<2000x1xf32>
    %get3A_2 = arith.constant 0 : index
    %get3A_3 = arith.constant 0 : index
    %get3A_4 = vector.load %arg8[%get3A_2, %get3A_3] : memref<2000x128xf32, #tpu.memory_space<vmem>>, vector<2000x1xf32>
    %add3A = arith.addf %get3A_1, %get3A_4 : vector<2000x1xf32>
    %get3A_5 = arith.constant 0 : index
    %get3A_6 = arith.constant 0 : index
    %get3A_7 = vector.load %arg9[%get3A_5, %get3A_6] : memref<2000x128xf32, #tpu.memory_space<vmem>>, vector<2000x1xf32>
    %add3A_8 = arith.addf %add3A, %get3A_7 : vector<2000x1xf32>
    %get3A_9 = arith.constant 0 : index
    %get3A_10 = arith.constant 0 : index
    %get3A_11 = vector.load %arg10[%get3A_9, %get3A_10] : memref<2000x128xf32, #tpu.memory_space<vmem>>, vector<2000x1xf32>
    %add3A_12 = arith.addf %add3A_8, %get3A_11 : vector<2000x1xf32>
    %get3A_13 = arith.constant 0 : index
    %get3A_14 = arith.constant 0 : index
    %get3A_15 = vector.load %arg3[%get3A_13, %get3A_14] : memref<2000x128xf32, #tpu.memory_space<vmem>>, vector<2000x128xf32>
    %get3A_16 = arith.constant 0 : index
    %get3A_17 = arith.constant 0 : index
    %get3A_18 = vector.load %arg4[%get3A_16, %get3A_17] : memref<2000x128xf32, #tpu.memory_space<vmem>>, vector<2000x128xf32>
    %add3A_19 = arith.addf %get3A_15, %get3A_18 : vector<2000x128xf32>
    %get3A_20 = arith.constant 0 : index
    %get3A_21 = arith.constant 0 : index
    %get3A_22 = vector.load %arg5[%get3A_20, %get3A_21] : memref<2000x128xf32, #tpu.memory_space<vmem>>, vector<2000x128xf32>
    %add3A_23 = arith.addf %add3A_19, %get3A_22 : vector<2000x128xf32>
    %get3A_24 = arith.constant 0 : index
    %get3A_25 = arith.constant 0 : index
    %get3A_26 = vector.load %arg6[%get3A_24, %get3A_25] : memref<2000x128xf32, #tpu.memory_space<vmem>>, vector<2000x128xf32>
    %add3A_27 = arith.addf %add3A_23, %get3A_26 : vector<2000x128xf32>
    %max3A = arith.constant 1.000000e+00 : f32
    %max3A_28 = vector.broadcast %max3A : f32 to vector<2000x1xf32>
    %max3A_29 = arith.maximumf %add3A_12, %max3A_28 : vector<2000x1xf32>
    %div3A = vector.broadcast %max3A_29 : vector<2000x1xf32> to vector<2000x128xf32>
    %div3A_30 = arith.divf %add3A_27, %div3A : vector<2000x128xf32>
    %get3A_31 = arith.constant 0 : index
    %get3A_32 = arith.constant 0 : index
    %get3A_33 = vector.load %arg2[%get3A_31, %get3A_32] : memref<2000x128xf32, #tpu.memory_space<vmem>>, vector<2000x128xf32>
    %get3A_34 = arith.constant 0 : index
    %get3A_35 = arith.constant 0 : index
    %get3A_36 = vector.load %arg11[%get3A_34, %get3A_35] : memref<128x128xf32, #tpu.memory_space<vmem>>, vector<128x128xf32>
    %dot_general3A = arith.constant dense<0.000000e+00> : vector<2000x128xf32>
    %dot_general3A_37 = tpu.matmul %div3A_30, %get3A_36, %dot_general3A {dimension_numbers = #tpu.dot_dimension_numbers<[1], [0], [0], [1], [0, 0, 1, 1], [], []>, transpose_lhs_hint = false} : vector<2000x128xf32>, vector<128x128xf32>, vector<2000x128xf32> -> vector<2000x128xf32>
    %add3A_38 = arith.addf %get3A_33, %dot_general3A_37 : vector<2000x128xf32>
    %max3A_39 = arith.constant 0.000000e+00 : f32
    %max3A_40 = vector.broadcast %max3A_39 : f32 to vector<2000x128xf32>
    %max3A_41 = arith.maximumf %add3A_38, %max3A_40 : vector<2000x128xf32>
    %logistic3A = arith.negf %max3A_41 : vector<2000x128xf32>
    %logistic3A_42 = math.exp %logistic3A : vector<2000x128xf32>
    %logistic3A_43 = arith.constant 1.000000e+00 : f32
    %logistic3A_44 = vector.broadcast %logistic3A_43 : f32 to vector<2000x128xf32>
    %logistic3A_45 = arith.addf %logistic3A_44, %logistic3A_42 : vector<2000x128xf32>
    %logistic3A_46 = arith.divf %logistic3A_44, %logistic3A_45 : vector<2000x128xf32>
    %mul3A = arith.mulf %max3A_41, %logistic3A_46 : vector<2000x128xf32>
    %get3A_47 = arith.constant 0 : index
    %get3A_48 = arith.constant 0 : index
    %get3A_49 = vector.load %arg1[%get3A_47, %get3A_48] : memref<2000x128xf32, #tpu.memory_space<vmem>>, vector<2000x128xf32>
    %get3A_50 = arith.constant 0 : index
    %get3A_51 = arith.constant 0 : index
    %get3A_52 = vector.load %arg12[%get3A_50, %get3A_51] : memref<128x128xf32, #tpu.memory_space<vmem>>, vector<128x128xf32>
    %dot_general3A_53 = arith.constant dense<0.000000e+00> : vector<2000x128xf32>
    %dot_general3A_54 = tpu.matmul %mul3A, %get3A_52, %dot_general3A_53 {dimension_numbers = #tpu.dot_dimension_numbers<[1], [0], [0], [1], [0, 0, 1, 1], [], []>, transpose_lhs_hint = false} : vector<2000x128xf32>, vector<128x128xf32>, vector<2000x128xf32> -> vector<2000x128xf32>
    %add3A_55 = arith.addf %get3A_49, %dot_general3A_54 : vector<2000x128xf32>
    %get3A_56 = arith.constant 0 : index
    %get3A_57 = arith.constant 0 : index
    %get3A_58 = vector.load %arg13[%get3A_56, %get3A_57] : memref<1x128xf32, #tpu.memory_space<vmem>>, vector<1x128xf32>
    %add3A_59 = vector.broadcast %get3A_58 : vector<1x128xf32> to vector<2000x128xf32>
    %add3A_60 = arith.addf %add3A_55, %add3A_59 : vector<2000x128xf32>
    %swap3A = arith.constant 0 : index
    %swap3A_61 = arith.constant 0 : index
    %swap3A_62 = vector.load %arg14[%swap3A, %swap3A_61] : memref<2000x128xf32, #tpu.memory_space<vmem>>, vector<2000x128xf32>
    tpu.vector_store %arg14[%swap3A, %swap3A_61], %add3A_60 {strides = array<i32>} : memref<2000x128xf32, #tpu.memory_space<vmem>>, vector<2000x128xf32>,
    return
  }
  func.func @transform_0(%arg0: i32) -> (i32, i32) {
    %c0_i32 = arith.constant 0 : i32
    %c0_i32_0 = arith.constant 0 : i32
    return %arg0, %c0_i32 : i32, i32
  }
  func.func @transform_1(%arg0: i32) -> (i32, i32) {
    %c0_i32 = arith.constant 0 : i32
    %c0_i32_0 = arith.constant 0 : i32
    return %arg0, %c0_i32 : i32, i32
  }
  func.func @transform_2(%arg0: i32) -> (i32, i32) {
    %c0_i32 = arith.constant 0 : i32
    %c0_i32_0 = arith.constant 0 : i32
    return %arg0, %c0_i32 : i32, i32
  }
  func.func @transform_3(%arg0: i32) -> (i32, i32) {
    %c0_i32 = arith.constant 0 : i32
    %c0_i32_0 = arith.constant 0 : i32
    return %arg0, %c0_i32 : i32, i32
  }
  func.func @transform_4(%arg0: i32) -> (i32, i32) {
    %c0_i32 = arith.constant 0 : i32
    %c0_i32_0 = arith.constant 0 : i32
    return %arg0, %c0_i32 : i32, i32
  }
  func.func @transform_5(%arg0: i32) -> (i32, i32) {
    %c0_i32 = arith.constant 0 : i32
    %c0_i32_0 = arith.constant 0 : i32
    return %arg0, %c0_i32 : i32, i32
  }
  func.func @transform_6(%arg0: i32) -> (i32, i32) {
    %c0_i32 = arith.constant 0 : i32
    %c0_i32_0 = arith.constant 0 : i32
    return %arg0, %c0_i32 : i32, i32
  }
  func.func @transform_7(%arg0: i32) -> (i32, i32) {
    %c0_i32 = arith.constant 0 : i32
    %c0_i32_0 = arith.constant 0 : i32
    return %arg0, %c0_i32 : i32, i32
  }
  func.func @transform_8(%arg0: i32) -> (i32, i32) {
    %c0_i32 = arith.constant 0 : i32
    %c0_i32_0 = arith.constant 0 : i32
    return %arg0, %c0_i32 : i32, i32
  }
  func.func @transform_9(%arg0: i32) -> (i32, i32) {
    %c0_i32 = arith.constant 0 : i32
    %c0_i32_0 = arith.constant 0 : i32
    return %arg0, %c0_i32 : i32, i32
  }
  func.func @transform_10(%arg0: i32) -> (i32, i32) {
    %c0_i32 = arith.constant 0 : i32
    %c0_i32_0 = arith.constant 0 : i32
    %c0_i32_1 = arith.constant 0 : i32
    return %c0_i32, %c0_i32_0 : i32, i32
  }
  func.func @transform_11(%arg0: i32) -> (i32, i32) {
    %c0_i32 = arith.constant 0 : i32
    %c0_i32_0 = arith.constant 0 : i32
    %c0_i32_1 = arith.constant 0 : i32
    return %c0_i32, %c0_i32_0 : i32, i32
  }
  func.func @transform_12(%arg0: i32) -> (i32, i32) {
    %c0_i32 = arith.constant 0 : i32
    %c0_i32_0 = arith.constant 0 : i32
    %c0_i32_1 = arith.constant 0 : i32
    return %c0_i32, %c0_i32_0 : i32, i32
  }
  func.func @transform_13(%arg0: i32) -> (i32, i32) {
    %c0_i32 = arith.constant 0 : i32
    %c0_i32_0 = arith.constant 0 : i32
    return %arg0, %c0_i32 : i32, i32
  }
}

</mosaic_0001>

<sc_bundles>
// kernel: kernel.10.cloned.1.call-start
scs
__scs_entry_jumppad:
0x0: {  	(pc) =	sbr.rel $0x88, $3  }
0x1: {  	(tag) =	ssettag $0x0;
	lr =	simm.s32 $0x1  }
0x2: {  	[smem:$0x3F90] =	sst lr;
	_ =	strace $0xD0000000  }
0x3: {  	_ = 	snop  }
0x4: {  	_ = 	snop  }
0x5: {  	_ = 	snop  }
0x6: {  	_ = 	snop  }
0x7: {  	_ = 	snop  }
__scs_overlays_trampoline_lowered:
0x8: {  	[smem:$0x3F9F] =	sst s0  }
0x9: {  	[smem:$0x3FA0] =	sst s1  }
0xa: {  	[smem:$0x3FA1] =	sst s2  }
0xb: {  	[smem:$0x3FA2] =	sst s3  }
0xc: {  	[smem:$0x3FA3] =	sst s4  }
0xd: {  	[smem:$0x3FA4] =	sst s5  }
0xe: {  	[smem:$0x3FA5] =	sst s6  }
0xf: {  	[smem:$0x3FA6] =	sst s7  }
0x10: {  	[smem:$0x3FA7] =	sst s8  }
0x11: {  	[smem:$0x3FA8] =	sst s9;
	s0 =	simm.s32 @!p0 $0x0  }
0x12: {  	s1 =	sld [smem:$0x3F8E];
	s0 =	simm.s32 @p0 $0x1  }
0x13: {  	[smem:$0x3FA9] =	sst s0;
	s0 =	simm.s32 @!p1 $0x0  }
0x14: {  	s2 =	sld [smem:$0x3F8D];
	s0 =	simm.s32 @p1 $0x1  }
0x15: {  	[smem:$0x3FAA] =	sst s0;
	s0 =	simm.s32 @!p2 $0x0  }
0x16: {  	s3 =	sld [smem:$0x3FDB];
	s0 =	simm.s32 @p2 $0x1  }
0x17: {  	s4 =	simm.s32 $0x1BF5;
	[smem:$0x3FAC] =	sst s0  }
0x18: {  	s0 =	sld [smem:$0x3F8F];
	_ =	swait.ge [sflag:s4], $0x0  }
0x19: {  	s7 =	sld [smem:$0x3F90]  }
0x1a: {  	s8 =	sadd.s32 $0xFFFFE003, lr  }
0x1b: {  	s9 =	sadd.s32 $0xFFFFFEF7, lr;
	s5 =	simm.s32 $0xFFFFFFFF;
	p2 =	slt.u32 s8, $0xFFFFF086  }
0x1c: {  	p1 =	slt.u32 s9, $0xF7A;
	s5 =	simm.s32 @!p2 $0x0  }
0x1d: {  	s5 =	simm.s32 @p1 $0x1;
	p0 =	seq.s32 s7, s2  }
0x1e: {  	s7 =	smul.u32 @!p0 $0xF7A, s2;
	p2 =	seq.s32 @!p0 s5, $0x0  }
0x1f: {  	s9 =	smul.u32 $0xF7A, s1;
	s8 =	simm.s32 @!p0 $0x1BF5;
	p2 =	por !p2, p0  }
0x20: {  	[sflag:s8] =	ssyncset.s32 @!p0 $0xFFFFF086;
	s6 =	sadd.s32 @!p0 s3, s7;
	s7 =	simm.s32 @!p0 $0x108  }
0x21: {  	s3 =	sadd.s32 s3, s9;
	s6 =	sadd.s32 @!p0 $0x88, s6;
	s7 =	simm.s32 @p2 $0x1082  }
0x22: {  	[simem:s7], [sflag:s8] =	dma.local @!p0 [hbm:s6], $0xF7A  }
0x23: {  	s9 =	sor.u32 $0xD0000000, s2;
	s6 =	simm.s32 $0x108;
	_ =	swait.ge @!p0 [sflag:s8], $0x0  }
0x24: {  	s3 =	sadd.s32 $0x88, s3;
	s6 =	simm.s32 @!p1 $0x1082;
	[sflag:s4] =	ssyncset.s32 $0xFFFFF086  }
0x25: {  	[simem:s6], [sflag:s4] =	dma.local [hbm:s3], $0xF7A  }
0x26: {  	[smem:$0x3F90] =	sst s1;
	(tag) =	ssettag s2;
	_ =	strace s9  }
0x27: {  	s1 =	sld [smem:$0x3FA0]  }
0x28: {  	s2 =	sld [smem:$0x3FA1]  }
0x29: {  	s4 =	sld [smem:$0x3FA3]  }
0x2a: {  	p0 =	seq.s32 s5, $0x0;
	s5 =	sld [smem:$0x3FA4]  }
0x2b: {  	s6 =	sld [smem:$0x3FA5]  }
0x2c: {  	s7 =	sld [smem:$0x3FA6]  }
0x2d: {  	s3 =	simm.s32 $0x108;
	s8 =	sld [smem:$0x3FA7]  }
0x2e: {  	s3 =	simm.s32 @!p0 $0x1082;
	s9 =	sld [smem:$0x3FA8]  }
0x2f: {  	lr =	sadd.s32 s0, s3;
	s0 =	sld [smem:$0x3F9F]  }
0x30: {  	s3 =	sld [smem:$0x3FA2]  }
0x31: {  	[smem:$0x3FAB] =	sst s10  }
0x32: {  	s10 =	sld [smem:$0x3FA9];
	_ =	sdelay $0x3  }
0x33: {  	p0 =	seq.s32 s10, $0x1;
	s10 =	sld [smem:$0x3FAB];
	_ =	sdelay $0x3  }
0x34: {  	[smem:$0x3FAB] =	sst s10  }
0x35: {  	s10 =	sld [smem:$0x3FAA];
	_ =	sdelay $0x3  }
0x36: {  	p1 =	seq.s32 s10, $0x1;
	s10 =	sld [smem:$0x3FAB];
	_ =	sdelay $0x3  }
0x37: {  	[smem:$0x3FAB] =	sst s10  }
0x38: {  	s10 =	sld [smem:$0x3FAC]  }
0x39: {  	_ = 	snop;
	(pc) =	sbr.ind lr, $3  }
0x3a: {  	_ = 	snop  }
0x3b: {  	_ = 	snop  }
0x3c: {  	p2 =	seq.s32 s10, $0x1;
	s10 =	sld [smem:$0x3FAB]  }
0x3d: {  	_ =	shalt  }
0x3e: {  	_ =	shalt  }
0x3f: {  	_ =	shalt  }
0x40: {  	_ =	shalt  }
0x41: {  	_ =	shalt  }
0x42: {  	_ =	shalt  }
0x43: {  	_ =	shalt  }
0x44: {  	_ =	shalt  }
0x45: {  	_ =	shalt  }
0x46: {  	_ =	shalt  }
0x47: {  	_ =	shalt  }
0x48: {  	_ =	shalt  }
0x49: {  	_ =	shalt  }
0x4a: {  	_ =	shalt  }
0x4b: {  	_ =	shalt  }
0x4c: {  	_ =	shalt  }
0x4d: {  	_ =	shalt  }
0x4e: {  	_ =	shalt  }
0x4f: {  	_ =	shalt  }
0x50: {  	_ =	shalt  }
0x51: {  	_ =	shalt  }
0x52: {  	_ =	shalt  }
0x53: {  	_ =	shalt  }
0x54: {  	_ =	shalt  }
0x55: {  	_ =	shalt  }
0x56: {  	_ =	shalt  }
0x57: {  	_ =	shalt  }
0x58: {  	_ =	shalt  }
0x59: {  	_ =	shalt  }
0x5a: {  	_ =	shalt  }
0x5b: {  	_ =	shalt  }
0x5c: {  	_ =	shalt  }
0x5d: {  	_ =	shalt  }
0x5e: {  	_ =	shalt  }
0x5f: {  	_ =	shalt  }
0x60: {  	_ =	shalt  }
0x61: {  	_ =	shalt  }
0x62: {  	_ =	shalt  }
0x63: {  	_ =	shalt  }
0x64: {  	_ =	shalt  }
0x65: {  	_ =	shalt  }
0x66: {  	_ =	shalt  }
0x67: {  	_ =	shalt  }
0x68: {  	_ =	shalt  }
0x69: {  	_ =	shalt  }
0x6a: {  	_ =	shalt  }
0x6b: {  	_ =	shalt  }
0x6c: {  	_ =	shalt  }
0x6d: {  	_ =	shalt  }
0x6e: {  	_ =	shalt  }
0x6f: {  	_ =	shalt  }
0x70: {  	_ =	shalt  }
0x71: {  	_ =	shalt  }
0x72: {  	_ =	shalt  }
0x73: {  	_ =	shalt  }
0x74: {  	_ =	shalt  }
0x75: {  	_ =	shalt  }
0x76: {  	_ =	shalt  }
0x77: {  	_ =	shalt  }
0x78: {  	_ =	shalt  }
0x79: {  	_ =	shalt  }
0x7a: {  	_ =	shalt  }
0x7b: {  	_ =	shalt  }
0x7c: {  	_ =	shalt  }
0x7d: {  	_ =	shalt  }
0x7e: {  	_ =	shalt  }
0x7f: {  	_ =	shalt  }
0x80: {  	_ =	shalt  }
0x81: {  	_ =	shalt  }
0x82: {  	_ =	shalt  }
0x83: {  	_ =	shalt  }
0x84: {  	_ =	shalt  }
0x85: {  	_ =	shalt  }
0x86: {  	_ =	shalt  }
0x87: {  	_ =	shalt  }
.Lfunc_end0:
.L_simem_size_0:
called_computation_lowered:
.L_overlay_start_0:
0x88: {  	s2 =	sld [smem:$0x3FD9]  }
0x89: {  	s3 =	sld [smem:$0x3FFE];
	_ =	sdelay $0x1  }
0x8a: {  	s1 =	srdreg.scid  }
0x8b: {  	s0 =	sand.u32 $0x1, s1  }
0x8c: {  	s16 =	sshll.u32 s0, $0xA;
	s2 =	sadd.s32 s3, s2  }
0x8d: {  	s2 =	sadd.s32 s2, s16  }
0x8e: {  	[smem:$0x3FB7] =	sst s2  }
0x8f: {  	_ = 	snop  }
0x90: {  	(tm) =	ssettm $0x1  }
0x91: {  	s17 =	sld [smem:$0x3FFB];
	_ =	sdelay $0x3  }
0x92: {  	_ =	strace s17  }
0x93: {  	s2 =	sld [smem:$0x3FFC];
	_ =	sdelay $0x3  }
0x94: {  	_ =	strace s2  }
0x95: {  	s2 =	sld [smem:$0x3FFD];
	_ =	sdelay $0x3  }
0x96: {  	_ =	strace s2  }
0x97: {  	_ =	strace $0x8FFFFFFF  }
0x98: {  	s18 =	sld [smem:$0x3FDB];
	_ =	sdelay $0x1  }
0x99: {  	s19 =	simm.s32 $_scs_section_size  }
0x9a: {  	s4 =	simm.s32 $_size__tile_overlayer_lowered;
	s5 =	simm.s32 $_tile_overlayer_lowered  }
0x9b: {  	s22 =	simm.s32 $0x1BFF;
	s21 =	sshll.u32 s5, $0x1;
	s2 =	sadd.s32 s19, s18  }
0x9c: {  	s6 =	simm.s32 $0x0;
	s20 =	sshll.u32 s4, $0x1;
	s4 =	sadd.s32 s21, s2  }
0x9d: {  	[timem:s6], [sflag:s22] =	dma.local [hbm:s4], s20  }
0x9e: {  	_ =	swait.ge [sflag:s22], s20  }
0x9f: {  	s3 =	ssub.s32 $0x0, s20;
	[sflag:s22] =	ssyncset.done $0x0  }
0xa0: {  	[sflag:s22] =	ssyncadd.s32 s3;
	_ =	sdelay $0x1  }
0xa1: {  	s23 =	simm.s32 $0x1B8B  }
0xa2: {  	_ =	swait.ge [sflag:s23], $0x1  }
0xa3: {  	[sflag:s23] =	ssyncset.done $0x0  }
0xa4: {  	s25 =	simm.s32 $0x1B8E;
	s24 =	sld [smem:$0x3FFE];
	[sflag:s23] =	ssyncadd.s32 $0xFFFFFFFF  }
0xa5: {  	s26 =	simm.s32 $execute0_lowered;
	[smem:$0x3FD2] =	sst s25  }
0xa6: {  	s4 =	sshll.u32 s26, $0x1;
	_ =	strace $0x80000046;
	[dreg:$0x1] =	wrdreg $0xFFFFFFFF  }
0xa7: {  	s28 =	simm.s32 $_size_execute0_lowered;
	s2 =	sadd.s32 s2, s4;
	[dreg:$0x0] =	wrdreg $0x0  }
0xa8: {  	s4 =	sshll.u32 s28, $0x1;
	[dreg:$0x2] =	wrdreg s2  }
0xa9: {  	[dreg:$0x3] =	wrdreg s4  }
0xaa: {  	[dreg:$0x4] =	wrdreg $0xC0  }
0xab: {  	_ =	task [dreg:s6], $0x5FFFF  }
0xac: {  	[dreg:$0x1] =	wrdreg $0xFFFFFFFF  }
0xad: {  	[dreg:$0x0] =	wrdreg $0x60  }
0xae: {  	[dreg:$0x2] =	wrdreg s24  }
0xaf: {  	[dreg:$0x3] =	wrdreg $0xB6000  }
0xb0: {  	[dreg:$0x4] =	wrdreg $0xA  }
0xb1: {  	_ =	task.clear_ibuf [dreg:s6], $0x5FFFF;
	_ =	strace $0x90000046  }
0xb2: {  	s29 =	simm.s32 $0xA;
	_ =	strace $0x80000048  }
0xb3: {  	_ =	swait.ge [sflag:s29], $0x1  }
0xb4: {  	[sflag:s29] =	ssyncadd.s32 $0xFFFFFFFF  }
0xb5: {  	_ =	strace $0x90000048  }
0xb6: {  	_ =	sfence  }
0xb7: {  	s30 =	sld [smem:$0x0];
	_ =	sdelay $0x2  }
0xb8: {  	s31 =	sshll.u32 s1, $0xD;
	s1 =	sshrl.u32 s1, $0x2  }
0xb9: {  	s3 =	sand.u32 $0x4000, s31;
	s1 =	sadd.s32 s1, s30  }
0xba: {  	s0 =	sor.u32 s3, s0;
	s1 =	sshll.u32 s1, $0x11  }
0xbb: {  	s0 =	sor.u32 s1, s0  }
0xbc: {  	s0 =	sadd.s32 $0x8F2B, s0  }
0xbd: {  	[sflag:s0] =	ssyncadd.remote.s32 $0x1  }
0xbe: {  	_ =	sfence.sel $0xFFFF  }
0xbf: {  	[dreg:$0x0] =	wrdreg $0xFFFFFFFF;
	(pc) =	sbr.abs _section_cstart, $3  }
0xc0: {  	[dreg:$0x1] =	wrdreg $0xFFFFFFFF  }
0xc1: {  	_ =	task.clear_ibuf [dreg:s6], $0x2FFFF;
	_ =	strace $0x9FFFFFFF  }
0xc2: {  	(tm) =	ssettm $0x7FFFFFFF  }
0xc3: {  	_ =	shalt  }
tec
execute0_lowered:
.L_overlay_start_1:
0x0: {  	(tag) =	ssettag $0x1  }
0x1: {  	s0 =	rddreg [dreg:$0x0]  }
0x2: {  	s1 =	rddreg [dreg:$0x1];
	s2 =	simm.s32 $0x0;
	s3 =	stileid.u32  }
0x3: {  	s8 =	srdreg.scid;
	s28 =	simm.s32 $0x6;
	s29 =	simm.s32 $0x8  }
0x4: {  	s30 =	simm.s32 $0x0;
	[smem:$0x7FF] =	sst s2;
	s4 =	sadd.s32 $0x19E00, s0  }
0x5: {  	s5 =	sadd.s32 $0x41000, s0;
	s6 =	sadd.s32 $0x5A00, s0;
	s7 =	sadd.s32 $0xF800, s0  }
0x6: {  	s9 =	sshll.u32 s3, $0xB;
	s8 =	sand.u32 $0x1, s8;
	s19 =	smul.u32 $0x5000, s3  }
0x7: {  	s10 =	sshll.u32 s3, $0x1;
	s21 =	sshll.u32 s3, $0x4;
	s24 =	smul.u32 $0x280, s3  }
0x8: {  	p0 =	slt.u32 s3, $0x2;
	p1 =	sgt.u32 s3, $0x1;
	_ =	strace $0x80000047  }
0x9: {  	s11 =	smul.u32 $0x27100, s8;
	s12 =	ssub.s32 $0x2, s8;
	s14 =	sor.u32 s8, s10  }
0xa: {  	s9 =	sadd.s32 s9, s0;
	s22 =	sadd.s32 s21, s6;
	s23 =	sshll.u32 s8, $0xA  }
0xb: {  	s26 =	sshrl.u32 s12, $0x1;
	s13 =	sshll.u32 s14, $0x3;
	s25 =	sor.u32 $0x60, s14  }
0xc: {  	s15 =	sadd.s32 s11, s0;
	s31 =	ssub.s32 s12, s26;
	s16 =	sadd.s32 s6, s13  }
0xd: {  	s17 =	sadd.s32 s7, s13;
	s18 =	sor.u32 $0x100, s13;
	[dreg:$0x8] =	wrdreg s25  }
0xe: {  	s11 =	sshrl.u32 s19, $0x2;
	s26 =	sadd.s32 s23, s9;
	[dreg:$0x3] =	wrdreg s16  }
0xf: {  	s23 =	simm.s32 $0x4200;
	s25 =	simm.s32 $0x8200;
	[dreg:$0x4] =	wrdreg s17  }
0x10: {  	s20 =	sadd.s32 s6, s18;
	s10 =	sadd.s32 s7, s18;
	s7 =	sadd.s32 s21, s7  }
0x11: {  	s16 =	sshll.u32 s8, $0x3;
	s0 =	smax.u32 s31, $0x1;
	s11 =	sadd.s32 s11, s1  }
0x12: {  	s6 =	sadd.s32 $0x2D9200, s26;
	s31 =	sadd.s32 s24, s15;
	[dreg:$0x5] =	wrdreg s20  }
0x13: {  	s18 =	simm.s32 $0x100;
	s21 =	simm.s32 $0x3;
	[dreg:$0x6] =	wrdreg s10  }
0x14: {  	s24 =	simm.s32 $0x40;
	[dreg:$0x7] =	wrdreg s0;
	s12 =	sadd.s32 s16, s7  }
0x15: {  	s13 =	sadd.s32 s16, s22;
	[dreg:$0x9] =	wrdreg s6;
	s0 =	sadd.s32 $0x68200, s26  }
0x16: {  	v0 =	vimm.f32 $1.000000000e+00;
	v1 =	vimm.f32 $0.0e+00;
	s17 =	sadd.s32 $0x54A200, s31;
	s22 =	simm.s32 $0x200;
	s26 =	simm.s32 $0x9  }
.LBB2_1:
0x17: {  	s6 =	sand.u32 $0x7E00, s2  }
0x18: {  	s8 =	sand.u32 $0x70, s2;
	s6 =	sshrl.u32 s6, $0x2  }
0x19: {  	s7 =	simm.s32 $0x40;
	s9 =	sor.u32 s8, s6;
	s8 =	simm.s32 $0x0  }
.LBB2_2:
0x1a: {  	p2 =	sne.s32 s7, $0x7FC0  }
0x1b: {  	[tilespmem:s9+$0x8200] =	vst v0;
	s8 =	sadd.s32 $0x10, s8;
	s6 =	smov.u32 s7;
	s7 =	sadd.s32 $0x40, s7  }
.Ltmp0:
0x1c: {  	(pc) =	sbr.rel @p2 .LBB2_2-.Ltmp0, $4  }
0x1d: {  	_ = 	snop  }
0x1e: {  	s6 =	sand.u32 $0x7E00, s6  }
0x1f: {  	s9 =	sand.u32 $0x70, s8;
	s6 =	sshrl.u32 s6, $0x2  }
0x20: {  	s9 =	sor.u32 s9, s6;
	s6 =	simm.s32 $0x0  }
0x21: {  	s7 =	sand.u32 $0x7E00, s6  }
0x22: {  	s8 =	sand.u32 $0x70, s6;
	s14 =	sshrl.u32 s7, $0x2  }
0x23: {  	[tilespmem:s9+$0x8200] =	vst v0;
	s7 =	simm.s32 $0x40;
	s8 =	sor.u32 s8, s14  }
.LBB2_4:
0x24: {  	p2 =	sne.s32 s7, $0x4FC0  }
0x25: {  	[tilespmem:s8+$0xA200] =	vst v1;
	s6 =	sadd.s32 $0x10, s6;
	s8 =	smov.u32 s7;
	s7 =	sadd.s32 $0x40, s7  }
.Ltmp1:
0x26: {  	(pc) =	sbr.rel @p2 .LBB2_4-.Ltmp1, $4  }
0x27: {  	_ = 	snop  }
0x28: {  	s8 =	sand.u32 $0x7E00, s8  }
0x29: {  	s9 =	sand.u32 $0x70, s6;
	s8 =	sshrl.u32 s8, $0x2  }
0x2a: {  	s8 =	sor.u32 s9, s8  }
0x2b: {  	s6 =	sadd.s32 $0x0, s3  }
0x2c: {  	p2 =	sgt.u32 s6, $0xF9  }
0x2d: {  	[tilespmem:s8+$0xA200] =	vst v1;
	s6 =	simm.s32 @!p2 $0xA200;
	s9 =	simm.s32 @!p2 $0x9  }
0x2e: {  	[spmem:s11] =	stream.linear.scatter @!p2 [tilespmem:s6], [sflag:$0x9], $0x1400, $0x38;
	[tilespmem:$0x1EE80] =	vst v63  }
0x2f: {  	s7 =	simm.s32 $0x10;
	_ =	swait.ge @!p2 [sflag:s9], $0x1400  }
0x30: {  	s8 =	simm.s32 $0x20;
	s6 =	sadd.s32 $0x14000, s11;
	[sflag:s9] =	ssyncset.done @!p2 $0x0  }
.LBB2_6:
0x31: {  	s14 =	sadd.s32 s7, s3;
	s7 =	smov.u32 s8;
	s8 =	sadd.s32 $0x10, s8  }
0x32: {  	[sflag:s9] =	ssyncadd.s32 @!p2 $0xFFFFEC00;
	p3 =	sne.s32 s8, $0x100  }
.Ltmp2:
0x33: {  	p2 =	sgt.u32 s14, $0xF9;
	(pc) =	sbr.rel @p3 .LBB2_6-.Ltmp2, $4  }
0x34: {  	s14 =	simm.s32 @!p2 $0xA200;
	s9 =	simm.s32 @!p2 $0x9  }
0x35: {  	[spmem:s6] =	stream.linear.scatter @!p2 [tilespmem:s14], [sflag:$0x9], $0x1400, $0x38;
	[tilespmem:$0x1EE80] =	vst v63  }
0x36: {  	_ =	swait.ge @!p2 [sflag:s9], $0x1400  }
0x37: {  	s6 =	sadd.s32 $0x14000, s6;
	[sflag:s9] =	ssyncset.done @!p2 $0x0  }
0x38: {  	s7 =	sadd.s32 s7, s3  }
0x39: {  	p3 =	sgt.u32 s7, $0xF9  }
0x3a: {  	[sflag:s9] =	ssyncadd.s32 @!p2 $0xFFFFEC00;
	s7 =	simm.s32 @!p3 $0xA200;
	s8 =	simm.s32 @!p3 $0x9  }
0x3b: {  	[spmem:s6] =	stream.linear.scatter @!p3 [tilespmem:s7], [sflag:$0x9], $0x1400, $0x38;
	[tilespmem:$0x1EE80] =	vst v63  }
0x3c: {  	_ =	swait.ge @!p3 [sflag:s8], $0x1400  }
0x3d: {  	[sflag:s8] =	ssyncset.done @!p3 $0x0  }
0x3e: {  	[sflag:s8] =	ssyncadd.s32 @!p3 $0xFFFFEC00  }
0x3f: {  	[bflag:$0x0] =	sbarrier.arrive $0xFFFF  }
0x40: {  	s10 =	rddreg [dreg:$0x3]  }
0x41: {  	s31 =	simm.s32 $0x0;
	s14 =	rddreg [dreg:$0x4]  }
0x42: {  	[tilespmem:s31], [sflag:$0x1] =	stream.linear.gather [hbm4b:s10+s31], $0x40, $0x38;
	[tilespmem:$0x1EE80] =	vst v63  }
0x43: {  	s15 =	rddreg [dreg:$0x5]  }
0x44: {  	[tilespmem:s18], [sflag:$0x1] =	stream.linear.gather [hbm4b:s14+s31], $0x40, $0x38;
	[tilespmem:$0x1EE80] =	vst v63  }
.Ltmp3:
0x45: {  	s19 =	rddreg [dreg:$0x6];
	(pc) =	sbr.rel .LBB2_8-.Ltmp3, $4  }
0x46: {  	s16 =	simm.s32 $0x80;
	s14 =	rddreg [dreg:$0x8]  }
0x47: {  	[tilespmem:s16], [sflag:$0x2] =	stream.linear.gather [hbm4b:s15+s31], $0x40, $0x38;
	[tilespmem:$0x1EE80] =	vst v63  }
0x48: {  	s20 =	simm.s32 $0x180;
	s16 =	smov.u32 s0;
	s15 =	rddreg [dreg:$0x9]  }
0x49: {  	[tilespmem:s20], [sflag:$0x2] =	stream.linear.gather [hbm4b:s19+s31], $0x40, $0x38;
	[tilespmem:$0x1EE80] =	vst v63  }
.LBB2_10:
0x4a: {  	s31 =	sadd.s32 $0x200, s31  }
0x4b: {  	p2 =	sne.s32 s31, $0x5000  }
.Ltmp4:
0x4c: {  	_ = 	snop;
	(pc) =	sbr.rel @!p2 .LBB2_11-.Ltmp4, $2  }
0x4d: {  	_ =	sdelay $0x2  }
0x4e: {  	s14 =	sadd.s32 $0x40, s14;
	s15 =	sadd.s32 $0x10000, s15;
	s16 =	sadd.s32 $0x10000, s16  }
.LBB2_8:
0x4f: {  	s6 =	sadd.s32 $0xFFFFFFA0, s14  }
0x50: {  	p3 =	sgt.u32 s6, $0x9C3  }
0x51: {  	s6 =	simm.s32 @!p3 $0x1  }
0x52: {  	_ =	swait.ge @!p3 [sflag:s6], $0x40  }
0x53: {  	[sflag:s6] =	ssyncset.done @!p3 $0x0  }
0x54: {  	[sflag:s6] =	ssyncadd.s32 @!p3 $0xFFFFFFC0  }
0x55: {  	p2 =	seq.s32 @!p3 s31, $0x0;
	_ =	swait.ge @!p3 [sflag:s6], $0x40  }
0x56: {  	p2 =	por p2, p3;
	[sflag:s6] =	ssyncset.done @!p3 $0x0  }
0x57: {  	[sflag:s6] =	ssyncadd.s32 @!p3 $0xFFFFFFC0;
	s6 =	simm.s32 @!p2 $0x5  }
0x58: {  	_ =	swait.ge @!p2 [sflag:s6], $0x2000  }
0x59: {  	[sflag:s6] =	ssyncset.done @!p2 $0x0  }
0x5a: {  	[sflag:s6] =	ssyncadd.s32 @!p2 $0xFFFFE000;
	s6 =	simm.s32 @!p2 $0x7  }
0x5b: {  	_ =	swait.ge @!p2 [sflag:s6], $0x2000  }
0x5c: {  	s20 =	sadd.s32 $0xFFFFFFC0, s14;
	s7 =	simm.s32 @!p3 $0x0;
	[sflag:s6] =	ssyncset.done @!p2 $0x0  }
0x5d: {  	s8 =	simm.s32 @!p3 $0x200;
	[sflag:s6] =	ssyncadd.s32 @!p2 $0xFFFFE000;
	s6 =	simm.s32 @!p3 $0x40  }
0x5e: {  	[tilespmem:s8], [sflag:$0x3] =	stream.indirect.gather @!p3 [hbm4b:s4+s6], $0x80, s7, s6, $0xb8;
	[tilespmem:$0x1EE80] =	vst v63  }
0x5f: {  	p2 =	sgt.u32 s20, $0x9C3;
	s7 =	simm.s32 @!p3 $0x100;
	s8 =	simm.s32 @!p3 $0x4200  }
0x60: {  	[tilespmem:s8], [sflag:$0x3] =	stream.indirect.gather @!p3 [hbm4b:s5+s6], $0x80, s7, s6, $0xb8;
	[tilespmem:$0x1EE80] =	vst v63  }
0x61: {  	s6 =	simm.s32 @!p2 $0x2  }
0x62: {  	_ =	swait.ge @!p2 [sflag:s6], $0x40  }
0x63: {  	[sflag:s6] =	ssyncset.done @!p2 $0x0  }
0x64: {  	[sflag:s6] =	ssyncadd.s32 @!p2 $0xFFFFFFC0  }
0x65: {  	p4 =	seq.s32 @!p2 s31, $0x0;
	_ =	swait.ge @!p2 [sflag:s6], $0x40  }
0x66: {  	p4 =	por p4, p2;
	[sflag:s6] =	ssyncset.done @!p2 $0x0  }
0x67: {  	[sflag:s6] =	ssyncadd.s32 @!p2 $0xFFFFFFC0;
	s6 =	simm.s32 @!p4 $0x6  }
0x68: {  	_ =	swait.ge @!p4 [sflag:s6], $0x2000  }
0x69: {  	[sflag:s6] =	ssyncset.done @!p4 $0x0  }
0x6a: {  	[sflag:s6] =	ssyncadd.s32 @!p4 $0xFFFFE000;
	s6 =	simm.s32 @!p4 $0x8  }
0x6b: {  	_ =	swait.ge @!p4 [sflag:s6], $0x2000  }
.Ltmp5:
0x6c: {  	s7 =	simm.s32 @!p2 $0x80;
	[sflag:s6] =	ssyncset.done @!p4 $0x0;
	(pc) =	sbr.rel @p3 .LBB2_10-.Ltmp5, $4  }
0x6d: {  	s8 =	simm.s32 @!p2 $0x2200;
	[sflag:s6] =	ssyncadd.s32 @!p4 $0xFFFFE000;
	s6 =	simm.s32 @!p2 $0x40  }
0x6e: {  	[tilespmem:s8], [sflag:$0x4] =	stream.indirect.gather @!p2 [hbm4b:s4+s6], $0x80, s7, s6, $0xb8;
	[tilespmem:$0x1EE80] =	vst v63  }
0x6f: {  	s9 =	simm.s32 @!p2 $0x6200;
	s7 =	simm.s32 @!p2 $0x180  }
0x70: {  	[tilespmem:s9], [sflag:$0x4] =	stream.indirect.gather @!p2 [hbm4b:s5+s6], $0x80, s7, s6, $0xb8;
	[tilespmem:$0x1EE80] =	vst v63  }
0x71: {  	_ =	swait.ge [sflag:s21], $0x2000  }
0x72: {  	[sflag:s21] =	ssyncset.done $0x0  }
0x73: {  	[sflag:s21] =	ssyncadd.s32 $0xFFFFE000  }
0x74: {  	_ =	swait.ge [sflag:s21], $0x2000  }
0x75: {  	[sflag:s21] =	ssyncset.done $0x0  }
0x76: {  	[sflag:s21] =	ssyncadd.s32 $0xFFFFE000  }
0x77: {  	[hbm4b:s16+s2] =	stream.linear.scatter [tilespmem:s22], [sflag:$0x5], $0x2000, $0x38;
	[tilespmem:$0x1EE80] =	vst v63  }
0x78: {  	_ = 	snop  }
0x79: {  	[hbm4b:s15+s2] =	stream.linear.scatter [tilespmem:s23], [sflag:$0x7], $0x2000, $0x38;
	[tilespmem:$0x1EE80] =	vst v63  }
0x7a: {  	s10 =	sadd.s32 $0xFFFFFFE0, s14  }
0x7b: {  	[spmem:s1] =	stream.indirect.scatter.add.f32 [tilespmem:s25], [sflag:$0x9], $0x80, s18, s24, $0xb8;
	[tilespmem:$0x1EE80] =	vst v63  }
0x7c: {  	p3 =	sgt.u32 s10, $0x9C3;
	_ =	swait.ge [sflag:s26], $0x2000  }
0x7d: {  	s10 =	sadd.s32 @!p3 s31, s13;
	[sflag:s26] =	ssyncset.done $0x0  }
0x7e: {  	s20 =	simm.s32 @!p3 $0x0;
	s10 =	sadd.s32 @!p3 $0x200, s10;
	[sflag:s26] =	ssyncadd.s32 $0xFFFFE000  }
0x7f: {  	[tilespmem:s20], [sflag:$0x1] =	stream.linear.gather @!p3 [hbm4b:s10+s20], $0x40, $0x38;
	[tilespmem:$0x1EE80] =	vst v63  }
0x80: {  	s10 =	sadd.s32 @!p3 s31, s12  }
0x81: {  	s19 =	simm.s32 @!p3 $0x100;
	s10 =	sadd.s32 @!p3 $0x200, s10  }
0x82: {  	[tilespmem:s19], [sflag:$0x1] =	stream.linear.gather @!p3 [hbm4b:s10+s20], $0x40, $0x38;
	[tilespmem:$0x1EE80] =	vst v63  }
0x83: {  	s10 =	simm.s32 @!p2 $0x4  }
0x84: {  	_ =	swait.ge @!p2 [sflag:s10], $0x2000  }
0x85: {  	[sflag:s10] =	ssyncset.done @!p2 $0x0  }
0x86: {  	[sflag:s10] =	ssyncadd.s32 @!p2 $0xFFFFE000  }
0x87: {  	_ =	swait.ge @!p2 [sflag:s10], $0x2000  }
0x88: {  	[sflag:s10] =	ssyncset.done @!p2 $0x0  }
0x89: {  	s19 =	simm.s32 @!p2 $0x0;
	[sflag:s10] =	ssyncadd.s32 @!p2 $0xFFFFE000;
	s10 =	sadd.s32 @!p2 $0x8000, s16  }
0x8a: {  	[hbm4b:s10+s19] =	stream.linear.scatter @!p2 [tilespmem:s8], [sflag:$0x6], $0x2000, $0x38;
	[tilespmem:$0x1EE80] =	vst v63  }
0x8b: {  	s8 =	sadd.s32 @!p2 $0x8000, s15  }
0x8c: {  	[hbm4b:s8+s19] =	stream.linear.scatter @!p2 [tilespmem:s9], [sflag:$0x8], $0x2000, $0x38;
	[tilespmem:$0x1EE80] =	vst v63  }
0x8d: {  	s8 =	simm.s32 @!p2 $0x8200  }
0x8e: {  	[spmem:s1] =	stream.indirect.scatter.add.f32 @!p2 [tilespmem:s8], [sflag:$0x9], $0x80, s7, s6, $0xb8;
	[tilespmem:$0x1EE80] =	vst v63  }
0x8f: {  	s6 =	simm.s32 @!p2 $0x9  }
0x90: {  	p3 =	sgt.u32 @!p2 s14, $0x9C3;
	_ =	swait.ge @!p2 [sflag:s6], $0x2000  }
0x91: {  	p3 =	por p3, p2;
	[sflag:s6] =	ssyncset.done @!p2 $0x0  }
0x92: {  	s7 =	simm.s32 @!p3 $0x0;
	[sflag:s6] =	ssyncadd.s32 @!p2 $0xFFFFE000;
	s6 =	sadd.s32 @!p3 s31, s13  }
.Ltmp6:
0x93: {  	s8 =	simm.s32 @!p3 $0x80;
	s6 =	sadd.s32 @!p3 $0x300, s6;
	(pc) =	sbr.rel .LBB2_10-.Ltmp6, $4  }
0x94: {  	[tilespmem:s8], [sflag:$0x2] =	stream.linear.gather @!p3 [hbm4b:s6+s7], $0x40, $0x38;
	[tilespmem:$0x1EE80] =	vst v63  }
0x95: {  	s6 =	sadd.s32 @!p3 s31, s12  }
0x96: {  	s8 =	simm.s32 @!p3 $0x180;
	s6 =	sadd.s32 @!p3 $0x300, s6  }
0x97: {  	[tilespmem:s8], [sflag:$0x2] =	stream.linear.gather @!p3 [hbm4b:s6+s7], $0x40, $0x38;
	[tilespmem:$0x1EE80] =	vst v63  }
.LBB2_11:
0x98: {  	s6 =	simm.s32 @!p0 $0x5  }
0x99: {  	_ =	swait.ge @!p0 [sflag:s6], $0x2000  }
0x9a: {  	[sflag:s6] =	ssyncset.done @!p0 $0x0  }
0x9b: {  	[sflag:s6] =	ssyncadd.s32 @!p0 $0xFFFFE000;
	s6 =	simm.s32 @!p0 $0x7  }
0x9c: {  	_ =	swait.ge @!p0 [sflag:s6], $0x2000  }
0x9d: {  	[sflag:s6] =	ssyncset.done @!p0 $0x0  }
0x9e: {  	[sflag:s6] =	ssyncadd.s32 @!p0 $0xFFFFE000  }
0x9f: {  	_ =	swait.ge [sflag:s28], $0x2000  }
0xa0: {  	[sflag:s28] =	ssyncset.done $0x0  }
0xa1: {  	[sflag:s28] =	ssyncadd.s32 $0xFFFFE000  }
0xa2: {  	_ =	swait.ge [sflag:s29], $0x2000  }
0xa3: {  	[sflag:s29] =	ssyncset.done $0x0  }
0xa4: {  	s6 =	simm.s32 @!p1 $0x5;
	[sflag:s29] =	ssyncadd.s32 $0xFFFFE000  }
0xa5: {  	_ =	swait.ge @!p1 [sflag:s6], $0x2000  }
0xa6: {  	[sflag:s6] =	ssyncset.done @!p1 $0x0  }
0xa7: {  	[sflag:s6] =	ssyncadd.s32 @!p1 $0xFFFFE000;
	s6 =	simm.s32 @!p1 $0x7  }
0xa8: {  	s20 =	sadd.s32 $0x0, s3;
	_ =	swait.ge @!p1 [sflag:s6], $0x2000  }
0xa9: {  	p2 =	sgt.u32 s20, $0xF9;
	[sflag:s6] =	ssyncset.done @!p1 $0x0  }
0xaa: {  	s7 =	simm.s32 @!p2 $0xA200;
	[sflag:s6] =	ssyncadd.s32 @!p1 $0xFFFFE000  }
0xab: {  	s8 =	simm.s32 @!p2 $0xA;
	p2 =	por p2, p2;
	[bflag:$0x0] =	sbarrier.arrive $0xFFFF  }
0xac: {  	[tilespmem:s7], [sflag:$0xA] =	stream.linear.gather @!p2 [spmem:s11], $0x1400, $0x38;
	[tilespmem:$0x1EE80] =	vst v63  }
0xad: {  	_ =	swait.ge @!p2 [sflag:s8], $0x1400  }
0xae: {  	s31 =	sadd.s32 $0x10, s3;
	[sflag:s8] =	ssyncset.done @!p2 $0x0  }
0xaf: {  	s9 =	simm.s32 @!p2 $0x0;
	[sflag:s8] =	ssyncadd.s32 @!p2 $0xFFFFEC00;
	s8 =	simm.s32 @!p2 $0x9  }
0xb0: {  	[hbm4b:s17+s9] =	stream.linear.scatter @!p2 [tilespmem:s7], [sflag:$0x9], $0x1400, $0x38;
	[tilespmem:$0x1EE80] =	vst v63  }
0xb1: {  	s14 =	sadd.s32 $0x2800, s17;
	p3 =	sgt.u32 s31, $0xF9;
	_ =	swait.ge @!p2 [sflag:s8], $0x1400  }
0xb2: {  	s6 =	simm.s32 $0x20;
	s7 =	sadd.s32 $0x14000, s11;
	[sflag:s8] =	ssyncset.done @!p2 $0x0  }
.LBB2_12:
0xb3: {  	s9 =	simm.s32 @!p3 $0xA200;
	s10 =	simm.s32 @!p3 $0xA;
	[sflag:s8] =	ssyncadd.s32 @!p2 $0xFFFFEC00  }
0xb4: {  	s15 =	smov.u32 s6;
	p2 =	por p3, p3;
	s6 =	sadd.s32 $0x10, s6  }
0xb5: {  	[tilespmem:s9], [sflag:$0xA] =	stream.linear.gather @!p2 [spmem:s7], $0x1400, $0x38;
	[tilespmem:$0x1EE80] =	vst v63  }
0xb6: {  	p4 =	sne.s32 s6, $0x100;
	_ =	swait.ge @!p2 [sflag:s10], $0x1400  }
.Ltmp7:
0xb7: {  	[sflag:s10] =	ssyncset.done @!p2 $0x0;
	(pc) =	sbr.rel @p4 .LBB2_12-.Ltmp7, $4  }
0xb8: {  	s8 =	simm.s32 @!p2 $0x9;
	[sflag:s10] =	ssyncadd.s32 @!p2 $0xFFFFEC00;
	s10 =	simm.s32 @!p2 $0x0  }
0xb9: {  	[hbm4b:s14+s10] =	stream.linear.scatter @!p2 [tilespmem:s9], [sflag:$0x9], $0x1400, $0x38;
	[tilespmem:$0x1EE80] =	vst v63  }
0xba: {  	s9 =	sadd.s32 s15, s3;
	s14 =	sadd.s32 $0x2800, s14;
	_ =	swait.ge @!p2 [sflag:s8], $0x1400  }
0xbb: {  	s7 =	sadd.s32 $0x14000, s7;
	p3 =	sgt.u32 s9, $0xF9;
	[sflag:s8] =	ssyncset.done @!p2 $0x0  }
0xbc: {  	s6 =	simm.s32 @!p3 $0xA200  }
0xbd: {  	s9 =	simm.s32 @!p3 $0xA;
	[sflag:s8] =	ssyncadd.s32 @!p2 $0xFFFFEC00;
	p2 =	por p3, p3  }
0xbe: {  	[tilespmem:s6], [sflag:$0xA] =	stream.linear.gather @!p2 [spmem:s7], $0x1400, $0x38;
	[tilespmem:$0x1EE80] =	vst v63  }
0xbf: {  	_ =	swait.ge @!p2 [sflag:s9], $0x1400  }
0xc0: {  	[sflag:s9] =	ssyncset.done @!p2 $0x0  }
0xc1: {  	s7 =	simm.s32 @!p2 $0x0;
	s8 =	simm.s32 @!p2 $0x9;
	[sflag:s9] =	ssyncadd.s32 @!p2 $0xFFFFEC00  }
0xc2: {  	[hbm4b:s14+s7] =	stream.linear.scatter @!p2 [tilespmem:s6], [sflag:$0x9], $0x1400, $0x38;
	[tilespmem:$0x1EE80] =	vst v63  }
0xc3: {  	_ =	swait.ge @!p2 [sflag:s8], $0x1400  }
0xc4: {  	s30 =	sadd.s32 $0x1, s30;
	s31 =	rddreg [dreg:$0x7]  }
0xc5: {  	p3 =	sne.s32 s30, s31  }
.Ltmp8:
0xc6: {  	_ = 	snop;
	(pc) =	sbr.rel @p3 .LBB2_1-.Ltmp8, $3  }
0xc7: {  	_ =	sdelay $0x1  }
0xc8: {  	[sflag:s8] =	ssyncset.done @!p2 $0x0  }
0xc9: {  	[sflag:s8] =	ssyncadd.s32 @!p2 $0xFFFFEC00  }
0xca: {  	_ =	sfence.sel $0x180000  }
0xcb: {  	[bflag:$0x0] =	sbarrier.arrive $0xFFFF  }
0xcc: {  	_ =	strace $0x90000047  }
0xcd: {  	[bflag:$0x2] =	sbarrier.arrive $0xFFFF  }
0xce: {  	p0 =	sne.s32 s3, $0x0;
	s0 =	rddreg [dreg:$0x2]  }
0xcf: {  	s0 =	sadd.s32 @!p0 $0x100000, s0  }
0xd0: {  	[sflag:s0] =	ssyncadd.tile.s32 @!p0 $0x1;
	_ =	shalt  }
.Lfunc_end2:
_tile_overlayer_lowered:
.L_overlay_start_2:
0xd1: {  	(tag) =	ssettag $0x2  }
0xd2: {  	s0 =	rddreg [dreg:$0x0];
	s2 =	stileid.u32  }
0xd3: {  	s1 =	rddreg [dreg:$0x1];
	p0 =	sne.s32 s2, $0x0  }
0xd4: {  	s3 =	rddreg [dreg:$0x2];
	[bflag:$0x3] =	sbarrier.arrive $0xFFFF;
	s2 =	simm.s32 @!p0 $0x1C09  }
0xd5: {  	[timem:s3], [sflag:s2] =	dma.local @!p0 [hbm:s0], s1  }
0xd6: {  	s0 =	simm.s32 @!p0 $0x9  }
0xd7: {  	_ =	swait.ge @!p0 [sflag:s0], s1  }
0xd8: {  	s1 =	ssub.s32 @!p0 $0x0, s1;
	[sflag:s0] =	ssyncset.done @!p0 $0x0  }
0xd9: {  	[sflag:s0] =	ssyncadd.s32 @!p0 s1  }
0xda: {  	[bflag:$0x3] =	sbarrier.arrive $0xFFFF  }
0xdb: {  	_ =	shalt  }

// kernel: kernel.13.cloned.1.call-start
scs
__scs_entry_jumppad:
0x0: {  	(pc) =	sbr.rel $0x88, $3  }
0x1: {  	(tag) =	ssettag $0x0;
	lr =	simm.s32 $0x1  }
0x2: {  	[smem:$0x3F90] =	sst lr;
	_ =	strace $0xD0000000  }
0x3: {  	_ = 	snop  }
0x4: {  	_ = 	snop  }
0x5: {  	_ = 	snop  }
0x6: {  	_ = 	snop  }
0x7: {  	_ = 	snop  }
__scs_overlays_trampoline_lowered:
0x8: {  	[smem:$0x3F9F] =	sst s0  }
0x9: {  	[smem:$0x3FA0] =	sst s1  }
0xa: {  	[smem:$0x3FA1] =	sst s2  }
0xb: {  	[smem:$0x3FA2] =	sst s3  }
0xc: {  	[smem:$0x3FA3] =	sst s4  }
0xd: {  	[smem:$0x3FA4] =	sst s5  }
0xe: {  	[smem:$0x3FA5] =	sst s6  }
0xf: {  	[smem:$0x3FA6] =	sst s7  }
0x10: {  	[smem:$0x3FA7] =	sst s8  }
0x11: {  	[smem:$0x3FA8] =	sst s9;
	s0 =	simm.s32 @!p0 $0x0  }
0x12: {  	s1 =	sld [smem:$0x3F8E];
	s0 =	simm.s32 @p0 $0x1  }
0x13: {  	[smem:$0x3FA9] =	sst s0;
	s0 =	simm.s32 @!p1 $0x0  }
0x14: {  	s2 =	sld [smem:$0x3F8D];
	s0 =	simm.s32 @p1 $0x1  }
0x15: {  	[smem:$0x3FAA] =	sst s0;
	s0 =	simm.s32 @!p2 $0x0  }
0x16: {  	s3 =	sld [smem:$0x3FDB];
	s0 =	simm.s32 @p2 $0x1  }
0x17: {  	s4 =	simm.s32 $0x1BF5;
	[smem:$0x3FAC] =	sst s0  }
0x18: {  	s0 =	sld [smem:$0x3F8F];
	_ =	swait.ge [sflag:s4], $0x0  }
0x19: {  	s7 =	sld [smem:$0x3F90]  }
0x1a: {  	s8 =	sadd.s32 $0xFFFFE003, lr  }
0x1b: {  	s9 =	sadd.s32 $0xFFFFFEF7, lr;
	s5 =	simm.s32 $0xFFFFFFFF;
	p2 =	slt.u32 s8, $0xFFFFF086  }
0x1c: {  	p1 =	slt.u32 s9, $0xF7A;
	s5 =	simm.s32 @!p2 $0x0  }
0x1d: {  	s5 =	simm.s32 @p1 $0x1;
	p0 =	seq.s32 s7, s2  }
0x1e: {  	s7 =	smul.u32 @!p0 $0xF7A, s2;
	p2 =	seq.s32 @!p0 s5, $0x0  }
0x1f: {  	s9 =	smul.u32 $0xF7A, s1;
	s8 =	simm.s32 @!p0 $0x1BF5;
	p2 =	por !p2, p0  }
0x20: {  	[sflag:s8] =	ssyncset.s32 @!p0 $0xFFFFF086;
	s6 =	sadd.s32 @!p0 s3, s7;
	s7 =	simm.s32 @!p0 $0x108  }
0x21: {  	s3 =	sadd.s32 s3, s9;
	s6 =	sadd.s32 @!p0 $0x88, s6;
	s7 =	simm.s32 @p2 $0x1082  }
0x22: {  	[simem:s7], [sflag:s8] =	dma.local @!p0 [hbm:s6], $0xF7A  }
0x23: {  	s9 =	sor.u32 $0xD0000000, s2;
	s6 =	simm.s32 $0x108;
	_ =	swait.ge @!p0 [sflag:s8], $0x0  }
0x24: {  	s3 =	sadd.s32 $0x88, s3;
	s6 =	simm.s32 @!p1 $0x1082;
	[sflag:s4] =	ssyncset.s32 $0xFFFFF086  }
0x25: {  	[simem:s6], [sflag:s4] =	dma.local [hbm:s3], $0xF7A  }
0x26: {  	[smem:$0x3F90] =	sst s1;
	(tag) =	ssettag s2;
	_ =	strace s9  }
0x27: {  	s1 =	sld [smem:$0x3FA0]  }
0x28: {  	s2 =	sld [smem:$0x3FA1]  }
0x29: {  	s4 =	sld [smem:$0x3FA3]  }
0x2a: {  	p0 =	seq.s32 s5, $0x0;
	s5 =	sld [smem:$0x3FA4]  }
0x2b: {  	s6 =	sld [smem:$0x3FA5]  }
0x2c: {  	s7 =	sld [smem:$0x3FA6]  }
0x2d: {  	s3 =	simm.s32 $0x108;
	s8 =	sld [smem:$0x3FA7]  }
0x2e: {  	s3 =	simm.s32 @!p0 $0x1082;
	s9 =	sld [smem:$0x3FA8]  }
0x2f: {  	lr =	sadd.s32 s0, s3;
	s0 =	sld [smem:$0x3F9F]  }
0x30: {  	s3 =	sld [smem:$0x3FA2]  }
0x31: {  	[smem:$0x3FAB] =	sst s10  }
0x32: {  	s10 =	sld [smem:$0x3FA9];
	_ =	sdelay $0x3  }
0x33: {  	p0 =	seq.s32 s10, $0x1;
	s10 =	sld [smem:$0x3FAB];
	_ =	sdelay $0x3  }
0x34: {  	[smem:$0x3FAB] =	sst s10  }
0x35: {  	s10 =	sld [smem:$0x3FAA];
	_ =	sdelay $0x3  }
0x36: {  	p1 =	seq.s32 s10, $0x1;
	s10 =	sld [smem:$0x3FAB];
	_ =	sdelay $0x3  }
0x37: {  	[smem:$0x3FAB] =	sst s10  }
0x38: {  	s10 =	sld [smem:$0x3FAC]  }
0x39: {  	_ = 	snop;
	(pc) =	sbr.ind lr, $3  }
0x3a: {  	_ = 	snop  }
0x3b: {  	_ = 	snop  }
0x3c: {  	p2 =	seq.s32 s10, $0x1;
	s10 =	sld [smem:$0x3FAB]  }
0x3d: {  	_ =	shalt  }
0x3e: {  	_ =	shalt  }
0x3f: {  	_ =	shalt  }
0x40: {  	_ =	shalt  }
0x41: {  	_ =	shalt  }
0x42: {  	_ =	shalt  }
0x43: {  	_ =	shalt  }
0x44: {  	_ =	shalt  }
0x45: {  	_ =	shalt  }
0x46: {  	_ =	shalt  }
0x47: {  	_ =	shalt  }
0x48: {  	_ =	shalt  }
0x49: {  	_ =	shalt  }
0x4a: {  	_ =	shalt  }
0x4b: {  	_ =	shalt  }
0x4c: {  	_ =	shalt  }
0x4d: {  	_ =	shalt  }
0x4e: {  	_ =	shalt  }
0x4f: {  	_ =	shalt  }
0x50: {  	_ =	shalt  }
0x51: {  	_ =	shalt  }
0x52: {  	_ =	shalt  }
0x53: {  	_ =	shalt  }
0x54: {  	_ =	shalt  }
0x55: {  	_ =	shalt  }
0x56: {  	_ =	shalt  }
0x57: {  	_ =	shalt  }
0x58: {  	_ =	shalt  }
0x59: {  	_ =	shalt  }
0x5a: {  	_ =	shalt  }
0x5b: {  	_ =	shalt  }
0x5c: {  	_ =	shalt  }
0x5d: {  	_ =	shalt  }
0x5e: {  	_ =	shalt  }
0x5f: {  	_ =	shalt  }
0x60: {  	_ =	shalt  }
0x61: {  	_ =	shalt  }
0x62: {  	_ =	shalt  }
0x63: {  	_ =	shalt  }
0x64: {  	_ =	shalt  }
0x65: {  	_ =	shalt  }
0x66: {  	_ =	shalt  }
0x67: {  	_ =	shalt  }
0x68: {  	_ =	shalt  }
0x69: {  	_ =	shalt  }
0x6a: {  	_ =	shalt  }
0x6b: {  	_ =	shalt  }
0x6c: {  	_ =	shalt  }
0x6d: {  	_ =	shalt  }
0x6e: {  	_ =	shalt  }
0x6f: {  	_ =	shalt  }
0x70: {  	_ =	shalt  }
0x71: {  	_ =	shalt  }
0x72: {  	_ =	shalt  }
0x73: {  	_ =	shalt  }
0x74: {  	_ =	shalt  }
0x75: {  	_ =	shalt  }
0x76: {  	_ =	shalt  }
0x77: {  	_ =	shalt  }
0x78: {  	_ =	shalt  }
0x79: {  	_ =	shalt  }
0x7a: {  	_ =	shalt  }
0x7b: {  	_ =	shalt  }
0x7c: {  	_ =	shalt  }
0x7d: {  	_ =	shalt  }
0x7e: {  	_ =	shalt  }
0x7f: {  	_ =	shalt  }
0x80: {  	_ =	shalt  }
0x81: {  	_ =	shalt  }
0x82: {  	_ =	shalt  }
0x83: {  	_ =	shalt  }
0x84: {  	_ =	shalt  }
0x85: {  	_ =	shalt  }
0x86: {  	_ =	shalt  }
0x87: {  	_ =	shalt  }
.Lfunc_end0:
.L_simem_size_0:
called_computation.1_lowered:
.L_overlay_start_0:
0x88: {  	s2 =	sld [smem:$0x3FD9]  }
0x89: {  	s3 =	sld [smem:$0x3FFE];
	_ =	sdelay $0x1  }
0x8a: {  	s1 =	srdreg.scid  }
0x8b: {  	s0 =	sand.u32 $0x1, s1  }
0x8c: {  	s17 =	sshll.u32 s0, $0xA;
	s2 =	sadd.s32 s3, s2  }
0x8d: {  	s2 =	sadd.s32 s2, s17  }
0x8e: {  	[smem:$0x3FB7] =	sst s2  }
0x8f: {  	_ = 	snop  }
0x90: {  	(tm) =	ssettm $0x1  }
0x91: {  	s18 =	sld [smem:$0x3FFB];
	_ =	sdelay $0x3  }
0x92: {  	_ =	strace s18  }
0x93: {  	s2 =	sld [smem:$0x3FFC];
	_ =	sdelay $0x3  }
0x94: {  	_ =	strace s2  }
0x95: {  	s2 =	sld [smem:$0x3FFD];
	_ =	sdelay $0x3  }
0x96: {  	_ =	strace s2  }
0x97: {  	_ =	strace $0x8FFFFFFF  }
0x98: {  	s19 =	sld [smem:$0x3FDB];
	_ =	sdelay $0x1  }
0x99: {  	s20 =	simm.s32 $_scs_section_size  }
0x9a: {  	s4 =	simm.s32 $_size__tile_overlayer_lowered;
	s5 =	simm.s32 $_tile_overlayer_lowered  }
0x9b: {  	s6 =	simm.s32 $0x1BFF;
	s21 =	sshll.u32 s5, $0x1;
	s3 =	sadd.s32 s20, s19  }
0x9c: {  	s22 =	simm.s32 $0x0;
	s4 =	sshll.u32 s4, $0x1;
	s5 =	sadd.s32 s21, s3  }
0x9d: {  	[timem:s22], [sflag:s6] =	dma.local [hbm:s5], s4  }
0x9e: {  	_ =	swait.ge [sflag:s6], s4  }
0x9f: {  	s4 =	ssub.s32 $0x0, s4;
	[sflag:s6] =	ssyncset.done $0x0  }
0xa0: {  	[sflag:s6] =	ssyncadd.s32 s4;
	_ =	sdelay $0x1  }
0xa1: {  	s23 =	simm.s32 $0x1B8B  }
0xa2: {  	_ =	swait.ge [sflag:s23], $0x1  }
0xa3: {  	[sflag:s23] =	ssyncset.done $0x0  }
0xa4: {  	[sflag:s23] =	ssyncadd.s32 $0xFFFFFFFF  }
0xa5: {  	s4 =	sld [smem:$0x0]  }
0xa6: {  	s5 =	sand.u32 $0xFFFFFFFE, s1  }
0xa7: {  	p0 =	sne.s32 s1, s5  }
0xa8: {  	s5 =	sshll.u32 @p0 s5, $0xE  }
0xa9: {  	s5 =	sadd.s32 @p0 $0x11B8D, s5;
	s6 =	sshll.u32 @p0 s4, $0x11  }
0xaa: {  	s5 =	sor.u32 @p0 s6, s5  }
0xab: {  	[sflag:s5] =	ssyncadd.remote.s32 @p0 $0x1;
	_ =	sdelay $0x1  }
0xac: {  	s5 =	simm.s32 @p0 $0x1B8D  }
0xad: {  	_ =	swait.eq @p0 [sflag:s5], $0x1  }
0xae: {  	[sflag:s5] =	ssyncadd.s32 @p0 $0xFFFFFFFF  }
0xaf: {  	s6 =	sshll.u32 @!p0 s1, $0xE  }
0xb0: {  	s6 =	sor.u32 @!p0 $0x4000, s6;
	s5 =	simm.s32 @!p0 $0x1B8D  }
0xb1: {  	s4 =	sshll.u32 @!p0 s4, $0x11;
	s6 =	sadd.s32 @!p0 $0x11B8D, s6;
	_ =	swait.eq @!p0 [sflag:s5], $0x1  }
0xb2: {  	s4 =	sor.u32 @!p0 s4, s6;
	[sflag:s5] =	ssyncadd.s32 @!p0 $0xFFFFFFFF  }
0xb3: {  	s25 =	simm.s32 $0x1B8E;
	s24 =	sld [smem:$0x3FFE];
	[sflag:s4] =	ssyncadd.remote.s32 @!p0 $0x1  }
0xb4: {  	s26 =	simm.s32 $execute0_lowered;
	[smem:$0x3FD2] =	sst s25  }
0xb5: {  	s5 =	sshll.u32 s26, $0x1;
	_ =	strace $0x80000049;
	[dreg:$0x1] =	wrdreg $0xFFFFFFFF  }
0xb6: {  	s28 =	simm.s32 $_size_execute0_lowered;
	s3 =	sadd.s32 s3, s5;
	[dreg:$0x0] =	wrdreg $0x0  }
0xb7: {  	s5 =	sshll.u32 s28, $0x1;
	[dreg:$0x2] =	wrdreg s3  }
0xb8: {  	[dreg:$0x3] =	wrdreg s5  }
0xb9: {  	[dreg:$0x4] =	wrdreg $0xC0  }
0xba: {  	_ =	task [dreg:s22], $0x5FFFF  }
0xbb: {  	[dreg:$0x1] =	wrdreg $0xFFFFFFFF  }
0xbc: {  	[dreg:$0x0] =	wrdreg $0x60  }
0xbd: {  	[dreg:$0x2] =	wrdreg s24  }
0xbe: {  	[dreg:$0x3] =	wrdreg $0xB6000  }
0xbf: {  	[dreg:$0x4] =	wrdreg $0x9  }
0xc0: {  	_ =	task.clear_ibuf [dreg:s22], $0x5FFFF;
	_ =	strace $0x90000049  }
0xc1: {  	s29 =	simm.s32 $0x9;
	_ =	strace $0x8000004B  }
0xc2: {  	_ =	swait.ge [sflag:s29], $0x1  }
0xc3: {  	[sflag:s29] =	ssyncadd.s32 $0xFFFFFFFF  }
0xc4: {  	_ =	strace $0x9000004B  }
0xc5: {  	_ =	sfence  }
0xc6: {  	s30 =	sld [smem:$0x0];
	_ =	sdelay $0x2  }
0xc7: {  	s31 =	sshll.u32 s1, $0xD;
	s1 =	sshrl.u32 s1, $0x2  }
0xc8: {  	s4 =	sand.u32 $0x4000, s31;
	s1 =	sadd.s32 s1, s30  }
0xc9: {  	s0 =	sor.u32 s4, s0;
	s1 =	sshll.u32 s1, $0x11  }
0xca: {  	s0 =	sor.u32 s1, s0  }
0xcb: {  	s0 =	sadd.s32 $0x8F2B, s0  }
0xcc: {  	[sflag:s0] =	ssyncadd.remote.s32 $0x1  }
0xcd: {  	_ =	sfence.sel $0xFFFF  }
0xce: {  	[dreg:$0x0] =	wrdreg $0xFFFFFFFF;
	(pc) =	sbr.abs _section_cstart, $3  }
0xcf: {  	[dreg:$0x1] =	wrdreg $0xFFFFFFFF  }
0xd0: {  	_ =	task.clear_ibuf [dreg:s22], $0x2FFFF;
	_ =	strace $0x9FFFFFFF  }
0xd1: {  	(tm) =	ssettm $0x7FFFFFFF  }
tec
execute0_lowered:
.L_overlay_start_1:
0x0: {  	(tag) =	ssettag $0x1  }
0x1: {  	s0 =	rddreg [dreg:$0x0]  }
0x2: {  	s1 =	rddreg [dreg:$0x1]  }
0x3: {  	s2 =	simm.s32 $0x0;
	s3 =	stileid.u32;
	s6 =	srdreg.scid  }
0x4: {  	s28 =	simm.s32 $0x6;
	s29 =	simm.s32 $0x8;
	s30 =	simm.s32 $0x0  }
0x5: {  	[smem:$0x7FF] =	sst s2;
	s4 =	sadd.s32 $0x19E00, s0;
	s5 =	sadd.s32 $0x41000, s0  }
0x6: {  	s7 =	sadd.s32 $0x5A00, s0;
	s6 =	sand.u32 $0x1, s6;
	s8 =	sshll.u32 s3, $0x1  }
0x7: {  	s9 =	sadd.s32 $0xF800, s0;
	s10 =	sshll.u32 s3, $0xB;
	s19 =	smul.u32 $0x5000, s3  }
0x8: {  	s21 =	sshll.u32 s3, $0x4;
	s24 =	smul.u32 $0x280, s3;
	p0 =	slt.u32 s3, $0x2  }
0x9: {  	p1 =	sgt.u32 s3, $0x1;
	_ =	strace $0x8000004A;
	s8 =	sor.u32 s6, s8  }
0xa: {  	s11 =	smul.u32 $0x27100, s6;
	s12 =	ssub.s32 $0x2, s6;
	s14 =	sadd.s32 s10, s0  }
0xb: {  	s22 =	sshll.u32 s6, $0x3;
	s23 =	sadd.s32 s21, s9;
	s6 =	sshll.u32 s6, $0xA  }
0xc: {  	s13 =	sshll.u32 s8, $0x3;
	s26 =	sshrl.u32 s12, $0x1;
	s25 =	sor.u32 $0x60, s8  }
0xd: {  	s15 =	sadd.s32 $0x4E20, s13;
	s16 =	sadd.s32 s11, s0;
	s31 =	ssub.s32 s12, s26  }
0xe: {  	s18 =	sadd.s32 $0x4F20, s13;
	s11 =	sshrl.u32 s19, $0x2;
	s13 =	sadd.s32 s22, s23  }
0xf: {  	[dreg:$0x8] =	wrdreg s25;
	s26 =	sadd.s32 s6, s14;
	s23 =	simm.s32 $0x4200  }
0x10: {  	s25 =	simm.s32 $0x8200;
	s12 =	sadd.s32 s7, s15;
	s17 =	sadd.s32 s9, s15  }
0x11: {  	s20 =	sadd.s32 s7, s18;
	s10 =	sadd.s32 s9, s18;
	[dreg:$0x3] =	wrdreg s12  }
0x12: {  	s7 =	sadd.s32 s21, s7;
	s0 =	smax.u32 s31, $0x1;
	[dreg:$0x4] =	wrdreg s17  }
0x13: {  	s11 =	sadd.s32 s11, s1;
	s6 =	sadd.s32 $0x809400, s26;
	[dreg:$0x5] =	wrdreg s20  }
0x14: {  	s31 =	sadd.s32 s24, s16;
	s18 =	simm.s32 $0x100;
	[dreg:$0x6] =	wrdreg s10  }
0x15: {  	s21 =	simm.s32 $0x3;
	s24 =	simm.s32 $0x40;
	[dreg:$0x7] =	wrdreg s0  }
0x16: {  	s12 =	sadd.s32 s22, s7;
	[dreg:$0x9] =	wrdreg s6;
	s0 =	sadd.s32 $0x598400, s26  }
0x17: {  	v0 =	vimm.f32 $1.000000000e+00;
	v1 =	vimm.f32 $0.0e+00;
	s17 =	sadd.s32 $0xA7A400, s31;
	s22 =	simm.s32 $0x200;
	s26 =	simm.s32 $0x9  }
.LBB2_1:
0x18: {  	s6 =	sand.u32 $0x7E00, s2  }
0x19: {  	s8 =	sand.u32 $0x70, s2;
	s6 =	sshrl.u32 s6, $0x2  }
0x1a: {  	s7 =	simm.s32 $0x40;
	s9 =	sor.u32 s8, s6;
	s8 =	simm.s32 $0x0  }
.LBB2_2:
0x1b: {  	p2 =	sne.s32 s7, $0x7FC0  }
0x1c: {  	[tilespmem:s9+$0x8200] =	vst v0;
	s8 =	sadd.s32 $0x10, s8;
	s6 =	smov.u32 s7;
	s7 =	sadd.s32 $0x40, s7  }
.Ltmp0:
0x1d: {  	(pc) =	sbr.rel @p2 .LBB2_2-.Ltmp0, $4  }
0x1e: {  	_ = 	snop  }
0x1f: {  	s6 =	sand.u32 $0x7E00, s6  }
0x20: {  	s9 =	sand.u32 $0x70, s8;
	s6 =	sshrl.u32 s6, $0x2  }
0x21: {  	s9 =	sor.u32 s9, s6;
	s6 =	simm.s32 $0x0  }
0x22: {  	s7 =	sand.u32 $0x7E00, s6  }
0x23: {  	s8 =	sand.u32 $0x70, s6;
	s14 =	sshrl.u32 s7, $0x2  }
0x24: {  	[tilespmem:s9+$0x8200] =	vst v0;
	s7 =	simm.s32 $0x40;
	s8 =	sor.u32 s8, s14  }
.LBB2_4:
0x25: {  	p2 =	sne.s32 s7, $0x4FC0  }
0x26: {  	[tilespmem:s8+$0xA200] =	vst v1;
	s6 =	sadd.s32 $0x10, s6;
	s8 =	smov.u32 s7;
	s7 =	sadd.s32 $0x40, s7  }
.Ltmp1:
0x27: {  	(pc) =	sbr.rel @p2 .LBB2_4-.Ltmp1, $4  }
0x28: {  	_ = 	snop  }
0x29: {  	s8 =	sand.u32 $0x7E00, s8  }
0x2a: {  	s9 =	sand.u32 $0x70, s6;
	s8 =	sshrl.u32 s8, $0x2  }
0x2b: {  	s8 =	sor.u32 s9, s8  }
0x2c: {  	s6 =	sadd.s32 $0x0, s3  }
0x2d: {  	p2 =	sgt.u32 s6, $0xF9  }
0x2e: {  	[tilespmem:s8+$0xA200] =	vst v1;
	s6 =	simm.s32 @!p2 $0xA200;
	s9 =	simm.s32 @!p2 $0x9  }
0x2f: {  	[spmem:s11] =	stream.linear.scatter @!p2 [tilespmem:s6], [sflag:$0x9], $0x1400, $0x38;
	[tilespmem:$0x1EE80] =	vst v63  }
0x30: {  	s7 =	simm.s32 $0x10;
	_ =	swait.ge @!p2 [sflag:s9], $0x1400  }
0x31: {  	s8 =	simm.s32 $0x20;
	s6 =	sadd.s32 $0x14000, s11;
	[sflag:s9] =	ssyncset.done @!p2 $0x0  }
.LBB2_6:
0x32: {  	s14 =	sadd.s32 s7, s3;
	s7 =	smov.u32 s8;
	s8 =	sadd.s32 $0x10, s8  }
0x33: {  	[sflag:s9] =	ssyncadd.s32 @!p2 $0xFFFFEC00;
	p3 =	sne.s32 s8, $0x100  }
.Ltmp2:
0x34: {  	p2 =	sgt.u32 s14, $0xF9;
	(pc) =	sbr.rel @p3 .LBB2_6-.Ltmp2, $4  }
0x35: {  	s14 =	simm.s32 @!p2 $0xA200;
	s9 =	simm.s32 @!p2 $0x9  }
0x36: {  	[spmem:s6] =	stream.linear.scatter @!p2 [tilespmem:s14], [sflag:$0x9], $0x1400, $0x38;
	[tilespmem:$0x1EE80] =	vst v63  }
0x37: {  	_ =	swait.ge @!p2 [sflag:s9], $0x1400  }
0x38: {  	s6 =	sadd.s32 $0x14000, s6;
	[sflag:s9] =	ssyncset.done @!p2 $0x0  }
0x39: {  	s7 =	sadd.s32 s7, s3  }
0x3a: {  	p3 =	sgt.u32 s7, $0xF9  }
0x3b: {  	[sflag:s9] =	ssyncadd.s32 @!p2 $0xFFFFEC00;
	s7 =	simm.s32 @!p3 $0xA200;
	s8 =	simm.s32 @!p3 $0x9  }
0x3c: {  	[spmem:s6] =	stream.linear.scatter @!p3 [tilespmem:s7], [sflag:$0x9], $0x1400, $0x38;
	[tilespmem:$0x1EE80] =	vst v63  }
0x3d: {  	_ =	swait.ge @!p3 [sflag:s8], $0x1400  }
0x3e: {  	[sflag:s8] =	ssyncset.done @!p3 $0x0  }
0x3f: {  	[sflag:s8] =	ssyncadd.s32 @!p3 $0xFFFFEC00  }
0x40: {  	[bflag:$0x0] =	sbarrier.arrive $0xFFFF  }
0x41: {  	s10 =	rddreg [dreg:$0x3]  }
0x42: {  	s31 =	simm.s32 $0x0;
	s14 =	rddreg [dreg:$0x4]  }
0x43: {  	[tilespmem:s31], [sflag:$0x1] =	stream.linear.gather [hbm4b:s10+s31], $0x40, $0x38;
	[tilespmem:$0x1EE80] =	vst v63  }
0x44: {  	s15 =	rddreg [dreg:$0x5]  }
0x45: {  	[tilespmem:s18], [sflag:$0x1] =	stream.linear.gather [hbm4b:s14+s31], $0x40, $0x38;
	[tilespmem:$0x1EE80] =	vst v63  }
.Ltmp3:
0x46: {  	s19 =	rddreg [dreg:$0x6];
	(pc) =	sbr.rel .LBB2_8-.Ltmp3, $4  }
0x47: {  	s16 =	simm.s32 $0x80;
	s14 =	rddreg [dreg:$0x8]  }
0x48: {  	[tilespmem:s16], [sflag:$0x2] =	stream.linear.gather [hbm4b:s15+s31], $0x40, $0x38;
	[tilespmem:$0x1EE80] =	vst v63  }
0x49: {  	s20 =	simm.s32 $0x180;
	s16 =	smov.u32 s0;
	s15 =	rddreg [dreg:$0x9]  }
0x4a: {  	[tilespmem:s20], [sflag:$0x2] =	stream.linear.gather [hbm4b:s19+s31], $0x40, $0x38;
	[tilespmem:$0x1EE80] =	vst v63  }
.LBB2_10:
0x4b: {  	s31 =	sadd.s32 $0x200, s31  }
0x4c: {  	p2 =	sne.s32 s31, $0x5000  }
.Ltmp4:
0x4d: {  	_ = 	snop;
	(pc) =	sbr.rel @!p2 .LBB2_11-.Ltmp4, $2  }
0x4e: {  	_ =	sdelay $0x2  }
0x4f: {  	s14 =	sadd.s32 $0x40, s14;
	s15 =	sadd.s32 $0x10000, s15;
	s16 =	sadd.s32 $0x10000, s16  }
.LBB2_8:
0x50: {  	s6 =	sadd.s32 $0xFFFFFFA0, s14  }
0x51: {  	p3 =	sgt.u32 s6, $0x9C3  }
0x52: {  	s6 =	simm.s32 @!p3 $0x1  }
0x53: {  	_ =	swait.ge @!p3 [sflag:s6], $0x40  }
0x54: {  	[sflag:s6] =	ssyncset.done @!p3 $0x0  }
0x55: {  	[sflag:s6] =	ssyncadd.s32 @!p3 $0xFFFFFFC0  }
0x56: {  	p2 =	seq.s32 @!p3 s31, $0x0;
	_ =	swait.ge @!p3 [sflag:s6], $0x40  }
0x57: {  	p2 =	por p2, p3;
	[sflag:s6] =	ssyncset.done @!p3 $0x0  }
0x58: {  	[sflag:s6] =	ssyncadd.s32 @!p3 $0xFFFFFFC0;
	s6 =	simm.s32 @!p2 $0x5  }
0x59: {  	_ =	swait.ge @!p2 [sflag:s6], $0x2000  }
0x5a: {  	[sflag:s6] =	ssyncset.done @!p2 $0x0  }
0x5b: {  	[sflag:s6] =	ssyncadd.s32 @!p2 $0xFFFFE000;
	s6 =	simm.s32 @!p2 $0x7  }
0x5c: {  	_ =	swait.ge @!p2 [sflag:s6], $0x2000  }
0x5d: {  	s20 =	sadd.s32 $0xFFFFFFC0, s14;
	s7 =	simm.s32 @!p3 $0x0;
	[sflag:s6] =	ssyncset.done @!p2 $0x0  }
0x5e: {  	s8 =	simm.s32 @!p3 $0x200;
	[sflag:s6] =	ssyncadd.s32 @!p2 $0xFFFFE000;
	s6 =	simm.s32 @!p3 $0x40  }
0x5f: {  	[tilespmem:s8], [sflag:$0x3] =	stream.indirect.gather @!p3 [hbm4b:s4+s6], $0x80, s7, s6, $0xb8;
	[tilespmem:$0x1EE80] =	vst v63  }
0x60: {  	p2 =	sgt.u32 s20, $0x9C3;
	s7 =	simm.s32 @!p3 $0x100;
	s8 =	simm.s32 @!p3 $0x4200  }
0x61: {  	[tilespmem:s8], [sflag:$0x3] =	stream.indirect.gather @!p3 [hbm4b:s5+s6], $0x80, s7, s6, $0xb8;
	[tilespmem:$0x1EE80] =	vst v63  }
0x62: {  	s6 =	simm.s32 @!p2 $0x2  }
0x63: {  	_ =	swait.ge @!p2 [sflag:s6], $0x40  }
0x64: {  	[sflag:s6] =	ssyncset.done @!p2 $0x0  }
0x65: {  	[sflag:s6] =	ssyncadd.s32 @!p2 $0xFFFFFFC0  }
0x66: {  	p4 =	seq.s32 @!p2 s31, $0x0;
	_ =	swait.ge @!p2 [sflag:s6], $0x40  }
0x67: {  	p4 =	por p4, p2;
	[sflag:s6] =	ssyncset.done @!p2 $0x0  }
0x68: {  	[sflag:s6] =	ssyncadd.s32 @!p2 $0xFFFFFFC0;
	s6 =	simm.s32 @!p4 $0x6  }
0x69: {  	_ =	swait.ge @!p4 [sflag:s6], $0x2000  }
0x6a: {  	[sflag:s6] =	ssyncset.done @!p4 $0x0  }
0x6b: {  	[sflag:s6] =	ssyncadd.s32 @!p4 $0xFFFFE000;
	s6 =	simm.s32 @!p4 $0x8  }
0x6c: {  	_ =	swait.ge @!p4 [sflag:s6], $0x2000  }
.Ltmp5:
0x6d: {  	s7 =	simm.s32 @!p2 $0x80;
	[sflag:s6] =	ssyncset.done @!p4 $0x0;
	(pc) =	sbr.rel @p3 .LBB2_10-.Ltmp5, $4  }
0x6e: {  	s8 =	simm.s32 @!p2 $0x2200;
	[sflag:s6] =	ssyncadd.s32 @!p4 $0xFFFFE000;
	s6 =	simm.s32 @!p2 $0x40  }
0x6f: {  	[tilespmem:s8], [sflag:$0x4] =	stream.indirect.gather @!p2 [hbm4b:s4+s6], $0x80, s7, s6, $0xb8;
	[tilespmem:$0x1EE80] =	vst v63  }
0x70: {  	s9 =	simm.s32 @!p2 $0x6200;
	s7 =	simm.s32 @!p2 $0x180  }
0x71: {  	[tilespmem:s9], [sflag:$0x4] =	stream.indirect.gather @!p2 [hbm4b:s5+s6], $0x80, s7, s6, $0xb8;
	[tilespmem:$0x1EE80] =	vst v63  }
0x72: {  	_ =	swait.ge [sflag:s21], $0x2000  }
0x73: {  	[sflag:s21] =	ssyncset.done $0x0  }
0x74: {  	[sflag:s21] =	ssyncadd.s32 $0xFFFFE000  }
0x75: {  	_ =	swait.ge [sflag:s21], $0x2000  }
0x76: {  	[sflag:s21] =	ssyncset.done $0x0  }
0x77: {  	[sflag:s21] =	ssyncadd.s32 $0xFFFFE000  }
0x78: {  	[hbm4b:s16+s2] =	stream.linear.scatter [tilespmem:s22], [sflag:$0x5], $0x2000, $0x38;
	[tilespmem:$0x1EE80] =	vst v63  }
0x79: {  	_ = 	snop  }
0x7a: {  	[hbm4b:s15+s2] =	stream.linear.scatter [tilespmem:s23], [sflag:$0x7], $0x2000, $0x38;
	[tilespmem:$0x1EE80] =	vst v63  }
0x7b: {  	s10 =	sadd.s32 $0xFFFFFFE0, s14  }
0x7c: {  	[spmem:s1] =	stream.indirect.scatter.add.f32 [tilespmem:s25], [sflag:$0x9], $0x80, s18, s24, $0xb8;
	[tilespmem:$0x1EE80] =	vst v63  }
0x7d: {  	p3 =	sgt.u32 s10, $0x9C3;
	_ =	swait.ge [sflag:s26], $0x2000  }
0x7e: {  	s10 =	sadd.s32 @!p3 s31, s12;
	[sflag:s26] =	ssyncset.done $0x0  }
0x7f: {  	s20 =	simm.s32 @!p3 $0x0;
	s10 =	sadd.s32 @!p3 $0x5020, s10;
	[sflag:s26] =	ssyncadd.s32 $0xFFFFE000  }
0x80: {  	[tilespmem:s20], [sflag:$0x1] =	stream.linear.gather @!p3 [hbm4b:s10+s20], $0x40, $0x38;
	[tilespmem:$0x1EE80] =	vst v63  }
0x81: {  	s10 =	sadd.s32 @!p3 s31, s13  }
0x82: {  	s19 =	simm.s32 @!p3 $0x100;
	s10 =	sadd.s32 @!p3 $0x5020, s10  }
0x83: {  	[tilespmem:s19], [sflag:$0x1] =	stream.linear.gather @!p3 [hbm4b:s10+s20], $0x40, $0x38;
	[tilespmem:$0x1EE80] =	vst v63  }
0x84: {  	s10 =	simm.s32 @!p2 $0x4  }
0x85: {  	_ =	swait.ge @!p2 [sflag:s10], $0x2000  }
0x86: {  	[sflag:s10] =	ssyncset.done @!p2 $0x0  }
0x87: {  	[sflag:s10] =	ssyncadd.s32 @!p2 $0xFFFFE000  }
0x88: {  	_ =	swait.ge @!p2 [sflag:s10], $0x2000  }
0x89: {  	[sflag:s10] =	ssyncset.done @!p2 $0x0  }
0x8a: {  	s19 =	simm.s32 @!p2 $0x0;
	[sflag:s10] =	ssyncadd.s32 @!p2 $0xFFFFE000;
	s10 =	sadd.s32 @!p2 $0x8000, s16  }
0x8b: {  	[hbm4b:s10+s19] =	stream.linear.scatter @!p2 [tilespmem:s8], [sflag:$0x6], $0x2000, $0x38;
	[tilespmem:$0x1EE80] =	vst v63  }
0x8c: {  	s8 =	sadd.s32 @!p2 $0x8000, s15  }
0x8d: {  	[hbm4b:s8+s19] =	stream.linear.scatter @!p2 [tilespmem:s9], [sflag:$0x8], $0x2000, $0x38;
	[tilespmem:$0x1EE80] =	vst v63  }
0x8e: {  	s8 =	simm.s32 @!p2 $0x8200  }
0x8f: {  	[spmem:s1] =	stream.indirect.scatter.add.f32 @!p2 [tilespmem:s8], [sflag:$0x9], $0x80, s7, s6, $0xb8;
	[tilespmem:$0x1EE80] =	vst v63  }
0x90: {  	s6 =	simm.s32 @!p2 $0x9  }
0x91: {  	p3 =	sgt.u32 @!p2 s14, $0x9C3;
	_ =	swait.ge @!p2 [sflag:s6], $0x2000  }
0x92: {  	p3 =	por p3, p2;
	[sflag:s6] =	ssyncset.done @!p2 $0x0  }
0x93: {  	s7 =	simm.s32 @!p3 $0x0;
	[sflag:s6] =	ssyncadd.s32 @!p2 $0xFFFFE000;
	s6 =	sadd.s32 @!p3 s31, s12  }
.Ltmp6:
0x94: {  	s8 =	simm.s32 @!p3 $0x80;
	s6 =	sadd.s32 @!p3 $0x5120, s6;
	(pc) =	sbr.rel .LBB2_10-.Ltmp6, $4  }
0x95: {  	[tilespmem:s8], [sflag:$0x2] =	stream.linear.gather @!p3 [hbm4b:s6+s7], $0x40, $0x38;
	[tilespmem:$0x1EE80] =	vst v63  }
0x96: {  	s6 =	sadd.s32 @!p3 s31, s13  }
0x97: {  	s8 =	simm.s32 @!p3 $0x180;
	s6 =	sadd.s32 @!p3 $0x5120, s6  }
0x98: {  	[tilespmem:s8], [sflag:$0x2] =	stream.linear.gather @!p3 [hbm4b:s6+s7], $0x40, $0x38;
	[tilespmem:$0x1EE80] =	vst v63  }
.LBB2_11:
0x99: {  	s6 =	simm.s32 @!p0 $0x5  }
0x9a: {  	_ =	swait.ge @!p0 [sflag:s6], $0x2000  }
0x9b: {  	[sflag:s6] =	ssyncset.done @!p0 $0x0  }
0x9c: {  	[sflag:s6] =	ssyncadd.s32 @!p0 $0xFFFFE000;
	s6 =	simm.s32 @!p0 $0x7  }
0x9d: {  	_ =	swait.ge @!p0 [sflag:s6], $0x2000  }
0x9e: {  	[sflag:s6] =	ssyncset.done @!p0 $0x0  }
0x9f: {  	[sflag:s6] =	ssyncadd.s32 @!p0 $0xFFFFE000  }
0xa0: {  	_ =	swait.ge [sflag:s28], $0x2000  }
0xa1: {  	[sflag:s28] =	ssyncset.done $0x0  }
0xa2: {  	[sflag:s28] =	ssyncadd.s32 $0xFFFFE000  }
0xa3: {  	_ =	swait.ge [sflag:s29], $0x2000  }
0xa4: {  	[sflag:s29] =	ssyncset.done $0x0  }
0xa5: {  	s6 =	simm.s32 @!p1 $0x5;
	[sflag:s29] =	ssyncadd.s32 $0xFFFFE000  }
0xa6: {  	_ =	swait.ge @!p1 [sflag:s6], $0x2000  }
0xa7: {  	[sflag:s6] =	ssyncset.done @!p1 $0x0  }
0xa8: {  	[sflag:s6] =	ssyncadd.s32 @!p1 $0xFFFFE000;
	s6 =	simm.s32 @!p1 $0x7  }
0xa9: {  	s20 =	sadd.s32 $0x0, s3;
	_ =	swait.ge @!p1 [sflag:s6], $0x2000  }
0xaa: {  	p2 =	sgt.u32 s20, $0xF9;
	[sflag:s6] =	ssyncset.done @!p1 $0x0  }
0xab: {  	s7 =	simm.s32 @!p2 $0xA200;
	[sflag:s6] =	ssyncadd.s32 @!p1 $0xFFFFE000  }
0xac: {  	s8 =	simm.s32 @!p2 $0xA;
	p2 =	por p2, p2;
	[bflag:$0x0] =	sbarrier.arrive $0xFFFF  }
0xad: {  	[tilespmem:s7], [sflag:$0xA] =	stream.linear.gather @!p2 [spmem:s11], $0x1400, $0x38;
	[tilespmem:$0x1EE80] =	vst v63  }
0xae: {  	_ =	swait.ge @!p2 [sflag:s8], $0x1400  }
0xaf: {  	s31 =	sadd.s32 $0x10, s3;
	[sflag:s8] =	ssyncset.done @!p2 $0x0  }
0xb0: {  	s9 =	simm.s32 @!p2 $0x0;
	[sflag:s8] =	ssyncadd.s32 @!p2 $0xFFFFEC00;
	s8 =	simm.s32 @!p2 $0x9  }
0xb1: {  	[hbm4b:s17+s9] =	stream.linear.scatter @!p2 [tilespmem:s7], [sflag:$0x9], $0x1400, $0x38;
	[tilespmem:$0x1EE80] =	vst v63  }
0xb2: {  	s14 =	sadd.s32 $0x2800, s17;
	p3 =	sgt.u32 s31, $0xF9;
	_ =	swait.ge @!p2 [sflag:s8], $0x1400  }
0xb3: {  	s6 =	simm.s32 $0x20;
	s7 =	sadd.s32 $0x14000, s11;
	[sflag:s8] =	ssyncset.done @!p2 $0x0  }
.LBB2_12:
0xb4: {  	s9 =	simm.s32 @!p3 $0xA200;
	s10 =	simm.s32 @!p3 $0xA;
	[sflag:s8] =	ssyncadd.s32 @!p2 $0xFFFFEC00  }
0xb5: {  	s15 =	smov.u32 s6;
	p2 =	por p3, p3;
	s6 =	sadd.s32 $0x10, s6  }
0xb6: {  	[tilespmem:s9], [sflag:$0xA] =	stream.linear.gather @!p2 [spmem:s7], $0x1400, $0x38;
	[tilespmem:$0x1EE80] =	vst v63  }
0xb7: {  	p4 =	sne.s32 s6, $0x100;
	_ =	swait.ge @!p2 [sflag:s10], $0x1400  }
.Ltmp7:
0xb8: {  	[sflag:s10] =	ssyncset.done @!p2 $0x0;
	(pc) =	sbr.rel @p4 .LBB2_12-.Ltmp7, $4  }
0xb9: {  	s8 =	simm.s32 @!p2 $0x9;
	[sflag:s10] =	ssyncadd.s32 @!p2 $0xFFFFEC00;
	s10 =	simm.s32 @!p2 $0x0  }
0xba: {  	[hbm4b:s14+s10] =	stream.linear.scatter @!p2 [tilespmem:s9], [sflag:$0x9], $0x1400, $0x38;
	[tilespmem:$0x1EE80] =	vst v63  }
0xbb: {  	s9 =	sadd.s32 s15, s3;
	s14 =	sadd.s32 $0x2800, s14;
	_ =	swait.ge @!p2 [sflag:s8], $0x1400  }
0xbc: {  	s7 =	sadd.s32 $0x14000, s7;
	p3 =	sgt.u32 s9, $0xF9;
	[sflag:s8] =	ssyncset.done @!p2 $0x0  }
0xbd: {  	s6 =	simm.s32 @!p3 $0xA200  }
0xbe: {  	s9 =	simm.s32 @!p3 $0xA;
	[sflag:s8] =	ssyncadd.s32 @!p2 $0xFFFFEC00;
	p2 =	por p3, p3  }
0xbf: {  	[tilespmem:s6], [sflag:$0xA] =	stream.linear.gather @!p2 [spmem:s7], $0x1400, $0x38;
	[tilespmem:$0x1EE80] =	vst v63  }
0xc0: {  	_ =	swait.ge @!p2 [sflag:s9], $0x1400  }
0xc1: {  	[sflag:s9] =	ssyncset.done @!p2 $0x0  }
0xc2: {  	s7 =	simm.s32 @!p2 $0x0;
	s8 =	simm.s32 @!p2 $0x9;
	[sflag:s9] =	ssyncadd.s32 @!p2 $0xFFFFEC00  }
0xc3: {  	[hbm4b:s14+s7] =	stream.linear.scatter @!p2 [tilespmem:s6], [sflag:$0x9], $0x1400, $0x38;
	[tilespmem:$0x1EE80] =	vst v63  }
0xc4: {  	_ =	swait.ge @!p2 [sflag:s8], $0x1400  }
0xc5: {  	s30 =	sadd.s32 $0x1, s30;
	s31 =	rddreg [dreg:$0x7]  }
0xc6: {  	p3 =	sne.s32 s30, s31  }
.Ltmp8:
0xc7: {  	_ = 	snop;
	(pc) =	sbr.rel @p3 .LBB2_1-.Ltmp8, $3  }
0xc8: {  	_ =	sdelay $0x1  }
0xc9: {  	[sflag:s8] =	ssyncset.done @!p2 $0x0  }
0xca: {  	[sflag:s8] =	ssyncadd.s32 @!p2 $0xFFFFEC00  }
0xcb: {  	_ =	sfence.sel $0x180000  }
0xcc: {  	[bflag:$0x0] =	sbarrier.arrive $0xFFFF  }
0xcd: {  	_ =	strace $0x9000004A  }
0xce: {  	[bflag:$0x2] =	sbarrier.arrive $0xFFFF  }
0xcf: {  	p0 =	sne.s32 s3, $0x0;
	s0 =	rddreg [dreg:$0x2]  }
0xd0: {  	s0 =	sadd.s32 @!p0 $0x100000, s0  }
0xd1: {  	[sflag:s0] =	ssyncadd.tile.s32 @!p0 $0x1;
	_ =	shalt  }
.Lfunc_end2:
_tile_overlayer_lowered:
.L_overlay_start_2:
0xd2: {  	(tag) =	ssettag $0x2  }
0xd3: {  	s0 =	rddreg [dreg:$0x0];
	s2 =	stileid.u32  }
0xd4: {  	s1 =	rddreg [dreg:$0x1];
	p0 =	sne.s32 s2, $0x0  }
0xd5: {  	s3 =	rddreg [dreg:$0x2];
	[bflag:$0x3] =	sbarrier.arrive $0xFFFF;
	s2 =	simm.s32 @!p0 $0x1C09  }
0xd6: {  	[timem:s3], [sflag:s2] =	dma.local @!p0 [hbm:s0], s1  }
0xd7: {  	s0 =	simm.s32 @!p0 $0x9  }
0xd8: {  	_ =	swait.ge @!p0 [sflag:s0], s1  }
0xd9: {  	s1 =	ssub.s32 @!p0 $0x0, s1;
	[sflag:s0] =	ssyncset.done @!p0 $0x0  }
0xda: {  	[sflag:s0] =	ssyncadd.s32 @!p0 s1  }
0xdb: {  	[bflag:$0x3] =	sbarrier.arrive $0xFFFF  }
0xdc: {  	_ =	shalt  }

// kernel: kernel.16.cloned.1.call-start
scs
__scs_entry_jumppad:
0x0: {  	(pc) =	sbr.rel $0x88, $3  }
0x1: {  	(tag) =	ssettag $0x0;
	lr =	simm.s32 $0x1  }
0x2: {  	[smem:$0x3F90] =	sst lr;
	_ =	strace $0xD0000000  }
0x3: {  	_ = 	snop  }
0x4: {  	_ = 	snop  }
0x5: {  	_ = 	snop  }
0x6: {  	_ = 	snop  }
0x7: {  	_ = 	snop  }
__scs_overlays_trampoline_lowered:
0x8: {  	[smem:$0x3F9F] =	sst s0  }
0x9: {  	[smem:$0x3FA0] =	sst s1  }
0xa: {  	[smem:$0x3FA1] =	sst s2  }
0xb: {  	[smem:$0x3FA2] =	sst s3  }
0xc: {  	[smem:$0x3FA3] =	sst s4  }
0xd: {  	[smem:$0x3FA4] =	sst s5  }
0xe: {  	[smem:$0x3FA5] =	sst s6  }
0xf: {  	[smem:$0x3FA6] =	sst s7  }
0x10: {  	[smem:$0x3FA7] =	sst s8  }
0x11: {  	[smem:$0x3FA8] =	sst s9;
	s0 =	simm.s32 @!p0 $0x0  }
0x12: {  	s1 =	sld [smem:$0x3F8E];
	s0 =	simm.s32 @p0 $0x1  }
0x13: {  	[smem:$0x3FA9] =	sst s0;
	s0 =	simm.s32 @!p1 $0x0  }
0x14: {  	s2 =	sld [smem:$0x3F8D];
	s0 =	simm.s32 @p1 $0x1  }
0x15: {  	[smem:$0x3FAA] =	sst s0;
	s0 =	simm.s32 @!p2 $0x0  }
0x16: {  	s3 =	sld [smem:$0x3FDB];
	s0 =	simm.s32 @p2 $0x1  }
0x17: {  	s4 =	simm.s32 $0x1BF5;
	[smem:$0x3FAC] =	sst s0  }
0x18: {  	s0 =	sld [smem:$0x3F8F];
	_ =	swait.ge [sflag:s4], $0x0  }
0x19: {  	s7 =	sld [smem:$0x3F90]  }
0x1a: {  	s8 =	sadd.s32 $0xFFFFE003, lr  }
0x1b: {  	s9 =	sadd.s32 $0xFFFFFEF7, lr;
	s5 =	simm.s32 $0xFFFFFFFF;
	p2 =	slt.u32 s8, $0xFFFFF086  }
0x1c: {  	p1 =	slt.u32 s9, $0xF7A;
	s5 =	simm.s32 @!p2 $0x0  }
0x1d: {  	s5 =	simm.s32 @p1 $0x1;
	p0 =	seq.s32 s7, s2  }
0x1e: {  	s7 =	smul.u32 @!p0 $0xF7A, s2;
	p2 =	seq.s32 @!p0 s5, $0x0  }
0x1f: {  	s9 =	smul.u32 $0xF7A, s1;
	s8 =	simm.s32 @!p0 $0x1BF5;
	p2 =	por !p2, p0  }
0x20: {  	[sflag:s8] =	ssyncset.s32 @!p0 $0xFFFFF086;
	s6 =	sadd.s32 @!p0 s3, s7;
	s7 =	simm.s32 @!p0 $0x108  }
0x21: {  	s3 =	sadd.s32 s3, s9;
	s6 =	sadd.s32 @!p0 $0x88, s6;
	s7 =	simm.s32 @p2 $0x1082  }
0x22: {  	[simem:s7], [sflag:s8] =	dma.local @!p0 [hbm:s6], $0xF7A  }
0x23: {  	s9 =	sor.u32 $0xD0000000, s2;
	s6 =	simm.s32 $0x108;
	_ =	swait.ge @!p0 [sflag:s8], $0x0  }
0x24: {  	s3 =	sadd.s32 $0x88, s3;
	s6 =	simm.s32 @!p1 $0x1082;
	[sflag:s4] =	ssyncset.s32 $0xFFFFF086  }
0x25: {  	[simem:s6], [sflag:s4] =	dma.local [hbm:s3], $0xF7A  }
0x26: {  	[smem:$0x3F90] =	sst s1;
	(tag) =	ssettag s2;
	_ =	strace s9  }
0x27: {  	s1 =	sld [smem:$0x3FA0]  }
0x28: {  	s2 =	sld [smem:$0x3FA1]  }
0x29: {  	s4 =	sld [smem:$0x3FA3]  }
0x2a: {  	p0 =	seq.s32 s5, $0x0;
	s5 =	sld [smem:$0x3FA4]  }
0x2b: {  	s6 =	sld [smem:$0x3FA5]  }
0x2c: {  	s7 =	sld [smem:$0x3FA6]  }
0x2d: {  	s3 =	simm.s32 $0x108;
	s8 =	sld [smem:$0x3FA7]  }
0x2e: {  	s3 =	simm.s32 @!p0 $0x1082;
	s9 =	sld [smem:$0x3FA8]  }
0x2f: {  	lr =	sadd.s32 s0, s3;
	s0 =	sld [smem:$0x3F9F]  }
0x30: {  	s3 =	sld [smem:$0x3FA2]  }
0x31: {  	[smem:$0x3FAB] =	sst s10  }
0x32: {  	s10 =	sld [smem:$0x3FA9];
	_ =	sdelay $0x3  }
0x33: {  	p0 =	seq.s32 s10, $0x1;
	s10 =	sld [smem:$0x3FAB];
	_ =	sdelay $0x3  }
0x34: {  	[smem:$0x3FAB] =	sst s10  }
0x35: {  	s10 =	sld [smem:$0x3FAA];
	_ =	sdelay $0x3  }
0x36: {  	p1 =	seq.s32 s10, $0x1;
	s10 =	sld [smem:$0x3FAB];
	_ =	sdelay $0x3  }
0x37: {  	[smem:$0x3FAB] =	sst s10  }
0x38: {  	s10 =	sld [smem:$0x3FAC]  }
0x39: {  	_ = 	snop;
	(pc) =	sbr.ind lr, $3  }
0x3a: {  	_ = 	snop  }
0x3b: {  	_ = 	snop  }
0x3c: {  	p2 =	seq.s32 s10, $0x1;
	s10 =	sld [smem:$0x3FAB]  }
0x3d: {  	_ =	shalt  }
0x3e: {  	_ =	shalt  }
0x3f: {  	_ =	shalt  }
0x40: {  	_ =	shalt  }
0x41: {  	_ =	shalt  }
0x42: {  	_ =	shalt  }
0x43: {  	_ =	shalt  }
0x44: {  	_ =	shalt  }
0x45: {  	_ =	shalt  }
0x46: {  	_ =	shalt  }
0x47: {  	_ =	shalt  }
0x48: {  	_ =	shalt  }
0x49: {  	_ =	shalt  }
0x4a: {  	_ =	shalt  }
0x4b: {  	_ =	shalt  }
0x4c: {  	_ =	shalt  }
0x4d: {  	_ =	shalt  }
0x4e: {  	_ =	shalt  }
0x4f: {  	_ =	shalt  }
0x50: {  	_ =	shalt  }
0x51: {  	_ =	shalt  }
0x52: {  	_ =	shalt  }
0x53: {  	_ =	shalt  }
0x54: {  	_ =	shalt  }
0x55: {  	_ =	shalt  }
0x56: {  	_ =	shalt  }
0x57: {  	_ =	shalt  }
0x58: {  	_ =	shalt  }
0x59: {  	_ =	shalt  }
0x5a: {  	_ =	shalt  }
0x5b: {  	_ =	shalt  }
0x5c: {  	_ =	shalt  }
0x5d: {  	_ =	shalt  }
0x5e: {  	_ =	shalt  }
0x5f: {  	_ =	shalt  }
0x60: {  	_ =	shalt  }
0x61: {  	_ =	shalt  }
0x62: {  	_ =	shalt  }
0x63: {  	_ =	shalt  }
0x64: {  	_ =	shalt  }
0x65: {  	_ =	shalt  }
0x66: {  	_ =	shalt  }
0x67: {  	_ =	shalt  }
0x68: {  	_ =	shalt  }
0x69: {  	_ =	shalt  }
0x6a: {  	_ =	shalt  }
0x6b: {  	_ =	shalt  }
0x6c: {  	_ =	shalt  }
0x6d: {  	_ =	shalt  }
0x6e: {  	_ =	shalt  }
0x6f: {  	_ =	shalt  }
0x70: {  	_ =	shalt  }
0x71: {  	_ =	shalt  }
0x72: {  	_ =	shalt  }
0x73: {  	_ =	shalt  }
0x74: {  	_ =	shalt  }
0x75: {  	_ =	shalt  }
0x76: {  	_ =	shalt  }
0x77: {  	_ =	shalt  }
0x78: {  	_ =	shalt  }
0x79: {  	_ =	shalt  }
0x7a: {  	_ =	shalt  }
0x7b: {  	_ =	shalt  }
0x7c: {  	_ =	shalt  }
0x7d: {  	_ =	shalt  }
0x7e: {  	_ =	shalt  }
0x7f: {  	_ =	shalt  }
0x80: {  	_ =	shalt  }
0x81: {  	_ =	shalt  }
0x82: {  	_ =	shalt  }
0x83: {  	_ =	shalt  }
0x84: {  	_ =	shalt  }
0x85: {  	_ =	shalt  }
0x86: {  	_ =	shalt  }
0x87: {  	_ =	shalt  }
.Lfunc_end0:
.L_simem_size_0:
called_computation.2_lowered:
.L_overlay_start_0:
0x88: {  	s2 =	sld [smem:$0x3FD9]  }
0x89: {  	s3 =	sld [smem:$0x3FFE];
	_ =	sdelay $0x1  }
0x8a: {  	s1 =	srdreg.scid  }
0x8b: {  	s0 =	sand.u32 $0x1, s1  }
0x8c: {  	s17 =	sshll.u32 s0, $0xA;
	s2 =	sadd.s32 s3, s2  }
0x8d: {  	s2 =	sadd.s32 s2, s17  }
0x8e: {  	[smem:$0x3FB7] =	sst s2  }
0x8f: {  	_ = 	snop  }
0x90: {  	(tm) =	ssettm $0x1  }
0x91: {  	s18 =	sld [smem:$0x3FFB];
	_ =	sdelay $0x3  }
0x92: {  	_ =	strace s18  }
0x93: {  	s2 =	sld [smem:$0x3FFC];
	_ =	sdelay $0x3  }
0x94: {  	_ =	strace s2  }
0x95: {  	s2 =	sld [smem:$0x3FFD];
	_ =	sdelay $0x3  }
0x96: {  	_ =	strace s2  }
0x97: {  	_ =	strace $0x8FFFFFFF  }
0x98: {  	s19 =	sld [smem:$0x3FDB];
	_ =	sdelay $0x1  }
0x99: {  	s20 =	simm.s32 $_scs_section_size  }
0x9a: {  	s4 =	simm.s32 $_size__tile_overlayer_lowered;
	s5 =	simm.s32 $_tile_overlayer_lowered  }
0x9b: {  	s6 =	simm.s32 $0x1BFF;
	s21 =	sshll.u32 s5, $0x1;
	s3 =	sadd.s32 s20, s19  }
0x9c: {  	s22 =	simm.s32 $0x0;
	s4 =	sshll.u32 s4, $0x1;
	s5 =	sadd.s32 s21, s3  }
0x9d: {  	[timem:s22], [sflag:s6] =	dma.local [hbm:s5], s4  }
0x9e: {  	_ =	swait.ge [sflag:s6], s4  }
0x9f: {  	s4 =	ssub.s32 $0x0, s4;
	[sflag:s6] =	ssyncset.done $0x0  }
0xa0: {  	[sflag:s6] =	ssyncadd.s32 s4;
	_ =	sdelay $0x1  }
0xa1: {  	s23 =	simm.s32 $0x1B8B  }
0xa2: {  	_ =	swait.ge [sflag:s23], $0x1  }
0xa3: {  	[sflag:s23] =	ssyncset.done $0x0  }
0xa4: {  	[sflag:s23] =	ssyncadd.s32 $0xFFFFFFFF  }
0xa5: {  	s4 =	sld [smem:$0x0]  }
0xa6: {  	s5 =	sand.u32 $0xFFFFFFFE, s1  }
0xa7: {  	p0 =	sne.s32 s1, s5  }
0xa8: {  	s5 =	sshll.u32 @p0 s5, $0xE  }
0xa9: {  	s5 =	sadd.s32 @p0 $0x11B8D, s5;
	s6 =	sshll.u32 @p0 s4, $0x11  }
0xaa: {  	s5 =	sor.u32 @p0 s6, s5  }
0xab: {  	[sflag:s5] =	ssyncadd.remote.s32 @p0 $0x1;
	_ =	sdelay $0x1  }
0xac: {  	s5 =	simm.s32 @p0 $0x1B8D  }
0xad: {  	_ =	swait.eq @p0 [sflag:s5], $0x1  }
0xae: {  	[sflag:s5] =	ssyncadd.s32 @p0 $0xFFFFFFFF  }
0xaf: {  	s6 =	sshll.u32 @!p0 s1, $0xE  }
0xb0: {  	s6 =	sor.u32 @!p0 $0x4000, s6;
	s5 =	simm.s32 @!p0 $0x1B8D  }
0xb1: {  	s4 =	sshll.u32 @!p0 s4, $0x11;
	s6 =	sadd.s32 @!p0 $0x11B8D, s6;
	_ =	swait.eq @!p0 [sflag:s5], $0x1  }
0xb2: {  	s4 =	sor.u32 @!p0 s4, s6;
	[sflag:s5] =	ssyncadd.s32 @!p0 $0xFFFFFFFF  }
0xb3: {  	s25 =	simm.s32 $0x1B8E;
	s24 =	sld [smem:$0x3FFE];
	[sflag:s4] =	ssyncadd.remote.s32 @!p0 $0x1  }
0xb4: {  	s26 =	simm.s32 $execute0_lowered;
	[smem:$0x3FD2] =	sst s25  }
0xb5: {  	s5 =	sshll.u32 s26, $0x1;
	_ =	strace $0x8000004C;
	[dreg:$0x1] =	wrdreg $0xFFFFFFFF  }
0xb6: {  	s28 =	simm.s32 $_size_execute0_lowered;
	s3 =	sadd.s32 s3, s5;
	[dreg:$0x0] =	wrdreg $0x0  }
0xb7: {  	s5 =	sshll.u32 s28, $0x1;
	[dreg:$0x2] =	wrdreg s3  }
0xb8: {  	[dreg:$0x3] =	wrdreg s5  }
0xb9: {  	[dreg:$0x4] =	wrdreg $0xC0  }
0xba: {  	_ =	task [dreg:s22], $0x5FFFF  }
0xbb: {  	[dreg:$0x1] =	wrdreg $0xFFFFFFFF  }
0xbc: {  	[dreg:$0x0] =	wrdreg $0x60  }
0xbd: {  	[dreg:$0x2] =	wrdreg s24  }
0xbe: {  	[dreg:$0x3] =	wrdreg $0x55000  }
0xbf: {  	[dreg:$0x4] =	wrdreg $0xA  }
0xc0: {  	_ =	task.clear_ibuf [dreg:s22], $0x5FFFF;
	_ =	strace $0x9000004C  }
0xc1: {  	s29 =	simm.s32 $0xA;
	_ =	strace $0x8000004E  }
0xc2: {  	_ =	swait.ge [sflag:s29], $0x1  }
0xc3: {  	[sflag:s29] =	ssyncadd.s32 $0xFFFFFFFF  }
0xc4: {  	_ =	strace $0x9000004E  }
0xc5: {  	_ =	sfence  }
0xc6: {  	s30 =	sld [smem:$0x0];
	_ =	sdelay $0x2  }
0xc7: {  	s31 =	sshll.u32 s1, $0xD;
	s1 =	sshrl.u32 s1, $0x2  }
0xc8: {  	s4 =	sand.u32 $0x4000, s31;
	s1 =	sadd.s32 s1, s30  }
0xc9: {  	s0 =	sor.u32 s4, s0;
	s1 =	sshll.u32 s1, $0x11  }
0xca: {  	s0 =	sor.u32 s1, s0  }
0xcb: {  	s0 =	sadd.s32 $0x8F2B, s0  }
0xcc: {  	[sflag:s0] =	ssyncadd.remote.s32 $0x1  }
0xcd: {  	_ =	sfence.sel $0xFFFF  }
0xce: {  	[dreg:$0x0] =	wrdreg $0xFFFFFFFF;
	(pc) =	sbr.abs _section_cstart, $3  }
0xcf: {  	[dreg:$0x1] =	wrdreg $0xFFFFFFFF  }
0xd0: {  	_ =	task.clear_ibuf [dreg:s22], $0x2FFFF;
	_ =	strace $0x9FFFFFFF  }
0xd1: {  	(tm) =	ssettm $0x7FFFFFFF  }
tec
execute0_lowered:
.L_overlay_start_1:
0x0: {  	(tag) =	ssettag $0x1  }
0x1: {  	s4 =	rddreg [dreg:$0x0];
	s3 =	srdreg.scid  }
0x2: {  	s1 =	rddreg [dreg:$0x1];
	s2 =	simm.s32 $0x0;
	s12 =	sand.u32 $0x1, s3  }
0x3: {  	s18 =	simm.s32 $0x1;
	[smem:$0x7FF] =	sst s2;
	s5 =	smul.u32 $0x4E2, s12  }
0x4: {  	s19 =	simm.s32 $0x3;
	s3 =	stileid.u32;
	s6 =	smul.u32 $0x27100, s12  }
0x5: {  	s13 =	sadd.s32 $0xAC8600, s4;
	s14 =	sadd.s32 $0xF800, s4;
	s16 =	smul.u32 $0x5000, s3  }
0x6: {  	s20 =	simm.s32 $0x40;
	_ =	strace $0x8000004D;
	s28 =	smul.u32 $0x138800, s12  }
0x7: {  	s7 =	ssub.s32 $0x2, s12;
	s12 =	smul.u32 $0x2710, s12;
	s29 =	sshll.u32 s3, $0xA  }
0x8: {  	s17 =	smul.u32 $0x280, s3;
	s30 =	sshll.u32 s3, $0x3;
	p0 =	sgt.u32 s3, $0x1  }
0x9: {  	s21 =	sshrl.u32 s7, $0x1;
	s8 =	sadd.s32 s3, s5;
	s15 =	sadd.s32 s6, s4  }
0xa: {  	s9 =	ssub.s32 s7, s21;
	s26 =	sshrl.u32 s16, $0x2;
	s12 =	sadd.s32 s12, s14  }
0xb: {  	s16 =	simm.s32 $0x80;
	s21 =	simm.s32 $0x5;
	s5 =	sshll.u32 s8, $0x6  }
0xc: {  	s22 =	sshll.u32 s8, $0x3;
	s24 =	sshll.u32 s8, $0xA;
	s10 =	sadd.s32 $0x4E0, s8  }
0xd: {  	s8 =	smax.u32 s9, $0x1;
	s12 =	sadd.s32 s30, s12;
	s31 =	sadd.s32 s17, s15  }
0xe: {  	s15 =	simm.s32 $0x100;
	s17 =	simm.s32 $0x2100;
	s23 =	sadd.s32 $0x400, s5  }
0xf: {  	s4 =	sadd.s32 s14, s22;
	s5 =	sadd.s32 s13, s24;
	s11 =	sshll.u32 s10, $0x3  }
0x10: {  	s10 =	sshll.u32 s10, $0xA;
	s22 =	simm.s32 $0x2;
	s24 =	simm.s32 $0x0  }
0x11: {  	s25 =	sshrl.u32 s23, $0x3;
	s7 =	sshll.u32 s23, $0x4;
	s9 =	sadd.s32 s14, s11  }
0x12: {  	s10 =	sadd.s32 s13, s10;
	s7 =	sadd.s32 s13, s7;
	s13 =	sadd.s32 s28, s13  }
0x13: {  	s11 =	sadd.s32 s26, s1;
	s23 =	simm.s32 $0x4;
	s13 =	sadd.s32 s29, s13  }
0x14: {  	v0 =	vimm.f32 $0.0e+00;
	s6 =	sadd.s32 s14, s25;
	s14 =	sadd.s32 $0x68200, s31;
	s13 =	sadd.s32 $0xC000, s13  }
.LBB2_1:
0x15: {  	s25 =	simm.s32 $0x0;
	s26 =	simm.s32 $0x0  }
.LBB2_2:
0x16: {  	p1 =	sne.s32 s26, $0x4FC0  }
.Ltmp0:
0x17: {  	_ = 	snop;
	(pc) =	sbr.rel @p1 .LBB2_2-.Ltmp0, $4  }
0x18: {  	s28 =	sand.u32 $0x7E00, s26  }
0x19: {  	s29 =	sand.u32 $0x70, s25;
	s28 =	sshrl.u32 s28, $0x2  }
0x1a: {  	s28 =	sor.u32 s29, s28  }
0x1b: {  	s25 =	sadd.s32 $0x10, s25;
	s26 =	sadd.s32 $0x40, s26;
	[tilespmem:s28+$0x4100] =	vst v0  }
0x1c: {  	s25 =	sadd.s32 $0x0, s3  }
0x1d: {  	p1 =	sgt.u32 s25, $0xF9  }
0x1e: {  	s25 =	simm.s32 @!p1 $0x4100;
	s29 =	simm.s32 @!p1 $0x5  }
0x1f: {  	[spmem:s11] =	stream.linear.scatter @!p1 [tilespmem:s25], [sflag:$0x5], $0x1400, $0x38;
	[tilespmem:$0x18D80] =	vst v63  }
0x20: {  	s26 =	simm.s32 $0x10;
	_ =	swait.ge @!p1 [sflag:s29], $0x1400  }
0x21: {  	s28 =	simm.s32 $0x20;
	s25 =	sadd.s32 $0x14000, s11;
	[sflag:s29] =	ssyncset.done @!p1 $0x0  }
.LBB2_4:
0x22: {  	s30 =	sadd.s32 s26, s3;
	s26 =	smov.u32 s28;
	s28 =	sadd.s32 $0x10, s28  }
0x23: {  	[sflag:s29] =	ssyncadd.s32 @!p1 $0xFFFFEC00;
	p2 =	sne.s32 s28, $0x100  }
.Ltmp1:
0x24: {  	p1 =	sgt.u32 s30, $0xF9;
	(pc) =	sbr.rel @p2 .LBB2_4-.Ltmp1, $4  }
0x25: {  	s30 =	simm.s32 @!p1 $0x4100;
	s29 =	simm.s32 @!p1 $0x5  }
0x26: {  	[spmem:s25] =	stream.linear.scatter @!p1 [tilespmem:s30], [sflag:$0x5], $0x1400, $0x38;
	[tilespmem:$0x18D80] =	vst v63  }
0x27: {  	_ =	swait.ge @!p1 [sflag:s29], $0x1400  }
0x28: {  	s25 =	sadd.s32 $0x14000, s25;
	[sflag:s29] =	ssyncset.done @!p1 $0x0  }
0x29: {  	s26 =	sadd.s32 s26, s3  }
0x2a: {  	p2 =	sgt.u32 s26, $0xF9  }
0x2b: {  	[sflag:s29] =	ssyncadd.s32 @!p1 $0xFFFFEC00;
	s26 =	simm.s32 @!p2 $0x4100;
	s28 =	simm.s32 @!p2 $0x5  }
0x2c: {  	[spmem:s25] =	stream.linear.scatter @!p2 [tilespmem:s26], [sflag:$0x5], $0x1400, $0x38;
	[tilespmem:$0x18D80] =	vst v63  }
0x2d: {  	_ =	swait.ge @!p2 [sflag:s28], $0x1400  }
0x2e: {  	[sflag:s28] =	ssyncset.done @!p2 $0x0  }
0x2f: {  	[sflag:s28] =	ssyncadd.s32 @!p2 $0xFFFFEC00  }
0x30: {  	s26 =	simm.s32 $0x0;
	[bflag:$0x0] =	sbarrier.arrive $0xFFFF  }
0x31: {  	[tilespmem:s26], [sflag:$0x1] =	stream.linear.gather [hbm4b:s4+s26], $0x40, $0x38;
	[tilespmem:$0x18D80] =	vst v63  }
0x32: {  	_ = 	snop  }
0x33: {  	[tilespmem:s15], [sflag:$0x3] =	stream.linear.gather [hbm4b:s5+s26], $0x2000, $0x38;
	[tilespmem:$0x18D80] =	vst v63  }
0x34: {  	_ = 	snop  }
0x35: {  	[tilespmem:s16], [sflag:$0x2] =	stream.linear.gather [hbm4b:s6+s26], $0x40, $0x38;
	[tilespmem:$0x18D80] =	vst v63  }
0x36: {  	_ = 	snop  }
0x37: {  	[tilespmem:s17], [sflag:$0x4] =	stream.linear.gather [hbm4b:s7+s26], $0x2000, $0x38;
	[tilespmem:$0x18D80] =	vst v63  }
0x38: {  	_ =	swait.ge [sflag:s18], $0x40  }
0x39: {  	[sflag:s18] =	ssyncset.done $0x0  }
0x3a: {  	[sflag:s18] =	ssyncadd.s32 $0xFFFFFFC0  }
0x3b: {  	_ =	swait.ge [sflag:s19], $0x2000  }
0x3c: {  	[sflag:s19] =	ssyncset.done $0x0  }
0x3d: {  	[sflag:s19] =	ssyncadd.s32 $0xFFFFE000  }
0x3e: {  	[spmem:s1] =	stream.indirect.scatter.add.f32 [tilespmem:s15], [sflag:$0x5], $0x80, s2, s20, $0xb8;
	[tilespmem:$0x18D80] =	vst v63  }
0x3f: {  	_ =	swait.ge [sflag:s21], $0x2000  }
0x40: {  	s29 =	sadd.s32 $0x0, s12;
	[sflag:s21] =	ssyncset.done $0x0  }
0x41: {  	s30 =	sadd.s32 $0x100, s29;
	[sflag:s21] =	ssyncadd.s32 $0xFFFFE000  }
0x42: {  	[tilespmem:s2], [sflag:$0x1] =	stream.linear.gather [hbm4b:s30+s2], $0x40, $0x38;
	[tilespmem:$0x18D80] =	vst v63  }
0x43: {  	s31 =	sadd.s32 $0xFFFFC000, s13  }
0x44: {  	[tilespmem:s15], [sflag:$0x3] =	stream.linear.gather [hbm4b:s31+s2], $0x2000, $0x38;
	[tilespmem:$0x18D80] =	vst v63  }
0x45: {  	_ =	swait.ge [sflag:s22], $0x40  }
0x46: {  	[sflag:s22] =	ssyncset.done $0x0  }
0x47: {  	[sflag:s22] =	ssyncadd.s32 $0xFFFFFFC0  }
0x48: {  	_ =	swait.ge [sflag:s23], $0x2000  }
0x49: {  	[sflag:s23] =	ssyncset.done $0x0  }
0x4a: {  	[sflag:s23] =	ssyncadd.s32 $0xFFFFE000  }
0x4b: {  	[spmem:s1] =	stream.indirect.scatter.add.f32 [tilespmem:s17], [sflag:$0x5], $0x80, s16, s20, $0xb8;
	[tilespmem:$0x18D80] =	vst v63  }
0x4c: {  	_ =	swait.ge [sflag:s21], $0x2000  }
0x4d: {  	[sflag:s21] =	ssyncset.done $0x0  }
0x4e: {  	s25 =	sadd.s32 $0x180, s29;
	[sflag:s21] =	ssyncadd.s32 $0xFFFFE000  }
0x4f: {  	[tilespmem:s16], [sflag:$0x2] =	stream.linear.gather [hbm4b:s25+s2], $0x40, $0x38;
	[tilespmem:$0x18D80] =	vst v63  }
0x50: {  	s28 =	smov.u32 s13;
	s26 =	sadd.s32 $0x8000, s13;
	s25 =	simm.s32 $0x100  }
.LBB2_6:
0x51: {  	[tilespmem:s17], [sflag:$0x4] =	stream.linear.gather [hbm4b:s28+s2], $0x2000, $0x38;
	[tilespmem:$0x18D80] =	vst v63  }
0x52: {  	s29 =	smov.u32 s25;
	s28 =	smov.u32 s26  }
0x53: {  	p1 =	sne.s32 s25, $0x2500;
	s25 =	sadd.s32 $0x100, s25;
	_ =	swait.ge [sflag:s18], $0x40  }
0x54: {  	[sflag:s18] =	ssyncset.done $0x0  }
0x55: {  	[sflag:s18] =	ssyncadd.s32 $0xFFFFFFC0  }
0x56: {  	_ =	swait.ge [sflag:s19], $0x2000  }
0x57: {  	[sflag:s19] =	ssyncset.done $0x0  }
0x58: {  	[sflag:s19] =	ssyncadd.s32 $0xFFFFE000  }
0x59: {  	[spmem:s1] =	stream.indirect.scatter.add.f32 [tilespmem:s15], [sflag:$0x5], $0x80, s2, s20, $0xb8;
	[tilespmem:$0x18D80] =	vst v63  }
0x5a: {  	_ =	swait.ge [sflag:s21], $0x2000  }
0x5b: {  	s29 =	sadd.s32 s29, s12;
	[sflag:s21] =	ssyncset.done $0x0  }
0x5c: {  	s30 =	sadd.s32 $0x100, s29;
	[sflag:s21] =	ssyncadd.s32 $0xFFFFE000  }
0x5d: {  	[tilespmem:s2], [sflag:$0x1] =	stream.linear.gather [hbm4b:s30+s2], $0x40, $0x38;
	[tilespmem:$0x18D80] =	vst v63  }
0x5e: {  	s30 =	sadd.s32 $0xFFFFC000, s26  }
0x5f: {  	[tilespmem:s15], [sflag:$0x3] =	stream.linear.gather [hbm4b:s30+s2], $0x2000, $0x38;
	[tilespmem:$0x18D80] =	vst v63  }
0x60: {  	_ =	swait.ge [sflag:s22], $0x40  }
0x61: {  	[sflag:s22] =	ssyncset.done $0x0  }
0x62: {  	[sflag:s22] =	ssyncadd.s32 $0xFFFFFFC0  }
0x63: {  	_ =	swait.ge [sflag:s23], $0x2000  }
0x64: {  	[sflag:s23] =	ssyncset.done $0x0  }
0x65: {  	[sflag:s23] =	ssyncadd.s32 $0xFFFFE000  }
0x66: {  	[spmem:s1] =	stream.indirect.scatter.add.f32 [tilespmem:s17], [sflag:$0x5], $0x80, s16, s20, $0xb8;
	[tilespmem:$0x18D80] =	vst v63  }
.Ltmp2:
0x67: {  	_ =	swait.ge [sflag:s21], $0x2000;
	(pc) =	sbr.rel @p1 .LBB2_6-.Ltmp2, $4  }
0x68: {  	[sflag:s21] =	ssyncset.done $0x0  }
0x69: {  	s29 =	sadd.s32 $0x180, s29;
	[sflag:s21] =	ssyncadd.s32 $0xFFFFE000  }
0x6a: {  	[tilespmem:s16], [sflag:$0x2] =	stream.linear.gather [hbm4b:s29+s2], $0x40, $0x38;
	[tilespmem:$0x18D80] =	vst v63  }
0x6b: {  	s26 =	sadd.s32 $0x8000, s26  }
0x6c: {  	[tilespmem:s17], [sflag:$0x4] =	stream.linear.gather [hbm4b:s28+s2], $0x2000, $0x38;
	[tilespmem:$0x18D80] =	vst v63  }
0x6d: {  	_ =	swait.ge [sflag:s18], $0x40  }
0x6e: {  	[sflag:s18] =	ssyncset.done $0x0  }
0x6f: {  	[sflag:s18] =	ssyncadd.s32 $0xFFFFFFC0  }
0x70: {  	_ =	swait.ge [sflag:s19], $0x2000  }
0x71: {  	[sflag:s19] =	ssyncset.done $0x0  }
0x72: {  	[sflag:s19] =	ssyncadd.s32 $0xFFFFE000  }
0x73: {  	[spmem:s1] =	stream.indirect.scatter.add.f32 [tilespmem:s15], [sflag:$0x5], $0x80, s2, s20, $0xb8;
	[tilespmem:$0x18D80] =	vst v63  }
0x74: {  	_ =	swait.ge [sflag:s21], $0x2000  }
0x75: {  	[sflag:s21] =	ssyncset.done $0x0  }
0x76: {  	s25 =	simm.s32 @!p0 $0x0;
	[sflag:s21] =	ssyncadd.s32 $0xFFFFE000  }
0x77: {  	[tilespmem:s25], [sflag:$0x1] =	stream.linear.gather @!p0 [hbm4b:s9+s25], $0x40, $0x38;
	[tilespmem:$0x18D80] =	vst v63  }
0x78: {  	s26 =	simm.s32 @!p0 $0x100  }
0x79: {  	[tilespmem:s26], [sflag:$0x3] =	stream.linear.gather @!p0 [hbm4b:s10+s25], $0x2000, $0x38;
	[tilespmem:$0x18D80] =	vst v63  }
0x7a: {  	_ =	swait.ge [sflag:s22], $0x40  }
0x7b: {  	[sflag:s22] =	ssyncset.done $0x0  }
0x7c: {  	[sflag:s22] =	ssyncadd.s32 $0xFFFFFFC0  }
0x7d: {  	_ =	swait.ge [sflag:s23], $0x2000  }
0x7e: {  	[sflag:s23] =	ssyncset.done $0x0  }
0x7f: {  	[sflag:s23] =	ssyncadd.s32 $0xFFFFE000  }
0x80: {  	[spmem:s1] =	stream.indirect.scatter.add.f32 [tilespmem:s17], [sflag:$0x5], $0x80, s16, s20, $0xb8;
	[tilespmem:$0x18D80] =	vst v63  }
0x81: {  	_ =	swait.ge [sflag:s21], $0x2000  }
0x82: {  	[sflag:s21] =	ssyncset.done $0x0  }
0x83: {  	s28 =	simm.s32 @!p0 $0x1;
	[sflag:s21] =	ssyncadd.s32 $0xFFFFE000  }
0x84: {  	_ =	swait.ge @!p0 [sflag:s28], $0x40  }
0x85: {  	[sflag:s28] =	ssyncset.done @!p0 $0x0  }
0x86: {  	[sflag:s28] =	ssyncadd.s32 @!p0 $0xFFFFFFC0;
	s28 =	simm.s32 @!p0 $0x3  }
0x87: {  	_ =	swait.ge @!p0 [sflag:s28], $0x2000  }
0x88: {  	[sflag:s28] =	ssyncset.done @!p0 $0x0  }
0x89: {  	[sflag:s28] =	ssyncadd.s32 @!p0 $0xFFFFE000;
	s28 =	simm.s32 @!p0 $0x40  }
0x8a: {  	[spmem:s1] =	stream.indirect.scatter.add.f32 @!p0 [tilespmem:s26], [sflag:$0x5], $0x80, s25, s28, $0xb8;
	[tilespmem:$0x18D80] =	vst v63  }
0x8b: {  	s25 =	simm.s32 @!p0 $0x5  }
0x8c: {  	s31 =	sadd.s32 $0x0, s3;
	_ =	swait.ge @!p0 [sflag:s25], $0x2000  }
0x8d: {  	p1 =	sgt.u32 s31, $0xF9;
	[sflag:s25] =	ssyncset.done @!p0 $0x0  }
0x8e: {  	s28 =	simm.s32 @!p1 $0x6;
	[sflag:s25] =	ssyncadd.s32 @!p0 $0xFFFFE000  }
0x8f: {  	s25 =	simm.s32 @!p1 $0x4100;
	p1 =	por p1, p1;
	[bflag:$0x0] =	sbarrier.arrive $0xFFFF  }
0x90: {  	[tilespmem:s25], [sflag:$0x6] =	stream.linear.gather @!p1 [spmem:s11], $0x1400, $0x38;
	[tilespmem:$0x18D80] =	vst v63  }
0x91: {  	_ =	swait.ge @!p1 [sflag:s28], $0x1400  }
0x92: {  	s26 =	simm.s32 $0x20;
	[sflag:s28] =	ssyncset.done @!p1 $0x0  }
0x93: {  	s29 =	simm.s32 @!p1 $0x5;
	[sflag:s28] =	ssyncadd.s32 @!p1 $0xFFFFEC00;
	s28 =	simm.s32 @!p1 $0x0  }
0x94: {  	[hbm4b:s14+s28] =	stream.linear.scatter @!p1 [tilespmem:s25], [sflag:$0x5], $0x1400, $0x38;
	[tilespmem:$0x18D80] =	vst v63  }
0x95: {  	s28 =	sadd.s32 $0x10, s3;
	s25 =	sadd.s32 $0x2800, s14;
	_ =	swait.ge @!p1 [sflag:s29], $0x1400  }
0x96: {  	p2 =	sgt.u32 s28, $0xF9;
	s28 =	sadd.s32 $0x14000, s11;
	[sflag:s29] =	ssyncset.done @!p1 $0x0  }
.LBB2_8:
0x97: {  	s30 =	simm.s32 @!p2 $0x4100;
	s31 =	simm.s32 @!p2 $0x6;
	[sflag:s29] =	ssyncadd.s32 @!p1 $0xFFFFEC00  }
0x98: {  	s0 =	smov.u32 s26;
	p1 =	por p2, p2;
	s26 =	sadd.s32 $0x10, s26  }
0x99: {  	[tilespmem:s30], [sflag:$0x6] =	stream.linear.gather @!p1 [spmem:s28], $0x1400, $0x38;
	[tilespmem:$0x18D80] =	vst v63  }
0x9a: {  	p3 =	sne.s32 s26, $0x100;
	_ =	swait.ge @!p1 [sflag:s31], $0x1400  }
.Ltmp3:
0x9b: {  	[sflag:s31] =	ssyncset.done @!p1 $0x0;
	(pc) =	sbr.rel @p3 .LBB2_8-.Ltmp3, $4  }
0x9c: {  	s29 =	simm.s32 @!p1 $0x5;
	[sflag:s31] =	ssyncadd.s32 @!p1 $0xFFFFEC00;
	s31 =	simm.s32 @!p1 $0x0  }
0x9d: {  	[hbm4b:s25+s31] =	stream.linear.scatter @!p1 [tilespmem:s30], [sflag:$0x5], $0x1400, $0x38;
	[tilespmem:$0x18D80] =	vst v63  }
0x9e: {  	s0 =	sadd.s32 s0, s3;
	s25 =	sadd.s32 $0x2800, s25;
	_ =	swait.ge @!p1 [sflag:s29], $0x1400  }
0x9f: {  	s28 =	sadd.s32 $0x14000, s28;
	p2 =	sgt.u32 s0, $0xF9;
	[sflag:s29] =	ssyncset.done @!p1 $0x0  }
0xa0: {  	s0 =	simm.s32 @!p2 $0x4100  }
0xa1: {  	s26 =	simm.s32 @!p2 $0x6;
	[sflag:s29] =	ssyncadd.s32 @!p1 $0xFFFFEC00;
	p1 =	por p2, p2  }
0xa2: {  	[tilespmem:s0], [sflag:$0x6] =	stream.linear.gather @!p1 [spmem:s28], $0x1400, $0x38;
	[tilespmem:$0x18D80] =	vst v63  }
0xa3: {  	s24 =	sadd.s32 $0x1, s24;
	_ =	swait.ge @!p1 [sflag:s26], $0x1400  }
0xa4: {  	s28 =	simm.s32 @!p1 $0x5;
	p2 =	sne.s32 s24, s8;
	[sflag:s26] =	ssyncset.done @!p1 $0x0  }
.Ltmp4:
0xa5: {  	[sflag:s26] =	ssyncadd.s32 @!p1 $0xFFFFEC00;
	s26 =	simm.s32 @!p1 $0x0;
	(pc) =	sbr.rel @p2 .LBB2_1-.Ltmp4, $4  }
0xa6: {  	[hbm4b:s25+s26] =	stream.linear.scatter @!p1 [tilespmem:s0], [sflag:$0x5], $0x1400, $0x38;
	[tilespmem:$0x18D80] =	vst v63  }
0xa7: {  	_ =	swait.ge @!p1 [sflag:s28], $0x1400  }
0xa8: {  	[sflag:s28] =	ssyncset.done @!p1 $0x0  }
0xa9: {  	[sflag:s28] =	ssyncadd.s32 @!p1 $0xFFFFEC00  }
0xaa: {  	_ =	sfence.sel $0x180000  }
0xab: {  	[bflag:$0x0] =	sbarrier.arrive $0xFFFF  }
0xac: {  	_ =	strace $0x9000004D  }
0xad: {  	[bflag:$0x2] =	sbarrier.arrive $0xFFFF  }
0xae: {  	p0 =	sne.s32 s3, $0x0;
	s0 =	rddreg [dreg:$0x2]  }
0xaf: {  	s0 =	sadd.s32 @!p0 $0x100000, s0  }
0xb0: {  	[sflag:s0] =	ssyncadd.tile.s32 @!p0 $0x1;
	_ =	shalt  }
.Lfunc_end2:
_tile_overlayer_lowered:
.L_overlay_start_2:
0xb1: {  	(tag) =	ssettag $0x2  }
0xb2: {  	s0 =	rddreg [dreg:$0x0];
	s2 =	stileid.u32  }
0xb3: {  	s1 =	rddreg [dreg:$0x1];
	p0 =	sne.s32 s2, $0x0  }
0xb4: {  	s3 =	rddreg [dreg:$0x2];
	[bflag:$0x3] =	sbarrier.arrive $0xFFFF;
	s2 =	simm.s32 @!p0 $0x1C05  }
0xb5: {  	[timem:s3], [sflag:s2] =	dma.local @!p0 [hbm:s0], s1  }
0xb6: {  	s0 =	simm.s32 @!p0 $0x5  }
0xb7: {  	_ =	swait.ge @!p0 [sflag:s0], s1  }
0xb8: {  	s1 =	ssub.s32 @!p0 $0x0, s1;
	[sflag:s0] =	ssyncset.done @!p0 $0x0  }
0xb9: {  	[sflag:s0] =	ssyncadd.s32 @!p0 s1  }
0xba: {  	[bflag:$0x3] =	sbarrier.arrive $0xFFFF  }
0xbb: {  	_ =	shalt  }

// kernel: kernel.19.cloned.1.call-start
scs
__scs_entry_jumppad:
0x0: {  	(pc) =	sbr.rel $0x88, $3  }
0x1: {  	(tag) =	ssettag $0x0;
	lr =	simm.s32 $0x1  }
0x2: {  	[smem:$0x3F90] =	sst lr;
	_ =	strace $0xD0000000  }
0x3: {  	_ = 	snop  }
0x4: {  	_ = 	snop  }
0x5: {  	_ = 	snop  }
0x6: {  	_ = 	snop  }
0x7: {  	_ = 	snop  }
__scs_overlays_trampoline_lowered:
0x8: {  	[smem:$0x3F9F] =	sst s0  }
0x9: {  	[smem:$0x3FA0] =	sst s1  }
0xa: {  	[smem:$0x3FA1] =	sst s2  }
0xb: {  	[smem:$0x3FA2] =	sst s3  }
0xc: {  	[smem:$0x3FA3] =	sst s4  }
0xd: {  	[smem:$0x3FA4] =	sst s5  }
0xe: {  	[smem:$0x3FA5] =	sst s6  }
0xf: {  	[smem:$0x3FA6] =	sst s7  }
0x10: {  	[smem:$0x3FA7] =	sst s8  }
0x11: {  	[smem:$0x3FA8] =	sst s9;
	s0 =	simm.s32 @!p0 $0x0  }
0x12: {  	s1 =	sld [smem:$0x3F8E];
	s0 =	simm.s32 @p0 $0x1  }
0x13: {  	[smem:$0x3FA9] =	sst s0;
	s0 =	simm.s32 @!p1 $0x0  }
0x14: {  	s2 =	sld [smem:$0x3F8D];
	s0 =	simm.s32 @p1 $0x1  }
0x15: {  	[smem:$0x3FAA] =	sst s0;
	s0 =	simm.s32 @!p2 $0x0  }
0x16: {  	s3 =	sld [smem:$0x3FDB];
	s0 =	simm.s32 @p2 $0x1  }
0x17: {  	s4 =	simm.s32 $0x1BF5;
	[smem:$0x3FAC] =	sst s0  }
0x18: {  	s0 =	sld [smem:$0x3F8F];
	_ =	swait.ge [sflag:s4], $0x0  }
0x19: {  	s7 =	sld [smem:$0x3F90]  }
0x1a: {  	s8 =	sadd.s32 $0xFFFFE003, lr  }
0x1b: {  	s9 =	sadd.s32 $0xFFFFFEF7, lr;
	s5 =	simm.s32 $0xFFFFFFFF;
	p2 =	slt.u32 s8, $0xFFFFF086  }
0x1c: {  	p1 =	slt.u32 s9, $0xF7A;
	s5 =	simm.s32 @!p2 $0x0  }
0x1d: {  	s5 =	simm.s32 @p1 $0x1;
	p0 =	seq.s32 s7, s2  }
0x1e: {  	s7 =	smul.u32 @!p0 $0xF7A, s2;
	p2 =	seq.s32 @!p0 s5, $0x0  }
0x1f: {  	s9 =	smul.u32 $0xF7A, s1;
	s8 =	simm.s32 @!p0 $0x1BF5;
	p2 =	por !p2, p0  }
0x20: {  	[sflag:s8] =	ssyncset.s32 @!p0 $0xFFFFF086;
	s6 =	sadd.s32 @!p0 s3, s7;
	s7 =	simm.s32 @!p0 $0x108  }
0x21: {  	s3 =	sadd.s32 s3, s9;
	s6 =	sadd.s32 @!p0 $0x88, s6;
	s7 =	simm.s32 @p2 $0x1082  }
0x22: {  	[simem:s7], [sflag:s8] =	dma.local @!p0 [hbm:s6], $0xF7A  }
0x23: {  	s9 =	sor.u32 $0xD0000000, s2;
	s6 =	simm.s32 $0x108;
	_ =	swait.ge @!p0 [sflag:s8], $0x0  }
0x24: {  	s3 =	sadd.s32 $0x88, s3;
	s6 =	simm.s32 @!p1 $0x1082;
	[sflag:s4] =	ssyncset.s32 $0xFFFFF086  }
0x25: {  	[simem:s6], [sflag:s4] =	dma.local [hbm:s3], $0xF7A  }
0x26: {  	[smem:$0x3F90] =	sst s1;
	(tag) =	ssettag s2;
	_ =	strace s9  }
0x27: {  	s1 =	sld [smem:$0x3FA0]  }
0x28: {  	s2 =	sld [smem:$0x3FA1]  }
0x29: {  	s4 =	sld [smem:$0x3FA3]  }
0x2a: {  	p0 =	seq.s32 s5, $0x0;
	s5 =	sld [smem:$0x3FA4]  }
0x2b: {  	s6 =	sld [smem:$0x3FA5]  }
0x2c: {  	s7 =	sld [smem:$0x3FA6]  }
0x2d: {  	s3 =	simm.s32 $0x108;
	s8 =	sld [smem:$0x3FA7]  }
0x2e: {  	s3 =	simm.s32 @!p0 $0x1082;
	s9 =	sld [smem:$0x3FA8]  }
0x2f: {  	lr =	sadd.s32 s0, s3;
	s0 =	sld [smem:$0x3F9F]  }
0x30: {  	s3 =	sld [smem:$0x3FA2]  }
0x31: {  	[smem:$0x3FAB] =	sst s10  }
0x32: {  	s10 =	sld [smem:$0x3FA9];
	_ =	sdelay $0x3  }
0x33: {  	p0 =	seq.s32 s10, $0x1;
	s10 =	sld [smem:$0x3FAB];
	_ =	sdelay $0x3  }
0x34: {  	[smem:$0x3FAB] =	sst s10  }
0x35: {  	s10 =	sld [smem:$0x3FAA];
	_ =	sdelay $0x3  }
0x36: {  	p1 =	seq.s32 s10, $0x1;
	s10 =	sld [smem:$0x3FAB];
	_ =	sdelay $0x3  }
0x37: {  	[smem:$0x3FAB] =	sst s10  }
0x38: {  	s10 =	sld [smem:$0x3FAC]  }
0x39: {  	_ = 	snop;
	(pc) =	sbr.ind lr, $3  }
0x3a: {  	_ = 	snop  }
0x3b: {  	_ = 	snop  }
0x3c: {  	p2 =	seq.s32 s10, $0x1;
	s10 =	sld [smem:$0x3FAB]  }
0x3d: {  	_ =	shalt  }
0x3e: {  	_ =	shalt  }
0x3f: {  	_ =	shalt  }
0x40: {  	_ =	shalt  }
0x41: {  	_ =	shalt  }
0x42: {  	_ =	shalt  }
0x43: {  	_ =	shalt  }
0x44: {  	_ =	shalt  }
0x45: {  	_ =	shalt  }
0x46: {  	_ =	shalt  }
0x47: {  	_ =	shalt  }
0x48: {  	_ =	shalt  }
0x49: {  	_ =	shalt  }
0x4a: {  	_ =	shalt  }
0x4b: {  	_ =	shalt  }
0x4c: {  	_ =	shalt  }
0x4d: {  	_ =	shalt  }
0x4e: {  	_ =	shalt  }
0x4f: {  	_ =	shalt  }
0x50: {  	_ =	shalt  }
0x51: {  	_ =	shalt  }
0x52: {  	_ =	shalt  }
0x53: {  	_ =	shalt  }
0x54: {  	_ =	shalt  }
0x55: {  	_ =	shalt  }
0x56: {  	_ =	shalt  }
0x57: {  	_ =	shalt  }
0x58: {  	_ =	shalt  }
0x59: {  	_ =	shalt  }
0x5a: {  	_ =	shalt  }
0x5b: {  	_ =	shalt  }
0x5c: {  	_ =	shalt  }
0x5d: {  	_ =	shalt  }
0x5e: {  	_ =	shalt  }
0x5f: {  	_ =	shalt  }
0x60: {  	_ =	shalt  }
0x61: {  	_ =	shalt  }
0x62: {  	_ =	shalt  }
0x63: {  	_ =	shalt  }
0x64: {  	_ =	shalt  }
0x65: {  	_ =	shalt  }
0x66: {  	_ =	shalt  }
0x67: {  	_ =	shalt  }
0x68: {  	_ =	shalt  }
0x69: {  	_ =	shalt  }
0x6a: {  	_ =	shalt  }
0x6b: {  	_ =	shalt  }
0x6c: {  	_ =	shalt  }
0x6d: {  	_ =	shalt  }
0x6e: {  	_ =	shalt  }
0x6f: {  	_ =	shalt  }
0x70: {  	_ =	shalt  }
0x71: {  	_ =	shalt  }
0x72: {  	_ =	shalt  }
0x73: {  	_ =	shalt  }
0x74: {  	_ =	shalt  }
0x75: {  	_ =	shalt  }
0x76: {  	_ =	shalt  }
0x77: {  	_ =	shalt  }
0x78: {  	_ =	shalt  }
0x79: {  	_ =	shalt  }
0x7a: {  	_ =	shalt  }
0x7b: {  	_ =	shalt  }
0x7c: {  	_ =	shalt  }
0x7d: {  	_ =	shalt  }
0x7e: {  	_ =	shalt  }
0x7f: {  	_ =	shalt  }
0x80: {  	_ =	shalt  }
0x81: {  	_ =	shalt  }
0x82: {  	_ =	shalt  }
0x83: {  	_ =	shalt  }
0x84: {  	_ =	shalt  }
0x85: {  	_ =	shalt  }
0x86: {  	_ =	shalt  }
0x87: {  	_ =	shalt  }
.Lfunc_end0:
.L_simem_size_0:
called_computation.3_lowered:
.L_overlay_start_0:
0x88: {  	s2 =	sld [smem:$0x3FD9]  }
0x89: {  	s3 =	sld [smem:$0x3FFE];
	_ =	sdelay $0x1  }
0x8a: {  	s1 =	srdreg.scid  }
0x8b: {  	s0 =	sand.u32 $0x1, s1  }
0x8c: {  	s17 =	sshll.u32 s0, $0xA;
	s2 =	sadd.s32 s3, s2  }
0x8d: {  	s2 =	sadd.s32 s2, s17  }
0x8e: {  	[smem:$0x3FB7] =	sst s2  }
0x8f: {  	_ = 	snop  }
0x90: {  	(tm) =	ssettm $0x1  }
0x91: {  	s18 =	sld [smem:$0x3FFB];
	_ =	sdelay $0x3  }
0x92: {  	_ =	strace s18  }
0x93: {  	s2 =	sld [smem:$0x3FFC];
	_ =	sdelay $0x3  }
0x94: {  	_ =	strace s2  }
0x95: {  	s2 =	sld [smem:$0x3FFD];
	_ =	sdelay $0x3  }
0x96: {  	_ =	strace s2  }
0x97: {  	_ =	strace $0x8FFFFFFF  }
0x98: {  	s19 =	sld [smem:$0x3FDB];
	_ =	sdelay $0x1  }
0x99: {  	s20 =	simm.s32 $_scs_section_size  }
0x9a: {  	s4 =	simm.s32 $_size__tile_overlayer_lowered;
	s5 =	simm.s32 $_tile_overlayer_lowered  }
0x9b: {  	s6 =	simm.s32 $0x1BFF;
	s21 =	sshll.u32 s5, $0x1;
	s3 =	sadd.s32 s20, s19  }
0x9c: {  	s22 =	simm.s32 $0x0;
	s4 =	sshll.u32 s4, $0x1;
	s5 =	sadd.s32 s21, s3  }
0x9d: {  	[timem:s22], [sflag:s6] =	dma.local [hbm:s5], s4  }
0x9e: {  	_ =	swait.ge [sflag:s6], s4  }
0x9f: {  	s4 =	ssub.s32 $0x0, s4;
	[sflag:s6] =	ssyncset.done $0x0  }
0xa0: {  	[sflag:s6] =	ssyncadd.s32 s4;
	_ =	sdelay $0x1  }
0xa1: {  	s23 =	simm.s32 $0x1B8B  }
0xa2: {  	_ =	swait.ge [sflag:s23], $0x1  }
0xa3: {  	[sflag:s23] =	ssyncset.done $0x0  }
0xa4: {  	[sflag:s23] =	ssyncadd.s32 $0xFFFFFFFF  }
0xa5: {  	s4 =	sld [smem:$0x0]  }
0xa6: {  	s5 =	sand.u32 $0xFFFFFFFE, s1  }
0xa7: {  	p0 =	sne.s32 s1, s5  }
0xa8: {  	s5 =	sshll.u32 @p0 s5, $0xE  }
0xa9: {  	s5 =	sadd.s32 @p0 $0x11B8D, s5;
	s6 =	sshll.u32 @p0 s4, $0x11  }
0xaa: {  	s5 =	sor.u32 @p0 s6, s5  }
0xab: {  	[sflag:s5] =	ssyncadd.remote.s32 @p0 $0x1;
	_ =	sdelay $0x1  }
0xac: {  	s5 =	simm.s32 @p0 $0x1B8D  }
0xad: {  	_ =	swait.eq @p0 [sflag:s5], $0x1  }
0xae: {  	[sflag:s5] =	ssyncadd.s32 @p0 $0xFFFFFFFF  }
0xaf: {  	s6 =	sshll.u32 @!p0 s1, $0xE  }
0xb0: {  	s6 =	sor.u32 @!p0 $0x4000, s6;
	s5 =	simm.s32 @!p0 $0x1B8D  }
0xb1: {  	s4 =	sshll.u32 @!p0 s4, $0x11;
	s6 =	sadd.s32 @!p0 $0x11B8D, s6;
	_ =	swait.eq @!p0 [sflag:s5], $0x1  }
0xb2: {  	s4 =	sor.u32 @!p0 s4, s6;
	[sflag:s5] =	ssyncadd.s32 @!p0 $0xFFFFFFFF  }
0xb3: {  	s25 =	simm.s32 $0x1B8E;
	s24 =	sld [smem:$0x3FFE];
	[sflag:s4] =	ssyncadd.remote.s32 @!p0 $0x1  }
0xb4: {  	s26 =	simm.s32 $execute0_lowered;
	[smem:$0x3FD2] =	sst s25  }
0xb5: {  	s5 =	sshll.u32 s26, $0x1;
	_ =	strace $0x8000004F;
	[dreg:$0x1] =	wrdreg $0xFFFFFFFF  }
0xb6: {  	s28 =	simm.s32 $_size_execute0_lowered;
	s3 =	sadd.s32 s3, s5;
	[dreg:$0x0] =	wrdreg $0x0  }
0xb7: {  	s5 =	sshll.u32 s28, $0x1;
	[dreg:$0x2] =	wrdreg s3  }
0xb8: {  	[dreg:$0x3] =	wrdreg s5  }
0xb9: {  	[dreg:$0x4] =	wrdreg $0xC0  }
0xba: {  	_ =	task [dreg:s22], $0x5FFFF  }
0xbb: {  	[dreg:$0x1] =	wrdreg $0xFFFFFFFF  }
0xbc: {  	[dreg:$0x0] =	wrdreg $0x60  }
0xbd: {  	[dreg:$0x2] =	wrdreg s24  }
0xbe: {  	[dreg:$0x3] =	wrdreg $0x55000  }
0xbf: {  	[dreg:$0x4] =	wrdreg $0x9  }
0xc0: {  	_ =	task.clear_ibuf [dreg:s22], $0x5FFFF;
	_ =	strace $0x9000004F  }
0xc1: {  	s29 =	simm.s32 $0x9;
	_ =	strace $0x80000051  }
0xc2: {  	_ =	swait.ge [sflag:s29], $0x1  }
0xc3: {  	[sflag:s29] =	ssyncadd.s32 $0xFFFFFFFF  }
0xc4: {  	_ =	strace $0x90000051  }
0xc5: {  	_ =	sfence  }
0xc6: {  	s30 =	sld [smem:$0x0];
	_ =	sdelay $0x2  }
0xc7: {  	s31 =	sshll.u32 s1, $0xD;
	s1 =	sshrl.u32 s1, $0x2  }
0xc8: {  	s4 =	sand.u32 $0x4000, s31;
	s1 =	sadd.s32 s1, s30  }
0xc9: {  	s0 =	sor.u32 s4, s0;
	s1 =	sshll.u32 s1, $0x11  }
0xca: {  	s0 =	sor.u32 s1, s0  }
0xcb: {  	s0 =	sadd.s32 $0x8F2B, s0  }
0xcc: {  	[sflag:s0] =	ssyncadd.remote.s32 $0x1  }
0xcd: {  	_ =	sfence.sel $0xFFFF  }
0xce: {  	[dreg:$0x0] =	wrdreg $0xFFFFFFFF;
	(pc) =	sbr.abs _section_cstart, $3  }
0xcf: {  	[dreg:$0x1] =	wrdreg $0xFFFFFFFF  }
0xd0: {  	_ =	task.clear_ibuf [dreg:s22], $0x2FFFF;
	_ =	strace $0x9FFFFFFF  }
0xd1: {  	(tm) =	ssettm $0x7FFFFFFF  }
tec
execute0_lowered:
.L_overlay_start_1:
0x0: {  	(tag) =	ssettag $0x1  }
0x1: {  	s4 =	rddreg [dreg:$0x0]  }
0x2: {  	s1 =	rddreg [dreg:$0x1];
	s3 =	srdreg.scid  }
0x3: {  	s2 =	simm.s32 $0x0;
	s18 =	simm.s32 $0x1;
	s12 =	sand.u32 $0x1, s3  }
0x4: {  	s19 =	simm.s32 $0x3;
	s20 =	simm.s32 $0x40;
	s5 =	smul.u32 $0x4E2, s12  }
0x5: {  	s21 =	simm.s32 $0x5;
	s3 =	stileid.u32;
	s6 =	smul.u32 $0x27100, s12  }
0x6: {  	s22 =	simm.s32 $0x2;
	s23 =	simm.s32 $0x4;
	s11 =	smul.u32 $0x5000, s3  }
0x7: {  	[smem:$0x7FF] =	sst s2;
	s13 =	sadd.s32 $0xB6400, s4;
	s16 =	smul.u32 $0x138800, s12  }
0x8: {  	s14 =	sadd.s32 $0xF800, s4;
	s7 =	ssub.s32 $0x2, s12;
	s12 =	smul.u32 $0x2710, s12  }
0x9: {  	_ =	strace $0x80000050;
	s29 =	sshll.u32 s3, $0xA;
	s17 =	smul.u32 $0x280, s3  }
0xa: {  	s30 =	sshll.u32 s3, $0x3;
	p0 =	sgt.u32 s3, $0x1;
	s8 =	sshrl.u32 s7, $0x1  }
0xb: {  	s5 =	sadd.s32 s3, s5;
	s15 =	sadd.s32 s6, s4;
	s8 =	ssub.s32 s7, s8  }
0xc: {  	s11 =	sshrl.u32 s11, $0x2;
	s12 =	sadd.s32 s12, s14;
	s24 =	sshll.u32 s5, $0x3  }
0xd: {  	s26 =	sshll.u32 s5, $0xA;
	s10 =	sadd.s32 $0x4E0, s5;
	s8 =	smax.u32 s8, $0x1  }
0xe: {  	s11 =	sadd.s32 s11, s1;
	s12 =	sadd.s32 s30, s12;
	s31 =	sadd.s32 s17, s15  }
0xf: {  	s15 =	simm.s32 $0x100;
	s17 =	simm.s32 $0x2100;
	s25 =	sadd.s32 s14, s24  }
0x10: {  	s5 =	sadd.s32 s13, s26;
	s28 =	sshll.u32 s10, $0x3;
	s10 =	sshll.u32 s10, $0xA  }
0x11: {  	s24 =	simm.s32 $0x0;
	s4 =	sadd.s32 $0x4E20, s25;
	s6 =	sadd.s32 $0x4EA0, s25  }
0x12: {  	s9 =	sadd.s32 s28, s14;
	s10 =	sadd.s32 s13, s10;
	s13 =	sadd.s32 s16, s13  }
0x13: {  	s7 =	sadd.s32 $0x4000, s5;
	s14 =	sadd.s32 $0x19E00, s31;
	s13 =	sadd.s32 s29, s13  }
0x14: {  	v0 =	vimm.f32 $0.0e+00;
	s16 =	simm.s32 $0x80;
	s9 =	sadd.s32 $0x4E20, s9;
	s13 =	sadd.s32 $0xC000, s13  }
.LBB2_1:
0x15: {  	s25 =	simm.s32 $0x0;
	s26 =	simm.s32 $0x0  }
.LBB2_2:
0x16: {  	p1 =	sne.s32 s26, $0x4FC0  }
.Ltmp0:
0x17: {  	_ = 	snop;
	(pc) =	sbr.rel @p1 .LBB2_2-.Ltmp0, $4  }
0x18: {  	s28 =	sand.u32 $0x7E00, s26  }
0x19: {  	s29 =	sand.u32 $0x70, s25;
	s28 =	sshrl.u32 s28, $0x2  }
0x1a: {  	s28 =	sor.u32 s29, s28  }
0x1b: {  	s25 =	sadd.s32 $0x10, s25;
	s26 =	sadd.s32 $0x40, s26;
	[tilespmem:s28+$0x4100] =	vst v0  }
0x1c: {  	s25 =	sadd.s32 $0x0, s3  }
0x1d: {  	p1 =	sgt.u32 s25, $0xF9  }
0x1e: {  	s25 =	simm.s32 @!p1 $0x4100;
	s29 =	simm.s32 @!p1 $0x5  }
0x1f: {  	[spmem:s11] =	stream.linear.scatter @!p1 [tilespmem:s25], [sflag:$0x5], $0x1400, $0x38;
	[tilespmem:$0x18D80] =	vst v63  }
0x20: {  	s26 =	simm.s32 $0x10;
	_ =	swait.ge @!p1 [sflag:s29], $0x1400  }
0x21: {  	s28 =	simm.s32 $0x20;
	s25 =	sadd.s32 $0x14000, s11;
	[sflag:s29] =	ssyncset.done @!p1 $0x0  }
.LBB2_4:
0x22: {  	s30 =	sadd.s32 s26, s3;
	s26 =	smov.u32 s28;
	s28 =	sadd.s32 $0x10, s28  }
0x23: {  	[sflag:s29] =	ssyncadd.s32 @!p1 $0xFFFFEC00;
	p2 =	sne.s32 s28, $0x100  }
.Ltmp1:
0x24: {  	p1 =	sgt.u32 s30, $0xF9;
	(pc) =	sbr.rel @p2 .LBB2_4-.Ltmp1, $4  }
0x25: {  	s30 =	simm.s32 @!p1 $0x4100;
	s29 =	simm.s32 @!p1 $0x5  }
0x26: {  	[spmem:s25] =	stream.linear.scatter @!p1 [tilespmem:s30], [sflag:$0x5], $0x1400, $0x38;
	[tilespmem:$0x18D80] =	vst v63  }
0x27: {  	_ =	swait.ge @!p1 [sflag:s29], $0x1400  }
0x28: {  	s25 =	sadd.s32 $0x14000, s25;
	[sflag:s29] =	ssyncset.done @!p1 $0x0  }
0x29: {  	s26 =	sadd.s32 s26, s3  }
0x2a: {  	p2 =	sgt.u32 s26, $0xF9  }
0x2b: {  	[sflag:s29] =	ssyncadd.s32 @!p1 $0xFFFFEC00;
	s26 =	simm.s32 @!p2 $0x4100;
	s28 =	simm.s32 @!p2 $0x5  }
0x2c: {  	[spmem:s25] =	stream.linear.scatter @!p2 [tilespmem:s26], [sflag:$0x5], $0x1400, $0x38;
	[tilespmem:$0x18D80] =	vst v63  }
0x2d: {  	_ =	swait.ge @!p2 [sflag:s28], $0x1400  }
0x2e: {  	[sflag:s28] =	ssyncset.done @!p2 $0x0  }
0x2f: {  	[sflag:s28] =	ssyncadd.s32 @!p2 $0xFFFFEC00  }
0x30: {  	s26 =	simm.s32 $0x0;
	[bflag:$0x0] =	sbarrier.arrive $0xFFFF  }
0x31: {  	[tilespmem:s26], [sflag:$0x1] =	stream.linear.gather [hbm4b:s4+s26], $0x40, $0x38;
	[tilespmem:$0x18D80] =	vst v63  }
0x32: {  	_ = 	snop  }
0x33: {  	[tilespmem:s15], [sflag:$0x3] =	stream.linear.gather [hbm4b:s5+s26], $0x2000, $0x38;
	[tilespmem:$0x18D80] =	vst v63  }
0x34: {  	_ = 	snop  }
0x35: {  	[tilespmem:s16], [sflag:$0x2] =	stream.linear.gather [hbm4b:s6+s26], $0x40, $0x38;
	[tilespmem:$0x18D80] =	vst v63  }
0x36: {  	_ = 	snop  }
0x37: {  	[tilespmem:s17], [sflag:$0x4] =	stream.linear.gather [hbm4b:s7+s26], $0x2000, $0x38;
	[tilespmem:$0x18D80] =	vst v63  }
0x38: {  	_ =	swait.ge [sflag:s18], $0x40  }
0x39: {  	[sflag:s18] =	ssyncset.done $0x0  }
0x3a: {  	[sflag:s18] =	ssyncadd.s32 $0xFFFFFFC0  }
0x3b: {  	_ =	swait.ge [sflag:s19], $0x2000  }
0x3c: {  	[sflag:s19] =	ssyncset.done $0x0  }
0x3d: {  	[sflag:s19] =	ssyncadd.s32 $0xFFFFE000  }
0x3e: {  	[spmem:s1] =	stream.indirect.scatter.add.f32 [tilespmem:s15], [sflag:$0x5], $0x80, s2, s20, $0xb8;
	[tilespmem:$0x18D80] =	vst v63  }
0x3f: {  	_ =	swait.ge [sflag:s21], $0x2000  }
0x40: {  	s29 =	sadd.s32 $0x0, s12;
	[sflag:s21] =	ssyncset.done $0x0  }
0x41: {  	s30 =	sadd.s32 $0x4F20, s29;
	[sflag:s21] =	ssyncadd.s32 $0xFFFFE000  }
0x42: {  	[tilespmem:s2], [sflag:$0x1] =	stream.linear.gather [hbm4b:s30+s2], $0x40, $0x38;
	[tilespmem:$0x18D80] =	vst v63  }
0x43: {  	s31 =	sadd.s32 $0xFFFFC000, s13  }
0x44: {  	[tilespmem:s15], [sflag:$0x3] =	stream.linear.gather [hbm4b:s31+s2], $0x2000, $0x38;
	[tilespmem:$0x18D80] =	vst v63  }
0x45: {  	_ =	swait.ge [sflag:s22], $0x40  }
0x46: {  	[sflag:s22] =	ssyncset.done $0x0  }
0x47: {  	[sflag:s22] =	ssyncadd.s32 $0xFFFFFFC0  }
0x48: {  	_ =	swait.ge [sflag:s23], $0x2000  }
0x49: {  	[sflag:s23] =	ssyncset.done $0x0  }
0x4a: {  	[sflag:s23] =	ssyncadd.s32 $0xFFFFE000  }
0x4b: {  	[spmem:s1] =	stream.indirect.scatter.add.f32 [tilespmem:s17], [sflag:$0x5], $0x80, s16, s20, $0xb8;
	[tilespmem:$0x18D80] =	vst v63  }
0x4c: {  	_ =	swait.ge [sflag:s21], $0x2000  }
0x4d: {  	[sflag:s21] =	ssyncset.done $0x0  }
0x4e: {  	s25 =	sadd.s32 $0x4FA0, s29;
	[sflag:s21] =	ssyncadd.s32 $0xFFFFE000  }
0x4f: {  	[tilespmem:s16], [sflag:$0x2] =	stream.linear.gather [hbm4b:s25+s2], $0x40, $0x38;
	[tilespmem:$0x18D80] =	vst v63  }
0x50: {  	s28 =	smov.u32 s13;
	s26 =	sadd.s32 $0x8000, s13;
	s25 =	simm.s32 $0x100  }
.LBB2_6:
0x51: {  	[tilespmem:s17], [sflag:$0x4] =	stream.linear.gather [hbm4b:s28+s2], $0x2000, $0x38;
	[tilespmem:$0x18D80] =	vst v63  }
0x52: {  	s29 =	smov.u32 s25;
	s28 =	smov.u32 s26  }
0x53: {  	p1 =	sne.s32 s25, $0x2500;
	s25 =	sadd.s32 $0x100, s25;
	_ =	swait.ge [sflag:s18], $0x40  }
0x54: {  	[sflag:s18] =	ssyncset.done $0x0  }
0x55: {  	[sflag:s18] =	ssyncadd.s32 $0xFFFFFFC0  }
0x56: {  	_ =	swait.ge [sflag:s19], $0x2000  }
0x57: {  	[sflag:s19] =	ssyncset.done $0x0  }
0x58: {  	[sflag:s19] =	ssyncadd.s32 $0xFFFFE000  }
0x59: {  	[spmem:s1] =	stream.indirect.scatter.add.f32 [tilespmem:s15], [sflag:$0x5], $0x80, s2, s20, $0xb8;
	[tilespmem:$0x18D80] =	vst v63  }
0x5a: {  	_ =	swait.ge [sflag:s21], $0x2000  }
0x5b: {  	s29 =	sadd.s32 s29, s12;
	[sflag:s21] =	ssyncset.done $0x0  }
0x5c: {  	s30 =	sadd.s32 $0x4F20, s29;
	[sflag:s21] =	ssyncadd.s32 $0xFFFFE000  }
0x5d: {  	[tilespmem:s2], [sflag:$0x1] =	stream.linear.gather [hbm4b:s30+s2], $0x40, $0x38;
	[tilespmem:$0x18D80] =	vst v63  }
0x5e: {  	s30 =	sadd.s32 $0xFFFFC000, s26  }
0x5f: {  	[tilespmem:s15], [sflag:$0x3] =	stream.linear.gather [hbm4b:s30+s2], $0x2000, $0x38;
	[tilespmem:$0x18D80] =	vst v63  }
0x60: {  	_ =	swait.ge [sflag:s22], $0x40  }
0x61: {  	[sflag:s22] =	ssyncset.done $0x0  }
0x62: {  	[sflag:s22] =	ssyncadd.s32 $0xFFFFFFC0  }
0x63: {  	_ =	swait.ge [sflag:s23], $0x2000  }
0x64: {  	[sflag:s23] =	ssyncset.done $0x0  }
0x65: {  	[sflag:s23] =	ssyncadd.s32 $0xFFFFE000  }
0x66: {  	[spmem:s1] =	stream.indirect.scatter.add.f32 [tilespmem:s17], [sflag:$0x5], $0x80, s16, s20, $0xb8;
	[tilespmem:$0x18D80] =	vst v63  }
.Ltmp2:
0x67: {  	_ =	swait.ge [sflag:s21], $0x2000;
	(pc) =	sbr.rel @p1 .LBB2_6-.Ltmp2, $4  }
0x68: {  	[sflag:s21] =	ssyncset.done $0x0  }
0x69: {  	s29 =	sadd.s32 $0x4FA0, s29;
	[sflag:s21] =	ssyncadd.s32 $0xFFFFE000  }
0x6a: {  	[tilespmem:s16], [sflag:$0x2] =	stream.linear.gather [hbm4b:s29+s2], $0x40, $0x38;
	[tilespmem:$0x18D80] =	vst v63  }
0x6b: {  	s26 =	sadd.s32 $0x8000, s26  }
0x6c: {  	[tilespmem:s17], [sflag:$0x4] =	stream.linear.gather [hbm4b:s28+s2], $0x2000, $0x38;
	[tilespmem:$0x18D80] =	vst v63  }
0x6d: {  	_ =	swait.ge [sflag:s18], $0x40  }
0x6e: {  	[sflag:s18] =	ssyncset.done $0x0  }
0x6f: {  	[sflag:s18] =	ssyncadd.s32 $0xFFFFFFC0  }
0x70: {  	_ =	swait.ge [sflag:s19], $0x2000  }
0x71: {  	[sflag:s19] =	ssyncset.done $0x0  }
0x72: {  	[sflag:s19] =	ssyncadd.s32 $0xFFFFE000  }
0x73: {  	[spmem:s1] =	stream.indirect.scatter.add.f32 [tilespmem:s15], [sflag:$0x5], $0x80, s2, s20, $0xb8;
	[tilespmem:$0x18D80] =	vst v63  }
0x74: {  	_ =	swait.ge [sflag:s21], $0x2000  }
0x75: {  	[sflag:s21] =	ssyncset.done $0x0  }
0x76: {  	s25 =	simm.s32 @!p0 $0x0;
	[sflag:s21] =	ssyncadd.s32 $0xFFFFE000  }
0x77: {  	[tilespmem:s25], [sflag:$0x1] =	stream.linear.gather @!p0 [hbm4b:s9+s25], $0x40, $0x38;
	[tilespmem:$0x18D80] =	vst v63  }
0x78: {  	s26 =	simm.s32 @!p0 $0x100  }
0x79: {  	[tilespmem:s26], [sflag:$0x3] =	stream.linear.gather @!p0 [hbm4b:s10+s25], $0x2000, $0x38;
	[tilespmem:$0x18D80] =	vst v63  }
0x7a: {  	_ =	swait.ge [sflag:s22], $0x40  }
0x7b: {  	[sflag:s22] =	ssyncset.done $0x0  }
0x7c: {  	[sflag:s22] =	ssyncadd.s32 $0xFFFFFFC0  }
0x7d: {  	_ =	swait.ge [sflag:s23], $0x2000  }
0x7e: {  	[sflag:s23] =	ssyncset.done $0x0  }
0x7f: {  	[sflag:s23] =	ssyncadd.s32 $0xFFFFE000  }
0x80: {  	[spmem:s1] =	stream.indirect.scatter.add.f32 [tilespmem:s17], [sflag:$0x5], $0x80, s16, s20, $0xb8;
	[tilespmem:$0x18D80] =	vst v63  }
0x81: {  	_ =	swait.ge [sflag:s21], $0x2000  }
0x82: {  	[sflag:s21] =	ssyncset.done $0x0  }
0x83: {  	s28 =	simm.s32 @!p0 $0x1;
	[sflag:s21] =	ssyncadd.s32 $0xFFFFE000  }
0x84: {  	_ =	swait.ge @!p0 [sflag:s28], $0x40  }
0x85: {  	[sflag:s28] =	ssyncset.done @!p0 $0x0  }
0x86: {  	[sflag:s28] =	ssyncadd.s32 @!p0 $0xFFFFFFC0;
	s28 =	simm.s32 @!p0 $0x3  }
0x87: {  	_ =	swait.ge @!p0 [sflag:s28], $0x2000  }
0x88: {  	[sflag:s28] =	ssyncset.done @!p0 $0x0  }
0x89: {  	[sflag:s28] =	ssyncadd.s32 @!p0 $0xFFFFE000;
	s28 =	simm.s32 @!p0 $0x40  }
0x8a: {  	[spmem:s1] =	stream.indirect.scatter.add.f32 @!p0 [tilespmem:s26], [sflag:$0x5], $0x80, s25, s28, $0xb8;
	[tilespmem:$0x18D80] =	vst v63  }
0x8b: {  	s25 =	simm.s32 @!p0 $0x5  }
0x8c: {  	s31 =	sadd.s32 $0x0, s3;
	_ =	swait.ge @!p0 [sflag:s25], $0x2000  }
0x8d: {  	p1 =	sgt.u32 s31, $0xF9;
	[sflag:s25] =	ssyncset.done @!p0 $0x0  }
0x8e: {  	s28 =	simm.s32 @!p1 $0x6;
	[sflag:s25] =	ssyncadd.s32 @!p0 $0xFFFFE000  }
0x8f: {  	s25 =	simm.s32 @!p1 $0x4100;
	p1 =	por p1, p1;
	[bflag:$0x0] =	sbarrier.arrive $0xFFFF  }
0x90: {  	[tilespmem:s25], [sflag:$0x6] =	stream.linear.gather @!p1 [spmem:s11], $0x1400, $0x38;
	[tilespmem:$0x18D80] =	vst v63  }
0x91: {  	_ =	swait.ge @!p1 [sflag:s28], $0x1400  }
0x92: {  	s26 =	simm.s32 $0x20;
	[sflag:s28] =	ssyncset.done @!p1 $0x0  }
0x93: {  	s29 =	simm.s32 @!p1 $0x5;
	[sflag:s28] =	ssyncadd.s32 @!p1 $0xFFFFEC00;
	s28 =	simm.s32 @!p1 $0x0  }
0x94: {  	[hbm4b:s14+s28] =	stream.linear.scatter @!p1 [tilespmem:s25], [sflag:$0x5], $0x1400, $0x38;
	[tilespmem:$0x18D80] =	vst v63  }
0x95: {  	s28 =	sadd.s32 $0x10, s3;
	s25 =	sadd.s32 $0x2800, s14;
	_ =	swait.ge @!p1 [sflag:s29], $0x1400  }
0x96: {  	p2 =	sgt.u32 s28, $0xF9;
	s28 =	sadd.s32 $0x14000, s11;
	[sflag:s29] =	ssyncset.done @!p1 $0x0  }
.LBB2_8:
0x97: {  	s30 =	simm.s32 @!p2 $0x4100;
	s31 =	simm.s32 @!p2 $0x6;
	[sflag:s29] =	ssyncadd.s32 @!p1 $0xFFFFEC00  }
0x98: {  	s0 =	smov.u32 s26;
	p1 =	por p2, p2;
	s26 =	sadd.s32 $0x10, s26  }
0x99: {  	[tilespmem:s30], [sflag:$0x6] =	stream.linear.gather @!p1 [spmem:s28], $0x1400, $0x38;
	[tilespmem:$0x18D80] =	vst v63  }
0x9a: {  	p3 =	sne.s32 s26, $0x100;
	_ =	swait.ge @!p1 [sflag:s31], $0x1400  }
.Ltmp3:
0x9b: {  	[sflag:s31] =	ssyncset.done @!p1 $0x0;
	(pc) =	sbr.rel @p3 .LBB2_8-.Ltmp3, $4  }
0x9c: {  	s29 =	simm.s32 @!p1 $0x5;
	[sflag:s31] =	ssyncadd.s32 @!p1 $0xFFFFEC00;
	s31 =	simm.s32 @!p1 $0x0  }
0x9d: {  	[hbm4b:s25+s31] =	stream.linear.scatter @!p1 [tilespmem:s30], [sflag:$0x5], $0x1400, $0x38;
	[tilespmem:$0x18D80] =	vst v63  }
0x9e: {  	s0 =	sadd.s32 s0, s3;
	s25 =	sadd.s32 $0x2800, s25;
	_ =	swait.ge @!p1 [sflag:s29], $0x1400  }
0x9f: {  	s28 =	sadd.s32 $0x14000, s28;
	p2 =	sgt.u32 s0, $0xF9;
	[sflag:s29] =	ssyncset.done @!p1 $0x0  }
0xa0: {  	s0 =	simm.s32 @!p2 $0x4100  }
0xa1: {  	s26 =	simm.s32 @!p2 $0x6;
	[sflag:s29] =	ssyncadd.s32 @!p1 $0xFFFFEC00;
	p1 =	por p2, p2  }
0xa2: {  	[tilespmem:s0], [sflag:$0x6] =	stream.linear.gather @!p1 [spmem:s28], $0x1400, $0x38;
	[tilespmem:$0x18D80] =	vst v63  }
0xa3: {  	s24 =	sadd.s32 $0x1, s24;
	_ =	swait.ge @!p1 [sflag:s26], $0x1400  }
0xa4: {  	s28 =	simm.s32 @!p1 $0x5;
	p2 =	sne.s32 s24, s8;
	[sflag:s26] =	ssyncset.done @!p1 $0x0  }
.Ltmp4:
0xa5: {  	[sflag:s26] =	ssyncadd.s32 @!p1 $0xFFFFEC00;
	s26 =	simm.s32 @!p1 $0x0;
	(pc) =	sbr.rel @p2 .LBB2_1-.Ltmp4, $4  }
0xa6: {  	[hbm4b:s25+s26] =	stream.linear.scatter @!p1 [tilespmem:s0], [sflag:$0x5], $0x1400, $0x38;
	[tilespmem:$0x18D80] =	vst v63  }
0xa7: {  	_ =	swait.ge @!p1 [sflag:s28], $0x1400  }
0xa8: {  	[sflag:s28] =	ssyncset.done @!p1 $0x0  }
0xa9: {  	[sflag:s28] =	ssyncadd.s32 @!p1 $0xFFFFEC00  }
0xaa: {  	_ =	sfence.sel $0x180000  }
0xab: {  	[bflag:$0x0] =	sbarrier.arrive $0xFFFF  }
0xac: {  	_ =	strace $0x90000050  }
0xad: {  	[bflag:$0x2] =	sbarrier.arrive $0xFFFF  }
0xae: {  	p0 =	sne.s32 s3, $0x0;
	s0 =	rddreg [dreg:$0x2]  }
0xaf: {  	s0 =	sadd.s32 @!p0 $0x100000, s0  }
0xb0: {  	[sflag:s0] =	ssyncadd.tile.s32 @!p0 $0x1;
	_ =	shalt  }
.Lfunc_end2:
_tile_overlayer_lowered:
.L_overlay_start_2:
0xb1: {  	(tag) =	ssettag $0x2  }
0xb2: {  	s0 =	rddreg [dreg:$0x0];
	s2 =	stileid.u32  }
0xb3: {  	s1 =	rddreg [dreg:$0x1];
	p0 =	sne.s32 s2, $0x0  }
0xb4: {  	s3 =	rddreg [dreg:$0x2];
	[bflag:$0x3] =	sbarrier.arrive $0xFFFF;
	s2 =	simm.s32 @!p0 $0x1C05  }
0xb5: {  	[timem:s3], [sflag:s2] =	dma.local @!p0 [hbm:s0], s1  }
0xb6: {  	s0 =	simm.s32 @!p0 $0x5  }
0xb7: {  	_ =	swait.ge @!p0 [sflag:s0], s1  }
0xb8: {  	s1 =	ssub.s32 @!p0 $0x0, s1;
	[sflag:s0] =	ssyncset.done @!p0 $0x0  }
0xb9: {  	[sflag:s0] =	ssyncadd.s32 @!p0 s1  }
0xba: {  	[bflag:$0x3] =	sbarrier.arrive $0xFFFF  }
0xbb: {  	_ =	shalt  }

</sc_bundles>
